<compile_context>
chip_gen: v7x
topology: tpu7x:2x2x1
jax: 0.10.2.dev20260603
libtpu: 0.0.44.dev20260713+nightly
codegen_flags: <defaults>
</compile_context>

<pallas_src>
import functools

import jax
import jax.numpy as jnp
from jax import lax
from jax.experimental import pallas as pl
from jax.experimental.pallas import tpu as pltpu
from jax.experimental.pallas import tpu_sc as plsc

N = 50000
E = 800000
EP = 819200
NB_ROWS = EP // 128
NPAD = 50432
RPTZ = NPAD // 16
RPT = 3136
RPT_LAST = N - 15 * RPT
NC, NS = 2, 16

@functools.lru_cache(None)
def _mesh():
    return plsc.VectorSubcoreMesh(core_axis_name="c", subcore_axis_name="s")


_NS = 8
_LA = 4
_NS32 = 6
_LA32 = 3
_CH = 40
_CH32 = 16


def _process_edges(tbl, src2, dst2, acc, sidx, didx, rows, gsem, ssem,
                   row0, nb, chunk, ns, la):

    @pl.loop(0, nb // chunk)
    def _outer(ci):
        r0 = row0 + ci * chunk
        pltpu.sync_copy(src2.at[pl.ds(r0, chunk)], sidx)
        pltpu.sync_copy(dst2.at[pl.ds(r0, chunk)], didx)
        for q in range(la):
            pltpu.async_copy(tbl.at[sidx.at[q]], rows.at[q], gsem.at[q])

        @pl.loop(0, chunk)
        def _it(j):
            sl = lax.rem(j, ns)
            nxt = j + la

            @pl.when(nxt < chunk)
            def _():
                lsl = lax.rem(nxt, ns)

                @pl.when(nxt >= ns)
                def _():
                    pltpu.make_async_copy(tbl.at[sidx.at[0]], rows.at[0],
                                          ssem.at[lsl]).wait()

                pltpu.async_copy(tbl.at[sidx.at[nxt]], rows.at[lsl],
                                 gsem.at[lsl])

            pltpu.make_async_copy(tbl.at[sidx.at[0]], rows.at[0],
                                  gsem.at[sl]).wait()
            pltpu.async_copy(rows.at[sl], acc.at[didx.at[j]],
                             ssem.at[sl], add=True)

        for q in range(ns):
            pltpu.make_async_copy(tbl.at[sidx.at[0]], rows.at[0],
                                  ssem.at[q]).wait()


def _copy_out(c, s, acc, out_a, out_b):
    sl_full = pl.ds(s * RPT, RPT)
    sl_last = pl.ds(15 * RPT, RPT_LAST)

    @pl.when(c == 0)
    def _():
        @pl.when(s < 15)
        def _():
            pltpu.sync_copy(acc.at[sl_full], out_a.at[sl_full])

        @pl.when(s == 15)
        def _():
            pltpu.sync_copy(acc.at[sl_last], out_a.at[sl_last])

    @pl.when(c == 1)
    def _():
        @pl.when(s < 15)
        def _():
            pltpu.sync_copy(acc.at[sl_full], out_b.at[sl_full])

        @pl.when(s == 15)
        def _():
            pltpu.sync_copy(acc.at[sl_last], out_b.at[sl_last])


def _make_seg_edge_split(w, nb_per_worker, chunk):

    @functools.partial(
        pl.kernel,
        out_type=[jax.ShapeDtypeStruct((N, w), jnp.float32)] * 2,
        mesh=_mesh(),
        scratch_types=[
            pltpu.VMEM_SHARED((NPAD, w), jnp.float32),
            pltpu.VMEM((_CH, 128), jnp.int32),
            pltpu.VMEM((_CH, 128), jnp.int32),
            pltpu.VMEM((_NS, 128, w), jnp.float32),
            pltpu.SemaphoreType.DMA((_NS,)),
            pltpu.SemaphoreType.DMA((_NS,)),
        ],
        compiler_params=pltpu.CompilerParams(use_tc_tiling_on_sc=False),
    )
    def k(tbl, src2, dst2, zer, out_a, out_b,
          acc, sidx, didx, rows, gsem, ssem):
        c = lax.axis_index("c")
        s = lax.axis_index("s")
        pltpu.sync_copy(zer, acc.at[pl.ds(s * RPTZ, RPTZ)])
        plsc.subcore_barrier()
        wid = c * NS + s
        _process_edges(tbl, src2, dst2, acc, sidx, didx, rows, gsem, ssem,
                       wid * nb_per_worker, nb_per_worker, chunk, _NS, _LA)
        plsc.subcore_barrier()
        _copy_out(c, s, acc, out_a, out_b)

    return k


def _make_seg_feat_split(w, nb_per_tile, chunk):

    @functools.partial(
        pl.kernel,
        out_type=[jax.ShapeDtypeStruct((N, w), jnp.float32)] * 2,
        mesh=_mesh(),
        scratch_types=[
            pltpu.VMEM_SHARED((NPAD, w), jnp.float32),
            pltpu.VMEM((_CH32, 128), jnp.int32),
            pltpu.VMEM((_CH32, 128), jnp.int32),
            pltpu.VMEM((_NS32, 128, w), jnp.float32),
            pltpu.SemaphoreType.DMA((_NS32,)),
            pltpu.SemaphoreType.DMA((_NS32,)),
        ],
        compiler_params=pltpu.CompilerParams(use_tc_tiling_on_sc=False),
    )
    def k(tbl_a, tbl_b, src2, dst2, zer, out_a, out_b,
          acc, sidx, didx, rows, gsem, ssem):
        c = lax.axis_index("c")
        s = lax.axis_index("s")
        pltpu.sync_copy(zer, acc.at[pl.ds(s * RPTZ, RPTZ)])
        plsc.subcore_barrier()
        row0 = s * nb_per_tile

        @pl.when(c == 0)
        def _():
            _process_edges(tbl_a, src2, dst2, acc, sidx, didx, rows, gsem,
                           ssem, row0, nb_per_tile, _CH32, _NS32, _LA32)

        @pl.when(c == 1)
        def _():
            _process_edges(tbl_b, src2, dst2, acc, sidx, didx, rows, gsem,
                           ssem, row0, nb_per_tile, _CH32, _NS32, _LA32)

        plsc.subcore_barrier()
        _copy_out(c, s, acc, out_a, out_b)

    return k


_make_seg_edge_split = functools.lru_cache(None)(_make_seg_edge_split)
_make_seg_feat_split = functools.lru_cache(None)(_make_seg_feat_split)

_BLK = 5000
_GRID = N // _BLK


def _tc_layer1(pa, pb, w1, b1r, w2a, w2b):

    def body(pa_ref, pb_ref, w1_ref, b1_ref, w2a_ref, w2b_ref,
             oa_ref, ob_ref):
        a0 = pa_ref[:, 0:1] + pb_ref[:, 0:1]
        a1 = pa_ref[:, 1:2] + pb_ref[:, 1:2]
        w1v = w1_ref[...]
        h = a0 * w1v[0:1, :] + a1 * w1v[1:2, :] + b1_ref[...]
        h = jnp.maximum(h, 0.0)
        oa_ref[...] = jnp.dot(h, w2a_ref[...],
                              preferred_element_type=jnp.float32)
        ob_ref[...] = jnp.dot(h, w2b_ref[...],
                              preferred_element_type=jnp.float32)

    return pl.pallas_call(
        body,
        grid=(_GRID,),
        in_specs=[
            pl.BlockSpec((_BLK, 16), lambda i: (i, 0)),
            pl.BlockSpec((_BLK, 16), lambda i: (i, 0)),
            pl.BlockSpec((2, 128), lambda i: (0, 0)),
            pl.BlockSpec((1, 128), lambda i: (0, 0)),
            pl.BlockSpec((128, 32), lambda i: (0, 0)),
            pl.BlockSpec((128, 32), lambda i: (0, 0)),
        ],
        out_specs=[pl.BlockSpec((_BLK, 32), lambda i: (i, 0))] * 2,
        out_shape=[jax.ShapeDtypeStruct((N, 32), jnp.float32)] * 2,
    )(pa, pb, w1, b1r, w2a, w2b)


def _tc_layer2(aa, ab, b2a, b2b, w3a, w3b):

    def body(aa_ref, ab_ref, b2a_ref, b2b_ref, w3a_ref, w3b_ref, o_ref):
        ha = jnp.maximum(aa_ref[...] + b2a_ref[...], 0.0)
        hb = jnp.maximum(ab_ref[...] + b2b_ref[...], 0.0)
        z = (jnp.sum(ha * w3a_ref[...], axis=1, keepdims=True)
             + jnp.sum(hb * w3b_ref[...], axis=1, keepdims=True))
        o_ref[...] = jnp.broadcast_to(z, (_BLK, 16))

    return pl.pallas_call(
        body,
        grid=(_GRID,),
        in_specs=[
            pl.BlockSpec((_BLK, 32), lambda i: (i, 0)),
            pl.BlockSpec((_BLK, 32), lambda i: (i, 0)),
            pl.BlockSpec((1, 32), lambda i: (0, 0)),
            pl.BlockSpec((1, 32), lambda i: (0, 0)),
            pl.BlockSpec((1, 32), lambda i: (0, 0)),
            pl.BlockSpec((1, 32), lambda i: (0, 0)),
        ],
        out_specs=pl.BlockSpec((_BLK, 16), lambda i: (i, 0)),
        out_shape=jax.ShapeDtypeStruct((N, 16), jnp.float32),
    )(aa, ab, b2a, b2b, w3a, w3b)


_RC = 1568
_RC_LAST = N - 31 * _RC


@functools.lru_cache(None)
def _make_combine():

    @functools.partial(
        pl.kernel,
        out_type=jax.ShapeDtypeStruct((N,), jnp.float32),
        mesh=_mesh(),
        scratch_types=[
            pltpu.VMEM((_RC, 16), jnp.float32),
            pltpu.VMEM((_RC, 16), jnp.float32),
            pltpu.VMEM((_RC,), jnp.float32),
            pltpu.VMEM((16,), jnp.float32),
        ],
        compiler_params=pltpu.CompilerParams(use_tc_tiling_on_sc=False,
                                             needs_layout_passes=False),
    )
    def k(pa, pb, b3v, out, va, vb, vo, vbb):
        c = lax.axis_index("c")
        s = lax.axis_index("s")
        wid = c * NS + s
        base = wid * _RC
        pltpu.sync_copy(b3v, vbb)

        def run(r):
            pltpu.sync_copy(pa.at[pl.ds(base, r)], va.at[pl.ds(0, r)])
            pltpu.sync_copy(pb.at[pl.ds(base, r)], vb.at[pl.ds(0, r)])
            bb = vbb[...]
            zc = jnp.zeros((16,), jnp.int32)

            @pl.loop(0, r // 16)
            def _(i):
                ridx = lax.iota(jnp.int32, 16) + i * 16
                g = (plsc.load_gather(va, [ridx, zc])
                     + plsc.load_gather(vb, [ridx, zc]) + bb)
                vo[pl.ds(i * 16, 16)] = g

            pltpu.sync_copy(vo.at[pl.ds(0, r)], out.at[pl.ds(base, r)])

        @pl.when(wid < 31)
        def _():
            run(_RC)

        @pl.when(wid == 31)
        def _():
            run(_RC_LAST)

    return k


def kernel(x, edge_index, W1, b1, W2, b2, W3, b3):
    src = edge_index[0]
    dst = edge_index[1]
    pad = EP - E
    psrc = jnp.arange(pad, dtype=jnp.int32) % N
    src2 = jnp.concatenate([src, psrc]).reshape(NB_ROWS, 128)
    trash = N + jnp.arange(pad, dtype=jnp.int32) % (NPAD - N)
    dst2 = jnp.concatenate([dst, trash]).reshape(NB_ROWS, 128)
    zer16 = jnp.zeros((RPTZ, 16), jnp.float32)
    zer32 = jnp.zeros((RPTZ, 32), jnp.float32)

    xp = jnp.pad(x, ((0, 0), (0, 14)))
    p0a, p0b = _make_seg_edge_split(16, 200, 40)(xp, src2, dst2, zer16)
    z2a, z2b = _tc_layer1(p0a, p0b, W1, b1.reshape(1, 128),
                          W2[:, :32], W2[:, 32:])
    a2a, a2b = _make_seg_feat_split(32, 400, 40)(z2a, z2b, src2, dst2, zer32)
    z3 = _tc_layer2(a2a, a2b, b2[:32].reshape(1, 32), b2[32:].reshape(1, 32),
                    W3[:32, 0].reshape(1, 32), W3[32:, 0].reshape(1, 32))
    p3a, p3b = _make_seg_edge_split(16, 200, 40)(z3, src2, dst2, zer16)
    return _make_combine()(p3a, p3b, jnp.broadcast_to(b3, (16,)))

# --- scband reference (transcript-rebuilt; emitter-appended) ---
"""Pipeline reference for scband-gcnmodel-8546984919421 (READ-ONLY COPY).

The authoritative reference and input builder live on the scoring server;
editing this copy changes nothing except your own understanding.
"""

import jax, jax.numpy as jnp
import numpy as np

N_NODES = 50000
N_EDGES = 800000


def setup_inputs(seed: int = 0) -> dict:
    key = jax.random.key(seed)
    ks = jax.random.split(key, 8)
    x = jax.random.normal(ks[0], (N_NODES, 2), dtype=jnp.float32)
    edge_index = jax.random.randint(ks[1], (2, N_EDGES), 0, N_NODES, dtype=jnp.int32)
    # Learned params (GCNConv weight + bias per layer), glorot-ish init
    W1 = jax.random.normal(ks[2], (2, 128), dtype=jnp.float32) * (1.0 / np.sqrt(2.0))
    b1 = jnp.zeros((128,), dtype=jnp.float32)
    W2 = jax.random.normal(ks[3], (128, 64), dtype=jnp.float32) * (1.0 / np.sqrt(128.0))
    b2 = jnp.zeros((64,), dtype=jnp.float32)
    W3 = jax.random.normal(ks[4], (64, 1), dtype=jnp.float32) * (1.0 / np.sqrt(64.0))
    b3 = jnp.zeros((1,), dtype=jnp.float32)
    return {"x": x, "edge_index": edge_index, "W1": W1, "b1": b1,
            "W2": W2, "b2": b2, "W3": W3, "b3": b3}


def _gcn_conv(h, W, b, src, dst, num_nodes):
    # GCNConv(normalize=False, add_self_loops=False): linear -> gather(src) -> scatter-add(dst) -> +bias
    hw = h @ W
    msg = jnp.take(hw, src, axis=0)
    agg = jax.ops.segment_sum(msg, dst, num_segments=num_nodes)
    return agg + b


def reference(x, edge_index, W1, b1, W2, b2, W3, b3):
    src = edge_index[0]
    dst = edge_index[1]
    n = x.shape[0]
    h1 = jax.nn.relu(_gcn_conv(x, W1, b1, src, dst, n))
    # dropout is identity in eval mode
    h2 = jax.nn.relu(_gcn_conv(h1, W2, b2, src, dst, n))
    h3 = _gcn_conv(h2, W3, b3, src, dst, n)
    return jnp.squeeze(h3, axis=-1)

if __name__ == "__main__":
    import jax
    _d = setup_inputs()
    print(jax.jit(kernel)(*tuple(_d.values())))

</pallas_src>

<mosaic_0001>
#map = affine_map<(d0, d1) -> (0, 0)>
module attributes {stable_mosaic.version = 14 : i64} {
  func.func @k(%arg0: i32, %arg1: i32, %arg2: memref<50000x32xf32, #tpu.memory_space<hbm>>, %arg3: memref<50000x32xf32, #tpu.memory_space<hbm>>, %arg4: memref<6400x128xi32, #tpu.memory_space<hbm>>, %arg5: memref<6400x128xi32, #tpu.memory_space<hbm>>, %arg6: memref<3152x32xf32, #tpu.memory_space<hbm>>, %arg7: memref<50000x32xf32, #tpu.memory_space<hbm>>, %arg8: memref<50000x32xf32, #tpu.memory_space<hbm>>, %arg9: memref<50432x32xf32, #tpu.memory_space<vmem_shared>>, %arg10: memref<16x128xi32, #tpu.memory_space<vmem>>, %arg11: memref<16x128xi32, #tpu.memory_space<vmem>>, %arg12: memref<6x128x32xf32, #tpu.memory_space<vmem>>, %arg13: memref<6x!tpu.dma_semaphore, #tpu.memory_space<semaphore_mem>>, %arg14: memref<6x!tpu.dma_semaphore, #tpu.memory_space<semaphore_mem>>) attributes {dimension_semantics = [#tpu.dimension_semantics<core_parallel>, #tpu.dimension_semantics<subcore_parallel>], iteration_bounds = array<i64: 2, 16>, scalar_prefetch = 0 : i64, scratch_operands = 6 : i64, tpu.core_type = #tpu.core_type<sc_vector_subcore>, window_params = [{transform_indices = #map}, {transform_indices = #map}, {transform_indices = #map}, {transform_indices = #map}, {transform_indices = #map}, {transform_indices = #map}, {transform_indices = #map}]} {
    %mul3A = arith.constant 3152 : i32
    %mul3A_0 = arith.muli %arg1, %mul3A : i32
    "tpu.region"() ({
      %run_scoped3A = tpu.sem_alloc : memref<!tpu.dma_semaphore, #tpu.memory_space<semaphore_mem>>
      %dma_start3A = arith.constant 0 : i32
      %dma_start3A_23 = tpu.memref_slice %arg9[%mul3A_0, %dma_start3A] : memref<50432x32xf32, #tpu.memory_space<vmem_shared>> -> memref<3152x32xf32, #tpu.memory_space<vmem_shared>>
      tpu.enqueue_dma source(%arg6 : memref<3152x32xf32, #tpu.memory_space<hbm>>) target(%dma_start3A_23 : memref<3152x32xf32, #tpu.memory_space<vmem_shared>>) target_semaphore(%run_scoped3A : memref<!tpu.dma_semaphore, #tpu.memory_space<semaphore_mem>>)
      %dma_wait3A = arith.constant 0 : i32
      %dma_wait3A_24 = tpu.memref_slice %arg9[%mul3A_0, %dma_wait3A] : memref<50432x32xf32, #tpu.memory_space<vmem_shared>> -> memref<3152x32xf32, #tpu.memory_space<vmem_shared>>
      tpu.wait_dma2 semaphore(%run_scoped3A : memref<!tpu.dma_semaphore, #tpu.memory_space<semaphore_mem>>) src(%arg6 : memref<3152x32xf32, #tpu.memory_space<hbm>>) dst(%dma_wait3A_24 : memref<3152x32xf32, #tpu.memory_space<vmem_shared>>)
      tpu.yield
    }) : () -> ()
    %barrier3A = arith.constant 0 : index
    tpu.barrier barrier_id(%barrier3A)
    %mul3A_1 = arith.constant 400 : i32
    %mul3A_2 = arith.muli %arg1, %mul3A_1 : i32
    %eq3A = arith.constant 0 : i32
    %eq3A_3 = arith.cmpi eq, %arg0, %eq3A : i32
    %convert_element_type3A = arith.extui %eq3A_3 : i1 to i32
    %cond3A = arith.constant 0 : i32
    %cond3A_4 = arith.cmpi ne, %convert_element_type3A, %cond3A : i32
    scf.if %cond3A_4 {
      %scan3A = arith.constant 0 : i32
      %scan3A_23 = arith.constant 25 : i32
      %scan3A_24 = arith.addi %scan3A, %scan3A_23 : i32
      %scan3A_25 = arith.constant 1 : i32
      scf.for %scan3A_27 = %scan3A to %scan3A_24 step %scan3A_25  : i32 {
        %mul3A_28 = arith.constant 1 : i32
        %mul3A_29 = arith.muli %scan3A_27, %mul3A_28 : i32
        %add3A = arith.constant 0 : i32
        %add3A_30 = arith.addi %add3A, %mul3A_29 : i32
        %mul3A_31 = arith.constant 16 : i32
        %mul3A_32 = arith.muli %add3A_30, %mul3A_31 : i32
        %add3A_33 = arith.addi %mul3A_2, %mul3A_32 : i32
        "tpu.region"() ({
          %run_scoped3A = tpu.sem_alloc : memref<!tpu.dma_semaphore, #tpu.memory_space<semaphore_mem>>
          %dma_start3A_172 = arith.constant 0 : i32
          %dma_start3A_173 = tpu.memref_slice %arg4[%add3A_33, %dma_start3A_172] : memref<6400x128xi32, #tpu.memory_space<hbm>> -> memref<16x128xi32, #tpu.memory_space<hbm>>
          %dma_start3A_174 = arith.constant 0 : i32
          %dma_start3A_175 = tpu.memref_slice %arg4[%add3A_33, %dma_start3A_174] : memref<6400x128xi32, #tpu.memory_space<hbm>> -> memref<16x128xi32, #tpu.memory_space<hbm>>
          tpu.enqueue_dma source(%dma_start3A_175 : memref<16x128xi32, #tpu.memory_space<hbm>>) target(%arg10 : memref<16x128xi32, #tpu.memory_space<vmem>>) target_semaphore(%run_scoped3A : memref<!tpu.dma_semaphore, #tpu.memory_space<semaphore_mem>>)
          %dma_wait3A_176 = arith.constant 0 : i32
          %dma_wait3A_177 = tpu.memref_slice %arg4[%add3A_33, %dma_wait3A_176] : memref<6400x128xi32, #tpu.memory_space<hbm>> -> memref<16x128xi32, #tpu.memory_space<hbm>>
          %dma_wait3A_178 = arith.constant 0 : i32
          %dma_wait3A_179 = tpu.memref_slice %arg4[%add3A_33, %dma_wait3A_178] : memref<6400x128xi32, #tpu.memory_space<hbm>> -> memref<16x128xi32, #tpu.memory_space<hbm>>
          tpu.wait_dma2 semaphore(%run_scoped3A : memref<!tpu.dma_semaphore, #tpu.memory_space<semaphore_mem>>) src(%dma_wait3A_179 : memref<16x128xi32, #tpu.memory_space<hbm>>) dst(%arg10 : memref<16x128xi32, #tpu.memory_space<vmem>>)
          tpu.yield
        }) : () -> ()
        "tpu.region"() ({
          %run_scoped3A = tpu.sem_alloc : memref<!tpu.dma_semaphore, #tpu.memory_space<semaphore_mem>>
          %dma_start3A_172 = arith.constant 0 : i32
          %dma_start3A_173 = tpu.memref_slice %arg5[%add3A_33, %dma_start3A_172] : memref<6400x128xi32, #tpu.memory_space<hbm>> -> memref<16x128xi32, #tpu.memory_space<hbm>>
          %dma_start3A_174 = arith.constant 0 : i32
          %dma_start3A_175 = tpu.memref_slice %arg5[%add3A_33, %dma_start3A_174] : memref<6400x128xi32, #tpu.memory_space<hbm>> -> memref<16x128xi32, #tpu.memory_space<hbm>>
          tpu.enqueue_dma source(%dma_start3A_175 : memref<16x128xi32, #tpu.memory_space<hbm>>) target(%arg11 : memref<16x128xi32, #tpu.memory_space<vmem>>) target_semaphore(%run_scoped3A : memref<!tpu.dma_semaphore, #tpu.memory_space<semaphore_mem>>)
          %dma_wait3A_176 = arith.constant 0 : i32
          %dma_wait3A_177 = tpu.memref_slice %arg5[%add3A_33, %dma_wait3A_176] : memref<6400x128xi32, #tpu.memory_space<hbm>> -> memref<16x128xi32, #tpu.memory_space<hbm>>
          %dma_wait3A_178 = arith.constant 0 : i32
          %dma_wait3A_179 = tpu.memref_slice %arg5[%add3A_33, %dma_wait3A_178] : memref<6400x128xi32, #tpu.memory_space<hbm>> -> memref<16x128xi32, #tpu.memory_space<hbm>>
          tpu.wait_dma2 semaphore(%run_scoped3A : memref<!tpu.dma_semaphore, #tpu.memory_space<semaphore_mem>>) src(%dma_wait3A_179 : memref<16x128xi32, #tpu.memory_space<hbm>>) dst(%arg11 : memref<16x128xi32, #tpu.memory_space<vmem>>)
          tpu.yield
        }) : () -> ()
        %dma_start3A = arith.constant 0 : i32
        %dma_start3A_34 = arith.constant 0 : i32
        %dma_start3A_35 = arith.constant 0 : i32
        %dma_start3A_36 = arith.constant 0 : i32
        %dma_start3A_37 = arith.constant 0 : i32
        %dma_start3A_38 = tpu.memref_slice %arg12[%dma_start3A_34, %dma_start3A_36, %dma_start3A_37] : memref<6x128x32xf32, #tpu.memory_space<vmem>> -> memref<1x128x32xf32, #tpu.memory_space<vmem>>
        %dma_start3A_39 = tpu.memref_squeeze %dma_start3A_38 : memref<1x128x32xf32, #tpu.memory_space<vmem>> -> memref<128x32xf32, #tpu.memory_space<vmem>>
        %dma_start3A_40 = arith.constant 0 : i32
        %dma_start3A_41 = tpu.memref_slice %arg10[%dma_start3A, %dma_start3A_40] : memref<16x128xi32, #tpu.memory_space<vmem>> -> memref<1x128xi32, #tpu.memory_space<vmem>>
        %dma_start3A_42 = tpu.memref_squeeze %dma_start3A_41 : memref<1x128xi32, #tpu.memory_space<vmem>> -> memref<128xi32, #tpu.memory_space<vmem>>
        %dma_start3A_43 = arith.constant 0 : i32
        %dma_start3A_44 = arith.constant 0 : i32
        %dma_start3A_45 = tpu.memref_slice %arg2[%dma_start3A_43, %dma_start3A_44] : memref<50000x32xf32, #tpu.memory_space<hbm>> -> memref<50000x32xf32, #tpu.memory_space<hbm>>
        %dma_start3A_46 = tpu.memref_slice %arg13[%dma_start3A_35] : memref<6x!tpu.dma_semaphore, #tpu.memory_space<semaphore_mem>> -> memref<1x!tpu.dma_semaphore, #tpu.memory_space<semaphore_mem>>
        %dma_start3A_47 = tpu.memref_squeeze %dma_start3A_46 : memref<1x!tpu.dma_semaphore, #tpu.memory_space<semaphore_mem>> -> memref<!tpu.dma_semaphore, #tpu.memory_space<semaphore_mem>>
        tpu.enqueue_indirect_dma source(%dma_start3A_45 : memref<50000x32xf32, #tpu.memory_space<hbm>>) target(%dma_start3A_39 : memref<128x32xf32, #tpu.memory_space<vmem>>) offsets(%dma_start3A_42 : memref<128xi32, #tpu.memory_space<vmem>>) semaphore(%dma_start3A_47 : memref<!tpu.dma_semaphore, #tpu.memory_space<semaphore_mem>>)
        %dma_start3A_48 = arith.constant 1 : i32
        %dma_start3A_49 = arith.constant 1 : i32
        %dma_start3A_50 = arith.constant 1 : i32
        %dma_start3A_51 = arith.constant 0 : i32
        %dma_start3A_52 = arith.constant 0 : i32
        %dma_start3A_53 = tpu.memref_slice %arg12[%dma_start3A_49, %dma_start3A_51, %dma_start3A_52] : memref<6x128x32xf32, #tpu.memory_space<vmem>> -> memref<1x128x32xf32, #tpu.memory_space<vmem>>
        %dma_start3A_54 = tpu.memref_squeeze %dma_start3A_53 : memref<1x128x32xf32, #tpu.memory_space<vmem>> -> memref<128x32xf32, #tpu.memory_space<vmem>>
        %dma_start3A_55 = arith.constant 0 : i32
        %dma_start3A_56 = tpu.memref_slice %arg10[%dma_start3A_48, %dma_start3A_55] : memref<16x128xi32, #tpu.memory_space<vmem>> -> memref<1x128xi32, #tpu.memory_space<vmem>>
        %dma_start3A_57 = tpu.memref_squeeze %dma_start3A_56 : memref<1x128xi32, #tpu.memory_space<vmem>> -> memref<128xi32, #tpu.memory_space<vmem>>
        %dma_start3A_58 = arith.constant 0 : i32
        %dma_start3A_59 = arith.constant 0 : i32
        %dma_start3A_60 = tpu.memref_slice %arg2[%dma_start3A_58, %dma_start3A_59] : memref<50000x32xf32, #tpu.memory_space<hbm>> -> memref<50000x32xf32, #tpu.memory_space<hbm>>
        %dma_start3A_61 = tpu.memref_slice %arg13[%dma_start3A_50] : memref<6x!tpu.dma_semaphore, #tpu.memory_space<semaphore_mem>> -> memref<1x!tpu.dma_semaphore, #tpu.memory_space<semaphore_mem>>
        %dma_start3A_62 = tpu.memref_squeeze %dma_start3A_61 : memref<1x!tpu.dma_semaphore, #tpu.memory_space<semaphore_mem>> -> memref<!tpu.dma_semaphore, #tpu.memory_space<semaphore_mem>>
        tpu.enqueue_indirect_dma source(%dma_start3A_60 : memref<50000x32xf32, #tpu.memory_space<hbm>>) target(%dma_start3A_54 : memref<128x32xf32, #tpu.memory_space<vmem>>) offsets(%dma_start3A_57 : memref<128xi32, #tpu.memory_space<vmem>>) semaphore(%dma_start3A_62 : memref<!tpu.dma_semaphore, #tpu.memory_space<semaphore_mem>>)
        %dma_start3A_63 = arith.constant 2 : i32
        %dma_start3A_64 = arith.constant 2 : i32
        %dma_start3A_65 = arith.constant 2 : i32
        %dma_start3A_66 = arith.constant 0 : i32
        %dma_start3A_67 = arith.constant 0 : i32
        %dma_start3A_68 = tpu.memref_slice %arg12[%dma_start3A_64, %dma_start3A_66, %dma_start3A_67] : memref<6x128x32xf32, #tpu.memory_space<vmem>> -> memref<1x128x32xf32, #tpu.memory_space<vmem>>
        %dma_start3A_69 = tpu.memref_squeeze %dma_start3A_68 : memref<1x128x32xf32, #tpu.memory_space<vmem>> -> memref<128x32xf32, #tpu.memory_space<vmem>>
        %dma_start3A_70 = arith.constant 0 : i32
        %dma_start3A_71 = tpu.memref_slice %arg10[%dma_start3A_63, %dma_start3A_70] : memref<16x128xi32, #tpu.memory_space<vmem>> -> memref<1x128xi32, #tpu.memory_space<vmem>>
        %dma_start3A_72 = tpu.memref_squeeze %dma_start3A_71 : memref<1x128xi32, #tpu.memory_space<vmem>> -> memref<128xi32, #tpu.memory_space<vmem>>
        %dma_start3A_73 = arith.constant 0 : i32
        %dma_start3A_74 = arith.constant 0 : i32
        %dma_start3A_75 = tpu.memref_slice %arg2[%dma_start3A_73, %dma_start3A_74] : memref<50000x32xf32, #tpu.memory_space<hbm>> -> memref<50000x32xf32, #tpu.memory_space<hbm>>
        %dma_start3A_76 = tpu.memref_slice %arg13[%dma_start3A_65] : memref<6x!tpu.dma_semaphore, #tpu.memory_space<semaphore_mem>> -> memref<1x!tpu.dma_semaphore, #tpu.memory_space<semaphore_mem>>
        %dma_start3A_77 = tpu.memref_squeeze %dma_start3A_76 : memref<1x!tpu.dma_semaphore, #tpu.memory_space<semaphore_mem>> -> memref<!tpu.dma_semaphore, #tpu.memory_space<semaphore_mem>>
        tpu.enqueue_indirect_dma source(%dma_start3A_75 : memref<50000x32xf32, #tpu.memory_space<hbm>>) target(%dma_start3A_69 : memref<128x32xf32, #tpu.memory_space<vmem>>) offsets(%dma_start3A_72 : memref<128xi32, #tpu.memory_space<vmem>>) semaphore(%dma_start3A_77 : memref<!tpu.dma_semaphore, #tpu.memory_space<semaphore_mem>>)
        %scan3A_78 = arith.constant 0 : i32
        %scan3A_79 = arith.constant 16 : i32
        %scan3A_80 = arith.addi %scan3A_78, %scan3A_79 : i32
        %scan3A_81 = arith.constant 1 : i32
        scf.for %scan3A_172 = %scan3A_78 to %scan3A_80 step %scan3A_81  : i32 {
          %mul3A_173 = arith.constant 1 : i32
          %mul3A_174 = arith.muli %scan3A_172, %mul3A_173 : i32
          %add3A_175 = arith.constant 0 : i32
          %add3A_176 = arith.addi %add3A_175, %mul3A_174 : i32
          %rem3A = arith.constant 6 : i32
          %rem3A_177 = arith.remsi %add3A_176, %rem3A : i32
          %add3A_178 = arith.constant 3 : i32
          %add3A_179 = arith.addi %add3A_176, %add3A_178 : i32
          %lt3A = arith.constant 16 : i32
          %lt3A_180 = arith.cmpi slt, %add3A_179, %lt3A : i32
          %convert_element_type3A_181 = arith.extui %lt3A_180 : i1 to i32
          %cond3A_182 = arith.constant 0 : i32
          %cond3A_183 = arith.cmpi ne, %convert_element_type3A_181, %cond3A_182 : i32
          scf.if %cond3A_183 {
            %rem3A_210 = arith.constant 6 : i32
            %rem3A_211 = arith.remsi %add3A_179, %rem3A_210 : i32
            %ge3A = arith.constant 6 : i32
            %ge3A_212 = arith.cmpi sge, %add3A_179, %ge3A : i32
            %convert_element_type3A_213 = arith.extui %ge3A_212 : i1 to i32
            %cond3A_214 = arith.constant 0 : i32
            %cond3A_215 = arith.cmpi ne, %convert_element_type3A_213, %cond3A_214 : i32
            scf.if %cond3A_215 {
              %dma_wait3A_228 = arith.constant 0 : i32
              %dma_wait3A_229 = arith.constant 0 : i32
              %dma_wait3A_230 = arith.constant 0 : i32
              %dma_wait3A_231 = arith.constant 0 : i32
              %dma_wait3A_232 = tpu.memref_slice %arg12[%dma_wait3A_229, %dma_wait3A_230, %dma_wait3A_231] : memref<6x128x32xf32, #tpu.memory_space<vmem>> -> memref<1x128x32xf32, #tpu.memory_space<vmem>>
              %dma_wait3A_233 = tpu.memref_squeeze %dma_wait3A_232 : memref<1x128x32xf32, #tpu.memory_space<vmem>> -> memref<128x32xf32, #tpu.memory_space<vmem>>
              %dma_wait3A_234 = arith.constant 0 : i32
              %dma_wait3A_235 = tpu.memref_slice %arg10[%dma_wait3A_228, %dma_wait3A_234] : memref<16x128xi32, #tpu.memory_space<vmem>> -> memref<1x128xi32, #tpu.memory_space<vmem>>
              %dma_wait3A_236 = tpu.memref_squeeze %dma_wait3A_235 : memref<1x128xi32, #tpu.memory_space<vmem>> -> memref<128xi32, #tpu.memory_space<vmem>>
              %dma_wait3A_237 = arith.constant 0 : i32
              %dma_wait3A_238 = arith.constant 0 : i32
              %dma_wait3A_239 = tpu.memref_slice %arg2[%dma_wait3A_237, %dma_wait3A_238] : memref<50000x32xf32, #tpu.memory_space<hbm>> -> memref<50000x32xf32, #tpu.memory_space<hbm>>
              %dma_wait3A_240 = tpu.memref_slice %arg14[%rem3A_211] : memref<6x!tpu.dma_semaphore, #tpu.memory_space<semaphore_mem>> -> memref<1x!tpu.dma_semaphore, #tpu.memory_space<semaphore_mem>>
              %dma_wait3A_241 = tpu.memref_squeeze %dma_wait3A_240 : memref<1x!tpu.dma_semaphore, #tpu.memory_space<semaphore_mem>> -> memref<!tpu.dma_semaphore, #tpu.memory_space<semaphore_mem>>
              tpu.wait_indirect_dma semaphore(%dma_wait3A_241 : memref<!tpu.dma_semaphore, #tpu.memory_space<semaphore_mem>>) src(%dma_wait3A_239 : memref<50000x32xf32, #tpu.memory_space<hbm>>) dst(%dma_wait3A_233 : memref<128x32xf32, #tpu.memory_space<vmem>>)
            } else {
            }
            %dma_start3A_216 = arith.constant 0 : i32
            %dma_start3A_217 = arith.constant 0 : i32
            %dma_start3A_218 = tpu.memref_slice %arg12[%rem3A_211, %dma_start3A_216, %dma_start3A_217] : memref<6x128x32xf32, #tpu.memory_space<vmem>> -> memref<1x128x32xf32, #tpu.memory_space<vmem>>
            %dma_start3A_219 = tpu.memref_squeeze %dma_start3A_218 : memref<1x128x32xf32, #tpu.memory_space<vmem>> -> memref<128x32xf32, #tpu.memory_space<vmem>>
            %dma_start3A_220 = arith.constant 0 : i32
            %dma_start3A_221 = tpu.memref_slice %arg10[%add3A_179, %dma_start3A_220] : memref<16x128xi32, #tpu.memory_space<vmem>> -> memref<1x128xi32, #tpu.memory_space<vmem>>
            %dma_start3A_222 = tpu.memref_squeeze %dma_start3A_221 : memref<1x128xi32, #tpu.memory_space<vmem>> -> memref<128xi32, #tpu.memory_space<vmem>>
            %dma_start3A_223 = arith.constant 0 : i32
            %dma_start3A_224 = arith.constant 0 : i32
            %dma_start3A_225 = tpu.memref_slice %arg2[%dma_start3A_223, %dma_start3A_224] : memref<50000x32xf32, #tpu.memory_space<hbm>> -> memref<50000x32xf32, #tpu.memory_space<hbm>>
            %dma_start3A_226 = tpu.memref_slice %arg13[%rem3A_211] : memref<6x!tpu.dma_semaphore, #tpu.memory_space<semaphore_mem>> -> memref<1x!tpu.dma_semaphore, #tpu.memory_space<semaphore_mem>>
            %dma_start3A_227 = tpu.memref_squeeze %dma_start3A_226 : memref<1x!tpu.dma_semaphore, #tpu.memory_space<semaphore_mem>> -> memref<!tpu.dma_semaphore, #tpu.memory_space<semaphore_mem>>
            tpu.enqueue_indirect_dma source(%dma_start3A_225 : memref<50000x32xf32, #tpu.memory_space<hbm>>) target(%dma_start3A_219 : memref<128x32xf32, #tpu.memory_space<vmem>>) offsets(%dma_start3A_222 : memref<128xi32, #tpu.memory_space<vmem>>) semaphore(%dma_start3A_227 : memref<!tpu.dma_semaphore, #tpu.memory_space<semaphore_mem>>)
          } else {
          }
          %dma_wait3A_184 = arith.constant 0 : i32
          %dma_wait3A_185 = arith.constant 0 : i32
          %dma_wait3A_186 = arith.constant 0 : i32
          %dma_wait3A_187 = arith.constant 0 : i32
          %dma_wait3A_188 = tpu.memref_slice %arg12[%dma_wait3A_185, %dma_wait3A_186, %dma_wait3A_187] : memref<6x128x32xf32, #tpu.memory_space<vmem>> -> memref<1x128x32xf32, #tpu.memory_space<vmem>>
          %dma_wait3A_189 = tpu.memref_squeeze %dma_wait3A_188 : memref<1x128x32xf32, #tpu.memory_space<vmem>> -> memref<128x32xf32, #tpu.memory_space<vmem>>
          %dma_wait3A_190 = arith.constant 0 : i32
          %dma_wait3A_191 = tpu.memref_slice %arg10[%dma_wait3A_184, %dma_wait3A_190] : memref<16x128xi32, #tpu.memory_space<vmem>> -> memref<1x128xi32, #tpu.memory_space<vmem>>
          %dma_wait3A_192 = tpu.memref_squeeze %dma_wait3A_191 : memref<1x128xi32, #tpu.memory_space<vmem>> -> memref<128xi32, #tpu.memory_space<vmem>>
          %dma_wait3A_193 = arith.constant 0 : i32
          %dma_wait3A_194 = arith.constant 0 : i32
          %dma_wait3A_195 = tpu.memref_slice %arg2[%dma_wait3A_193, %dma_wait3A_194] : memref<50000x32xf32, #tpu.memory_space<hbm>> -> memref<50000x32xf32, #tpu.memory_space<hbm>>
          %dma_wait3A_196 = tpu.memref_slice %arg13[%rem3A_177] : memref<6x!tpu.dma_semaphore, #tpu.memory_space<semaphore_mem>> -> memref<1x!tpu.dma_semaphore, #tpu.memory_space<semaphore_mem>>
          %dma_wait3A_197 = tpu.memref_squeeze %dma_wait3A_196 : memref<1x!tpu.dma_semaphore, #tpu.memory_space<semaphore_mem>> -> memref<!tpu.dma_semaphore, #tpu.memory_space<semaphore_mem>>
          tpu.wait_indirect_dma semaphore(%dma_wait3A_197 : memref<!tpu.dma_semaphore, #tpu.memory_space<semaphore_mem>>) src(%dma_wait3A_195 : memref<50000x32xf32, #tpu.memory_space<hbm>>) dst(%dma_wait3A_189 : memref<128x32xf32, #tpu.memory_space<vmem>>)
          %dma_start3A_198 = arith.constant 0 : i32
          %dma_start3A_199 = arith.constant 0 : i32
          %dma_start3A_200 = tpu.memref_slice %arg12[%rem3A_177, %dma_start3A_198, %dma_start3A_199] : memref<6x128x32xf32, #tpu.memory_space<vmem>> -> memref<1x128x32xf32, #tpu.memory_space<vmem>>
          %dma_start3A_201 = tpu.memref_squeeze %dma_start3A_200 : memref<1x128x32xf32, #tpu.memory_space<vmem>> -> memref<128x32xf32, #tpu.memory_space<vmem>>
          %dma_start3A_202 = arith.constant 0 : i32
          %dma_start3A_203 = tpu.memref_slice %arg11[%add3A_176, %dma_start3A_202] : memref<16x128xi32, #tpu.memory_space<vmem>> -> memref<1x128xi32, #tpu.memory_space<vmem>>
          %dma_start3A_204 = tpu.memref_squeeze %dma_start3A_203 : memref<1x128xi32, #tpu.memory_space<vmem>> -> memref<128xi32, #tpu.memory_space<vmem>>
          %dma_start3A_205 = arith.constant 0 : i32
          %dma_start3A_206 = arith.constant 0 : i32
          %dma_start3A_207 = tpu.memref_slice %arg9[%dma_start3A_205, %dma_start3A_206] : memref<50432x32xf32, #tpu.memory_space<vmem_shared>> -> memref<50432x32xf32, #tpu.memory_space<vmem_shared>>
          %dma_start3A_208 = tpu.memref_slice %arg14[%rem3A_177] : memref<6x!tpu.dma_semaphore, #tpu.memory_space<semaphore_mem>> -> memref<1x!tpu.dma_semaphore, #tpu.memory_space<semaphore_mem>>
          %dma_start3A_209 = tpu.memref_squeeze %dma_start3A_208 : memref<1x!tpu.dma_semaphore, #tpu.memory_space<semaphore_mem>> -> memref<!tpu.dma_semaphore, #tpu.memory_space<semaphore_mem>>
          tpu.enqueue_indirect_dma source(%dma_start3A_201 : memref<128x32xf32, #tpu.memory_space<vmem>>) target(%dma_start3A_207 : memref<50432x32xf32, #tpu.memory_space<vmem_shared>>) offsets(%dma_start3A_204 : memref<128xi32, #tpu.memory_space<vmem>>) semaphore(%dma_start3A_209 : memref<!tpu.dma_semaphore, #tpu.memory_space<semaphore_mem>>) {add = true}
        }
        %scan3A_82 = arith.constant 16 : i32
        %dma_wait3A = arith.constant 0 : i32
        %dma_wait3A_83 = arith.constant 0 : i32
        %dma_wait3A_84 = arith.constant 0 : i32
        %dma_wait3A_85 = arith.constant 0 : i32
        %dma_wait3A_86 = arith.constant 0 : i32
        %dma_wait3A_87 = tpu.memref_slice %arg12[%dma_wait3A_83, %dma_wait3A_85, %dma_wait3A_86] : memref<6x128x32xf32, #tpu.memory_space<vmem>> -> memref<1x128x32xf32, #tpu.memory_space<vmem>>
        %dma_wait3A_88 = tpu.memref_squeeze %dma_wait3A_87 : memref<1x128x32xf32, #tpu.memory_space<vmem>> -> memref<128x32xf32, #tpu.memory_space<vmem>>
        %dma_wait3A_89 = arith.constant 0 : i32
        %dma_wait3A_90 = tpu.memref_slice %arg10[%dma_wait3A, %dma_wait3A_89] : memref<16x128xi32, #tpu.memory_space<vmem>> -> memref<1x128xi32, #tpu.memory_space<vmem>>
        %dma_wait3A_91 = tpu.memref_squeeze %dma_wait3A_90 : memref<1x128xi32, #tpu.memory_space<vmem>> -> memref<128xi32, #tpu.memory_space<vmem>>
        %dma_wait3A_92 = arith.constant 0 : i32
        %dma_wait3A_93 = arith.constant 0 : i32
        %dma_wait3A_94 = tpu.memref_slice %arg2[%dma_wait3A_92, %dma_wait3A_93] : memref<50000x32xf32, #tpu.memory_space<hbm>> -> memref<50000x32xf32, #tpu.memory_space<hbm>>
        %dma_wait3A_95 = tpu.memref_slice %arg14[%dma_wait3A_84] : memref<6x!tpu.dma_semaphore, #tpu.memory_space<semaphore_mem>> -> memref<1x!tpu.dma_semaphore, #tpu.memory_space<semaphore_mem>>
        %dma_wait3A_96 = tpu.memref_squeeze %dma_wait3A_95 : memref<1x!tpu.dma_semaphore, #tpu.memory_space<semaphore_mem>> -> memref<!tpu.dma_semaphore, #tpu.memory_space<semaphore_mem>>
        tpu.wait_indirect_dma semaphore(%dma_wait3A_96 : memref<!tpu.dma_semaphore, #tpu.memory_space<semaphore_mem>>) src(%dma_wait3A_94 : memref<50000x32xf32, #tpu.memory_space<hbm>>) dst(%dma_wait3A_88 : memref<128x32xf32, #tpu.memory_space<vmem>>)
        %dma_wait3A_97 = arith.constant 0 : i32
        %dma_wait3A_98 = arith.constant 0 : i32
        %dma_wait3A_99 = arith.constant 1 : i32
        %dma_wait3A_100 = arith.constant 0 : i32
        %dma_wait3A_101 = arith.constant 0 : i32
        %dma_wait3A_102 = tpu.memref_slice %arg12[%dma_wait3A_98, %dma_wait3A_100, %dma_wait3A_101] : memref<6x128x32xf32, #tpu.memory_space<vmem>> -> memref<1x128x32xf32, #tpu.memory_space<vmem>>
        %dma_wait3A_103 = tpu.memref_squeeze %dma_wait3A_102 : memref<1x128x32xf32, #tpu.memory_space<vmem>> -> memref<128x32xf32, #tpu.memory_space<vmem>>
        %dma_wait3A_104 = arith.constant 0 : i32
        %dma_wait3A_105 = tpu.memref_slice %arg10[%dma_wait3A_97, %dma_wait3A_104] : memref<16x128xi32, #tpu.memory_space<vmem>> -> memref<1x128xi32, #tpu.memory_space<vmem>>
        %dma_wait3A_106 = tpu.memref_squeeze %dma_wait3A_105 : memref<1x128xi32, #tpu.memory_space<vmem>> -> memref<128xi32, #tpu.memory_space<vmem>>
        %dma_wait3A_107 = arith.constant 0 : i32
        %dma_wait3A_108 = arith.constant 0 : i32
        %dma_wait3A_109 = tpu.memref_slice %arg2[%dma_wait3A_107, %dma_wait3A_108] : memref<50000x32xf32, #tpu.memory_space<hbm>> -> memref<50000x32xf32, #tpu.memory_space<hbm>>
        %dma_wait3A_110 = tpu.memref_slice %arg14[%dma_wait3A_99] : memref<6x!tpu.dma_semaphore, #tpu.memory_space<semaphore_mem>> -> memref<1x!tpu.dma_semaphore, #tpu.memory_space<semaphore_mem>>
        %dma_wait3A_111 = tpu.memref_squeeze %dma_wait3A_110 : memref<1x!tpu.dma_semaphore, #tpu.memory_space<semaphore_mem>> -> memref<!tpu.dma_semaphore, #tpu.memory_space<semaphore_mem>>
        tpu.wait_indirect_dma semaphore(%dma_wait3A_111 : memref<!tpu.dma_semaphore, #tpu.memory_space<semaphore_mem>>) src(%dma_wait3A_109 : memref<50000x32xf32, #tpu.memory_space<hbm>>) dst(%dma_wait3A_103 : memref<128x32xf32, #tpu.memory_space<vmem>>)
        %dma_wait3A_112 = arith.constant 0 : i32
        %dma_wait3A_113 = arith.constant 0 : i32
        %dma_wait3A_114 = arith.constant 2 : i32
        %dma_wait3A_115 = arith.constant 0 : i32
        %dma_wait3A_116 = arith.constant 0 : i32
        %dma_wait3A_117 = tpu.memref_slice %arg12[%dma_wait3A_113, %dma_wait3A_115, %dma_wait3A_116] : memref<6x128x32xf32, #tpu.memory_space<vmem>> -> memref<1x128x32xf32, #tpu.memory_space<vmem>>
        %dma_wait3A_118 = tpu.memref_squeeze %dma_wait3A_117 : memref<1x128x32xf32, #tpu.memory_space<vmem>> -> memref<128x32xf32, #tpu.memory_space<vmem>>
        %dma_wait3A_119 = arith.constant 0 : i32
        %dma_wait3A_120 = tpu.memref_slice %arg10[%dma_wait3A_112, %dma_wait3A_119] : memref<16x128xi32, #tpu.memory_space<vmem>> -> memref<1x128xi32, #tpu.memory_space<vmem>>
        %dma_wait3A_121 = tpu.memref_squeeze %dma_wait3A_120 : memref<1x128xi32, #tpu.memory_space<vmem>> -> memref<128xi32, #tpu.memory_space<vmem>>
        %dma_wait3A_122 = arith.constant 0 : i32
        %dma_wait3A_123 = arith.constant 0 : i32
        %dma_wait3A_124 = tpu.memref_slice %arg2[%dma_wait3A_122, %dma_wait3A_123] : memref<50000x32xf32, #tpu.memory_space<hbm>> -> memref<50000x32xf32, #tpu.memory_space<hbm>>
        %dma_wait3A_125 = tpu.memref_slice %arg14[%dma_wait3A_114] : memref<6x!tpu.dma_semaphore, #tpu.memory_space<semaphore_mem>> -> memref<1x!tpu.dma_semaphore, #tpu.memory_space<semaphore_mem>>
        %dma_wait3A_126 = tpu.memref_squeeze %dma_wait3A_125 : memref<1x!tpu.dma_semaphore, #tpu.memory_space<semaphore_mem>> -> memref<!tpu.dma_semaphore, #tpu.memory_space<semaphore_mem>>
        tpu.wait_indirect_dma semaphore(%dma_wait3A_126 : memref<!tpu.dma_semaphore, #tpu.memory_space<semaphore_mem>>) src(%dma_wait3A_124 : memref<50000x32xf32, #tpu.memory_space<hbm>>) dst(%dma_wait3A_118 : memref<128x32xf32, #tpu.memory_space<vmem>>)
        %dma_wait3A_127 = arith.constant 0 : i32
        %dma_wait3A_128 = arith.constant 0 : i32
        %dma_wait3A_129 = arith.constant 3 : i32
        %dma_wait3A_130 = arith.constant 0 : i32
        %dma_wait3A_131 = arith.constant 0 : i32
        %dma_wait3A_132 = tpu.memref_slice %arg12[%dma_wait3A_128, %dma_wait3A_130, %dma_wait3A_131] : memref<6x128x32xf32, #tpu.memory_space<vmem>> -> memref<1x128x32xf32, #tpu.memory_space<vmem>>
        %dma_wait3A_133 = tpu.memref_squeeze %dma_wait3A_132 : memref<1x128x32xf32, #tpu.memory_space<vmem>> -> memref<128x32xf32, #tpu.memory_space<vmem>>
        %dma_wait3A_134 = arith.constant 0 : i32
        %dma_wait3A_135 = tpu.memref_slice %arg10[%dma_wait3A_127, %dma_wait3A_134] : memref<16x128xi32, #tpu.memory_space<vmem>> -> memref<1x128xi32, #tpu.memory_space<vmem>>
        %dma_wait3A_136 = tpu.memref_squeeze %dma_wait3A_135 : memref<1x128xi32, #tpu.memory_space<vmem>> -> memref<128xi32, #tpu.memory_space<vmem>>
        %dma_wait3A_137 = arith.constant 0 : i32
        %dma_wait3A_138 = arith.constant 0 : i32
        %dma_wait3A_139 = tpu.memref_slice %arg2[%dma_wait3A_137, %dma_wait3A_138] : memref<50000x32xf32, #tpu.memory_space<hbm>> -> memref<50000x32xf32, #tpu.memory_space<hbm>>
        %dma_wait3A_140 = tpu.memref_slice %arg14[%dma_wait3A_129] : memref<6x!tpu.dma_semaphore, #tpu.memory_space<semaphore_mem>> -> memref<1x!tpu.dma_semaphore, #tpu.memory_space<semaphore_mem>>
        %dma_wait3A_141 = tpu.memref_squeeze %dma_wait3A_140 : memref<1x!tpu.dma_semaphore, #tpu.memory_space<semaphore_mem>> -> memref<!tpu.dma_semaphore, #tpu.memory_space<semaphore_mem>>
        tpu.wait_indirect_dma semaphore(%dma_wait3A_141 : memref<!tpu.dma_semaphore, #tpu.memory_space<semaphore_mem>>) src(%dma_wait3A_139 : memref<50000x32xf32, #tpu.memory_space<hbm>>) dst(%dma_wait3A_133 : memref<128x32xf32, #tpu.memory_space<vmem>>)
        %dma_wait3A_142 = arith.constant 0 : i32
        %dma_wait3A_143 = arith.constant 0 : i32
        %dma_wait3A_144 = arith.constant 4 : i32
        %dma_wait3A_145 = arith.constant 0 : i32
        %dma_wait3A_146 = arith.constant 0 : i32
        %dma_wait3A_147 = tpu.memref_slice %arg12[%dma_wait3A_143, %dma_wait3A_145, %dma_wait3A_146] : memref<6x128x32xf32, #tpu.memory_space<vmem>> -> memref<1x128x32xf32, #tpu.memory_space<vmem>>
        %dma_wait3A_148 = tpu.memref_squeeze %dma_wait3A_147 : memref<1x128x32xf32, #tpu.memory_space<vmem>> -> memref<128x32xf32, #tpu.memory_space<vmem>>
        %dma_wait3A_149 = arith.constant 0 : i32
        %dma_wait3A_150 = tpu.memref_slice %arg10[%dma_wait3A_142, %dma_wait3A_149] : memref<16x128xi32, #tpu.memory_space<vmem>> -> memref<1x128xi32, #tpu.memory_space<vmem>>
        %dma_wait3A_151 = tpu.memref_squeeze %dma_wait3A_150 : memref<1x128xi32, #tpu.memory_space<vmem>> -> memref<128xi32, #tpu.memory_space<vmem>>
        %dma_wait3A_152 = arith.constant 0 : i32
        %dma_wait3A_153 = arith.constant 0 : i32
        %dma_wait3A_154 = tpu.memref_slice %arg2[%dma_wait3A_152, %dma_wait3A_153] : memref<50000x32xf32, #tpu.memory_space<hbm>> -> memref<50000x32xf32, #tpu.memory_space<hbm>>
        %dma_wait3A_155 = tpu.memref_slice %arg14[%dma_wait3A_144] : memref<6x!tpu.dma_semaphore, #tpu.memory_space<semaphore_mem>> -> memref<1x!tpu.dma_semaphore, #tpu.memory_space<semaphore_mem>>
        %dma_wait3A_156 = tpu.memref_squeeze %dma_wait3A_155 : memref<1x!tpu.dma_semaphore, #tpu.memory_space<semaphore_mem>> -> memref<!tpu.dma_semaphore, #tpu.memory_space<semaphore_mem>>
        tpu.wait_indirect_dma semaphore(%dma_wait3A_156 : memref<!tpu.dma_semaphore, #tpu.memory_space<semaphore_mem>>) src(%dma_wait3A_154 : memref<50000x32xf32, #tpu.memory_space<hbm>>) dst(%dma_wait3A_148 : memref<128x32xf32, #tpu.memory_space<vmem>>)
        %dma_wait3A_157 = arith.constant 0 : i32
        %dma_wait3A_158 = arith.constant 0 : i32
        %dma_wait3A_159 = arith.constant 5 : i32
        %dma_wait3A_160 = arith.constant 0 : i32
        %dma_wait3A_161 = arith.constant 0 : i32
        %dma_wait3A_162 = tpu.memref_slice %arg12[%dma_wait3A_158, %dma_wait3A_160, %dma_wait3A_161] : memref<6x128x32xf32, #tpu.memory_space<vmem>> -> memref<1x128x32xf32, #tpu.memory_space<vmem>>
        %dma_wait3A_163 = tpu.memref_squeeze %dma_wait3A_162 : memref<1x128x32xf32, #tpu.memory_space<vmem>> -> memref<128x32xf32, #tpu.memory_space<vmem>>
        %dma_wait3A_164 = arith.constant 0 : i32
        %dma_wait3A_165 = tpu.memref_slice %arg10[%dma_wait3A_157, %dma_wait3A_164] : memref<16x128xi32, #tpu.memory_space<vmem>> -> memref<1x128xi32, #tpu.memory_space<vmem>>
        %dma_wait3A_166 = tpu.memref_squeeze %dma_wait3A_165 : memref<1x128xi32, #tpu.memory_space<vmem>> -> memref<128xi32, #tpu.memory_space<vmem>>
        %dma_wait3A_167 = arith.constant 0 : i32
        %dma_wait3A_168 = arith.constant 0 : i32
        %dma_wait3A_169 = tpu.memref_slice %arg2[%dma_wait3A_167, %dma_wait3A_168] : memref<50000x32xf32, #tpu.memory_space<hbm>> -> memref<50000x32xf32, #tpu.memory_space<hbm>>
        %dma_wait3A_170 = tpu.memref_slice %arg14[%dma_wait3A_159] : memref<6x!tpu.dma_semaphore, #tpu.memory_space<semaphore_mem>> -> memref<1x!tpu.dma_semaphore, #tpu.memory_space<semaphore_mem>>
        %dma_wait3A_171 = tpu.memref_squeeze %dma_wait3A_170 : memref<1x!tpu.dma_semaphore, #tpu.memory_space<semaphore_mem>> -> memref<!tpu.dma_semaphore, #tpu.memory_space<semaphore_mem>>
        tpu.wait_indirect_dma semaphore(%dma_wait3A_171 : memref<!tpu.dma_semaphore, #tpu.memory_space<semaphore_mem>>) src(%dma_wait3A_169 : memref<50000x32xf32, #tpu.memory_space<hbm>>) dst(%dma_wait3A_163 : memref<128x32xf32, #tpu.memory_space<vmem>>)
      }
      %scan3A_26 = arith.constant 25 : i32
    } else {
    }
    %eq3A_5 = arith.constant 1 : i32
    %eq3A_6 = arith.cmpi eq, %arg0, %eq3A_5 : i32
    %convert_element_type3A_7 = arith.extui %eq3A_6 : i1 to i32
    %cond3A_8 = arith.constant 0 : i32
    %cond3A_9 = arith.cmpi ne, %convert_element_type3A_7, %cond3A_8 : i32
    scf.if %cond3A_9 {
      %scan3A = arith.constant 0 : i32
      %scan3A_23 = arith.constant 25 : i32
      %scan3A_24 = arith.addi %scan3A, %scan3A_23 : i32
      %scan3A_25 = arith.constant 1 : i32
      scf.for %scan3A_27 = %scan3A to %scan3A_24 step %scan3A_25  : i32 {
        %mul3A_28 = arith.constant 1 : i32
        %mul3A_29 = arith.muli %scan3A_27, %mul3A_28 : i32
        %add3A = arith.constant 0 : i32
        %add3A_30 = arith.addi %add3A, %mul3A_29 : i32
        %mul3A_31 = arith.constant 16 : i32
        %mul3A_32 = arith.muli %add3A_30, %mul3A_31 : i32
        %add3A_33 = arith.addi %mul3A_2, %mul3A_32 : i32
        "tpu.region"() ({
          %run_scoped3A = tpu.sem_alloc : memref<!tpu.dma_semaphore, #tpu.memory_space<semaphore_mem>>
          %dma_start3A_172 = arith.constant 0 : i32
          %dma_start3A_173 = tpu.memref_slice %arg4[%add3A_33, %dma_start3A_172] : memref<6400x128xi32, #tpu.memory_space<hbm>> -> memref<16x128xi32, #tpu.memory_space<hbm>>
          %dma_start3A_174 = arith.constant 0 : i32
          %dma_start3A_175 = tpu.memref_slice %arg4[%add3A_33, %dma_start3A_174] : memref<6400x128xi32, #tpu.memory_space<hbm>> -> memref<16x128xi32, #tpu.memory_space<hbm>>
          tpu.enqueue_dma source(%dma_start3A_175 : memref<16x128xi32, #tpu.memory_space<hbm>>) target(%arg10 : memref<16x128xi32, #tpu.memory_space<vmem>>) target_semaphore(%run_scoped3A : memref<!tpu.dma_semaphore, #tpu.memory_space<semaphore_mem>>)
          %dma_wait3A_176 = arith.constant 0 : i32
          %dma_wait3A_177 = tpu.memref_slice %arg4[%add3A_33, %dma_wait3A_176] : memref<6400x128xi32, #tpu.memory_space<hbm>> -> memref<16x128xi32, #tpu.memory_space<hbm>>
          %dma_wait3A_178 = arith.constant 0 : i32
          %dma_wait3A_179 = tpu.memref_slice %arg4[%add3A_33, %dma_wait3A_178] : memref<6400x128xi32, #tpu.memory_space<hbm>> -> memref<16x128xi32, #tpu.memory_space<hbm>>
          tpu.wait_dma2 semaphore(%run_scoped3A : memref<!tpu.dma_semaphore, #tpu.memory_space<semaphore_mem>>) src(%dma_wait3A_179 : memref<16x128xi32, #tpu.memory_space<hbm>>) dst(%arg10 : memref<16x128xi32, #tpu.memory_space<vmem>>)
          tpu.yield
        }) : () -> ()
        "tpu.region"() ({
          %run_scoped3A = tpu.sem_alloc : memref<!tpu.dma_semaphore, #tpu.memory_space<semaphore_mem>>
          %dma_start3A_172 = arith.constant 0 : i32
          %dma_start3A_173 = tpu.memref_slice %arg5[%add3A_33, %dma_start3A_172] : memref<6400x128xi32, #tpu.memory_space<hbm>> -> memref<16x128xi32, #tpu.memory_space<hbm>>
          %dma_start3A_174 = arith.constant 0 : i32
          %dma_start3A_175 = tpu.memref_slice %arg5[%add3A_33, %dma_start3A_174] : memref<6400x128xi32, #tpu.memory_space<hbm>> -> memref<16x128xi32, #tpu.memory_space<hbm>>
          tpu.enqueue_dma source(%dma_start3A_175 : memref<16x128xi32, #tpu.memory_space<hbm>>) target(%arg11 : memref<16x128xi32, #tpu.memory_space<vmem>>) target_semaphore(%run_scoped3A : memref<!tpu.dma_semaphore, #tpu.memory_space<semaphore_mem>>)
          %dma_wait3A_176 = arith.constant 0 : i32
          %dma_wait3A_177 = tpu.memref_slice %arg5[%add3A_33, %dma_wait3A_176] : memref<6400x128xi32, #tpu.memory_space<hbm>> -> memref<16x128xi32, #tpu.memory_space<hbm>>
          %dma_wait3A_178 = arith.constant 0 : i32
          %dma_wait3A_179 = tpu.memref_slice %arg5[%add3A_33, %dma_wait3A_178] : memref<6400x128xi32, #tpu.memory_space<hbm>> -> memref<16x128xi32, #tpu.memory_space<hbm>>
          tpu.wait_dma2 semaphore(%run_scoped3A : memref<!tpu.dma_semaphore, #tpu.memory_space<semaphore_mem>>) src(%dma_wait3A_179 : memref<16x128xi32, #tpu.memory_space<hbm>>) dst(%arg11 : memref<16x128xi32, #tpu.memory_space<vmem>>)
          tpu.yield
        }) : () -> ()
        %dma_start3A = arith.constant 0 : i32
        %dma_start3A_34 = arith.constant 0 : i32
        %dma_start3A_35 = arith.constant 0 : i32
        %dma_start3A_36 = arith.constant 0 : i32
        %dma_start3A_37 = arith.constant 0 : i32
        %dma_start3A_38 = tpu.memref_slice %arg12[%dma_start3A_34, %dma_start3A_36, %dma_start3A_37] : memref<6x128x32xf32, #tpu.memory_space<vmem>> -> memref<1x128x32xf32, #tpu.memory_space<vmem>>
        %dma_start3A_39 = tpu.memref_squeeze %dma_start3A_38 : memref<1x128x32xf32, #tpu.memory_space<vmem>> -> memref<128x32xf32, #tpu.memory_space<vmem>>
        %dma_start3A_40 = arith.constant 0 : i32
        %dma_start3A_41 = tpu.memref_slice %arg10[%dma_start3A, %dma_start3A_40] : memref<16x128xi32, #tpu.memory_space<vmem>> -> memref<1x128xi32, #tpu.memory_space<vmem>>
        %dma_start3A_42 = tpu.memref_squeeze %dma_start3A_41 : memref<1x128xi32, #tpu.memory_space<vmem>> -> memref<128xi32, #tpu.memory_space<vmem>>
        %dma_start3A_43 = arith.constant 0 : i32
        %dma_start3A_44 = arith.constant 0 : i32
        %dma_start3A_45 = tpu.memref_slice %arg3[%dma_start3A_43, %dma_start3A_44] : memref<50000x32xf32, #tpu.memory_space<hbm>> -> memref<50000x32xf32, #tpu.memory_space<hbm>>
        %dma_start3A_46 = tpu.memref_slice %arg13[%dma_start3A_35] : memref<6x!tpu.dma_semaphore, #tpu.memory_space<semaphore_mem>> -> memref<1x!tpu.dma_semaphore, #tpu.memory_space<semaphore_mem>>
        %dma_start3A_47 = tpu.memref_squeeze %dma_start3A_46 : memref<1x!tpu.dma_semaphore, #tpu.memory_space<semaphore_mem>> -> memref<!tpu.dma_semaphore, #tpu.memory_space<semaphore_mem>>
        tpu.enqueue_indirect_dma source(%dma_start3A_45 : memref<50000x32xf32, #tpu.memory_space<hbm>>) target(%dma_start3A_39 : memref<128x32xf32, #tpu.memory_space<vmem>>) offsets(%dma_start3A_42 : memref<128xi32, #tpu.memory_space<vmem>>) semaphore(%dma_start3A_47 : memref<!tpu.dma_semaphore, #tpu.memory_space<semaphore_mem>>)
        %dma_start3A_48 = arith.constant 1 : i32
        %dma_start3A_49 = arith.constant 1 : i32
        %dma_start3A_50 = arith.constant 1 : i32
        %dma_start3A_51 = arith.constant 0 : i32
        %dma_start3A_52 = arith.constant 0 : i32
        %dma_start3A_53 = tpu.memref_slice %arg12[%dma_start3A_49, %dma_start3A_51, %dma_start3A_52] : memref<6x128x32xf32, #tpu.memory_space<vmem>> -> memref<1x128x32xf32, #tpu.memory_space<vmem>>
        %dma_start3A_54 = tpu.memref_squeeze %dma_start3A_53 : memref<1x128x32xf32, #tpu.memory_space<vmem>> -> memref<128x32xf32, #tpu.memory_space<vmem>>
        %dma_start3A_55 = arith.constant 0 : i32
        %dma_start3A_56 = tpu.memref_slice %arg10[%dma_start3A_48, %dma_start3A_55] : memref<16x128xi32, #tpu.memory_space<vmem>> -> memref<1x128xi32, #tpu.memory_space<vmem>>
        %dma_start3A_57 = tpu.memref_squeeze %dma_start3A_56 : memref<1x128xi32, #tpu.memory_space<vmem>> -> memref<128xi32, #tpu.memory_space<vmem>>
        %dma_start3A_58 = arith.constant 0 : i32
        %dma_start3A_59 = arith.constant 0 : i32
        %dma_start3A_60 = tpu.memref_slice %arg3[%dma_start3A_58, %dma_start3A_59] : memref<50000x32xf32, #tpu.memory_space<hbm>> -> memref<50000x32xf32, #tpu.memory_space<hbm>>
        %dma_start3A_61 = tpu.memref_slice %arg13[%dma_start3A_50] : memref<6x!tpu.dma_semaphore, #tpu.memory_space<semaphore_mem>> -> memref<1x!tpu.dma_semaphore, #tpu.memory_space<semaphore_mem>>
        %dma_start3A_62 = tpu.memref_squeeze %dma_start3A_61 : memref<1x!tpu.dma_semaphore, #tpu.memory_space<semaphore_mem>> -> memref<!tpu.dma_semaphore, #tpu.memory_space<semaphore_mem>>
        tpu.enqueue_indirect_dma source(%dma_start3A_60 : memref<50000x32xf32, #tpu.memory_space<hbm>>) target(%dma_start3A_54 : memref<128x32xf32, #tpu.memory_space<vmem>>) offsets(%dma_start3A_57 : memref<128xi32, #tpu.memory_space<vmem>>) semaphore(%dma_start3A_62 : memref<!tpu.dma_semaphore, #tpu.memory_space<semaphore_mem>>)
        %dma_start3A_63 = arith.constant 2 : i32
        %dma_start3A_64 = arith.constant 2 : i32
        %dma_start3A_65 = arith.constant 2 : i32
        %dma_start3A_66 = arith.constant 0 : i32
        %dma_start3A_67 = arith.constant 0 : i32
        %dma_start3A_68 = tpu.memref_slice %arg12[%dma_start3A_64, %dma_start3A_66, %dma_start3A_67] : memref<6x128x32xf32, #tpu.memory_space<vmem>> -> memref<1x128x32xf32, #tpu.memory_space<vmem>>
        %dma_start3A_69 = tpu.memref_squeeze %dma_start3A_68 : memref<1x128x32xf32, #tpu.memory_space<vmem>> -> memref<128x32xf32, #tpu.memory_space<vmem>>
        %dma_start3A_70 = arith.constant 0 : i32
        %dma_start3A_71 = tpu.memref_slice %arg10[%dma_start3A_63, %dma_start3A_70] : memref<16x128xi32, #tpu.memory_space<vmem>> -> memref<1x128xi32, #tpu.memory_space<vmem>>
        %dma_start3A_72 = tpu.memref_squeeze %dma_start3A_71 : memref<1x128xi32, #tpu.memory_space<vmem>> -> memref<128xi32, #tpu.memory_space<vmem>>
        %dma_start3A_73 = arith.constant 0 : i32
        %dma_start3A_74 = arith.constant 0 : i32
        %dma_start3A_75 = tpu.memref_slice %arg3[%dma_start3A_73, %dma_start3A_74] : memref<50000x32xf32, #tpu.memory_space<hbm>> -> memref<50000x32xf32, #tpu.memory_space<hbm>>
        %dma_start3A_76 = tpu.memref_slice %arg13[%dma_start3A_65] : memref<6x!tpu.dma_semaphore, #tpu.memory_space<semaphore_mem>> -> memref<1x!tpu.dma_semaphore, #tpu.memory_space<semaphore_mem>>
        %dma_start3A_77 = tpu.memref_squeeze %dma_start3A_76 : memref<1x!tpu.dma_semaphore, #tpu.memory_space<semaphore_mem>> -> memref<!tpu.dma_semaphore, #tpu.memory_space<semaphore_mem>>
        tpu.enqueue_indirect_dma source(%dma_start3A_75 : memref<50000x32xf32, #tpu.memory_space<hbm>>) target(%dma_start3A_69 : memref<128x32xf32, #tpu.memory_space<vmem>>) offsets(%dma_start3A_72 : memref<128xi32, #tpu.memory_space<vmem>>) semaphore(%dma_start3A_77 : memref<!tpu.dma_semaphore, #tpu.memory_space<semaphore_mem>>)
        %scan3A_78 = arith.constant 0 : i32
        %scan3A_79 = arith.constant 16 : i32
        %scan3A_80 = arith.addi %scan3A_78, %scan3A_79 : i32
        %scan3A_81 = arith.constant 1 : i32
        scf.for %scan3A_172 = %scan3A_78 to %scan3A_80 step %scan3A_81  : i32 {
          %mul3A_173 = arith.constant 1 : i32
          %mul3A_174 = arith.muli %scan3A_172, %mul3A_173 : i32
          %add3A_175 = arith.constant 0 : i32
          %add3A_176 = arith.addi %add3A_175, %mul3A_174 : i32
          %rem3A = arith.constant 6 : i32
          %rem3A_177 = arith.remsi %add3A_176, %rem3A : i32
          %add3A_178 = arith.constant 3 : i32
          %add3A_179 = arith.addi %add3A_176, %add3A_178 : i32
          %lt3A = arith.constant 16 : i32
          %lt3A_180 = arith.cmpi slt, %add3A_179, %lt3A : i32
          %convert_element_type3A_181 = arith.extui %lt3A_180 : i1 to i32
          %cond3A_182 = arith.constant 0 : i32
          %cond3A_183 = arith.cmpi ne, %convert_element_type3A_181, %cond3A_182 : i32
          scf.if %cond3A_183 {
            %rem3A_210 = arith.constant 6 : i32
            %rem3A_211 = arith.remsi %add3A_179, %rem3A_210 : i32
            %ge3A = arith.constant 6 : i32
            %ge3A_212 = arith.cmpi sge, %add3A_179, %ge3A : i32
            %convert_element_type3A_213 = arith.extui %ge3A_212 : i1 to i32
            %cond3A_214 = arith.constant 0 : i32
            %cond3A_215 = arith.cmpi ne, %convert_element_type3A_213, %cond3A_214 : i32
            scf.if %cond3A_215 {
              %dma_wait3A_228 = arith.constant 0 : i32
              %dma_wait3A_229 = arith.constant 0 : i32
              %dma_wait3A_230 = arith.constant 0 : i32
              %dma_wait3A_231 = arith.constant 0 : i32
              %dma_wait3A_232 = tpu.memref_slice %arg12[%dma_wait3A_229, %dma_wait3A_230, %dma_wait3A_231] : memref<6x128x32xf32, #tpu.memory_space<vmem>> -> memref<1x128x32xf32, #tpu.memory_space<vmem>>
              %dma_wait3A_233 = tpu.memref_squeeze %dma_wait3A_232 : memref<1x128x32xf32, #tpu.memory_space<vmem>> -> memref<128x32xf32, #tpu.memory_space<vmem>>
              %dma_wait3A_234 = arith.constant 0 : i32
              %dma_wait3A_235 = tpu.memref_slice %arg10[%dma_wait3A_228, %dma_wait3A_234] : memref<16x128xi32, #tpu.memory_space<vmem>> -> memref<1x128xi32, #tpu.memory_space<vmem>>
              %dma_wait3A_236 = tpu.memref_squeeze %dma_wait3A_235 : memref<1x128xi32, #tpu.memory_space<vmem>> -> memref<128xi32, #tpu.memory_space<vmem>>
              %dma_wait3A_237 = arith.constant 0 : i32
              %dma_wait3A_238 = arith.constant 0 : i32
              %dma_wait3A_239 = tpu.memref_slice %arg3[%dma_wait3A_237, %dma_wait3A_238] : memref<50000x32xf32, #tpu.memory_space<hbm>> -> memref<50000x32xf32, #tpu.memory_space<hbm>>
              %dma_wait3A_240 = tpu.memref_slice %arg14[%rem3A_211] : memref<6x!tpu.dma_semaphore, #tpu.memory_space<semaphore_mem>> -> memref<1x!tpu.dma_semaphore, #tpu.memory_space<semaphore_mem>>
              %dma_wait3A_241 = tpu.memref_squeeze %dma_wait3A_240 : memref<1x!tpu.dma_semaphore, #tpu.memory_space<semaphore_mem>> -> memref<!tpu.dma_semaphore, #tpu.memory_space<semaphore_mem>>
              tpu.wait_indirect_dma semaphore(%dma_wait3A_241 : memref<!tpu.dma_semaphore, #tpu.memory_space<semaphore_mem>>) src(%dma_wait3A_239 : memref<50000x32xf32, #tpu.memory_space<hbm>>) dst(%dma_wait3A_233 : memref<128x32xf32, #tpu.memory_space<vmem>>)
            } else {
            }
            %dma_start3A_216 = arith.constant 0 : i32
            %dma_start3A_217 = arith.constant 0 : i32
            %dma_start3A_218 = tpu.memref_slice %arg12[%rem3A_211, %dma_start3A_216, %dma_start3A_217] : memref<6x128x32xf32, #tpu.memory_space<vmem>> -> memref<1x128x32xf32, #tpu.memory_space<vmem>>
            %dma_start3A_219 = tpu.memref_squeeze %dma_start3A_218 : memref<1x128x32xf32, #tpu.memory_space<vmem>> -> memref<128x32xf32, #tpu.memory_space<vmem>>
            %dma_start3A_220 = arith.constant 0 : i32
            %dma_start3A_221 = tpu.memref_slice %arg10[%add3A_179, %dma_start3A_220] : memref<16x128xi32, #tpu.memory_space<vmem>> -> memref<1x128xi32, #tpu.memory_space<vmem>>
            %dma_start3A_222 = tpu.memref_squeeze %dma_start3A_221 : memref<1x128xi32, #tpu.memory_space<vmem>> -> memref<128xi32, #tpu.memory_space<vmem>>
            %dma_start3A_223 = arith.constant 0 : i32
            %dma_start3A_224 = arith.constant 0 : i32
            %dma_start3A_225 = tpu.memref_slice %arg3[%dma_start3A_223, %dma_start3A_224] : memref<50000x32xf32, #tpu.memory_space<hbm>> -> memref<50000x32xf32, #tpu.memory_space<hbm>>
            %dma_start3A_226 = tpu.memref_slice %arg13[%rem3A_211] : memref<6x!tpu.dma_semaphore, #tpu.memory_space<semaphore_mem>> -> memref<1x!tpu.dma_semaphore, #tpu.memory_space<semaphore_mem>>
            %dma_start3A_227 = tpu.memref_squeeze %dma_start3A_226 : memref<1x!tpu.dma_semaphore, #tpu.memory_space<semaphore_mem>> -> memref<!tpu.dma_semaphore, #tpu.memory_space<semaphore_mem>>
            tpu.enqueue_indirect_dma source(%dma_start3A_225 : memref<50000x32xf32, #tpu.memory_space<hbm>>) target(%dma_start3A_219 : memref<128x32xf32, #tpu.memory_space<vmem>>) offsets(%dma_start3A_222 : memref<128xi32, #tpu.memory_space<vmem>>) semaphore(%dma_start3A_227 : memref<!tpu.dma_semaphore, #tpu.memory_space<semaphore_mem>>)
          } else {
          }
          %dma_wait3A_184 = arith.constant 0 : i32
          %dma_wait3A_185 = arith.constant 0 : i32
          %dma_wait3A_186 = arith.constant 0 : i32
          %dma_wait3A_187 = arith.constant 0 : i32
          %dma_wait3A_188 = tpu.memref_slice %arg12[%dma_wait3A_185, %dma_wait3A_186, %dma_wait3A_187] : memref<6x128x32xf32, #tpu.memory_space<vmem>> -> memref<1x128x32xf32, #tpu.memory_space<vmem>>
          %dma_wait3A_189 = tpu.memref_squeeze %dma_wait3A_188 : memref<1x128x32xf32, #tpu.memory_space<vmem>> -> memref<128x32xf32, #tpu.memory_space<vmem>>
          %dma_wait3A_190 = arith.constant 0 : i32
          %dma_wait3A_191 = tpu.memref_slice %arg10[%dma_wait3A_184, %dma_wait3A_190] : memref<16x128xi32, #tpu.memory_space<vmem>> -> memref<1x128xi32, #tpu.memory_space<vmem>>
          %dma_wait3A_192 = tpu.memref_squeeze %dma_wait3A_191 : memref<1x128xi32, #tpu.memory_space<vmem>> -> memref<128xi32, #tpu.memory_space<vmem>>
          %dma_wait3A_193 = arith.constant 0 : i32
          %dma_wait3A_194 = arith.constant 0 : i32
          %dma_wait3A_195 = tpu.memref_slice %arg3[%dma_wait3A_193, %dma_wait3A_194] : memref<50000x32xf32, #tpu.memory_space<hbm>> -> memref<50000x32xf32, #tpu.memory_space<hbm>>
          %dma_wait3A_196 = tpu.memref_slice %arg13[%rem3A_177] : memref<6x!tpu.dma_semaphore, #tpu.memory_space<semaphore_mem>> -> memref<1x!tpu.dma_semaphore, #tpu.memory_space<semaphore_mem>>
          %dma_wait3A_197 = tpu.memref_squeeze %dma_wait3A_196 : memref<1x!tpu.dma_semaphore, #tpu.memory_space<semaphore_mem>> -> memref<!tpu.dma_semaphore, #tpu.memory_space<semaphore_mem>>
          tpu.wait_indirect_dma semaphore(%dma_wait3A_197 : memref<!tpu.dma_semaphore, #tpu.memory_space<semaphore_mem>>) src(%dma_wait3A_195 : memref<50000x32xf32, #tpu.memory_space<hbm>>) dst(%dma_wait3A_189 : memref<128x32xf32, #tpu.memory_space<vmem>>)
          %dma_start3A_198 = arith.constant 0 : i32
          %dma_start3A_199 = arith.constant 0 : i32
          %dma_start3A_200 = tpu.memref_slice %arg12[%rem3A_177, %dma_start3A_198, %dma_start3A_199] : memref<6x128x32xf32, #tpu.memory_space<vmem>> -> memref<1x128x32xf32, #tpu.memory_space<vmem>>
          %dma_start3A_201 = tpu.memref_squeeze %dma_start3A_200 : memref<1x128x32xf32, #tpu.memory_space<vmem>> -> memref<128x32xf32, #tpu.memory_space<vmem>>
          %dma_start3A_202 = arith.constant 0 : i32
          %dma_start3A_203 = tpu.memref_slice %arg11[%add3A_176, %dma_start3A_202] : memref<16x128xi32, #tpu.memory_space<vmem>> -> memref<1x128xi32, #tpu.memory_space<vmem>>
          %dma_start3A_204 = tpu.memref_squeeze %dma_start3A_203 : memref<1x128xi32, #tpu.memory_space<vmem>> -> memref<128xi32, #tpu.memory_space<vmem>>
          %dma_start3A_205 = arith.constant 0 : i32
          %dma_start3A_206 = arith.constant 0 : i32
          %dma_start3A_207 = tpu.memref_slice %arg9[%dma_start3A_205, %dma_start3A_206] : memref<50432x32xf32, #tpu.memory_space<vmem_shared>> -> memref<50432x32xf32, #tpu.memory_space<vmem_shared>>
          %dma_start3A_208 = tpu.memref_slice %arg14[%rem3A_177] : memref<6x!tpu.dma_semaphore, #tpu.memory_space<semaphore_mem>> -> memref<1x!tpu.dma_semaphore, #tpu.memory_space<semaphore_mem>>
          %dma_start3A_209 = tpu.memref_squeeze %dma_start3A_208 : memref<1x!tpu.dma_semaphore, #tpu.memory_space<semaphore_mem>> -> memref<!tpu.dma_semaphore, #tpu.memory_space<semaphore_mem>>
          tpu.enqueue_indirect_dma source(%dma_start3A_201 : memref<128x32xf32, #tpu.memory_space<vmem>>) target(%dma_start3A_207 : memref<50432x32xf32, #tpu.memory_space<vmem_shared>>) offsets(%dma_start3A_204 : memref<128xi32, #tpu.memory_space<vmem>>) semaphore(%dma_start3A_209 : memref<!tpu.dma_semaphore, #tpu.memory_space<semaphore_mem>>) {add = true}
        }
        %scan3A_82 = arith.constant 16 : i32
        %dma_wait3A = arith.constant 0 : i32
        %dma_wait3A_83 = arith.constant 0 : i32
        %dma_wait3A_84 = arith.constant 0 : i32
        %dma_wait3A_85 = arith.constant 0 : i32
        %dma_wait3A_86 = arith.constant 0 : i32
        %dma_wait3A_87 = tpu.memref_slice %arg12[%dma_wait3A_83, %dma_wait3A_85, %dma_wait3A_86] : memref<6x128x32xf32, #tpu.memory_space<vmem>> -> memref<1x128x32xf32, #tpu.memory_space<vmem>>
        %dma_wait3A_88 = tpu.memref_squeeze %dma_wait3A_87 : memref<1x128x32xf32, #tpu.memory_space<vmem>> -> memref<128x32xf32, #tpu.memory_space<vmem>>
        %dma_wait3A_89 = arith.constant 0 : i32
        %dma_wait3A_90 = tpu.memref_slice %arg10[%dma_wait3A, %dma_wait3A_89] : memref<16x128xi32, #tpu.memory_space<vmem>> -> memref<1x128xi32, #tpu.memory_space<vmem>>
        %dma_wait3A_91 = tpu.memref_squeeze %dma_wait3A_90 : memref<1x128xi32, #tpu.memory_space<vmem>> -> memref<128xi32, #tpu.memory_space<vmem>>
        %dma_wait3A_92 = arith.constant 0 : i32
        %dma_wait3A_93 = arith.constant 0 : i32
        %dma_wait3A_94 = tpu.memref_slice %arg3[%dma_wait3A_92, %dma_wait3A_93] : memref<50000x32xf32, #tpu.memory_space<hbm>> -> memref<50000x32xf32, #tpu.memory_space<hbm>>
        %dma_wait3A_95 = tpu.memref_slice %arg14[%dma_wait3A_84] : memref<6x!tpu.dma_semaphore, #tpu.memory_space<semaphore_mem>> -> memref<1x!tpu.dma_semaphore, #tpu.memory_space<semaphore_mem>>
        %dma_wait3A_96 = tpu.memref_squeeze %dma_wait3A_95 : memref<1x!tpu.dma_semaphore, #tpu.memory_space<semaphore_mem>> -> memref<!tpu.dma_semaphore, #tpu.memory_space<semaphore_mem>>
        tpu.wait_indirect_dma semaphore(%dma_wait3A_96 : memref<!tpu.dma_semaphore, #tpu.memory_space<semaphore_mem>>) src(%dma_wait3A_94 : memref<50000x32xf32, #tpu.memory_space<hbm>>) dst(%dma_wait3A_88 : memref<128x32xf32, #tpu.memory_space<vmem>>)
        %dma_wait3A_97 = arith.constant 0 : i32
        %dma_wait3A_98 = arith.constant 0 : i32
        %dma_wait3A_99 = arith.constant 1 : i32
        %dma_wait3A_100 = arith.constant 0 : i32
        %dma_wait3A_101 = arith.constant 0 : i32
        %dma_wait3A_102 = tpu.memref_slice %arg12[%dma_wait3A_98, %dma_wait3A_100, %dma_wait3A_101] : memref<6x128x32xf32, #tpu.memory_space<vmem>> -> memref<1x128x32xf32, #tpu.memory_space<vmem>>
        %dma_wait3A_103 = tpu.memref_squeeze %dma_wait3A_102 : memref<1x128x32xf32, #tpu.memory_space<vmem>> -> memref<128x32xf32, #tpu.memory_space<vmem>>
        %dma_wait3A_104 = arith.constant 0 : i32
        %dma_wait3A_105 = tpu.memref_slice %arg10[%dma_wait3A_97, %dma_wait3A_104] : memref<16x128xi32, #tpu.memory_space<vmem>> -> memref<1x128xi32, #tpu.memory_space<vmem>>
        %dma_wait3A_106 = tpu.memref_squeeze %dma_wait3A_105 : memref<1x128xi32, #tpu.memory_space<vmem>> -> memref<128xi32, #tpu.memory_space<vmem>>
        %dma_wait3A_107 = arith.constant 0 : i32
        %dma_wait3A_108 = arith.constant 0 : i32
        %dma_wait3A_109 = tpu.memref_slice %arg3[%dma_wait3A_107, %dma_wait3A_108] : memref<50000x32xf32, #tpu.memory_space<hbm>> -> memref<50000x32xf32, #tpu.memory_space<hbm>>
        %dma_wait3A_110 = tpu.memref_slice %arg14[%dma_wait3A_99] : memref<6x!tpu.dma_semaphore, #tpu.memory_space<semaphore_mem>> -> memref<1x!tpu.dma_semaphore, #tpu.memory_space<semaphore_mem>>
        %dma_wait3A_111 = tpu.memref_squeeze %dma_wait3A_110 : memref<1x!tpu.dma_semaphore, #tpu.memory_space<semaphore_mem>> -> memref<!tpu.dma_semaphore, #tpu.memory_space<semaphore_mem>>
        tpu.wait_indirect_dma semaphore(%dma_wait3A_111 : memref<!tpu.dma_semaphore, #tpu.memory_space<semaphore_mem>>) src(%dma_wait3A_109 : memref<50000x32xf32, #tpu.memory_space<hbm>>) dst(%dma_wait3A_103 : memref<128x32xf32, #tpu.memory_space<vmem>>)
        %dma_wait3A_112 = arith.constant 0 : i32
        %dma_wait3A_113 = arith.constant 0 : i32
        %dma_wait3A_114 = arith.constant 2 : i32
        %dma_wait3A_115 = arith.constant 0 : i32
        %dma_wait3A_116 = arith.constant 0 : i32
        %dma_wait3A_117 = tpu.memref_slice %arg12[%dma_wait3A_113, %dma_wait3A_115, %dma_wait3A_116] : memref<6x128x32xf32, #tpu.memory_space<vmem>> -> memref<1x128x32xf32, #tpu.memory_space<vmem>>
        %dma_wait3A_118 = tpu.memref_squeeze %dma_wait3A_117 : memref<1x128x32xf32, #tpu.memory_space<vmem>> -> memref<128x32xf32, #tpu.memory_space<vmem>>
        %dma_wait3A_119 = arith.constant 0 : i32
        %dma_wait3A_120 = tpu.memref_slice %arg10[%dma_wait3A_112, %dma_wait3A_119] : memref<16x128xi32, #tpu.memory_space<vmem>> -> memref<1x128xi32, #tpu.memory_space<vmem>>
        %dma_wait3A_121 = tpu.memref_squeeze %dma_wait3A_120 : memref<1x128xi32, #tpu.memory_space<vmem>> -> memref<128xi32, #tpu.memory_space<vmem>>
        %dma_wait3A_122 = arith.constant 0 : i32
        %dma_wait3A_123 = arith.constant 0 : i32
        %dma_wait3A_124 = tpu.memref_slice %arg3[%dma_wait3A_122, %dma_wait3A_123] : memref<50000x32xf32, #tpu.memory_space<hbm>> -> memref<50000x32xf32, #tpu.memory_space<hbm>>
        %dma_wait3A_125 = tpu.memref_slice %arg14[%dma_wait3A_114] : memref<6x!tpu.dma_semaphore, #tpu.memory_space<semaphore_mem>> -> memref<1x!tpu.dma_semaphore, #tpu.memory_space<semaphore_mem>>
        %dma_wait3A_126 = tpu.memref_squeeze %dma_wait3A_125 : memref<1x!tpu.dma_semaphore, #tpu.memory_space<semaphore_mem>> -> memref<!tpu.dma_semaphore, #tpu.memory_space<semaphore_mem>>
        tpu.wait_indirect_dma semaphore(%dma_wait3A_126 : memref<!tpu.dma_semaphore, #tpu.memory_space<semaphore_mem>>) src(%dma_wait3A_124 : memref<50000x32xf32, #tpu.memory_space<hbm>>) dst(%dma_wait3A_118 : memref<128x32xf32, #tpu.memory_space<vmem>>)
        %dma_wait3A_127 = arith.constant 0 : i32
        %dma_wait3A_128 = arith.constant 0 : i32
        %dma_wait3A_129 = arith.constant 3 : i32
        %dma_wait3A_130 = arith.constant 0 : i32
        %dma_wait3A_131 = arith.constant 0 : i32
        %dma_wait3A_132 = tpu.memref_slice %arg12[%dma_wait3A_128, %dma_wait3A_130, %dma_wait3A_131] : memref<6x128x32xf32, #tpu.memory_space<vmem>> -> memref<1x128x32xf32, #tpu.memory_space<vmem>>
        %dma_wait3A_133 = tpu.memref_squeeze %dma_wait3A_132 : memref<1x128x32xf32, #tpu.memory_space<vmem>> -> memref<128x32xf32, #tpu.memory_space<vmem>>
        %dma_wait3A_134 = arith.constant 0 : i32
        %dma_wait3A_135 = tpu.memref_slice %arg10[%dma_wait3A_127, %dma_wait3A_134] : memref<16x128xi32, #tpu.memory_space<vmem>> -> memref<1x128xi32, #tpu.memory_space<vmem>>
        %dma_wait3A_136 = tpu.memref_squeeze %dma_wait3A_135 : memref<1x128xi32, #tpu.memory_space<vmem>> -> memref<128xi32, #tpu.memory_space<vmem>>
        %dma_wait3A_137 = arith.constant 0 : i32
        %dma_wait3A_138 = arith.constant 0 : i32
        %dma_wait3A_139 = tpu.memref_slice %arg3[%dma_wait3A_137, %dma_wait3A_138] : memref<50000x32xf32, #tpu.memory_space<hbm>> -> memref<50000x32xf32, #tpu.memory_space<hbm>>
        %dma_wait3A_140 = tpu.memref_slice %arg14[%dma_wait3A_129] : memref<6x!tpu.dma_semaphore, #tpu.memory_space<semaphore_mem>> -> memref<1x!tpu.dma_semaphore, #tpu.memory_space<semaphore_mem>>
        %dma_wait3A_141 = tpu.memref_squeeze %dma_wait3A_140 : memref<1x!tpu.dma_semaphore, #tpu.memory_space<semaphore_mem>> -> memref<!tpu.dma_semaphore, #tpu.memory_space<semaphore_mem>>
        tpu.wait_indirect_dma semaphore(%dma_wait3A_141 : memref<!tpu.dma_semaphore, #tpu.memory_space<semaphore_mem>>) src(%dma_wait3A_139 : memref<50000x32xf32, #tpu.memory_space<hbm>>) dst(%dma_wait3A_133 : memref<128x32xf32, #tpu.memory_space<vmem>>)
        %dma_wait3A_142 = arith.constant 0 : i32
        %dma_wait3A_143 = arith.constant 0 : i32
        %dma_wait3A_144 = arith.constant 4 : i32
        %dma_wait3A_145 = arith.constant 0 : i32
        %dma_wait3A_146 = arith.constant 0 : i32
        %dma_wait3A_147 = tpu.memref_slice %arg12[%dma_wait3A_143, %dma_wait3A_145, %dma_wait3A_146] : memref<6x128x32xf32, #tpu.memory_space<vmem>> -> memref<1x128x32xf32, #tpu.memory_space<vmem>>
        %dma_wait3A_148 = tpu.memref_squeeze %dma_wait3A_147 : memref<1x128x32xf32, #tpu.memory_space<vmem>> -> memref<128x32xf32, #tpu.memory_space<vmem>>
        %dma_wait3A_149 = arith.constant 0 : i32
        %dma_wait3A_150 = tpu.memref_slice %arg10[%dma_wait3A_142, %dma_wait3A_149] : memref<16x128xi32, #tpu.memory_space<vmem>> -> memref<1x128xi32, #tpu.memory_space<vmem>>
        %dma_wait3A_151 = tpu.memref_squeeze %dma_wait3A_150 : memref<1x128xi32, #tpu.memory_space<vmem>> -> memref<128xi32, #tpu.memory_space<vmem>>
        %dma_wait3A_152 = arith.constant 0 : i32
        %dma_wait3A_153 = arith.constant 0 : i32
        %dma_wait3A_154 = tpu.memref_slice %arg3[%dma_wait3A_152, %dma_wait3A_153] : memref<50000x32xf32, #tpu.memory_space<hbm>> -> memref<50000x32xf32, #tpu.memory_space<hbm>>
        %dma_wait3A_155 = tpu.memref_slice %arg14[%dma_wait3A_144] : memref<6x!tpu.dma_semaphore, #tpu.memory_space<semaphore_mem>> -> memref<1x!tpu.dma_semaphore, #tpu.memory_space<semaphore_mem>>
        %dma_wait3A_156 = tpu.memref_squeeze %dma_wait3A_155 : memref<1x!tpu.dma_semaphore, #tpu.memory_space<semaphore_mem>> -> memref<!tpu.dma_semaphore, #tpu.memory_space<semaphore_mem>>
        tpu.wait_indirect_dma semaphore(%dma_wait3A_156 : memref<!tpu.dma_semaphore, #tpu.memory_space<semaphore_mem>>) src(%dma_wait3A_154 : memref<50000x32xf32, #tpu.memory_space<hbm>>) dst(%dma_wait3A_148 : memref<128x32xf32, #tpu.memory_space<vmem>>)
        %dma_wait3A_157 = arith.constant 0 : i32
        %dma_wait3A_158 = arith.constant 0 : i32
        %dma_wait3A_159 = arith.constant 5 : i32
        %dma_wait3A_160 = arith.constant 0 : i32
        %dma_wait3A_161 = arith.constant 0 : i32
        %dma_wait3A_162 = tpu.memref_slice %arg12[%dma_wait3A_158, %dma_wait3A_160, %dma_wait3A_161] : memref<6x128x32xf32, #tpu.memory_space<vmem>> -> memref<1x128x32xf32, #tpu.memory_space<vmem>>
        %dma_wait3A_163 = tpu.memref_squeeze %dma_wait3A_162 : memref<1x128x32xf32, #tpu.memory_space<vmem>> -> memref<128x32xf32, #tpu.memory_space<vmem>>
        %dma_wait3A_164 = arith.constant 0 : i32
        %dma_wait3A_165 = tpu.memref_slice %arg10[%dma_wait3A_157, %dma_wait3A_164] : memref<16x128xi32, #tpu.memory_space<vmem>> -> memref<1x128xi32, #tpu.memory_space<vmem>>
        %dma_wait3A_166 = tpu.memref_squeeze %dma_wait3A_165 : memref<1x128xi32, #tpu.memory_space<vmem>> -> memref<128xi32, #tpu.memory_space<vmem>>
        %dma_wait3A_167 = arith.constant 0 : i32
        %dma_wait3A_168 = arith.constant 0 : i32
        %dma_wait3A_169 = tpu.memref_slice %arg3[%dma_wait3A_167, %dma_wait3A_168] : memref<50000x32xf32, #tpu.memory_space<hbm>> -> memref<50000x32xf32, #tpu.memory_space<hbm>>
        %dma_wait3A_170 = tpu.memref_slice %arg14[%dma_wait3A_159] : memref<6x!tpu.dma_semaphore, #tpu.memory_space<semaphore_mem>> -> memref<1x!tpu.dma_semaphore, #tpu.memory_space<semaphore_mem>>
        %dma_wait3A_171 = tpu.memref_squeeze %dma_wait3A_170 : memref<1x!tpu.dma_semaphore, #tpu.memory_space<semaphore_mem>> -> memref<!tpu.dma_semaphore, #tpu.memory_space<semaphore_mem>>
        tpu.wait_indirect_dma semaphore(%dma_wait3A_171 : memref<!tpu.dma_semaphore, #tpu.memory_space<semaphore_mem>>) src(%dma_wait3A_169 : memref<50000x32xf32, #tpu.memory_space<hbm>>) dst(%dma_wait3A_163 : memref<128x32xf32, #tpu.memory_space<vmem>>)
      }
      %scan3A_26 = arith.constant 25 : i32
    } else {
    }
    %barrier3A_10 = arith.constant 0 : index
    tpu.barrier barrier_id(%barrier3A_10)
    %mul3A_11 = arith.constant 3136 : i32
    %mul3A_12 = arith.muli %arg1, %mul3A_11 : i32
    %eq3A_13 = arith.constant 0 : i32
    %eq3A_14 = arith.cmpi eq, %arg0, %eq3A_13 : i32
    %convert_element_type3A_15 = arith.extui %eq3A_14 : i1 to i32
    %cond3A_16 = arith.constant 0 : i32
    %cond3A_17 = arith.cmpi ne, %convert_element_type3A_15, %cond3A_16 : i32
    scf.if %cond3A_17 {
      %lt3A = arith.constant 15 : i32
      %lt3A_23 = arith.cmpi slt, %arg1, %lt3A : i32
      %convert_element_type3A_24 = arith.extui %lt3A_23 : i1 to i32
      %cond3A_25 = arith.constant 0 : i32
      %cond3A_26 = arith.cmpi ne, %convert_element_type3A_24, %cond3A_25 : i32
      scf.if %cond3A_26 {
        "tpu.region"() ({
          %run_scoped3A = tpu.sem_alloc : memref<!tpu.dma_semaphore, #tpu.memory_space<semaphore_mem>>
          %dma_start3A = arith.constant 0 : i32
          %dma_start3A_32 = tpu.memref_slice %arg7[%mul3A_12, %dma_start3A] : memref<50000x32xf32, #tpu.memory_space<hbm>> -> memref<3136x32xf32, #tpu.memory_space<hbm>>
          %dma_start3A_33 = arith.constant 0 : i32
          %dma_start3A_34 = tpu.memref_slice %arg9[%mul3A_12, %dma_start3A_33] : memref<50432x32xf32, #tpu.memory_space<vmem_shared>> -> memref<3136x32xf32, #tpu.memory_space<vmem_shared>>
          tpu.enqueue_dma source(%dma_start3A_34 : memref<3136x32xf32, #tpu.memory_space<vmem_shared>>) target(%dma_start3A_32 : memref<3136x32xf32, #tpu.memory_space<hbm>>) target_semaphore(%run_scoped3A : memref<!tpu.dma_semaphore, #tpu.memory_space<semaphore_mem>>)
          %dma_wait3A = arith.constant 0 : i32
          %dma_wait3A_35 = tpu.memref_slice %arg7[%mul3A_12, %dma_wait3A] : memref<50000x32xf32, #tpu.memory_space<hbm>> -> memref<3136x32xf32, #tpu.memory_space<hbm>>
          %dma_wait3A_36 = arith.constant 0 : i32
          %dma_wait3A_37 = tpu.memref_slice %arg9[%mul3A_12, %dma_wait3A_36] : memref<50432x32xf32, #tpu.memory_space<vmem_shared>> -> memref<3136x32xf32, #tpu.memory_space<vmem_shared>>
          tpu.wait_dma2 semaphore(%run_scoped3A : memref<!tpu.dma_semaphore, #tpu.memory_space<semaphore_mem>>) src(%dma_wait3A_37 : memref<3136x32xf32, #tpu.memory_space<vmem_shared>>) dst(%dma_wait3A_35 : memref<3136x32xf32, #tpu.memory_space<hbm>>)
          tpu.yield
        }) : () -> ()
      } else {
      }
      %eq3A_27 = arith.constant 15 : i32
      %eq3A_28 = arith.cmpi eq, %arg1, %eq3A_27 : i32
      %convert_element_type3A_29 = arith.extui %eq3A_28 : i1 to i32
      %cond3A_30 = arith.constant 0 : i32
      %cond3A_31 = arith.cmpi ne, %convert_element_type3A_29, %cond3A_30 : i32
      scf.if %cond3A_31 {
        "tpu.region"() ({
          %run_scoped3A = tpu.sem_alloc : memref<!tpu.dma_semaphore, #tpu.memory_space<semaphore_mem>>
          %dma_start3A = arith.constant 47040 : i32
          %dma_start3A_32 = arith.constant 0 : i32
          %dma_start3A_33 = tpu.memref_slice %arg7[%dma_start3A, %dma_start3A_32] : memref<50000x32xf32, #tpu.memory_space<hbm>> -> memref<2960x32xf32, #tpu.memory_space<hbm>>
          %dma_start3A_34 = arith.constant 47040 : i32
          %dma_start3A_35 = arith.constant 0 : i32
          %dma_start3A_36 = tpu.memref_slice %arg9[%dma_start3A_34, %dma_start3A_35] : memref<50432x32xf32, #tpu.memory_space<vmem_shared>> -> memref<2960x32xf32, #tpu.memory_space<vmem_shared>>
          tpu.enqueue_dma source(%dma_start3A_36 : memref<2960x32xf32, #tpu.memory_space<vmem_shared>>) target(%dma_start3A_33 : memref<2960x32xf32, #tpu.memory_space<hbm>>) target_semaphore(%run_scoped3A : memref<!tpu.dma_semaphore, #tpu.memory_space<semaphore_mem>>)
          %dma_wait3A = arith.constant 47040 : i32
          %dma_wait3A_37 = arith.constant 0 : i32
          %dma_wait3A_38 = tpu.memref_slice %arg7[%dma_wait3A, %dma_wait3A_37] : memref<50000x32xf32, #tpu.memory_space<hbm>> -> memref<2960x32xf32, #tpu.memory_space<hbm>>
          %dma_wait3A_39 = arith.constant 47040 : i32
          %dma_wait3A_40 = arith.constant 0 : i32
          %dma_wait3A_41 = tpu.memref_slice %arg9[%dma_wait3A_39, %dma_wait3A_40] : memref<50432x32xf32, #tpu.memory_space<vmem_shared>> -> memref<2960x32xf32, #tpu.memory_space<vmem_shared>>
          tpu.wait_dma2 semaphore(%run_scoped3A : memref<!tpu.dma_semaphore, #tpu.memory_space<semaphore_mem>>) src(%dma_wait3A_41 : memref<2960x32xf32, #tpu.memory_space<vmem_shared>>) dst(%dma_wait3A_38 : memref<2960x32xf32, #tpu.memory_space<hbm>>)
          tpu.yield
        }) : () -> ()
      } else {
      }
    } else {
    }
    %eq3A_18 = arith.constant 1 : i32
    %eq3A_19 = arith.cmpi eq, %arg0, %eq3A_18 : i32
    %convert_element_type3A_20 = arith.extui %eq3A_19 : i1 to i32
    %cond3A_21 = arith.constant 0 : i32
    %cond3A_22 = arith.cmpi ne, %convert_element_type3A_20, %cond3A_21 : i32
    scf.if %cond3A_22 {
      %lt3A = arith.constant 15 : i32
      %lt3A_23 = arith.cmpi slt, %arg1, %lt3A : i32
      %convert_element_type3A_24 = arith.extui %lt3A_23 : i1 to i32
      %cond3A_25 = arith.constant 0 : i32
      %cond3A_26 = arith.cmpi ne, %convert_element_type3A_24, %cond3A_25 : i32
      scf.if %cond3A_26 {
        "tpu.region"() ({
          %run_scoped3A = tpu.sem_alloc : memref<!tpu.dma_semaphore, #tpu.memory_space<semaphore_mem>>
          %dma_start3A = arith.constant 0 : i32
          %dma_start3A_32 = tpu.memref_slice %arg8[%mul3A_12, %dma_start3A] : memref<50000x32xf32, #tpu.memory_space<hbm>> -> memref<3136x32xf32, #tpu.memory_space<hbm>>
          %dma_start3A_33 = arith.constant 0 : i32
          %dma_start3A_34 = tpu.memref_slice %arg9[%mul3A_12, %dma_start3A_33] : memref<50432x32xf32, #tpu.memory_space<vmem_shared>> -> memref<3136x32xf32, #tpu.memory_space<vmem_shared>>
          tpu.enqueue_dma source(%dma_start3A_34 : memref<3136x32xf32, #tpu.memory_space<vmem_shared>>) target(%dma_start3A_32 : memref<3136x32xf32, #tpu.memory_space<hbm>>) target_semaphore(%run_scoped3A : memref<!tpu.dma_semaphore, #tpu.memory_space<semaphore_mem>>)
          %dma_wait3A = arith.constant 0 : i32
          %dma_wait3A_35 = tpu.memref_slice %arg8[%mul3A_12, %dma_wait3A] : memref<50000x32xf32, #tpu.memory_space<hbm>> -> memref<3136x32xf32, #tpu.memory_space<hbm>>
          %dma_wait3A_36 = arith.constant 0 : i32
          %dma_wait3A_37 = tpu.memref_slice %arg9[%mul3A_12, %dma_wait3A_36] : memref<50432x32xf32, #tpu.memory_space<vmem_shared>> -> memref<3136x32xf32, #tpu.memory_space<vmem_shared>>
          tpu.wait_dma2 semaphore(%run_scoped3A : memref<!tpu.dma_semaphore, #tpu.memory_space<semaphore_mem>>) src(%dma_wait3A_37 : memref<3136x32xf32, #tpu.memory_space<vmem_shared>>) dst(%dma_wait3A_35 : memref<3136x32xf32, #tpu.memory_space<hbm>>)
          tpu.yield
        }) : () -> ()
      } else {
      }
      %eq3A_27 = arith.constant 15 : i32
      %eq3A_28 = arith.cmpi eq, %arg1, %eq3A_27 : i32
      %convert_element_type3A_29 = arith.extui %eq3A_28 : i1 to i32
      %cond3A_30 = arith.constant 0 : i32
      %cond3A_31 = arith.cmpi ne, %convert_element_type3A_29, %cond3A_30 : i32
      scf.if %cond3A_31 {
        "tpu.region"() ({
          %run_scoped3A = tpu.sem_alloc : memref<!tpu.dma_semaphore, #tpu.memory_space<semaphore_mem>>
          %dma_start3A = arith.constant 47040 : i32
          %dma_start3A_32 = arith.constant 0 : i32
          %dma_start3A_33 = tpu.memref_slice %arg8[%dma_start3A, %dma_start3A_32] : memref<50000x32xf32, #tpu.memory_space<hbm>> -> memref<2960x32xf32, #tpu.memory_space<hbm>>
          %dma_start3A_34 = arith.constant 47040 : i32
          %dma_start3A_35 = arith.constant 0 : i32
          %dma_start3A_36 = tpu.memref_slice %arg9[%dma_start3A_34, %dma_start3A_35] : memref<50432x32xf32, #tpu.memory_space<vmem_shared>> -> memref<2960x32xf32, #tpu.memory_space<vmem_shared>>
          tpu.enqueue_dma source(%dma_start3A_36 : memref<2960x32xf32, #tpu.memory_space<vmem_shared>>) target(%dma_start3A_33 : memref<2960x32xf32, #tpu.memory_space<hbm>>) target_semaphore(%run_scoped3A : memref<!tpu.dma_semaphore, #tpu.memory_space<semaphore_mem>>)
          %dma_wait3A = arith.constant 47040 : i32
          %dma_wait3A_37 = arith.constant 0 : i32
          %dma_wait3A_38 = tpu.memref_slice %arg8[%dma_wait3A, %dma_wait3A_37] : memref<50000x32xf32, #tpu.memory_space<hbm>> -> memref<2960x32xf32, #tpu.memory_space<hbm>>
          %dma_wait3A_39 = arith.constant 47040 : i32
          %dma_wait3A_40 = arith.constant 0 : i32
          %dma_wait3A_41 = tpu.memref_slice %arg9[%dma_wait3A_39, %dma_wait3A_40] : memref<50432x32xf32, #tpu.memory_space<vmem_shared>> -> memref<2960x32xf32, #tpu.memory_space<vmem_shared>>
          tpu.wait_dma2 semaphore(%run_scoped3A : memref<!tpu.dma_semaphore, #tpu.memory_space<semaphore_mem>>) src(%dma_wait3A_41 : memref<2960x32xf32, #tpu.memory_space<vmem_shared>>) dst(%dma_wait3A_38 : memref<2960x32xf32, #tpu.memory_space<hbm>>)
          tpu.yield
        }) : () -> ()
      } else {
      }
    } else {
    }
    return
  }
}

#map = affine_map<(d0, d1) -> (0, 0)>
module attributes {stable_mosaic.version = 14 : i64} {
  func.func @k(%arg0: i32, %arg1: i32, %arg2: memref<50000x16xf32, #tpu.memory_space<hbm>>, %arg3: memref<6400x128xi32, #tpu.memory_space<hbm>>, %arg4: memref<6400x128xi32, #tpu.memory_space<hbm>>, %arg5: memref<3152x16xf32, #tpu.memory_space<hbm>>, %arg6: memref<50000x16xf32, #tpu.memory_space<hbm>>, %arg7: memref<50000x16xf32, #tpu.memory_space<hbm>>, %arg8: memref<50432x16xf32, #tpu.memory_space<vmem_shared>>, %arg9: memref<40x128xi32, #tpu.memory_space<vmem>>, %arg10: memref<40x128xi32, #tpu.memory_space<vmem>>, %arg11: memref<8x128x16xf32, #tpu.memory_space<vmem>>, %arg12: memref<8x!tpu.dma_semaphore, #tpu.memory_space<semaphore_mem>>, %arg13: memref<8x!tpu.dma_semaphore, #tpu.memory_space<semaphore_mem>>) attributes {dimension_semantics = [#tpu.dimension_semantics<core_parallel>, #tpu.dimension_semantics<subcore_parallel>], iteration_bounds = array<i64: 2, 16>, scalar_prefetch = 0 : i64, scratch_operands = 6 : i64, tpu.core_type = #tpu.core_type<sc_vector_subcore>, window_params = [{transform_indices = #map}, {transform_indices = #map}, {transform_indices = #map}, {transform_indices = #map}, {transform_indices = #map}, {transform_indices = #map}]} {
    %mul3A = arith.constant 3152 : i32
    %mul3A_0 = arith.muli %arg1, %mul3A : i32
    "tpu.region"() ({
      %run_scoped3A = tpu.sem_alloc : memref<!tpu.dma_semaphore, #tpu.memory_space<semaphore_mem>>
      %dma_start3A = arith.constant 0 : i32
      %dma_start3A_19 = tpu.memref_slice %arg8[%mul3A_0, %dma_start3A] : memref<50432x16xf32, #tpu.memory_space<vmem_shared>> -> memref<3152x16xf32, #tpu.memory_space<vmem_shared>>
      tpu.enqueue_dma source(%arg5 : memref<3152x16xf32, #tpu.memory_space<hbm>>) target(%dma_start3A_19 : memref<3152x16xf32, #tpu.memory_space<vmem_shared>>) target_semaphore(%run_scoped3A : memref<!tpu.dma_semaphore, #tpu.memory_space<semaphore_mem>>)
      %dma_wait3A = arith.constant 0 : i32
      %dma_wait3A_20 = tpu.memref_slice %arg8[%mul3A_0, %dma_wait3A] : memref<50432x16xf32, #tpu.memory_space<vmem_shared>> -> memref<3152x16xf32, #tpu.memory_space<vmem_shared>>
      tpu.wait_dma2 semaphore(%run_scoped3A : memref<!tpu.dma_semaphore, #tpu.memory_space<semaphore_mem>>) src(%arg5 : memref<3152x16xf32, #tpu.memory_space<hbm>>) dst(%dma_wait3A_20 : memref<3152x16xf32, #tpu.memory_space<vmem_shared>>)
      tpu.yield
    }) : () -> ()
    %barrier3A = arith.constant 0 : index
    tpu.barrier barrier_id(%barrier3A)
    %mul3A_1 = arith.constant 16 : i32
    %mul3A_2 = arith.muli %arg0, %mul3A_1 : i32
    %add3A = arith.addi %mul3A_2, %arg1 : i32
    %mul3A_3 = arith.constant 200 : i32
    %mul3A_4 = arith.muli %add3A, %mul3A_3 : i32
    %scan3A = arith.constant 0 : i32
    %scan3A_5 = arith.constant 5 : i32
    %scan3A_6 = arith.addi %scan3A, %scan3A_5 : i32
    %scan3A_7 = arith.constant 1 : i32
    scf.for %scan3A_19 = %scan3A to %scan3A_6 step %scan3A_7  : i32 {
      %mul3A_20 = arith.constant 1 : i32
      %mul3A_21 = arith.muli %scan3A_19, %mul3A_20 : i32
      %add3A_22 = arith.constant 0 : i32
      %add3A_23 = arith.addi %add3A_22, %mul3A_21 : i32
      %mul3A_24 = arith.constant 40 : i32
      %mul3A_25 = arith.muli %add3A_23, %mul3A_24 : i32
      %add3A_26 = arith.addi %mul3A_4, %mul3A_25 : i32
      "tpu.region"() ({
        %run_scoped3A = tpu.sem_alloc : memref<!tpu.dma_semaphore, #tpu.memory_space<semaphore_mem>>
        %dma_start3A_210 = arith.constant 0 : i32
        %dma_start3A_211 = tpu.memref_slice %arg3[%add3A_26, %dma_start3A_210] : memref<6400x128xi32, #tpu.memory_space<hbm>> -> memref<40x128xi32, #tpu.memory_space<hbm>>
        %dma_start3A_212 = arith.constant 0 : i32
        %dma_start3A_213 = tpu.memref_slice %arg3[%add3A_26, %dma_start3A_212] : memref<6400x128xi32, #tpu.memory_space<hbm>> -> memref<40x128xi32, #tpu.memory_space<hbm>>
        tpu.enqueue_dma source(%dma_start3A_213 : memref<40x128xi32, #tpu.memory_space<hbm>>) target(%arg9 : memref<40x128xi32, #tpu.memory_space<vmem>>) target_semaphore(%run_scoped3A : memref<!tpu.dma_semaphore, #tpu.memory_space<semaphore_mem>>)
        %dma_wait3A_214 = arith.constant 0 : i32
        %dma_wait3A_215 = tpu.memref_slice %arg3[%add3A_26, %dma_wait3A_214] : memref<6400x128xi32, #tpu.memory_space<hbm>> -> memref<40x128xi32, #tpu.memory_space<hbm>>
        %dma_wait3A_216 = arith.constant 0 : i32
        %dma_wait3A_217 = tpu.memref_slice %arg3[%add3A_26, %dma_wait3A_216] : memref<6400x128xi32, #tpu.memory_space<hbm>> -> memref<40x128xi32, #tpu.memory_space<hbm>>
        tpu.wait_dma2 semaphore(%run_scoped3A : memref<!tpu.dma_semaphore, #tpu.memory_space<semaphore_mem>>) src(%dma_wait3A_217 : memref<40x128xi32, #tpu.memory_space<hbm>>) dst(%arg9 : memref<40x128xi32, #tpu.memory_space<vmem>>)
        tpu.yield
      }) : () -> ()
      "tpu.region"() ({
        %run_scoped3A = tpu.sem_alloc : memref<!tpu.dma_semaphore, #tpu.memory_space<semaphore_mem>>
        %dma_start3A_210 = arith.constant 0 : i32
        %dma_start3A_211 = tpu.memref_slice %arg4[%add3A_26, %dma_start3A_210] : memref<6400x128xi32, #tpu.memory_space<hbm>> -> memref<40x128xi32, #tpu.memory_space<hbm>>
        %dma_start3A_212 = arith.constant 0 : i32
        %dma_start3A_213 = tpu.memref_slice %arg4[%add3A_26, %dma_start3A_212] : memref<6400x128xi32, #tpu.memory_space<hbm>> -> memref<40x128xi32, #tpu.memory_space<hbm>>
        tpu.enqueue_dma source(%dma_start3A_213 : memref<40x128xi32, #tpu.memory_space<hbm>>) target(%arg10 : memref<40x128xi32, #tpu.memory_space<vmem>>) target_semaphore(%run_scoped3A : memref<!tpu.dma_semaphore, #tpu.memory_space<semaphore_mem>>)
        %dma_wait3A_214 = arith.constant 0 : i32
        %dma_wait3A_215 = tpu.memref_slice %arg4[%add3A_26, %dma_wait3A_214] : memref<6400x128xi32, #tpu.memory_space<hbm>> -> memref<40x128xi32, #tpu.memory_space<hbm>>
        %dma_wait3A_216 = arith.constant 0 : i32
        %dma_wait3A_217 = tpu.memref_slice %arg4[%add3A_26, %dma_wait3A_216] : memref<6400x128xi32, #tpu.memory_space<hbm>> -> memref<40x128xi32, #tpu.memory_space<hbm>>
        tpu.wait_dma2 semaphore(%run_scoped3A : memref<!tpu.dma_semaphore, #tpu.memory_space<semaphore_mem>>) src(%dma_wait3A_217 : memref<40x128xi32, #tpu.memory_space<hbm>>) dst(%arg10 : memref<40x128xi32, #tpu.memory_space<vmem>>)
        tpu.yield
      }) : () -> ()
      %dma_start3A = arith.constant 0 : i32
      %dma_start3A_27 = arith.constant 0 : i32
      %dma_start3A_28 = arith.constant 0 : i32
      %dma_start3A_29 = arith.constant 0 : i32
      %dma_start3A_30 = arith.constant 0 : i32
      %dma_start3A_31 = tpu.memref_slice %arg11[%dma_start3A_27, %dma_start3A_29, %dma_start3A_30] : memref<8x128x16xf32, #tpu.memory_space<vmem>> -> memref<1x128x16xf32, #tpu.memory_space<vmem>>
      %dma_start3A_32 = tpu.memref_squeeze %dma_start3A_31 : memref<1x128x16xf32, #tpu.memory_space<vmem>> -> memref<128x16xf32, #tpu.memory_space<vmem>>
      %dma_start3A_33 = arith.constant 0 : i32
      %dma_start3A_34 = tpu.memref_slice %arg9[%dma_start3A, %dma_start3A_33] : memref<40x128xi32, #tpu.memory_space<vmem>> -> memref<1x128xi32, #tpu.memory_space<vmem>>
      %dma_start3A_35 = tpu.memref_squeeze %dma_start3A_34 : memref<1x128xi32, #tpu.memory_space<vmem>> -> memref<128xi32, #tpu.memory_space<vmem>>
      %dma_start3A_36 = arith.constant 0 : i32
      %dma_start3A_37 = arith.constant 0 : i32
      %dma_start3A_38 = tpu.memref_slice %arg2[%dma_start3A_36, %dma_start3A_37] : memref<50000x16xf32, #tpu.memory_space<hbm>> -> memref<50000x16xf32, #tpu.memory_space<hbm>>
      %dma_start3A_39 = tpu.memref_slice %arg12[%dma_start3A_28] : memref<8x!tpu.dma_semaphore, #tpu.memory_space<semaphore_mem>> -> memref<1x!tpu.dma_semaphore, #tpu.memory_space<semaphore_mem>>
      %dma_start3A_40 = tpu.memref_squeeze %dma_start3A_39 : memref<1x!tpu.dma_semaphore, #tpu.memory_space<semaphore_mem>> -> memref<!tpu.dma_semaphore, #tpu.memory_space<semaphore_mem>>
      tpu.enqueue_indirect_dma source(%dma_start3A_38 : memref<50000x16xf32, #tpu.memory_space<hbm>>) target(%dma_start3A_32 : memref<128x16xf32, #tpu.memory_space<vmem>>) offsets(%dma_start3A_35 : memref<128xi32, #tpu.memory_space<vmem>>) semaphore(%dma_start3A_40 : memref<!tpu.dma_semaphore, #tpu.memory_space<semaphore_mem>>)
      %dma_start3A_41 = arith.constant 1 : i32
      %dma_start3A_42 = arith.constant 1 : i32
      %dma_start3A_43 = arith.constant 1 : i32
      %dma_start3A_44 = arith.constant 0 : i32
      %dma_start3A_45 = arith.constant 0 : i32
      %dma_start3A_46 = tpu.memref_slice %arg11[%dma_start3A_42, %dma_start3A_44, %dma_start3A_45] : memref<8x128x16xf32, #tpu.memory_space<vmem>> -> memref<1x128x16xf32, #tpu.memory_space<vmem>>
      %dma_start3A_47 = tpu.memref_squeeze %dma_start3A_46 : memref<1x128x16xf32, #tpu.memory_space<vmem>> -> memref<128x16xf32, #tpu.memory_space<vmem>>
      %dma_start3A_48 = arith.constant 0 : i32
      %dma_start3A_49 = tpu.memref_slice %arg9[%dma_start3A_41, %dma_start3A_48] : memref<40x128xi32, #tpu.memory_space<vmem>> -> memref<1x128xi32, #tpu.memory_space<vmem>>
      %dma_start3A_50 = tpu.memref_squeeze %dma_start3A_49 : memref<1x128xi32, #tpu.memory_space<vmem>> -> memref<128xi32, #tpu.memory_space<vmem>>
      %dma_start3A_51 = arith.constant 0 : i32
      %dma_start3A_52 = arith.constant 0 : i32
      %dma_start3A_53 = tpu.memref_slice %arg2[%dma_start3A_51, %dma_start3A_52] : memref<50000x16xf32, #tpu.memory_space<hbm>> -> memref<50000x16xf32, #tpu.memory_space<hbm>>
      %dma_start3A_54 = tpu.memref_slice %arg12[%dma_start3A_43] : memref<8x!tpu.dma_semaphore, #tpu.memory_space<semaphore_mem>> -> memref<1x!tpu.dma_semaphore, #tpu.memory_space<semaphore_mem>>
      %dma_start3A_55 = tpu.memref_squeeze %dma_start3A_54 : memref<1x!tpu.dma_semaphore, #tpu.memory_space<semaphore_mem>> -> memref<!tpu.dma_semaphore, #tpu.memory_space<semaphore_mem>>
      tpu.enqueue_indirect_dma source(%dma_start3A_53 : memref<50000x16xf32, #tpu.memory_space<hbm>>) target(%dma_start3A_47 : memref<128x16xf32, #tpu.memory_space<vmem>>) offsets(%dma_start3A_50 : memref<128xi32, #tpu.memory_space<vmem>>) semaphore(%dma_start3A_55 : memref<!tpu.dma_semaphore, #tpu.memory_space<semaphore_mem>>)
      %dma_start3A_56 = arith.constant 2 : i32
      %dma_start3A_57 = arith.constant 2 : i32
      %dma_start3A_58 = arith.constant 2 : i32
      %dma_start3A_59 = arith.constant 0 : i32
      %dma_start3A_60 = arith.constant 0 : i32
      %dma_start3A_61 = tpu.memref_slice %arg11[%dma_start3A_57, %dma_start3A_59, %dma_start3A_60] : memref<8x128x16xf32, #tpu.memory_space<vmem>> -> memref<1x128x16xf32, #tpu.memory_space<vmem>>
      %dma_start3A_62 = tpu.memref_squeeze %dma_start3A_61 : memref<1x128x16xf32, #tpu.memory_space<vmem>> -> memref<128x16xf32, #tpu.memory_space<vmem>>
      %dma_start3A_63 = arith.constant 0 : i32
      %dma_start3A_64 = tpu.memref_slice %arg9[%dma_start3A_56, %dma_start3A_63] : memref<40x128xi32, #tpu.memory_space<vmem>> -> memref<1x128xi32, #tpu.memory_space<vmem>>
      %dma_start3A_65 = tpu.memref_squeeze %dma_start3A_64 : memref<1x128xi32, #tpu.memory_space<vmem>> -> memref<128xi32, #tpu.memory_space<vmem>>
      %dma_start3A_66 = arith.constant 0 : i32
      %dma_start3A_67 = arith.constant 0 : i32
      %dma_start3A_68 = tpu.memref_slice %arg2[%dma_start3A_66, %dma_start3A_67] : memref<50000x16xf32, #tpu.memory_space<hbm>> -> memref<50000x16xf32, #tpu.memory_space<hbm>>
      %dma_start3A_69 = tpu.memref_slice %arg12[%dma_start3A_58] : memref<8x!tpu.dma_semaphore, #tpu.memory_space<semaphore_mem>> -> memref<1x!tpu.dma_semaphore, #tpu.memory_space<semaphore_mem>>
      %dma_start3A_70 = tpu.memref_squeeze %dma_start3A_69 : memref<1x!tpu.dma_semaphore, #tpu.memory_space<semaphore_mem>> -> memref<!tpu.dma_semaphore, #tpu.memory_space<semaphore_mem>>
      tpu.enqueue_indirect_dma source(%dma_start3A_68 : memref<50000x16xf32, #tpu.memory_space<hbm>>) target(%dma_start3A_62 : memref<128x16xf32, #tpu.memory_space<vmem>>) offsets(%dma_start3A_65 : memref<128xi32, #tpu.memory_space<vmem>>) semaphore(%dma_start3A_70 : memref<!tpu.dma_semaphore, #tpu.memory_space<semaphore_mem>>)
      %dma_start3A_71 = arith.constant 3 : i32
      %dma_start3A_72 = arith.constant 3 : i32
      %dma_start3A_73 = arith.constant 3 : i32
      %dma_start3A_74 = arith.constant 0 : i32
      %dma_start3A_75 = arith.constant 0 : i32
      %dma_start3A_76 = tpu.memref_slice %arg11[%dma_start3A_72, %dma_start3A_74, %dma_start3A_75] : memref<8x128x16xf32, #tpu.memory_space<vmem>> -> memref<1x128x16xf32, #tpu.memory_space<vmem>>
      %dma_start3A_77 = tpu.memref_squeeze %dma_start3A_76 : memref<1x128x16xf32, #tpu.memory_space<vmem>> -> memref<128x16xf32, #tpu.memory_space<vmem>>
      %dma_start3A_78 = arith.constant 0 : i32
      %dma_start3A_79 = tpu.memref_slice %arg9[%dma_start3A_71, %dma_start3A_78] : memref<40x128xi32, #tpu.memory_space<vmem>> -> memref<1x128xi32, #tpu.memory_space<vmem>>
      %dma_start3A_80 = tpu.memref_squeeze %dma_start3A_79 : memref<1x128xi32, #tpu.memory_space<vmem>> -> memref<128xi32, #tpu.memory_space<vmem>>
      %dma_start3A_81 = arith.constant 0 : i32
      %dma_start3A_82 = arith.constant 0 : i32
      %dma_start3A_83 = tpu.memref_slice %arg2[%dma_start3A_81, %dma_start3A_82] : memref<50000x16xf32, #tpu.memory_space<hbm>> -> memref<50000x16xf32, #tpu.memory_space<hbm>>
      %dma_start3A_84 = tpu.memref_slice %arg12[%dma_start3A_73] : memref<8x!tpu.dma_semaphore, #tpu.memory_space<semaphore_mem>> -> memref<1x!tpu.dma_semaphore, #tpu.memory_space<semaphore_mem>>
      %dma_start3A_85 = tpu.memref_squeeze %dma_start3A_84 : memref<1x!tpu.dma_semaphore, #tpu.memory_space<semaphore_mem>> -> memref<!tpu.dma_semaphore, #tpu.memory_space<semaphore_mem>>
      tpu.enqueue_indirect_dma source(%dma_start3A_83 : memref<50000x16xf32, #tpu.memory_space<hbm>>) target(%dma_start3A_77 : memref<128x16xf32, #tpu.memory_space<vmem>>) offsets(%dma_start3A_80 : memref<128xi32, #tpu.memory_space<vmem>>) semaphore(%dma_start3A_85 : memref<!tpu.dma_semaphore, #tpu.memory_space<semaphore_mem>>)
      %scan3A_86 = arith.constant 0 : i32
      %scan3A_87 = arith.constant 40 : i32
      %scan3A_88 = arith.addi %scan3A_86, %scan3A_87 : i32
      %scan3A_89 = arith.constant 1 : i32
      scf.for %scan3A_210 = %scan3A_86 to %scan3A_88 step %scan3A_89  : i32 {
        %mul3A_211 = arith.constant 1 : i32
        %mul3A_212 = arith.muli %scan3A_210, %mul3A_211 : i32
        %add3A_213 = arith.constant 0 : i32
        %add3A_214 = arith.addi %add3A_213, %mul3A_212 : i32
        %rem3A = arith.constant 8 : i32
        %rem3A_215 = arith.remsi %add3A_214, %rem3A : i32
        %add3A_216 = arith.constant 4 : i32
        %add3A_217 = arith.addi %add3A_214, %add3A_216 : i32
        %lt3A = arith.constant 40 : i32
        %lt3A_218 = arith.cmpi slt, %add3A_217, %lt3A : i32
        %convert_element_type3A_219 = arith.extui %lt3A_218 : i1 to i32
        %cond3A_220 = arith.constant 0 : i32
        %cond3A_221 = arith.cmpi ne, %convert_element_type3A_219, %cond3A_220 : i32
        scf.if %cond3A_221 {
          %rem3A_248 = arith.constant 8 : i32
          %rem3A_249 = arith.remsi %add3A_217, %rem3A_248 : i32
          %ge3A = arith.constant 8 : i32
          %ge3A_250 = arith.cmpi sge, %add3A_217, %ge3A : i32
          %convert_element_type3A_251 = arith.extui %ge3A_250 : i1 to i32
          %cond3A_252 = arith.constant 0 : i32
          %cond3A_253 = arith.cmpi ne, %convert_element_type3A_251, %cond3A_252 : i32
          scf.if %cond3A_253 {
            %dma_wait3A_266 = arith.constant 0 : i32
            %dma_wait3A_267 = arith.constant 0 : i32
            %dma_wait3A_268 = arith.constant 0 : i32
            %dma_wait3A_269 = arith.constant 0 : i32
            %dma_wait3A_270 = tpu.memref_slice %arg11[%dma_wait3A_267, %dma_wait3A_268, %dma_wait3A_269] : memref<8x128x16xf32, #tpu.memory_space<vmem>> -> memref<1x128x16xf32, #tpu.memory_space<vmem>>
            %dma_wait3A_271 = tpu.memref_squeeze %dma_wait3A_270 : memref<1x128x16xf32, #tpu.memory_space<vmem>> -> memref<128x16xf32, #tpu.memory_space<vmem>>
            %dma_wait3A_272 = arith.constant 0 : i32
            %dma_wait3A_273 = tpu.memref_slice %arg9[%dma_wait3A_266, %dma_wait3A_272] : memref<40x128xi32, #tpu.memory_space<vmem>> -> memref<1x128xi32, #tpu.memory_space<vmem>>
            %dma_wait3A_274 = tpu.memref_squeeze %dma_wait3A_273 : memref<1x128xi32, #tpu.memory_space<vmem>> -> memref<128xi32, #tpu.memory_space<vmem>>
            %dma_wait3A_275 = arith.constant 0 : i32
            %dma_wait3A_276 = arith.constant 0 : i32
            %dma_wait3A_277 = tpu.memref_slice %arg2[%dma_wait3A_275, %dma_wait3A_276] : memref<50000x16xf32, #tpu.memory_space<hbm>> -> memref<50000x16xf32, #tpu.memory_space<hbm>>
            %dma_wait3A_278 = tpu.memref_slice %arg13[%rem3A_249] : memref<8x!tpu.dma_semaphore, #tpu.memory_space<semaphore_mem>> -> memref<1x!tpu.dma_semaphore, #tpu.memory_space<semaphore_mem>>
            %dma_wait3A_279 = tpu.memref_squeeze %dma_wait3A_278 : memref<1x!tpu.dma_semaphore, #tpu.memory_space<semaphore_mem>> -> memref<!tpu.dma_semaphore, #tpu.memory_space<semaphore_mem>>
            tpu.wait_indirect_dma semaphore(%dma_wait3A_279 : memref<!tpu.dma_semaphore, #tpu.memory_space<semaphore_mem>>) src(%dma_wait3A_277 : memref<50000x16xf32, #tpu.memory_space<hbm>>) dst(%dma_wait3A_271 : memref<128x16xf32, #tpu.memory_space<vmem>>)
          } else {
          }
          %dma_start3A_254 = arith.constant 0 : i32
          %dma_start3A_255 = arith.constant 0 : i32
          %dma_start3A_256 = tpu.memref_slice %arg11[%rem3A_249, %dma_start3A_254, %dma_start3A_255] : memref<8x128x16xf32, #tpu.memory_space<vmem>> -> memref<1x128x16xf32, #tpu.memory_space<vmem>>
          %dma_start3A_257 = tpu.memref_squeeze %dma_start3A_256 : memref<1x128x16xf32, #tpu.memory_space<vmem>> -> memref<128x16xf32, #tpu.memory_space<vmem>>
          %dma_start3A_258 = arith.constant 0 : i32
          %dma_start3A_259 = tpu.memref_slice %arg9[%add3A_217, %dma_start3A_258] : memref<40x128xi32, #tpu.memory_space<vmem>> -> memref<1x128xi32, #tpu.memory_space<vmem>>
          %dma_start3A_260 = tpu.memref_squeeze %dma_start3A_259 : memref<1x128xi32, #tpu.memory_space<vmem>> -> memref<128xi32, #tpu.memory_space<vmem>>
          %dma_start3A_261 = arith.constant 0 : i32
          %dma_start3A_262 = arith.constant 0 : i32
          %dma_start3A_263 = tpu.memref_slice %arg2[%dma_start3A_261, %dma_start3A_262] : memref<50000x16xf32, #tpu.memory_space<hbm>> -> memref<50000x16xf32, #tpu.memory_space<hbm>>
          %dma_start3A_264 = tpu.memref_slice %arg12[%rem3A_249] : memref<8x!tpu.dma_semaphore, #tpu.memory_space<semaphore_mem>> -> memref<1x!tpu.dma_semaphore, #tpu.memory_space<semaphore_mem>>
          %dma_start3A_265 = tpu.memref_squeeze %dma_start3A_264 : memref<1x!tpu.dma_semaphore, #tpu.memory_space<semaphore_mem>> -> memref<!tpu.dma_semaphore, #tpu.memory_space<semaphore_mem>>
          tpu.enqueue_indirect_dma source(%dma_start3A_263 : memref<50000x16xf32, #tpu.memory_space<hbm>>) target(%dma_start3A_257 : memref<128x16xf32, #tpu.memory_space<vmem>>) offsets(%dma_start3A_260 : memref<128xi32, #tpu.memory_space<vmem>>) semaphore(%dma_start3A_265 : memref<!tpu.dma_semaphore, #tpu.memory_space<semaphore_mem>>)
        } else {
        }
        %dma_wait3A_222 = arith.constant 0 : i32
        %dma_wait3A_223 = arith.constant 0 : i32
        %dma_wait3A_224 = arith.constant 0 : i32
        %dma_wait3A_225 = arith.constant 0 : i32
        %dma_wait3A_226 = tpu.memref_slice %arg11[%dma_wait3A_223, %dma_wait3A_224, %dma_wait3A_225] : memref<8x128x16xf32, #tpu.memory_space<vmem>> -> memref<1x128x16xf32, #tpu.memory_space<vmem>>
        %dma_wait3A_227 = tpu.memref_squeeze %dma_wait3A_226 : memref<1x128x16xf32, #tpu.memory_space<vmem>> -> memref<128x16xf32, #tpu.memory_space<vmem>>
        %dma_wait3A_228 = arith.constant 0 : i32
        %dma_wait3A_229 = tpu.memref_slice %arg9[%dma_wait3A_222, %dma_wait3A_228] : memref<40x128xi32, #tpu.memory_space<vmem>> -> memref<1x128xi32, #tpu.memory_space<vmem>>
        %dma_wait3A_230 = tpu.memref_squeeze %dma_wait3A_229 : memref<1x128xi32, #tpu.memory_space<vmem>> -> memref<128xi32, #tpu.memory_space<vmem>>
        %dma_wait3A_231 = arith.constant 0 : i32
        %dma_wait3A_232 = arith.constant 0 : i32
        %dma_wait3A_233 = tpu.memref_slice %arg2[%dma_wait3A_231, %dma_wait3A_232] : memref<50000x16xf32, #tpu.memory_space<hbm>> -> memref<50000x16xf32, #tpu.memory_space<hbm>>
        %dma_wait3A_234 = tpu.memref_slice %arg12[%rem3A_215] : memref<8x!tpu.dma_semaphore, #tpu.memory_space<semaphore_mem>> -> memref<1x!tpu.dma_semaphore, #tpu.memory_space<semaphore_mem>>
        %dma_wait3A_235 = tpu.memref_squeeze %dma_wait3A_234 : memref<1x!tpu.dma_semaphore, #tpu.memory_space<semaphore_mem>> -> memref<!tpu.dma_semaphore, #tpu.memory_space<semaphore_mem>>
        tpu.wait_indirect_dma semaphore(%dma_wait3A_235 : memref<!tpu.dma_semaphore, #tpu.memory_space<semaphore_mem>>) src(%dma_wait3A_233 : memref<50000x16xf32, #tpu.memory_space<hbm>>) dst(%dma_wait3A_227 : memref<128x16xf32, #tpu.memory_space<vmem>>)
        %dma_start3A_236 = arith.constant 0 : i32
        %dma_start3A_237 = arith.constant 0 : i32
        %dma_start3A_238 = tpu.memref_slice %arg11[%rem3A_215, %dma_start3A_236, %dma_start3A_237] : memref<8x128x16xf32, #tpu.memory_space<vmem>> -> memref<1x128x16xf32, #tpu.memory_space<vmem>>
        %dma_start3A_239 = tpu.memref_squeeze %dma_start3A_238 : memref<1x128x16xf32, #tpu.memory_space<vmem>> -> memref<128x16xf32, #tpu.memory_space<vmem>>
        %dma_start3A_240 = arith.constant 0 : i32
        %dma_start3A_241 = tpu.memref_slice %arg10[%add3A_214, %dma_start3A_240] : memref<40x128xi32, #tpu.memory_space<vmem>> -> memref<1x128xi32, #tpu.memory_space<vmem>>
        %dma_start3A_242 = tpu.memref_squeeze %dma_start3A_241 : memref<1x128xi32, #tpu.memory_space<vmem>> -> memref<128xi32, #tpu.memory_space<vmem>>
        %dma_start3A_243 = arith.constant 0 : i32
        %dma_start3A_244 = arith.constant 0 : i32
        %dma_start3A_245 = tpu.memref_slice %arg8[%dma_start3A_243, %dma_start3A_244] : memref<50432x16xf32, #tpu.memory_space<vmem_shared>> -> memref<50432x16xf32, #tpu.memory_space<vmem_shared>>
        %dma_start3A_246 = tpu.memref_slice %arg13[%rem3A_215] : memref<8x!tpu.dma_semaphore, #tpu.memory_space<semaphore_mem>> -> memref<1x!tpu.dma_semaphore, #tpu.memory_space<semaphore_mem>>
        %dma_start3A_247 = tpu.memref_squeeze %dma_start3A_246 : memref<1x!tpu.dma_semaphore, #tpu.memory_space<semaphore_mem>> -> memref<!tpu.dma_semaphore, #tpu.memory_space<semaphore_mem>>
        tpu.enqueue_indirect_dma source(%dma_start3A_239 : memref<128x16xf32, #tpu.memory_space<vmem>>) target(%dma_start3A_245 : memref<50432x16xf32, #tpu.memory_space<vmem_shared>>) offsets(%dma_start3A_242 : memref<128xi32, #tpu.memory_space<vmem>>) semaphore(%dma_start3A_247 : memref<!tpu.dma_semaphore, #tpu.memory_space<semaphore_mem>>) {add = true}
      }
      %scan3A_90 = arith.constant 40 : i32
      %dma_wait3A = arith.constant 0 : i32
      %dma_wait3A_91 = arith.constant 0 : i32
      %dma_wait3A_92 = arith.constant 0 : i32
      %dma_wait3A_93 = arith.constant 0 : i32
      %dma_wait3A_94 = arith.constant 0 : i32
      %dma_wait3A_95 = tpu.memref_slice %arg11[%dma_wait3A_91, %dma_wait3A_93, %dma_wait3A_94] : memref<8x128x16xf32, #tpu.memory_space<vmem>> -> memref<1x128x16xf32, #tpu.memory_space<vmem>>
      %dma_wait3A_96 = tpu.memref_squeeze %dma_wait3A_95 : memref<1x128x16xf32, #tpu.memory_space<vmem>> -> memref<128x16xf32, #tpu.memory_space<vmem>>
      %dma_wait3A_97 = arith.constant 0 : i32
      %dma_wait3A_98 = tpu.memref_slice %arg9[%dma_wait3A, %dma_wait3A_97] : memref<40x128xi32, #tpu.memory_space<vmem>> -> memref<1x128xi32, #tpu.memory_space<vmem>>
      %dma_wait3A_99 = tpu.memref_squeeze %dma_wait3A_98 : memref<1x128xi32, #tpu.memory_space<vmem>> -> memref<128xi32, #tpu.memory_space<vmem>>
      %dma_wait3A_100 = arith.constant 0 : i32
      %dma_wait3A_101 = arith.constant 0 : i32
      %dma_wait3A_102 = tpu.memref_slice %arg2[%dma_wait3A_100, %dma_wait3A_101] : memref<50000x16xf32, #tpu.memory_space<hbm>> -> memref<50000x16xf32, #tpu.memory_space<hbm>>
      %dma_wait3A_103 = tpu.memref_slice %arg13[%dma_wait3A_92] : memref<8x!tpu.dma_semaphore, #tpu.memory_space<semaphore_mem>> -> memref<1x!tpu.dma_semaphore, #tpu.memory_space<semaphore_mem>>
      %dma_wait3A_104 = tpu.memref_squeeze %dma_wait3A_103 : memref<1x!tpu.dma_semaphore, #tpu.memory_space<semaphore_mem>> -> memref<!tpu.dma_semaphore, #tpu.memory_space<semaphore_mem>>
      tpu.wait_indirect_dma semaphore(%dma_wait3A_104 : memref<!tpu.dma_semaphore, #tpu.memory_space<semaphore_mem>>) src(%dma_wait3A_102 : memref<50000x16xf32, #tpu.memory_space<hbm>>) dst(%dma_wait3A_96 : memref<128x16xf32, #tpu.memory_space<vmem>>)
      %dma_wait3A_105 = arith.constant 0 : i32
      %dma_wait3A_106 = arith.constant 0 : i32
      %dma_wait3A_107 = arith.constant 1 : i32
      %dma_wait3A_108 = arith.constant 0 : i32
      %dma_wait3A_109 = arith.constant 0 : i32
      %dma_wait3A_110 = tpu.memref_slice %arg11[%dma_wait3A_106, %dma_wait3A_108, %dma_wait3A_109] : memref<8x128x16xf32, #tpu.memory_space<vmem>> -> memref<1x128x16xf32, #tpu.memory_space<vmem>>
      %dma_wait3A_111 = tpu.memref_squeeze %dma_wait3A_110 : memref<1x128x16xf32, #tpu.memory_space<vmem>> -> memref<128x16xf32, #tpu.memory_space<vmem>>
      %dma_wait3A_112 = arith.constant 0 : i32
      %dma_wait3A_113 = tpu.memref_slice %arg9[%dma_wait3A_105, %dma_wait3A_112] : memref<40x128xi32, #tpu.memory_space<vmem>> -> memref<1x128xi32, #tpu.memory_space<vmem>>
      %dma_wait3A_114 = tpu.memref_squeeze %dma_wait3A_113 : memref<1x128xi32, #tpu.memory_space<vmem>> -> memref<128xi32, #tpu.memory_space<vmem>>
      %dma_wait3A_115 = arith.constant 0 : i32
      %dma_wait3A_116 = arith.constant 0 : i32
      %dma_wait3A_117 = tpu.memref_slice %arg2[%dma_wait3A_115, %dma_wait3A_116] : memref<50000x16xf32, #tpu.memory_space<hbm>> -> memref<50000x16xf32, #tpu.memory_space<hbm>>
      %dma_wait3A_118 = tpu.memref_slice %arg13[%dma_wait3A_107] : memref<8x!tpu.dma_semaphore, #tpu.memory_space<semaphore_mem>> -> memref<1x!tpu.dma_semaphore, #tpu.memory_space<semaphore_mem>>
      %dma_wait3A_119 = tpu.memref_squeeze %dma_wait3A_118 : memref<1x!tpu.dma_semaphore, #tpu.memory_space<semaphore_mem>> -> memref<!tpu.dma_semaphore, #tpu.memory_space<semaphore_mem>>
      tpu.wait_indirect_dma semaphore(%dma_wait3A_119 : memref<!tpu.dma_semaphore, #tpu.memory_space<semaphore_mem>>) src(%dma_wait3A_117 : memref<50000x16xf32, #tpu.memory_space<hbm>>) dst(%dma_wait3A_111 : memref<128x16xf32, #tpu.memory_space<vmem>>)
      %dma_wait3A_120 = arith.constant 0 : i32
      %dma_wait3A_121 = arith.constant 0 : i32
      %dma_wait3A_122 = arith.constant 2 : i32
      %dma_wait3A_123 = arith.constant 0 : i32
      %dma_wait3A_124 = arith.constant 0 : i32
      %dma_wait3A_125 = tpu.memref_slice %arg11[%dma_wait3A_121, %dma_wait3A_123, %dma_wait3A_124] : memref<8x128x16xf32, #tpu.memory_space<vmem>> -> memref<1x128x16xf32, #tpu.memory_space<vmem>>
      %dma_wait3A_126 = tpu.memref_squeeze %dma_wait3A_125 : memref<1x128x16xf32, #tpu.memory_space<vmem>> -> memref<128x16xf32, #tpu.memory_space<vmem>>
      %dma_wait3A_127 = arith.constant 0 : i32
      %dma_wait3A_128 = tpu.memref_slice %arg9[%dma_wait3A_120, %dma_wait3A_127] : memref<40x128xi32, #tpu.memory_space<vmem>> -> memref<1x128xi32, #tpu.memory_space<vmem>>
      %dma_wait3A_129 = tpu.memref_squeeze %dma_wait3A_128 : memref<1x128xi32, #tpu.memory_space<vmem>> -> memref<128xi32, #tpu.memory_space<vmem>>
      %dma_wait3A_130 = arith.constant 0 : i32
      %dma_wait3A_131 = arith.constant 0 : i32
      %dma_wait3A_132 = tpu.memref_slice %arg2[%dma_wait3A_130, %dma_wait3A_131] : memref<50000x16xf32, #tpu.memory_space<hbm>> -> memref<50000x16xf32, #tpu.memory_space<hbm>>
      %dma_wait3A_133 = tpu.memref_slice %arg13[%dma_wait3A_122] : memref<8x!tpu.dma_semaphore, #tpu.memory_space<semaphore_mem>> -> memref<1x!tpu.dma_semaphore, #tpu.memory_space<semaphore_mem>>
      %dma_wait3A_134 = tpu.memref_squeeze %dma_wait3A_133 : memref<1x!tpu.dma_semaphore, #tpu.memory_space<semaphore_mem>> -> memref<!tpu.dma_semaphore, #tpu.memory_space<semaphore_mem>>
      tpu.wait_indirect_dma semaphore(%dma_wait3A_134 : memref<!tpu.dma_semaphore, #tpu.memory_space<semaphore_mem>>) src(%dma_wait3A_132 : memref<50000x16xf32, #tpu.memory_space<hbm>>) dst(%dma_wait3A_126 : memref<128x16xf32, #tpu.memory_space<vmem>>)
      %dma_wait3A_135 = arith.constant 0 : i32
      %dma_wait3A_136 = arith.constant 0 : i32
      %dma_wait3A_137 = arith.constant 3 : i32
      %dma_wait3A_138 = arith.constant 0 : i32
      %dma_wait3A_139 = arith.constant 0 : i32
      %dma_wait3A_140 = tpu.memref_slice %arg11[%dma_wait3A_136, %dma_wait3A_138, %dma_wait3A_139] : memref<8x128x16xf32, #tpu.memory_space<vmem>> -> memref<1x128x16xf32, #tpu.memory_space<vmem>>
      %dma_wait3A_141 = tpu.memref_squeeze %dma_wait3A_140 : memref<1x128x16xf32, #tpu.memory_space<vmem>> -> memref<128x16xf32, #tpu.memory_space<vmem>>
      %dma_wait3A_142 = arith.constant 0 : i32
      %dma_wait3A_143 = tpu.memref_slice %arg9[%dma_wait3A_135, %dma_wait3A_142] : memref<40x128xi32, #tpu.memory_space<vmem>> -> memref<1x128xi32, #tpu.memory_space<vmem>>
      %dma_wait3A_144 = tpu.memref_squeeze %dma_wait3A_143 : memref<1x128xi32, #tpu.memory_space<vmem>> -> memref<128xi32, #tpu.memory_space<vmem>>
      %dma_wait3A_145 = arith.constant 0 : i32
      %dma_wait3A_146 = arith.constant 0 : i32
      %dma_wait3A_147 = tpu.memref_slice %arg2[%dma_wait3A_145, %dma_wait3A_146] : memref<50000x16xf32, #tpu.memory_space<hbm>> -> memref<50000x16xf32, #tpu.memory_space<hbm>>
      %dma_wait3A_148 = tpu.memref_slice %arg13[%dma_wait3A_137] : memref<8x!tpu.dma_semaphore, #tpu.memory_space<semaphore_mem>> -> memref<1x!tpu.dma_semaphore, #tpu.memory_space<semaphore_mem>>
      %dma_wait3A_149 = tpu.memref_squeeze %dma_wait3A_148 : memref<1x!tpu.dma_semaphore, #tpu.memory_space<semaphore_mem>> -> memref<!tpu.dma_semaphore, #tpu.memory_space<semaphore_mem>>
      tpu.wait_indirect_dma semaphore(%dma_wait3A_149 : memref<!tpu.dma_semaphore, #tpu.memory_space<semaphore_mem>>) src(%dma_wait3A_147 : memref<50000x16xf32, #tpu.memory_space<hbm>>) dst(%dma_wait3A_141 : memref<128x16xf32, #tpu.memory_space<vmem>>)
      %dma_wait3A_150 = arith.constant 0 : i32
      %dma_wait3A_151 = arith.constant 0 : i32
      %dma_wait3A_152 = arith.constant 4 : i32
      %dma_wait3A_153 = arith.constant 0 : i32
      %dma_wait3A_154 = arith.constant 0 : i32
      %dma_wait3A_155 = tpu.memref_slice %arg11[%dma_wait3A_151, %dma_wait3A_153, %dma_wait3A_154] : memref<8x128x16xf32, #tpu.memory_space<vmem>> -> memref<1x128x16xf32, #tpu.memory_space<vmem>>
      %dma_wait3A_156 = tpu.memref_squeeze %dma_wait3A_155 : memref<1x128x16xf32, #tpu.memory_space<vmem>> -> memref<128x16xf32, #tpu.memory_space<vmem>>
      %dma_wait3A_157 = arith.constant 0 : i32
      %dma_wait3A_158 = tpu.memref_slice %arg9[%dma_wait3A_150, %dma_wait3A_157] : memref<40x128xi32, #tpu.memory_space<vmem>> -> memref<1x128xi32, #tpu.memory_space<vmem>>
      %dma_wait3A_159 = tpu.memref_squeeze %dma_wait3A_158 : memref<1x128xi32, #tpu.memory_space<vmem>> -> memref<128xi32, #tpu.memory_space<vmem>>
      %dma_wait3A_160 = arith.constant 0 : i32
      %dma_wait3A_161 = arith.constant 0 : i32
      %dma_wait3A_162 = tpu.memref_slice %arg2[%dma_wait3A_160, %dma_wait3A_161] : memref<50000x16xf32, #tpu.memory_space<hbm>> -> memref<50000x16xf32, #tpu.memory_space<hbm>>
      %dma_wait3A_163 = tpu.memref_slice %arg13[%dma_wait3A_152] : memref<8x!tpu.dma_semaphore, #tpu.memory_space<semaphore_mem>> -> memref<1x!tpu.dma_semaphore, #tpu.memory_space<semaphore_mem>>
      %dma_wait3A_164 = tpu.memref_squeeze %dma_wait3A_163 : memref<1x!tpu.dma_semaphore, #tpu.memory_space<semaphore_mem>> -> memref<!tpu.dma_semaphore, #tpu.memory_space<semaphore_mem>>
      tpu.wait_indirect_dma semaphore(%dma_wait3A_164 : memref<!tpu.dma_semaphore, #tpu.memory_space<semaphore_mem>>) src(%dma_wait3A_162 : memref<50000x16xf32, #tpu.memory_space<hbm>>) dst(%dma_wait3A_156 : memref<128x16xf32, #tpu.memory_space<vmem>>)
      %dma_wait3A_165 = arith.constant 0 : i32
      %dma_wait3A_166 = arith.constant 0 : i32
      %dma_wait3A_167 = arith.constant 5 : i32
      %dma_wait3A_168 = arith.constant 0 : i32
      %dma_wait3A_169 = arith.constant 0 : i32
      %dma_wait3A_170 = tpu.memref_slice %arg11[%dma_wait3A_166, %dma_wait3A_168, %dma_wait3A_169] : memref<8x128x16xf32, #tpu.memory_space<vmem>> -> memref<1x128x16xf32, #tpu.memory_space<vmem>>
      %dma_wait3A_171 = tpu.memref_squeeze %dma_wait3A_170 : memref<1x128x16xf32, #tpu.memory_space<vmem>> -> memref<128x16xf32, #tpu.memory_space<vmem>>
      %dma_wait3A_172 = arith.constant 0 : i32
      %dma_wait3A_173 = tpu.memref_slice %arg9[%dma_wait3A_165, %dma_wait3A_172] : memref<40x128xi32, #tpu.memory_space<vmem>> -> memref<1x128xi32, #tpu.memory_space<vmem>>
      %dma_wait3A_174 = tpu.memref_squeeze %dma_wait3A_173 : memref<1x128xi32, #tpu.memory_space<vmem>> -> memref<128xi32, #tpu.memory_space<vmem>>
      %dma_wait3A_175 = arith.constant 0 : i32
      %dma_wait3A_176 = arith.constant 0 : i32
      %dma_wait3A_177 = tpu.memref_slice %arg2[%dma_wait3A_175, %dma_wait3A_176] : memref<50000x16xf32, #tpu.memory_space<hbm>> -> memref<50000x16xf32, #tpu.memory_space<hbm>>
      %dma_wait3A_178 = tpu.memref_slice %arg13[%dma_wait3A_167] : memref<8x!tpu.dma_semaphore, #tpu.memory_space<semaphore_mem>> -> memref<1x!tpu.dma_semaphore, #tpu.memory_space<semaphore_mem>>
      %dma_wait3A_179 = tpu.memref_squeeze %dma_wait3A_178 : memref<1x!tpu.dma_semaphore, #tpu.memory_space<semaphore_mem>> -> memref<!tpu.dma_semaphore, #tpu.memory_space<semaphore_mem>>
      tpu.wait_indirect_dma semaphore(%dma_wait3A_179 : memref<!tpu.dma_semaphore, #tpu.memory_space<semaphore_mem>>) src(%dma_wait3A_177 : memref<50000x16xf32, #tpu.memory_space<hbm>>) dst(%dma_wait3A_171 : memref<128x16xf32, #tpu.memory_space<vmem>>)
      %dma_wait3A_180 = arith.constant 0 : i32
      %dma_wait3A_181 = arith.constant 0 : i32
      %dma_wait3A_182 = arith.constant 6 : i32
      %dma_wait3A_183 = arith.constant 0 : i32
      %dma_wait3A_184 = arith.constant 0 : i32
      %dma_wait3A_185 = tpu.memref_slice %arg11[%dma_wait3A_181, %dma_wait3A_183, %dma_wait3A_184] : memref<8x128x16xf32, #tpu.memory_space<vmem>> -> memref<1x128x16xf32, #tpu.memory_space<vmem>>
      %dma_wait3A_186 = tpu.memref_squeeze %dma_wait3A_185 : memref<1x128x16xf32, #tpu.memory_space<vmem>> -> memref<128x16xf32, #tpu.memory_space<vmem>>
      %dma_wait3A_187 = arith.constant 0 : i32
      %dma_wait3A_188 = tpu.memref_slice %arg9[%dma_wait3A_180, %dma_wait3A_187] : memref<40x128xi32, #tpu.memory_space<vmem>> -> memref<1x128xi32, #tpu.memory_space<vmem>>
      %dma_wait3A_189 = tpu.memref_squeeze %dma_wait3A_188 : memref<1x128xi32, #tpu.memory_space<vmem>> -> memref<128xi32, #tpu.memory_space<vmem>>
      %dma_wait3A_190 = arith.constant 0 : i32
      %dma_wait3A_191 = arith.constant 0 : i32
      %dma_wait3A_192 = tpu.memref_slice %arg2[%dma_wait3A_190, %dma_wait3A_191] : memref<50000x16xf32, #tpu.memory_space<hbm>> -> memref<50000x16xf32, #tpu.memory_space<hbm>>
      %dma_wait3A_193 = tpu.memref_slice %arg13[%dma_wait3A_182] : memref<8x!tpu.dma_semaphore, #tpu.memory_space<semaphore_mem>> -> memref<1x!tpu.dma_semaphore, #tpu.memory_space<semaphore_mem>>
      %dma_wait3A_194 = tpu.memref_squeeze %dma_wait3A_193 : memref<1x!tpu.dma_semaphore, #tpu.memory_space<semaphore_mem>> -> memref<!tpu.dma_semaphore, #tpu.memory_space<semaphore_mem>>
      tpu.wait_indirect_dma semaphore(%dma_wait3A_194 : memref<!tpu.dma_semaphore, #tpu.memory_space<semaphore_mem>>) src(%dma_wait3A_192 : memref<50000x16xf32, #tpu.memory_space<hbm>>) dst(%dma_wait3A_186 : memref<128x16xf32, #tpu.memory_space<vmem>>)
      %dma_wait3A_195 = arith.constant 0 : i32
      %dma_wait3A_196 = arith.constant 0 : i32
      %dma_wait3A_197 = arith.constant 7 : i32
      %dma_wait3A_198 = arith.constant 0 : i32
      %dma_wait3A_199 = arith.constant 0 : i32
      %dma_wait3A_200 = tpu.memref_slice %arg11[%dma_wait3A_196, %dma_wait3A_198, %dma_wait3A_199] : memref<8x128x16xf32, #tpu.memory_space<vmem>> -> memref<1x128x16xf32, #tpu.memory_space<vmem>>
      %dma_wait3A_201 = tpu.memref_squeeze %dma_wait3A_200 : memref<1x128x16xf32, #tpu.memory_space<vmem>> -> memref<128x16xf32, #tpu.memory_space<vmem>>
      %dma_wait3A_202 = arith.constant 0 : i32
      %dma_wait3A_203 = tpu.memref_slice %arg9[%dma_wait3A_195, %dma_wait3A_202] : memref<40x128xi32, #tpu.memory_space<vmem>> -> memref<1x128xi32, #tpu.memory_space<vmem>>
      %dma_wait3A_204 = tpu.memref_squeeze %dma_wait3A_203 : memref<1x128xi32, #tpu.memory_space<vmem>> -> memref<128xi32, #tpu.memory_space<vmem>>
      %dma_wait3A_205 = arith.constant 0 : i32
      %dma_wait3A_206 = arith.constant 0 : i32
      %dma_wait3A_207 = tpu.memref_slice %arg2[%dma_wait3A_205, %dma_wait3A_206] : memref<50000x16xf32, #tpu.memory_space<hbm>> -> memref<50000x16xf32, #tpu.memory_space<hbm>>
      %dma_wait3A_208 = tpu.memref_slice %arg13[%dma_wait3A_197] : memref<8x!tpu.dma_semaphore, #tpu.memory_space<semaphore_mem>> -> memref<1x!tpu.dma_semaphore, #tpu.memory_space<semaphore_mem>>
      %dma_wait3A_209 = tpu.memref_squeeze %dma_wait3A_208 : memref<1x!tpu.dma_semaphore, #tpu.memory_space<semaphore_mem>> -> memref<!tpu.dma_semaphore, #tpu.memory_space<semaphore_mem>>
      tpu.wait_indirect_dma semaphore(%dma_wait3A_209 : memref<!tpu.dma_semaphore, #tpu.memory_space<semaphore_mem>>) src(%dma_wait3A_207 : memref<50000x16xf32, #tpu.memory_space<hbm>>) dst(%dma_wait3A_201 : memref<128x16xf32, #tpu.memory_space<vmem>>)
    }
    %scan3A_8 = arith.constant 5 : i32
    %barrier3A_9 = arith.constant 0 : index
    tpu.barrier barrier_id(%barrier3A_9)
    %mul3A_10 = arith.constant 3136 : i32
    %mul3A_11 = arith.muli %arg1, %mul3A_10 : i32
    %eq3A = arith.constant 0 : i32
    %eq3A_12 = arith.cmpi eq, %arg0, %eq3A : i32
    %convert_element_type3A = arith.extui %eq3A_12 : i1 to i32
    %cond3A = arith.constant 0 : i32
    %cond3A_13 = arith.cmpi ne, %convert_element_type3A, %cond3A : i32
    scf.if %cond3A_13 {
      %lt3A = arith.constant 15 : i32
      %lt3A_19 = arith.cmpi slt, %arg1, %lt3A : i32
      %convert_element_type3A_20 = arith.extui %lt3A_19 : i1 to i32
      %cond3A_21 = arith.constant 0 : i32
      %cond3A_22 = arith.cmpi ne, %convert_element_type3A_20, %cond3A_21 : i32
      scf.if %cond3A_22 {
        "tpu.region"() ({
          %run_scoped3A = tpu.sem_alloc : memref<!tpu.dma_semaphore, #tpu.memory_space<semaphore_mem>>
          %dma_start3A = arith.constant 0 : i32
          %dma_start3A_28 = tpu.memref_slice %arg6[%mul3A_11, %dma_start3A] : memref<50000x16xf32, #tpu.memory_space<hbm>> -> memref<3136x16xf32, #tpu.memory_space<hbm>>
          %dma_start3A_29 = arith.constant 0 : i32
          %dma_start3A_30 = tpu.memref_slice %arg8[%mul3A_11, %dma_start3A_29] : memref<50432x16xf32, #tpu.memory_space<vmem_shared>> -> memref<3136x16xf32, #tpu.memory_space<vmem_shared>>
          tpu.enqueue_dma source(%dma_start3A_30 : memref<3136x16xf32, #tpu.memory_space<vmem_shared>>) target(%dma_start3A_28 : memref<3136x16xf32, #tpu.memory_space<hbm>>) target_semaphore(%run_scoped3A : memref<!tpu.dma_semaphore, #tpu.memory_space<semaphore_mem>>)
          %dma_wait3A = arith.constant 0 : i32
          %dma_wait3A_31 = tpu.memref_slice %arg6[%mul3A_11, %dma_wait3A] : memref<50000x16xf32, #tpu.memory_space<hbm>> -> memref<3136x16xf32, #tpu.memory_space<hbm>>
          %dma_wait3A_32 = arith.constant 0 : i32
          %dma_wait3A_33 = tpu.memref_slice %arg8[%mul3A_11, %dma_wait3A_32] : memref<50432x16xf32, #tpu.memory_space<vmem_shared>> -> memref<3136x16xf32, #tpu.memory_space<vmem_shared>>
          tpu.wait_dma2 semaphore(%run_scoped3A : memref<!tpu.dma_semaphore, #tpu.memory_space<semaphore_mem>>) src(%dma_wait3A_33 : memref<3136x16xf32, #tpu.memory_space<vmem_shared>>) dst(%dma_wait3A_31 : memref<3136x16xf32, #tpu.memory_space<hbm>>)
          tpu.yield
        }) : () -> ()
      } else {
      }
      %eq3A_23 = arith.constant 15 : i32
      %eq3A_24 = arith.cmpi eq, %arg1, %eq3A_23 : i32
      %convert_element_type3A_25 = arith.extui %eq3A_24 : i1 to i32
      %cond3A_26 = arith.constant 0 : i32
      %cond3A_27 = arith.cmpi ne, %convert_element_type3A_25, %cond3A_26 : i32
      scf.if %cond3A_27 {
        "tpu.region"() ({
          %run_scoped3A = tpu.sem_alloc : memref<!tpu.dma_semaphore, #tpu.memory_space<semaphore_mem>>
          %dma_start3A = arith.constant 47040 : i32
          %dma_start3A_28 = arith.constant 0 : i32
          %dma_start3A_29 = tpu.memref_slice %arg6[%dma_start3A, %dma_start3A_28] : memref<50000x16xf32, #tpu.memory_space<hbm>> -> memref<2960x16xf32, #tpu.memory_space<hbm>>
          %dma_start3A_30 = arith.constant 47040 : i32
          %dma_start3A_31 = arith.constant 0 : i32
          %dma_start3A_32 = tpu.memref_slice %arg8[%dma_start3A_30, %dma_start3A_31] : memref<50432x16xf32, #tpu.memory_space<vmem_shared>> -> memref<2960x16xf32, #tpu.memory_space<vmem_shared>>
          tpu.enqueue_dma source(%dma_start3A_32 : memref<2960x16xf32, #tpu.memory_space<vmem_shared>>) target(%dma_start3A_29 : memref<2960x16xf32, #tpu.memory_space<hbm>>) target_semaphore(%run_scoped3A : memref<!tpu.dma_semaphore, #tpu.memory_space<semaphore_mem>>)
          %dma_wait3A = arith.constant 47040 : i32
          %dma_wait3A_33 = arith.constant 0 : i32
          %dma_wait3A_34 = tpu.memref_slice %arg6[%dma_wait3A, %dma_wait3A_33] : memref<50000x16xf32, #tpu.memory_space<hbm>> -> memref<2960x16xf32, #tpu.memory_space<hbm>>
          %dma_wait3A_35 = arith.constant 47040 : i32
          %dma_wait3A_36 = arith.constant 0 : i32
          %dma_wait3A_37 = tpu.memref_slice %arg8[%dma_wait3A_35, %dma_wait3A_36] : memref<50432x16xf32, #tpu.memory_space<vmem_shared>> -> memref<2960x16xf32, #tpu.memory_space<vmem_shared>>
          tpu.wait_dma2 semaphore(%run_scoped3A : memref<!tpu.dma_semaphore, #tpu.memory_space<semaphore_mem>>) src(%dma_wait3A_37 : memref<2960x16xf32, #tpu.memory_space<vmem_shared>>) dst(%dma_wait3A_34 : memref<2960x16xf32, #tpu.memory_space<hbm>>)
          tpu.yield
        }) : () -> ()
      } else {
      }
    } else {
    }
    %eq3A_14 = arith.constant 1 : i32
    %eq3A_15 = arith.cmpi eq, %arg0, %eq3A_14 : i32
    %convert_element_type3A_16 = arith.extui %eq3A_15 : i1 to i32
    %cond3A_17 = arith.constant 0 : i32
    %cond3A_18 = arith.cmpi ne, %convert_element_type3A_16, %cond3A_17 : i32
    scf.if %cond3A_18 {
      %lt3A = arith.constant 15 : i32
      %lt3A_19 = arith.cmpi slt, %arg1, %lt3A : i32
      %convert_element_type3A_20 = arith.extui %lt3A_19 : i1 to i32
      %cond3A_21 = arith.constant 0 : i32
      %cond3A_22 = arith.cmpi ne, %convert_element_type3A_20, %cond3A_21 : i32
      scf.if %cond3A_22 {
        "tpu.region"() ({
          %run_scoped3A = tpu.sem_alloc : memref<!tpu.dma_semaphore, #tpu.memory_space<semaphore_mem>>
          %dma_start3A = arith.constant 0 : i32
          %dma_start3A_28 = tpu.memref_slice %arg7[%mul3A_11, %dma_start3A] : memref<50000x16xf32, #tpu.memory_space<hbm>> -> memref<3136x16xf32, #tpu.memory_space<hbm>>
          %dma_start3A_29 = arith.constant 0 : i32
          %dma_start3A_30 = tpu.memref_slice %arg8[%mul3A_11, %dma_start3A_29] : memref<50432x16xf32, #tpu.memory_space<vmem_shared>> -> memref<3136x16xf32, #tpu.memory_space<vmem_shared>>
          tpu.enqueue_dma source(%dma_start3A_30 : memref<3136x16xf32, #tpu.memory_space<vmem_shared>>) target(%dma_start3A_28 : memref<3136x16xf32, #tpu.memory_space<hbm>>) target_semaphore(%run_scoped3A : memref<!tpu.dma_semaphore, #tpu.memory_space<semaphore_mem>>)
          %dma_wait3A = arith.constant 0 : i32
          %dma_wait3A_31 = tpu.memref_slice %arg7[%mul3A_11, %dma_wait3A] : memref<50000x16xf32, #tpu.memory_space<hbm>> -> memref<3136x16xf32, #tpu.memory_space<hbm>>
          %dma_wait3A_32 = arith.constant 0 : i32
          %dma_wait3A_33 = tpu.memref_slice %arg8[%mul3A_11, %dma_wait3A_32] : memref<50432x16xf32, #tpu.memory_space<vmem_shared>> -> memref<3136x16xf32, #tpu.memory_space<vmem_shared>>
          tpu.wait_dma2 semaphore(%run_scoped3A : memref<!tpu.dma_semaphore, #tpu.memory_space<semaphore_mem>>) src(%dma_wait3A_33 : memref<3136x16xf32, #tpu.memory_space<vmem_shared>>) dst(%dma_wait3A_31 : memref<3136x16xf32, #tpu.memory_space<hbm>>)
          tpu.yield
        }) : () -> ()
      } else {
      }
      %eq3A_23 = arith.constant 15 : i32
      %eq3A_24 = arith.cmpi eq, %arg1, %eq3A_23 : i32
      %convert_element_type3A_25 = arith.extui %eq3A_24 : i1 to i32
      %cond3A_26 = arith.constant 0 : i32
      %cond3A_27 = arith.cmpi ne, %convert_element_type3A_25, %cond3A_26 : i32
      scf.if %cond3A_27 {
        "tpu.region"() ({
          %run_scoped3A = tpu.sem_alloc : memref<!tpu.dma_semaphore, #tpu.memory_space<semaphore_mem>>
          %dma_start3A = arith.constant 47040 : i32
          %dma_start3A_28 = arith.constant 0 : i32
          %dma_start3A_29 = tpu.memref_slice %arg7[%dma_start3A, %dma_start3A_28] : memref<50000x16xf32, #tpu.memory_space<hbm>> -> memref<2960x16xf32, #tpu.memory_space<hbm>>
          %dma_start3A_30 = arith.constant 47040 : i32
          %dma_start3A_31 = arith.constant 0 : i32
          %dma_start3A_32 = tpu.memref_slice %arg8[%dma_start3A_30, %dma_start3A_31] : memref<50432x16xf32, #tpu.memory_space<vmem_shared>> -> memref<2960x16xf32, #tpu.memory_space<vmem_shared>>
          tpu.enqueue_dma source(%dma_start3A_32 : memref<2960x16xf32, #tpu.memory_space<vmem_shared>>) target(%dma_start3A_29 : memref<2960x16xf32, #tpu.memory_space<hbm>>) target_semaphore(%run_scoped3A : memref<!tpu.dma_semaphore, #tpu.memory_space<semaphore_mem>>)
          %dma_wait3A = arith.constant 47040 : i32
          %dma_wait3A_33 = arith.constant 0 : i32
          %dma_wait3A_34 = tpu.memref_slice %arg7[%dma_wait3A, %dma_wait3A_33] : memref<50000x16xf32, #tpu.memory_space<hbm>> -> memref<2960x16xf32, #tpu.memory_space<hbm>>
          %dma_wait3A_35 = arith.constant 47040 : i32
          %dma_wait3A_36 = arith.constant 0 : i32
          %dma_wait3A_37 = tpu.memref_slice %arg8[%dma_wait3A_35, %dma_wait3A_36] : memref<50432x16xf32, #tpu.memory_space<vmem_shared>> -> memref<2960x16xf32, #tpu.memory_space<vmem_shared>>
          tpu.wait_dma2 semaphore(%run_scoped3A : memref<!tpu.dma_semaphore, #tpu.memory_space<semaphore_mem>>) src(%dma_wait3A_37 : memref<2960x16xf32, #tpu.memory_space<vmem_shared>>) dst(%dma_wait3A_34 : memref<2960x16xf32, #tpu.memory_space<hbm>>)
          tpu.yield
        }) : () -> ()
      } else {
      }
    } else {
    }
    return
  }
}

#map = affine_map<(d0, d1) -> (0, 0)>
#map1 = affine_map<(d0, d1) -> (0)>
module attributes {stable_mosaic.version = 14 : i64} {
  func.func @k(%arg0: i32, %arg1: i32, %arg2: memref<50000x16xf32, #tpu.memory_space<hbm>>, %arg3: memref<50000x16xf32, #tpu.memory_space<hbm>>, %arg4: memref<16xf32, #tpu.memory_space<hbm>>, %arg5: memref<50000xf32, #tpu.memory_space<hbm>>, %arg6: memref<1568x16xf32, #tpu.memory_space<vmem>>, %arg7: memref<1568x16xf32, #tpu.memory_space<vmem>>, %arg8: memref<1568xf32, #tpu.memory_space<vmem>>, %arg9: memref<16xf32, #tpu.memory_space<vmem>>) attributes {dimension_semantics = [#tpu.dimension_semantics<core_parallel>, #tpu.dimension_semantics<subcore_parallel>], iteration_bounds = array<i64: 2, 16>, scalar_prefetch = 0 : i64, scratch_operands = 4 : i64, tpu.core_type = #tpu.core_type<sc_vector_subcore>, window_params = [{transform_indices = #map}, {transform_indices = #map}, {transform_indices = #map1}, {transform_indices = #map1}]} {
    %mul3A = arith.constant 16 : i32
    %mul3A_0 = arith.muli %arg0, %mul3A : i32
    %add3A = arith.addi %mul3A_0, %arg1 : i32
    %mul3A_1 = arith.constant 1568 : i32
    %mul3A_2 = arith.muli %add3A, %mul3A_1 : i32
    "tpu.region"() ({
      %run_scoped3A = tpu.sem_alloc : memref<!tpu.dma_semaphore, #tpu.memory_space<semaphore_mem>>
      tpu.enqueue_dma source(%arg4 : memref<16xf32, #tpu.memory_space<hbm>>) target(%arg9 : memref<16xf32, #tpu.memory_space<vmem>>) target_semaphore(%run_scoped3A : memref<!tpu.dma_semaphore, #tpu.memory_space<semaphore_mem>>)
      tpu.wait_dma2 semaphore(%run_scoped3A : memref<!tpu.dma_semaphore, #tpu.memory_space<semaphore_mem>>) src(%arg4 : memref<16xf32, #tpu.memory_space<hbm>>) dst(%arg9 : memref<16xf32, #tpu.memory_space<vmem>>)
      tpu.yield
    }) : () -> ()
    %lt3A = arith.constant 31 : i32
    %lt3A_3 = arith.cmpi slt, %add3A, %lt3A : i32
    %convert_element_type3A = arith.extui %lt3A_3 : i1 to i32
    %cond3A = arith.constant 0 : i32
    %cond3A_4 = arith.cmpi ne, %convert_element_type3A, %cond3A : i32
    scf.if %cond3A_4 {
      "tpu.region"() ({
        %run_scoped3A = tpu.sem_alloc : memref<!tpu.dma_semaphore, #tpu.memory_space<semaphore_mem>>
        %dma_start3A = arith.constant 0 : i32
        %dma_start3A_15 = arith.constant 0 : i32
        %dma_start3A_16 = tpu.memref_slice %arg6[%dma_start3A, %dma_start3A_15] : memref<1568x16xf32, #tpu.memory_space<vmem>> -> memref<1568x16xf32, #tpu.memory_space<vmem>>
        %dma_start3A_17 = arith.constant 0 : i32
        %dma_start3A_18 = tpu.memref_slice %arg2[%mul3A_2, %dma_start3A_17] : memref<50000x16xf32, #tpu.memory_space<hbm>> -> memref<1568x16xf32, #tpu.memory_space<hbm>>
        %dma_start3A_19 = arith.constant 0 : i32
        %dma_start3A_20 = arith.constant 0 : i32
        %dma_start3A_21 = tpu.memref_slice %arg6[%dma_start3A_19, %dma_start3A_20] : memref<1568x16xf32, #tpu.memory_space<vmem>> -> memref<1568x16xf32, #tpu.memory_space<vmem>>
        %dma_start3A_22 = arith.constant 0 : i32
        %dma_start3A_23 = tpu.memref_slice %arg2[%mul3A_2, %dma_start3A_22] : memref<50000x16xf32, #tpu.memory_space<hbm>> -> memref<1568x16xf32, #tpu.memory_space<hbm>>
        tpu.enqueue_dma source(%dma_start3A_23 : memref<1568x16xf32, #tpu.memory_space<hbm>>) target(%dma_start3A_21 : memref<1568x16xf32, #tpu.memory_space<vmem>>) target_semaphore(%run_scoped3A : memref<!tpu.dma_semaphore, #tpu.memory_space<semaphore_mem>>)
        %dma_wait3A = arith.constant 0 : i32
        %dma_wait3A_24 = arith.constant 0 : i32
        %dma_wait3A_25 = tpu.memref_slice %arg6[%dma_wait3A, %dma_wait3A_24] : memref<1568x16xf32, #tpu.memory_space<vmem>> -> memref<1568x16xf32, #tpu.memory_space<vmem>>
        %dma_wait3A_26 = arith.constant 0 : i32
        %dma_wait3A_27 = tpu.memref_slice %arg2[%mul3A_2, %dma_wait3A_26] : memref<50000x16xf32, #tpu.memory_space<hbm>> -> memref<1568x16xf32, #tpu.memory_space<hbm>>
        %dma_wait3A_28 = arith.constant 0 : i32
        %dma_wait3A_29 = arith.constant 0 : i32
        %dma_wait3A_30 = tpu.memref_slice %arg6[%dma_wait3A_28, %dma_wait3A_29] : memref<1568x16xf32, #tpu.memory_space<vmem>> -> memref<1568x16xf32, #tpu.memory_space<vmem>>
        %dma_wait3A_31 = arith.constant 0 : i32
        %dma_wait3A_32 = tpu.memref_slice %arg2[%mul3A_2, %dma_wait3A_31] : memref<50000x16xf32, #tpu.memory_space<hbm>> -> memref<1568x16xf32, #tpu.memory_space<hbm>>
        tpu.wait_dma2 semaphore(%run_scoped3A : memref<!tpu.dma_semaphore, #tpu.memory_space<semaphore_mem>>) src(%dma_wait3A_32 : memref<1568x16xf32, #tpu.memory_space<hbm>>) dst(%dma_wait3A_30 : memref<1568x16xf32, #tpu.memory_space<vmem>>)
        tpu.yield
      }) : () -> ()
      "tpu.region"() ({
        %run_scoped3A = tpu.sem_alloc : memref<!tpu.dma_semaphore, #tpu.memory_space<semaphore_mem>>
        %dma_start3A = arith.constant 0 : i32
        %dma_start3A_15 = arith.constant 0 : i32
        %dma_start3A_16 = tpu.memref_slice %arg7[%dma_start3A, %dma_start3A_15] : memref<1568x16xf32, #tpu.memory_space<vmem>> -> memref<1568x16xf32, #tpu.memory_space<vmem>>
        %dma_start3A_17 = arith.constant 0 : i32
        %dma_start3A_18 = tpu.memref_slice %arg3[%mul3A_2, %dma_start3A_17] : memref<50000x16xf32, #tpu.memory_space<hbm>> -> memref<1568x16xf32, #tpu.memory_space<hbm>>
        %dma_start3A_19 = arith.constant 0 : i32
        %dma_start3A_20 = arith.constant 0 : i32
        %dma_start3A_21 = tpu.memref_slice %arg7[%dma_start3A_19, %dma_start3A_20] : memref<1568x16xf32, #tpu.memory_space<vmem>> -> memref<1568x16xf32, #tpu.memory_space<vmem>>
        %dma_start3A_22 = arith.constant 0 : i32
        %dma_start3A_23 = tpu.memref_slice %arg3[%mul3A_2, %dma_start3A_22] : memref<50000x16xf32, #tpu.memory_space<hbm>> -> memref<1568x16xf32, #tpu.memory_space<hbm>>
        tpu.enqueue_dma source(%dma_start3A_23 : memref<1568x16xf32, #tpu.memory_space<hbm>>) target(%dma_start3A_21 : memref<1568x16xf32, #tpu.memory_space<vmem>>) target_semaphore(%run_scoped3A : memref<!tpu.dma_semaphore, #tpu.memory_space<semaphore_mem>>)
        %dma_wait3A = arith.constant 0 : i32
        %dma_wait3A_24 = arith.constant 0 : i32
        %dma_wait3A_25 = tpu.memref_slice %arg7[%dma_wait3A, %dma_wait3A_24] : memref<1568x16xf32, #tpu.memory_space<vmem>> -> memref<1568x16xf32, #tpu.memory_space<vmem>>
        %dma_wait3A_26 = arith.constant 0 : i32
        %dma_wait3A_27 = tpu.memref_slice %arg3[%mul3A_2, %dma_wait3A_26] : memref<50000x16xf32, #tpu.memory_space<hbm>> -> memref<1568x16xf32, #tpu.memory_space<hbm>>
        %dma_wait3A_28 = arith.constant 0 : i32
        %dma_wait3A_29 = arith.constant 0 : i32
        %dma_wait3A_30 = tpu.memref_slice %arg7[%dma_wait3A_28, %dma_wait3A_29] : memref<1568x16xf32, #tpu.memory_space<vmem>> -> memref<1568x16xf32, #tpu.memory_space<vmem>>
        %dma_wait3A_31 = arith.constant 0 : i32
        %dma_wait3A_32 = tpu.memref_slice %arg3[%mul3A_2, %dma_wait3A_31] : memref<50000x16xf32, #tpu.memory_space<hbm>> -> memref<1568x16xf32, #tpu.memory_space<hbm>>
        tpu.wait_dma2 semaphore(%run_scoped3A : memref<!tpu.dma_semaphore, #tpu.memory_space<semaphore_mem>>) src(%dma_wait3A_32 : memref<1568x16xf32, #tpu.memory_space<hbm>>) dst(%dma_wait3A_30 : memref<1568x16xf32, #tpu.memory_space<vmem>>)
        tpu.yield
      }) : () -> ()
      %get3A = arith.constant 0 : index
      %get3A_9 = tpu.vector_load %arg9[%get3A] {strides = array<i32>} : memref<16xf32, #tpu.memory_space<vmem>>, vector<16xf32>,
      %broadcast_in_dim3A = arith.constant 0 : i32
      %broadcast_in_dim3A_10 = vector.broadcast %broadcast_in_dim3A : i32 to vector<16xi32>
      %scan3A = arith.constant 0 : i32
      %scan3A_11 = arith.constant 98 : i32
      %scan3A_12 = arith.addi %scan3A, %scan3A_11 : i32
      %scan3A_13 = arith.constant 1 : i32
      scf.for %scan3A_15 = %scan3A to %scan3A_12 step %scan3A_13  : i32 {
        %mul3A_16 = arith.constant 1 : i32
        %mul3A_17 = arith.muli %scan3A_15, %mul3A_16 : i32
        %add3A_18 = arith.constant 0 : i32
        %add3A_19 = arith.addi %add3A_18, %mul3A_17 : i32
        %iota3A = tpu.iota {dimensions = array<i32: 0>} : vector<16xi32>
        %mul3A_20 = arith.constant 16 : i32
        %mul3A_21 = arith.muli %add3A_19, %mul3A_20 : i32
        %add3A_22 = vector.broadcast %mul3A_21 : i32 to vector<16xi32>
        %add3A_23 = arith.addi %iota3A, %add3A_22 : vector<16xi32>
        %gather3A = tpu.vector_load_idx %arg6[%add3A_23, %broadcast_in_dim3A_10] : memref<1568x16xf32, #tpu.memory_space<vmem>>[vector<16xi32>, vector<16xi32>], vector<16xf32>,
        %gather3A_24 = tpu.vector_load_idx %arg7[%add3A_23, %broadcast_in_dim3A_10] : memref<1568x16xf32, #tpu.memory_space<vmem>>[vector<16xi32>, vector<16xi32>], vector<16xf32>,
        %add3A_25 = arith.addf %gather3A, %gather3A_24 : vector<16xf32>
        %add3A_26 = arith.addf %add3A_25, %get3A_9 : vector<16xf32>
        %mul3A_27 = arith.constant 16 : i32
        %mul3A_28 = arith.muli %add3A_19, %mul3A_27 : i32
        %swap3A = arith.index_cast %mul3A_28 : i32 to index
        %swap3A_29 = tpu.vector_load %arg8[%swap3A] {strides = array<i32>} : memref<1568xf32, #tpu.memory_space<vmem>>, vector<16xf32>,
        tpu.vector_store %arg8[%swap3A], %add3A_26 {strides = array<i32>} : memref<1568xf32, #tpu.memory_space<vmem>>, vector<16xf32>,
      }
      %scan3A_14 = arith.constant 98 : i32
      "tpu.region"() ({
        %run_scoped3A = tpu.sem_alloc : memref<!tpu.dma_semaphore, #tpu.memory_space<semaphore_mem>>
        %dma_start3A = arith.constant 0 : i32
        %dma_start3A_15 = tpu.memref_slice %arg8[%dma_start3A] : memref<1568xf32, #tpu.memory_space<vmem>> -> memref<1568xf32, #tpu.memory_space<vmem>>
        %dma_start3A_16 = tpu.memref_slice %arg5[%mul3A_2] : memref<50000xf32, #tpu.memory_space<hbm>> -> memref<1568xf32, #tpu.memory_space<hbm>>
        %dma_start3A_17 = tpu.memref_slice %arg5[%mul3A_2] : memref<50000xf32, #tpu.memory_space<hbm>> -> memref<1568xf32, #tpu.memory_space<hbm>>
        %dma_start3A_18 = arith.constant 0 : i32
        %dma_start3A_19 = tpu.memref_slice %arg8[%dma_start3A_18] : memref<1568xf32, #tpu.memory_space<vmem>> -> memref<1568xf32, #tpu.memory_space<vmem>>
        tpu.enqueue_dma source(%dma_start3A_19 : memref<1568xf32, #tpu.memory_space<vmem>>) target(%dma_start3A_17 : memref<1568xf32, #tpu.memory_space<hbm>>) target_semaphore(%run_scoped3A : memref<!tpu.dma_semaphore, #tpu.memory_space<semaphore_mem>>)
        %dma_wait3A = arith.constant 0 : i32
        %dma_wait3A_20 = tpu.memref_slice %arg8[%dma_wait3A] : memref<1568xf32, #tpu.memory_space<vmem>> -> memref<1568xf32, #tpu.memory_space<vmem>>
        %dma_wait3A_21 = tpu.memref_slice %arg5[%mul3A_2] : memref<50000xf32, #tpu.memory_space<hbm>> -> memref<1568xf32, #tpu.memory_space<hbm>>
        %dma_wait3A_22 = tpu.memref_slice %arg5[%mul3A_2] : memref<50000xf32, #tpu.memory_space<hbm>> -> memref<1568xf32, #tpu.memory_space<hbm>>
        %dma_wait3A_23 = arith.constant 0 : i32
        %dma_wait3A_24 = tpu.memref_slice %arg8[%dma_wait3A_23] : memref<1568xf32, #tpu.memory_space<vmem>> -> memref<1568xf32, #tpu.memory_space<vmem>>
        tpu.wait_dma2 semaphore(%run_scoped3A : memref<!tpu.dma_semaphore, #tpu.memory_space<semaphore_mem>>) src(%dma_wait3A_24 : memref<1568xf32, #tpu.memory_space<vmem>>) dst(%dma_wait3A_22 : memref<1568xf32, #tpu.memory_space<hbm>>)
        tpu.yield
      }) : () -> ()
    } else {
    }
    %eq3A = arith.constant 31 : i32
    %eq3A_5 = arith.cmpi eq, %add3A, %eq3A : i32
    %convert_element_type3A_6 = arith.extui %eq3A_5 : i1 to i32
    %cond3A_7 = arith.constant 0 : i32
    %cond3A_8 = arith.cmpi ne, %convert_element_type3A_6, %cond3A_7 : i32
    scf.if %cond3A_8 {
      "tpu.region"() ({
        %run_scoped3A = tpu.sem_alloc : memref<!tpu.dma_semaphore, #tpu.memory_space<semaphore_mem>>
        %dma_start3A = arith.constant 0 : i32
        %dma_start3A_15 = arith.constant 0 : i32
        %dma_start3A_16 = tpu.memref_slice %arg6[%dma_start3A, %dma_start3A_15] : memref<1568x16xf32, #tpu.memory_space<vmem>> -> memref<1392x16xf32, #tpu.memory_space<vmem>>
        %dma_start3A_17 = arith.constant 0 : i32
        %dma_start3A_18 = tpu.memref_slice %arg2[%mul3A_2, %dma_start3A_17] : memref<50000x16xf32, #tpu.memory_space<hbm>> -> memref<1392x16xf32, #tpu.memory_space<hbm>>
        %dma_start3A_19 = arith.constant 0 : i32
        %dma_start3A_20 = arith.constant 0 : i32
        %dma_start3A_21 = tpu.memref_slice %arg6[%dma_start3A_19, %dma_start3A_20] : memref<1568x16xf32, #tpu.memory_space<vmem>> -> memref<1392x16xf32, #tpu.memory_space<vmem>>
        %dma_start3A_22 = arith.constant 0 : i32
        %dma_start3A_23 = tpu.memref_slice %arg2[%mul3A_2, %dma_start3A_22] : memref<50000x16xf32, #tpu.memory_space<hbm>> -> memref<1392x16xf32, #tpu.memory_space<hbm>>
        tpu.enqueue_dma source(%dma_start3A_23 : memref<1392x16xf32, #tpu.memory_space<hbm>>) target(%dma_start3A_21 : memref<1392x16xf32, #tpu.memory_space<vmem>>) target_semaphore(%run_scoped3A : memref<!tpu.dma_semaphore, #tpu.memory_space<semaphore_mem>>)
        %dma_wait3A = arith.constant 0 : i32
        %dma_wait3A_24 = arith.constant 0 : i32
        %dma_wait3A_25 = tpu.memref_slice %arg6[%dma_wait3A, %dma_wait3A_24] : memref<1568x16xf32, #tpu.memory_space<vmem>> -> memref<1392x16xf32, #tpu.memory_space<vmem>>
        %dma_wait3A_26 = arith.constant 0 : i32
        %dma_wait3A_27 = tpu.memref_slice %arg2[%mul3A_2, %dma_wait3A_26] : memref<50000x16xf32, #tpu.memory_space<hbm>> -> memref<1392x16xf32, #tpu.memory_space<hbm>>
        %dma_wait3A_28 = arith.constant 0 : i32
        %dma_wait3A_29 = arith.constant 0 : i32
        %dma_wait3A_30 = tpu.memref_slice %arg6[%dma_wait3A_28, %dma_wait3A_29] : memref<1568x16xf32, #tpu.memory_space<vmem>> -> memref<1392x16xf32, #tpu.memory_space<vmem>>
        %dma_wait3A_31 = arith.constant 0 : i32
        %dma_wait3A_32 = tpu.memref_slice %arg2[%mul3A_2, %dma_wait3A_31] : memref<50000x16xf32, #tpu.memory_space<hbm>> -> memref<1392x16xf32, #tpu.memory_space<hbm>>
        tpu.wait_dma2 semaphore(%run_scoped3A : memref<!tpu.dma_semaphore, #tpu.memory_space<semaphore_mem>>) src(%dma_wait3A_32 : memref<1392x16xf32, #tpu.memory_space<hbm>>) dst(%dma_wait3A_30 : memref<1392x16xf32, #tpu.memory_space<vmem>>)
        tpu.yield
      }) : () -> ()
      "tpu.region"() ({
        %run_scoped3A = tpu.sem_alloc : memref<!tpu.dma_semaphore, #tpu.memory_space<semaphore_mem>>
        %dma_start3A = arith.constant 0 : i32
        %dma_start3A_15 = arith.constant 0 : i32
        %dma_start3A_16 = tpu.memref_slice %arg7[%dma_start3A, %dma_start3A_15] : memref<1568x16xf32, #tpu.memory_space<vmem>> -> memref<1392x16xf32, #tpu.memory_space<vmem>>
        %dma_start3A_17 = arith.constant 0 : i32
        %dma_start3A_18 = tpu.memref_slice %arg3[%mul3A_2, %dma_start3A_17] : memref<50000x16xf32, #tpu.memory_space<hbm>> -> memref<1392x16xf32, #tpu.memory_space<hbm>>
        %dma_start3A_19 = arith.constant 0 : i32
        %dma_start3A_20 = arith.constant 0 : i32
        %dma_start3A_21 = tpu.memref_slice %arg7[%dma_start3A_19, %dma_start3A_20] : memref<1568x16xf32, #tpu.memory_space<vmem>> -> memref<1392x16xf32, #tpu.memory_space<vmem>>
        %dma_start3A_22 = arith.constant 0 : i32
        %dma_start3A_23 = tpu.memref_slice %arg3[%mul3A_2, %dma_start3A_22] : memref<50000x16xf32, #tpu.memory_space<hbm>> -> memref<1392x16xf32, #tpu.memory_space<hbm>>
        tpu.enqueue_dma source(%dma_start3A_23 : memref<1392x16xf32, #tpu.memory_space<hbm>>) target(%dma_start3A_21 : memref<1392x16xf32, #tpu.memory_space<vmem>>) target_semaphore(%run_scoped3A : memref<!tpu.dma_semaphore, #tpu.memory_space<semaphore_mem>>)
        %dma_wait3A = arith.constant 0 : i32
        %dma_wait3A_24 = arith.constant 0 : i32
        %dma_wait3A_25 = tpu.memref_slice %arg7[%dma_wait3A, %dma_wait3A_24] : memref<1568x16xf32, #tpu.memory_space<vmem>> -> memref<1392x16xf32, #tpu.memory_space<vmem>>
        %dma_wait3A_26 = arith.constant 0 : i32
        %dma_wait3A_27 = tpu.memref_slice %arg3[%mul3A_2, %dma_wait3A_26] : memref<50000x16xf32, #tpu.memory_space<hbm>> -> memref<1392x16xf32, #tpu.memory_space<hbm>>
        %dma_wait3A_28 = arith.constant 0 : i32
        %dma_wait3A_29 = arith.constant 0 : i32
        %dma_wait3A_30 = tpu.memref_slice %arg7[%dma_wait3A_28, %dma_wait3A_29] : memref<1568x16xf32, #tpu.memory_space<vmem>> -> memref<1392x16xf32, #tpu.memory_space<vmem>>
        %dma_wait3A_31 = arith.constant 0 : i32
        %dma_wait3A_32 = tpu.memref_slice %arg3[%mul3A_2, %dma_wait3A_31] : memref<50000x16xf32, #tpu.memory_space<hbm>> -> memref<1392x16xf32, #tpu.memory_space<hbm>>
        tpu.wait_dma2 semaphore(%run_scoped3A : memref<!tpu.dma_semaphore, #tpu.memory_space<semaphore_mem>>) src(%dma_wait3A_32 : memref<1392x16xf32, #tpu.memory_space<hbm>>) dst(%dma_wait3A_30 : memref<1392x16xf32, #tpu.memory_space<vmem>>)
        tpu.yield
      }) : () -> ()
      %get3A = arith.constant 0 : index
      %get3A_9 = tpu.vector_load %arg9[%get3A] {strides = array<i32>} : memref<16xf32, #tpu.memory_space<vmem>>, vector<16xf32>,
      %broadcast_in_dim3A = arith.constant 0 : i32
      %broadcast_in_dim3A_10 = vector.broadcast %broadcast_in_dim3A : i32 to vector<16xi32>
      %scan3A = arith.constant 0 : i32
      %scan3A_11 = arith.constant 87 : i32
      %scan3A_12 = arith.addi %scan3A, %scan3A_11 : i32
      %scan3A_13 = arith.constant 1 : i32
      scf.for %scan3A_15 = %scan3A to %scan3A_12 step %scan3A_13  : i32 {
        %mul3A_16 = arith.constant 1 : i32
        %mul3A_17 = arith.muli %scan3A_15, %mul3A_16 : i32
        %add3A_18 = arith.constant 0 : i32
        %add3A_19 = arith.addi %add3A_18, %mul3A_17 : i32
        %iota3A = tpu.iota {dimensions = array<i32: 0>} : vector<16xi32>
        %mul3A_20 = arith.constant 16 : i32
        %mul3A_21 = arith.muli %add3A_19, %mul3A_20 : i32
        %add3A_22 = vector.broadcast %mul3A_21 : i32 to vector<16xi32>
        %add3A_23 = arith.addi %iota3A, %add3A_22 : vector<16xi32>
        %gather3A = tpu.vector_load_idx %arg6[%add3A_23, %broadcast_in_dim3A_10] : memref<1568x16xf32, #tpu.memory_space<vmem>>[vector<16xi32>, vector<16xi32>], vector<16xf32>,
        %gather3A_24 = tpu.vector_load_idx %arg7[%add3A_23, %broadcast_in_dim3A_10] : memref<1568x16xf32, #tpu.memory_space<vmem>>[vector<16xi32>, vector<16xi32>], vector<16xf32>,
        %add3A_25 = arith.addf %gather3A, %gather3A_24 : vector<16xf32>
        %add3A_26 = arith.addf %add3A_25, %get3A_9 : vector<16xf32>
        %mul3A_27 = arith.constant 16 : i32
        %mul3A_28 = arith.muli %add3A_19, %mul3A_27 : i32
        %swap3A = arith.index_cast %mul3A_28 : i32 to index
        %swap3A_29 = tpu.vector_load %arg8[%swap3A] {strides = array<i32>} : memref<1568xf32, #tpu.memory_space<vmem>>, vector<16xf32>,
        tpu.vector_store %arg8[%swap3A], %add3A_26 {strides = array<i32>} : memref<1568xf32, #tpu.memory_space<vmem>>, vector<16xf32>,
      }
      %scan3A_14 = arith.constant 87 : i32
      "tpu.region"() ({
        %run_scoped3A = tpu.sem_alloc : memref<!tpu.dma_semaphore, #tpu.memory_space<semaphore_mem>>
        %dma_start3A = arith.constant 0 : i32
        %dma_start3A_15 = tpu.memref_slice %arg8[%dma_start3A] : memref<1568xf32, #tpu.memory_space<vmem>> -> memref<1392xf32, #tpu.memory_space<vmem>>
        %dma_start3A_16 = tpu.memref_slice %arg5[%mul3A_2] : memref<50000xf32, #tpu.memory_space<hbm>> -> memref<1392xf32, #tpu.memory_space<hbm>>
        %dma_start3A_17 = tpu.memref_slice %arg5[%mul3A_2] : memref<50000xf32, #tpu.memory_space<hbm>> -> memref<1392xf32, #tpu.memory_space<hbm>>
        %dma_start3A_18 = arith.constant 0 : i32
        %dma_start3A_19 = tpu.memref_slice %arg8[%dma_start3A_18] : memref<1568xf32, #tpu.memory_space<vmem>> -> memref<1392xf32, #tpu.memory_space<vmem>>
        tpu.enqueue_dma source(%dma_start3A_19 : memref<1392xf32, #tpu.memory_space<vmem>>) target(%dma_start3A_17 : memref<1392xf32, #tpu.memory_space<hbm>>) target_semaphore(%run_scoped3A : memref<!tpu.dma_semaphore, #tpu.memory_space<semaphore_mem>>)
        %dma_wait3A = arith.constant 0 : i32
        %dma_wait3A_20 = tpu.memref_slice %arg8[%dma_wait3A] : memref<1568xf32, #tpu.memory_space<vmem>> -> memref<1392xf32, #tpu.memory_space<vmem>>
        %dma_wait3A_21 = tpu.memref_slice %arg5[%mul3A_2] : memref<50000xf32, #tpu.memory_space<hbm>> -> memref<1392xf32, #tpu.memory_space<hbm>>
        %dma_wait3A_22 = tpu.memref_slice %arg5[%mul3A_2] : memref<50000xf32, #tpu.memory_space<hbm>> -> memref<1392xf32, #tpu.memory_space<hbm>>
        %dma_wait3A_23 = arith.constant 0 : i32
        %dma_wait3A_24 = tpu.memref_slice %arg8[%dma_wait3A_23] : memref<1568xf32, #tpu.memory_space<vmem>> -> memref<1392xf32, #tpu.memory_space<vmem>>
        tpu.wait_dma2 semaphore(%run_scoped3A : memref<!tpu.dma_semaphore, #tpu.memory_space<semaphore_mem>>) src(%dma_wait3A_24 : memref<1392xf32, #tpu.memory_space<vmem>>) dst(%dma_wait3A_22 : memref<1392xf32, #tpu.memory_space<hbm>>)
        tpu.yield
      }) : () -> ()
    } else {
    }
    return
  }
}

#map = affine_map<(d0, d1) -> (0, 0)>
module attributes {stable_mosaic.version = 14 : i64} {
  func.func @k(%arg0: i32, %arg1: i32, %arg2: memref<50000x16xf32, #tpu.memory_space<hbm>>, %arg3: memref<6400x128xi32, #tpu.memory_space<hbm>>, %arg4: memref<6400x128xi32, #tpu.memory_space<hbm>>, %arg5: memref<3152x16xf32, #tpu.memory_space<hbm>>, %arg6: memref<50000x16xf32, #tpu.memory_space<hbm>>, %arg7: memref<50000x16xf32, #tpu.memory_space<hbm>>, %arg8: memref<50432x16xf32, #tpu.memory_space<vmem_shared>>, %arg9: memref<40x128xi32, #tpu.memory_space<vmem>>, %arg10: memref<40x128xi32, #tpu.memory_space<vmem>>, %arg11: memref<8x128x16xf32, #tpu.memory_space<vmem>>, %arg12: memref<8x!tpu.dma_semaphore, #tpu.memory_space<semaphore_mem>>, %arg13: memref<8x!tpu.dma_semaphore, #tpu.memory_space<semaphore_mem>>) attributes {dimension_semantics = [#tpu.dimension_semantics<core_parallel>, #tpu.dimension_semantics<subcore_parallel>], iteration_bounds = array<i64: 2, 16>, scalar_prefetch = 0 : i64, scratch_operands = 6 : i64, tpu.core_type = #tpu.core_type<sc_vector_subcore>, window_params = [{transform_indices = #map}, {transform_indices = #map}, {transform_indices = #map}, {transform_indices = #map}, {transform_indices = #map}, {transform_indices = #map}]} {
    %mul3A = arith.constant 3152 : i32
    %mul3A_0 = arith.muli %arg1, %mul3A : i32
    "tpu.region"() ({
      %run_scoped3A = tpu.sem_alloc : memref<!tpu.dma_semaphore, #tpu.memory_space<semaphore_mem>>
      %dma_start3A = arith.constant 0 : i32
      %dma_start3A_19 = tpu.memref_slice %arg8[%mul3A_0, %dma_start3A] : memref<50432x16xf32, #tpu.memory_space<vmem_shared>> -> memref<3152x16xf32, #tpu.memory_space<vmem_shared>>
      tpu.enqueue_dma source(%arg5 : memref<3152x16xf32, #tpu.memory_space<hbm>>) target(%dma_start3A_19 : memref<3152x16xf32, #tpu.memory_space<vmem_shared>>) target_semaphore(%run_scoped3A : memref<!tpu.dma_semaphore, #tpu.memory_space<semaphore_mem>>)
      %dma_wait3A = arith.constant 0 : i32
      %dma_wait3A_20 = tpu.memref_slice %arg8[%mul3A_0, %dma_wait3A] : memref<50432x16xf32, #tpu.memory_space<vmem_shared>> -> memref<3152x16xf32, #tpu.memory_space<vmem_shared>>
      tpu.wait_dma2 semaphore(%run_scoped3A : memref<!tpu.dma_semaphore, #tpu.memory_space<semaphore_mem>>) src(%arg5 : memref<3152x16xf32, #tpu.memory_space<hbm>>) dst(%dma_wait3A_20 : memref<3152x16xf32, #tpu.memory_space<vmem_shared>>)
      tpu.yield
    }) : () -> ()
    %barrier3A = arith.constant 0 : index
    tpu.barrier barrier_id(%barrier3A)
    %mul3A_1 = arith.constant 16 : i32
    %mul3A_2 = arith.muli %arg0, %mul3A_1 : i32
    %add3A = arith.addi %mul3A_2, %arg1 : i32
    %mul3A_3 = arith.constant 200 : i32
    %mul3A_4 = arith.muli %add3A, %mul3A_3 : i32
    %scan3A = arith.constant 0 : i32
    %scan3A_5 = arith.constant 5 : i32
    %scan3A_6 = arith.addi %scan3A, %scan3A_5 : i32
    %scan3A_7 = arith.constant 1 : i32
    scf.for %scan3A_19 = %scan3A to %scan3A_6 step %scan3A_7  : i32 {
      %mul3A_20 = arith.constant 1 : i32
      %mul3A_21 = arith.muli %scan3A_19, %mul3A_20 : i32
      %add3A_22 = arith.constant 0 : i32
      %add3A_23 = arith.addi %add3A_22, %mul3A_21 : i32
      %mul3A_24 = arith.constant 40 : i32
      %mul3A_25 = arith.muli %add3A_23, %mul3A_24 : i32
      %add3A_26 = arith.addi %mul3A_4, %mul3A_25 : i32
      "tpu.region"() ({
        %run_scoped3A = tpu.sem_alloc : memref<!tpu.dma_semaphore, #tpu.memory_space<semaphore_mem>>
        %dma_start3A_210 = arith.constant 0 : i32
        %dma_start3A_211 = tpu.memref_slice %arg3[%add3A_26, %dma_start3A_210] : memref<6400x128xi32, #tpu.memory_space<hbm>> -> memref<40x128xi32, #tpu.memory_space<hbm>>
        %dma_start3A_212 = arith.constant 0 : i32
        %dma_start3A_213 = tpu.memref_slice %arg3[%add3A_26, %dma_start3A_212] : memref<6400x128xi32, #tpu.memory_space<hbm>> -> memref<40x128xi32, #tpu.memory_space<hbm>>
        tpu.enqueue_dma source(%dma_start3A_213 : memref<40x128xi32, #tpu.memory_space<hbm>>) target(%arg9 : memref<40x128xi32, #tpu.memory_space<vmem>>) target_semaphore(%run_scoped3A : memref<!tpu.dma_semaphore, #tpu.memory_space<semaphore_mem>>)
        %dma_wait3A_214 = arith.constant 0 : i32
        %dma_wait3A_215 = tpu.memref_slice %arg3[%add3A_26, %dma_wait3A_214] : memref<6400x128xi32, #tpu.memory_space<hbm>> -> memref<40x128xi32, #tpu.memory_space<hbm>>
        %dma_wait3A_216 = arith.constant 0 : i32
        %dma_wait3A_217 = tpu.memref_slice %arg3[%add3A_26, %dma_wait3A_216] : memref<6400x128xi32, #tpu.memory_space<hbm>> -> memref<40x128xi32, #tpu.memory_space<hbm>>
        tpu.wait_dma2 semaphore(%run_scoped3A : memref<!tpu.dma_semaphore, #tpu.memory_space<semaphore_mem>>) src(%dma_wait3A_217 : memref<40x128xi32, #tpu.memory_space<hbm>>) dst(%arg9 : memref<40x128xi32, #tpu.memory_space<vmem>>)
        tpu.yield
      }) : () -> ()
      "tpu.region"() ({
        %run_scoped3A = tpu.sem_alloc : memref<!tpu.dma_semaphore, #tpu.memory_space<semaphore_mem>>
        %dma_start3A_210 = arith.constant 0 : i32
        %dma_start3A_211 = tpu.memref_slice %arg4[%add3A_26, %dma_start3A_210] : memref<6400x128xi32, #tpu.memory_space<hbm>> -> memref<40x128xi32, #tpu.memory_space<hbm>>
        %dma_start3A_212 = arith.constant 0 : i32
        %dma_start3A_213 = tpu.memref_slice %arg4[%add3A_26, %dma_start3A_212] : memref<6400x128xi32, #tpu.memory_space<hbm>> -> memref<40x128xi32, #tpu.memory_space<hbm>>
        tpu.enqueue_dma source(%dma_start3A_213 : memref<40x128xi32, #tpu.memory_space<hbm>>) target(%arg10 : memref<40x128xi32, #tpu.memory_space<vmem>>) target_semaphore(%run_scoped3A : memref<!tpu.dma_semaphore, #tpu.memory_space<semaphore_mem>>)
        %dma_wait3A_214 = arith.constant 0 : i32
        %dma_wait3A_215 = tpu.memref_slice %arg4[%add3A_26, %dma_wait3A_214] : memref<6400x128xi32, #tpu.memory_space<hbm>> -> memref<40x128xi32, #tpu.memory_space<hbm>>
        %dma_wait3A_216 = arith.constant 0 : i32
        %dma_wait3A_217 = tpu.memref_slice %arg4[%add3A_26, %dma_wait3A_216] : memref<6400x128xi32, #tpu.memory_space<hbm>> -> memref<40x128xi32, #tpu.memory_space<hbm>>
        tpu.wait_dma2 semaphore(%run_scoped3A : memref<!tpu.dma_semaphore, #tpu.memory_space<semaphore_mem>>) src(%dma_wait3A_217 : memref<40x128xi32, #tpu.memory_space<hbm>>) dst(%arg10 : memref<40x128xi32, #tpu.memory_space<vmem>>)
        tpu.yield
      }) : () -> ()
      %dma_start3A = arith.constant 0 : i32
      %dma_start3A_27 = arith.constant 0 : i32
      %dma_start3A_28 = arith.constant 0 : i32
      %dma_start3A_29 = arith.constant 0 : i32
      %dma_start3A_30 = arith.constant 0 : i32
      %dma_start3A_31 = tpu.memref_slice %arg11[%dma_start3A_27, %dma_start3A_29, %dma_start3A_30] : memref<8x128x16xf32, #tpu.memory_space<vmem>> -> memref<1x128x16xf32, #tpu.memory_space<vmem>>
      %dma_start3A_32 = tpu.memref_squeeze %dma_start3A_31 : memref<1x128x16xf32, #tpu.memory_space<vmem>> -> memref<128x16xf32, #tpu.memory_space<vmem>>
      %dma_start3A_33 = arith.constant 0 : i32
      %dma_start3A_34 = tpu.memref_slice %arg9[%dma_start3A, %dma_start3A_33] : memref<40x128xi32, #tpu.memory_space<vmem>> -> memref<1x128xi32, #tpu.memory_space<vmem>>
      %dma_start3A_35 = tpu.memref_squeeze %dma_start3A_34 : memref<1x128xi32, #tpu.memory_space<vmem>> -> memref<128xi32, #tpu.memory_space<vmem>>
      %dma_start3A_36 = arith.constant 0 : i32
      %dma_start3A_37 = arith.constant 0 : i32
      %dma_start3A_38 = tpu.memref_slice %arg2[%dma_start3A_36, %dma_start3A_37] : memref<50000x16xf32, #tpu.memory_space<hbm>> -> memref<50000x16xf32, #tpu.memory_space<hbm>>
      %dma_start3A_39 = tpu.memref_slice %arg12[%dma_start3A_28] : memref<8x!tpu.dma_semaphore, #tpu.memory_space<semaphore_mem>> -> memref<1x!tpu.dma_semaphore, #tpu.memory_space<semaphore_mem>>
      %dma_start3A_40 = tpu.memref_squeeze %dma_start3A_39 : memref<1x!tpu.dma_semaphore, #tpu.memory_space<semaphore_mem>> -> memref<!tpu.dma_semaphore, #tpu.memory_space<semaphore_mem>>
      tpu.enqueue_indirect_dma source(%dma_start3A_38 : memref<50000x16xf32, #tpu.memory_space<hbm>>) target(%dma_start3A_32 : memref<128x16xf32, #tpu.memory_space<vmem>>) offsets(%dma_start3A_35 : memref<128xi32, #tpu.memory_space<vmem>>) semaphore(%dma_start3A_40 : memref<!tpu.dma_semaphore, #tpu.memory_space<semaphore_mem>>)
      %dma_start3A_41 = arith.constant 1 : i32
      %dma_start3A_42 = arith.constant 1 : i32
      %dma_start3A_43 = arith.constant 1 : i32
      %dma_start3A_44 = arith.constant 0 : i32
      %dma_start3A_45 = arith.constant 0 : i32
      %dma_start3A_46 = tpu.memref_slice %arg11[%dma_start3A_42, %dma_start3A_44, %dma_start3A_45] : memref<8x128x16xf32, #tpu.memory_space<vmem>> -> memref<1x128x16xf32, #tpu.memory_space<vmem>>
      %dma_start3A_47 = tpu.memref_squeeze %dma_start3A_46 : memref<1x128x16xf32, #tpu.memory_space<vmem>> -> memref<128x16xf32, #tpu.memory_space<vmem>>
      %dma_start3A_48 = arith.constant 0 : i32
      %dma_start3A_49 = tpu.memref_slice %arg9[%dma_start3A_41, %dma_start3A_48] : memref<40x128xi32, #tpu.memory_space<vmem>> -> memref<1x128xi32, #tpu.memory_space<vmem>>
      %dma_start3A_50 = tpu.memref_squeeze %dma_start3A_49 : memref<1x128xi32, #tpu.memory_space<vmem>> -> memref<128xi32, #tpu.memory_space<vmem>>
      %dma_start3A_51 = arith.constant 0 : i32
      %dma_start3A_52 = arith.constant 0 : i32
      %dma_start3A_53 = tpu.memref_slice %arg2[%dma_start3A_51, %dma_start3A_52] : memref<50000x16xf32, #tpu.memory_space<hbm>> -> memref<50000x16xf32, #tpu.memory_space<hbm>>
      %dma_start3A_54 = tpu.memref_slice %arg12[%dma_start3A_43] : memref<8x!tpu.dma_semaphore, #tpu.memory_space<semaphore_mem>> -> memref<1x!tpu.dma_semaphore, #tpu.memory_space<semaphore_mem>>
      %dma_start3A_55 = tpu.memref_squeeze %dma_start3A_54 : memref<1x!tpu.dma_semaphore, #tpu.memory_space<semaphore_mem>> -> memref<!tpu.dma_semaphore, #tpu.memory_space<semaphore_mem>>
      tpu.enqueue_indirect_dma source(%dma_start3A_53 : memref<50000x16xf32, #tpu.memory_space<hbm>>) target(%dma_start3A_47 : memref<128x16xf32, #tpu.memory_space<vmem>>) offsets(%dma_start3A_50 : memref<128xi32, #tpu.memory_space<vmem>>) semaphore(%dma_start3A_55 : memref<!tpu.dma_semaphore, #tpu.memory_space<semaphore_mem>>)
      %dma_start3A_56 = arith.constant 2 : i32
      %dma_start3A_57 = arith.constant 2 : i32
      %dma_start3A_58 = arith.constant 2 : i32
      %dma_start3A_59 = arith.constant 0 : i32
      %dma_start3A_60 = arith.constant 0 : i32
      %dma_start3A_61 = tpu.memref_slice %arg11[%dma_start3A_57, %dma_start3A_59, %dma_start3A_60] : memref<8x128x16xf32, #tpu.memory_space<vmem>> -> memref<1x128x16xf32, #tpu.memory_space<vmem>>
      %dma_start3A_62 = tpu.memref_squeeze %dma_start3A_61 : memref<1x128x16xf32, #tpu.memory_space<vmem>> -> memref<128x16xf32, #tpu.memory_space<vmem>>
      %dma_start3A_63 = arith.constant 0 : i32
      %dma_start3A_64 = tpu.memref_slice %arg9[%dma_start3A_56, %dma_start3A_63] : memref<40x128xi32, #tpu.memory_space<vmem>> -> memref<1x128xi32, #tpu.memory_space<vmem>>
      %dma_start3A_65 = tpu.memref_squeeze %dma_start3A_64 : memref<1x128xi32, #tpu.memory_space<vmem>> -> memref<128xi32, #tpu.memory_space<vmem>>
      %dma_start3A_66 = arith.constant 0 : i32
      %dma_start3A_67 = arith.constant 0 : i32
      %dma_start3A_68 = tpu.memref_slice %arg2[%dma_start3A_66, %dma_start3A_67] : memref<50000x16xf32, #tpu.memory_space<hbm>> -> memref<50000x16xf32, #tpu.memory_space<hbm>>
      %dma_start3A_69 = tpu.memref_slice %arg12[%dma_start3A_58] : memref<8x!tpu.dma_semaphore, #tpu.memory_space<semaphore_mem>> -> memref<1x!tpu.dma_semaphore, #tpu.memory_space<semaphore_mem>>
      %dma_start3A_70 = tpu.memref_squeeze %dma_start3A_69 : memref<1x!tpu.dma_semaphore, #tpu.memory_space<semaphore_mem>> -> memref<!tpu.dma_semaphore, #tpu.memory_space<semaphore_mem>>
      tpu.enqueue_indirect_dma source(%dma_start3A_68 : memref<50000x16xf32, #tpu.memory_space<hbm>>) target(%dma_start3A_62 : memref<128x16xf32, #tpu.memory_space<vmem>>) offsets(%dma_start3A_65 : memref<128xi32, #tpu.memory_space<vmem>>) semaphore(%dma_start3A_70 : memref<!tpu.dma_semaphore, #tpu.memory_space<semaphore_mem>>)
      %dma_start3A_71 = arith.constant 3 : i32
      %dma_start3A_72 = arith.constant 3 : i32
      %dma_start3A_73 = arith.constant 3 : i32
      %dma_start3A_74 = arith.constant 0 : i32
      %dma_start3A_75 = arith.constant 0 : i32
      %dma_start3A_76 = tpu.memref_slice %arg11[%dma_start3A_72, %dma_start3A_74, %dma_start3A_75] : memref<8x128x16xf32, #tpu.memory_space<vmem>> -> memref<1x128x16xf32, #tpu.memory_space<vmem>>
      %dma_start3A_77 = tpu.memref_squeeze %dma_start3A_76 : memref<1x128x16xf32, #tpu.memory_space<vmem>> -> memref<128x16xf32, #tpu.memory_space<vmem>>
      %dma_start3A_78 = arith.constant 0 : i32
      %dma_start3A_79 = tpu.memref_slice %arg9[%dma_start3A_71, %dma_start3A_78] : memref<40x128xi32, #tpu.memory_space<vmem>> -> memref<1x128xi32, #tpu.memory_space<vmem>>
      %dma_start3A_80 = tpu.memref_squeeze %dma_start3A_79 : memref<1x128xi32, #tpu.memory_space<vmem>> -> memref<128xi32, #tpu.memory_space<vmem>>
      %dma_start3A_81 = arith.constant 0 : i32
      %dma_start3A_82 = arith.constant 0 : i32
      %dma_start3A_83 = tpu.memref_slice %arg2[%dma_start3A_81, %dma_start3A_82] : memref<50000x16xf32, #tpu.memory_space<hbm>> -> memref<50000x16xf32, #tpu.memory_space<hbm>>
      %dma_start3A_84 = tpu.memref_slice %arg12[%dma_start3A_73] : memref<8x!tpu.dma_semaphore, #tpu.memory_space<semaphore_mem>> -> memref<1x!tpu.dma_semaphore, #tpu.memory_space<semaphore_mem>>
      %dma_start3A_85 = tpu.memref_squeeze %dma_start3A_84 : memref<1x!tpu.dma_semaphore, #tpu.memory_space<semaphore_mem>> -> memref<!tpu.dma_semaphore, #tpu.memory_space<semaphore_mem>>
      tpu.enqueue_indirect_dma source(%dma_start3A_83 : memref<50000x16xf32, #tpu.memory_space<hbm>>) target(%dma_start3A_77 : memref<128x16xf32, #tpu.memory_space<vmem>>) offsets(%dma_start3A_80 : memref<128xi32, #tpu.memory_space<vmem>>) semaphore(%dma_start3A_85 : memref<!tpu.dma_semaphore, #tpu.memory_space<semaphore_mem>>)
      %scan3A_86 = arith.constant 0 : i32
      %scan3A_87 = arith.constant 40 : i32
      %scan3A_88 = arith.addi %scan3A_86, %scan3A_87 : i32
      %scan3A_89 = arith.constant 1 : i32
      scf.for %scan3A_210 = %scan3A_86 to %scan3A_88 step %scan3A_89  : i32 {
        %mul3A_211 = arith.constant 1 : i32
        %mul3A_212 = arith.muli %scan3A_210, %mul3A_211 : i32
        %add3A_213 = arith.constant 0 : i32
        %add3A_214 = arith.addi %add3A_213, %mul3A_212 : i32
        %rem3A = arith.constant 8 : i32
        %rem3A_215 = arith.remsi %add3A_214, %rem3A : i32
        %add3A_216 = arith.constant 4 : i32
        %add3A_217 = arith.addi %add3A_214, %add3A_216 : i32
        %lt3A = arith.constant 40 : i32
        %lt3A_218 = arith.cmpi slt, %add3A_217, %lt3A : i32
        %convert_element_type3A_219 = arith.extui %lt3A_218 : i1 to i32
        %cond3A_220 = arith.constant 0 : i32
        %cond3A_221 = arith.cmpi ne, %convert_element_type3A_219, %cond3A_220 : i32
        scf.if %cond3A_221 {
          %rem3A_248 = arith.constant 8 : i32
          %rem3A_249 = arith.remsi %add3A_217, %rem3A_248 : i32
          %ge3A = arith.constant 8 : i32
          %ge3A_250 = arith.cmpi sge, %add3A_217, %ge3A : i32
          %convert_element_type3A_251 = arith.extui %ge3A_250 : i1 to i32
          %cond3A_252 = arith.constant 0 : i32
          %cond3A_253 = arith.cmpi ne, %convert_element_type3A_251, %cond3A_252 : i32
          scf.if %cond3A_253 {
            %dma_wait3A_266 = arith.constant 0 : i32
            %dma_wait3A_267 = arith.constant 0 : i32
            %dma_wait3A_268 = arith.constant 0 : i32
            %dma_wait3A_269 = arith.constant 0 : i32
            %dma_wait3A_270 = tpu.memref_slice %arg11[%dma_wait3A_267, %dma_wait3A_268, %dma_wait3A_269] : memref<8x128x16xf32, #tpu.memory_space<vmem>> -> memref<1x128x16xf32, #tpu.memory_space<vmem>>
            %dma_wait3A_271 = tpu.memref_squeeze %dma_wait3A_270 : memref<1x128x16xf32, #tpu.memory_space<vmem>> -> memref<128x16xf32, #tpu.memory_space<vmem>>
            %dma_wait3A_272 = arith.constant 0 : i32
            %dma_wait3A_273 = tpu.memref_slice %arg9[%dma_wait3A_266, %dma_wait3A_272] : memref<40x128xi32, #tpu.memory_space<vmem>> -> memref<1x128xi32, #tpu.memory_space<vmem>>
            %dma_wait3A_274 = tpu.memref_squeeze %dma_wait3A_273 : memref<1x128xi32, #tpu.memory_space<vmem>> -> memref<128xi32, #tpu.memory_space<vmem>>
            %dma_wait3A_275 = arith.constant 0 : i32
            %dma_wait3A_276 = arith.constant 0 : i32
            %dma_wait3A_277 = tpu.memref_slice %arg2[%dma_wait3A_275, %dma_wait3A_276] : memref<50000x16xf32, #tpu.memory_space<hbm>> -> memref<50000x16xf32, #tpu.memory_space<hbm>>
            %dma_wait3A_278 = tpu.memref_slice %arg13[%rem3A_249] : memref<8x!tpu.dma_semaphore, #tpu.memory_space<semaphore_mem>> -> memref<1x!tpu.dma_semaphore, #tpu.memory_space<semaphore_mem>>
            %dma_wait3A_279 = tpu.memref_squeeze %dma_wait3A_278 : memref<1x!tpu.dma_semaphore, #tpu.memory_space<semaphore_mem>> -> memref<!tpu.dma_semaphore, #tpu.memory_space<semaphore_mem>>
            tpu.wait_indirect_dma semaphore(%dma_wait3A_279 : memref<!tpu.dma_semaphore, #tpu.memory_space<semaphore_mem>>) src(%dma_wait3A_277 : memref<50000x16xf32, #tpu.memory_space<hbm>>) dst(%dma_wait3A_271 : memref<128x16xf32, #tpu.memory_space<vmem>>)
          } else {
          }
          %dma_start3A_254 = arith.constant 0 : i32
          %dma_start3A_255 = arith.constant 0 : i32
          %dma_start3A_256 = tpu.memref_slice %arg11[%rem3A_249, %dma_start3A_254, %dma_start3A_255] : memref<8x128x16xf32, #tpu.memory_space<vmem>> -> memref<1x128x16xf32, #tpu.memory_space<vmem>>
          %dma_start3A_257 = tpu.memref_squeeze %dma_start3A_256 : memref<1x128x16xf32, #tpu.memory_space<vmem>> -> memref<128x16xf32, #tpu.memory_space<vmem>>
          %dma_start3A_258 = arith.constant 0 : i32
          %dma_start3A_259 = tpu.memref_slice %arg9[%add3A_217, %dma_start3A_258] : memref<40x128xi32, #tpu.memory_space<vmem>> -> memref<1x128xi32, #tpu.memory_space<vmem>>
          %dma_start3A_260 = tpu.memref_squeeze %dma_start3A_259 : memref<1x128xi32, #tpu.memory_space<vmem>> -> memref<128xi32, #tpu.memory_space<vmem>>
          %dma_start3A_261 = arith.constant 0 : i32
          %dma_start3A_262 = arith.constant 0 : i32
          %dma_start3A_263 = tpu.memref_slice %arg2[%dma_start3A_261, %dma_start3A_262] : memref<50000x16xf32, #tpu.memory_space<hbm>> -> memref<50000x16xf32, #tpu.memory_space<hbm>>
          %dma_start3A_264 = tpu.memref_slice %arg12[%rem3A_249] : memref<8x!tpu.dma_semaphore, #tpu.memory_space<semaphore_mem>> -> memref<1x!tpu.dma_semaphore, #tpu.memory_space<semaphore_mem>>
          %dma_start3A_265 = tpu.memref_squeeze %dma_start3A_264 : memref<1x!tpu.dma_semaphore, #tpu.memory_space<semaphore_mem>> -> memref<!tpu.dma_semaphore, #tpu.memory_space<semaphore_mem>>
          tpu.enqueue_indirect_dma source(%dma_start3A_263 : memref<50000x16xf32, #tpu.memory_space<hbm>>) target(%dma_start3A_257 : memref<128x16xf32, #tpu.memory_space<vmem>>) offsets(%dma_start3A_260 : memref<128xi32, #tpu.memory_space<vmem>>) semaphore(%dma_start3A_265 : memref<!tpu.dma_semaphore, #tpu.memory_space<semaphore_mem>>)
        } else {
        }
        %dma_wait3A_222 = arith.constant 0 : i32
        %dma_wait3A_223 = arith.constant 0 : i32
        %dma_wait3A_224 = arith.constant 0 : i32
        %dma_wait3A_225 = arith.constant 0 : i32
        %dma_wait3A_226 = tpu.memref_slice %arg11[%dma_wait3A_223, %dma_wait3A_224, %dma_wait3A_225] : memref<8x128x16xf32, #tpu.memory_space<vmem>> -> memref<1x128x16xf32, #tpu.memory_space<vmem>>
        %dma_wait3A_227 = tpu.memref_squeeze %dma_wait3A_226 : memref<1x128x16xf32, #tpu.memory_space<vmem>> -> memref<128x16xf32, #tpu.memory_space<vmem>>
        %dma_wait3A_228 = arith.constant 0 : i32
        %dma_wait3A_229 = tpu.memref_slice %arg9[%dma_wait3A_222, %dma_wait3A_228] : memref<40x128xi32, #tpu.memory_space<vmem>> -> memref<1x128xi32, #tpu.memory_space<vmem>>
        %dma_wait3A_230 = tpu.memref_squeeze %dma_wait3A_229 : memref<1x128xi32, #tpu.memory_space<vmem>> -> memref<128xi32, #tpu.memory_space<vmem>>
        %dma_wait3A_231 = arith.constant 0 : i32
        %dma_wait3A_232 = arith.constant 0 : i32
        %dma_wait3A_233 = tpu.memref_slice %arg2[%dma_wait3A_231, %dma_wait3A_232] : memref<50000x16xf32, #tpu.memory_space<hbm>> -> memref<50000x16xf32, #tpu.memory_space<hbm>>
        %dma_wait3A_234 = tpu.memref_slice %arg12[%rem3A_215] : memref<8x!tpu.dma_semaphore, #tpu.memory_space<semaphore_mem>> -> memref<1x!tpu.dma_semaphore, #tpu.memory_space<semaphore_mem>>
        %dma_wait3A_235 = tpu.memref_squeeze %dma_wait3A_234 : memref<1x!tpu.dma_semaphore, #tpu.memory_space<semaphore_mem>> -> memref<!tpu.dma_semaphore, #tpu.memory_space<semaphore_mem>>
        tpu.wait_indirect_dma semaphore(%dma_wait3A_235 : memref<!tpu.dma_semaphore, #tpu.memory_space<semaphore_mem>>) src(%dma_wait3A_233 : memref<50000x16xf32, #tpu.memory_space<hbm>>) dst(%dma_wait3A_227 : memref<128x16xf32, #tpu.memory_space<vmem>>)
        %dma_start3A_236 = arith.constant 0 : i32
        %dma_start3A_237 = arith.constant 0 : i32
        %dma_start3A_238 = tpu.memref_slice %arg11[%rem3A_215, %dma_start3A_236, %dma_start3A_237] : memref<8x128x16xf32, #tpu.memory_space<vmem>> -> memref<1x128x16xf32, #tpu.memory_space<vmem>>
        %dma_start3A_239 = tpu.memref_squeeze %dma_start3A_238 : memref<1x128x16xf32, #tpu.memory_space<vmem>> -> memref<128x16xf32, #tpu.memory_space<vmem>>
        %dma_start3A_240 = arith.constant 0 : i32
        %dma_start3A_241 = tpu.memref_slice %arg10[%add3A_214, %dma_start3A_240] : memref<40x128xi32, #tpu.memory_space<vmem>> -> memref<1x128xi32, #tpu.memory_space<vmem>>
        %dma_start3A_242 = tpu.memref_squeeze %dma_start3A_241 : memref<1x128xi32, #tpu.memory_space<vmem>> -> memref<128xi32, #tpu.memory_space<vmem>>
        %dma_start3A_243 = arith.constant 0 : i32
        %dma_start3A_244 = arith.constant 0 : i32
        %dma_start3A_245 = tpu.memref_slice %arg8[%dma_start3A_243, %dma_start3A_244] : memref<50432x16xf32, #tpu.memory_space<vmem_shared>> -> memref<50432x16xf32, #tpu.memory_space<vmem_shared>>
        %dma_start3A_246 = tpu.memref_slice %arg13[%rem3A_215] : memref<8x!tpu.dma_semaphore, #tpu.memory_space<semaphore_mem>> -> memref<1x!tpu.dma_semaphore, #tpu.memory_space<semaphore_mem>>
        %dma_start3A_247 = tpu.memref_squeeze %dma_start3A_246 : memref<1x!tpu.dma_semaphore, #tpu.memory_space<semaphore_mem>> -> memref<!tpu.dma_semaphore, #tpu.memory_space<semaphore_mem>>
        tpu.enqueue_indirect_dma source(%dma_start3A_239 : memref<128x16xf32, #tpu.memory_space<vmem>>) target(%dma_start3A_245 : memref<50432x16xf32, #tpu.memory_space<vmem_shared>>) offsets(%dma_start3A_242 : memref<128xi32, #tpu.memory_space<vmem>>) semaphore(%dma_start3A_247 : memref<!tpu.dma_semaphore, #tpu.memory_space<semaphore_mem>>) {add = true}
      }
      %scan3A_90 = arith.constant 40 : i32
      %dma_wait3A = arith.constant 0 : i32
      %dma_wait3A_91 = arith.constant 0 : i32
      %dma_wait3A_92 = arith.constant 0 : i32
      %dma_wait3A_93 = arith.constant 0 : i32
      %dma_wait3A_94 = arith.constant 0 : i32
      %dma_wait3A_95 = tpu.memref_slice %arg11[%dma_wait3A_91, %dma_wait3A_93, %dma_wait3A_94] : memref<8x128x16xf32, #tpu.memory_space<vmem>> -> memref<1x128x16xf32, #tpu.memory_space<vmem>>
      %dma_wait3A_96 = tpu.memref_squeeze %dma_wait3A_95 : memref<1x128x16xf32, #tpu.memory_space<vmem>> -> memref<128x16xf32, #tpu.memory_space<vmem>>
      %dma_wait3A_97 = arith.constant 0 : i32
      %dma_wait3A_98 = tpu.memref_slice %arg9[%dma_wait3A, %dma_wait3A_97] : memref<40x128xi32, #tpu.memory_space<vmem>> -> memref<1x128xi32, #tpu.memory_space<vmem>>
      %dma_wait3A_99 = tpu.memref_squeeze %dma_wait3A_98 : memref<1x128xi32, #tpu.memory_space<vmem>> -> memref<128xi32, #tpu.memory_space<vmem>>
      %dma_wait3A_100 = arith.constant 0 : i32
      %dma_wait3A_101 = arith.constant 0 : i32
      %dma_wait3A_102 = tpu.memref_slice %arg2[%dma_wait3A_100, %dma_wait3A_101] : memref<50000x16xf32, #tpu.memory_space<hbm>> -> memref<50000x16xf32, #tpu.memory_space<hbm>>
      %dma_wait3A_103 = tpu.memref_slice %arg13[%dma_wait3A_92] : memref<8x!tpu.dma_semaphore, #tpu.memory_space<semaphore_mem>> -> memref<1x!tpu.dma_semaphore, #tpu.memory_space<semaphore_mem>>
      %dma_wait3A_104 = tpu.memref_squeeze %dma_wait3A_103 : memref<1x!tpu.dma_semaphore, #tpu.memory_space<semaphore_mem>> -> memref<!tpu.dma_semaphore, #tpu.memory_space<semaphore_mem>>
      tpu.wait_indirect_dma semaphore(%dma_wait3A_104 : memref<!tpu.dma_semaphore, #tpu.memory_space<semaphore_mem>>) src(%dma_wait3A_102 : memref<50000x16xf32, #tpu.memory_space<hbm>>) dst(%dma_wait3A_96 : memref<128x16xf32, #tpu.memory_space<vmem>>)
      %dma_wait3A_105 = arith.constant 0 : i32
      %dma_wait3A_106 = arith.constant 0 : i32
      %dma_wait3A_107 = arith.constant 1 : i32
      %dma_wait3A_108 = arith.constant 0 : i32
      %dma_wait3A_109 = arith.constant 0 : i32
      %dma_wait3A_110 = tpu.memref_slice %arg11[%dma_wait3A_106, %dma_wait3A_108, %dma_wait3A_109] : memref<8x128x16xf32, #tpu.memory_space<vmem>> -> memref<1x128x16xf32, #tpu.memory_space<vmem>>
      %dma_wait3A_111 = tpu.memref_squeeze %dma_wait3A_110 : memref<1x128x16xf32, #tpu.memory_space<vmem>> -> memref<128x16xf32, #tpu.memory_space<vmem>>
      %dma_wait3A_112 = arith.constant 0 : i32
      %dma_wait3A_113 = tpu.memref_slice %arg9[%dma_wait3A_105, %dma_wait3A_112] : memref<40x128xi32, #tpu.memory_space<vmem>> -> memref<1x128xi32, #tpu.memory_space<vmem>>
      %dma_wait3A_114 = tpu.memref_squeeze %dma_wait3A_113 : memref<1x128xi32, #tpu.memory_space<vmem>> -> memref<128xi32, #tpu.memory_space<vmem>>
      %dma_wait3A_115 = arith.constant 0 : i32
      %dma_wait3A_116 = arith.constant 0 : i32
      %dma_wait3A_117 = tpu.memref_slice %arg2[%dma_wait3A_115, %dma_wait3A_116] : memref<50000x16xf32, #tpu.memory_space<hbm>> -> memref<50000x16xf32, #tpu.memory_space<hbm>>
      %dma_wait3A_118 = tpu.memref_slice %arg13[%dma_wait3A_107] : memref<8x!tpu.dma_semaphore, #tpu.memory_space<semaphore_mem>> -> memref<1x!tpu.dma_semaphore, #tpu.memory_space<semaphore_mem>>
      %dma_wait3A_119 = tpu.memref_squeeze %dma_wait3A_118 : memref<1x!tpu.dma_semaphore, #tpu.memory_space<semaphore_mem>> -> memref<!tpu.dma_semaphore, #tpu.memory_space<semaphore_mem>>
      tpu.wait_indirect_dma semaphore(%dma_wait3A_119 : memref<!tpu.dma_semaphore, #tpu.memory_space<semaphore_mem>>) src(%dma_wait3A_117 : memref<50000x16xf32, #tpu.memory_space<hbm>>) dst(%dma_wait3A_111 : memref<128x16xf32, #tpu.memory_space<vmem>>)
      %dma_wait3A_120 = arith.constant 0 : i32
      %dma_wait3A_121 = arith.constant 0 : i32
      %dma_wait3A_122 = arith.constant 2 : i32
      %dma_wait3A_123 = arith.constant 0 : i32
      %dma_wait3A_124 = arith.constant 0 : i32
      %dma_wait3A_125 = tpu.memref_slice %arg11[%dma_wait3A_121, %dma_wait3A_123, %dma_wait3A_124] : memref<8x128x16xf32, #tpu.memory_space<vmem>> -> memref<1x128x16xf32, #tpu.memory_space<vmem>>
      %dma_wait3A_126 = tpu.memref_squeeze %dma_wait3A_125 : memref<1x128x16xf32, #tpu.memory_space<vmem>> -> memref<128x16xf32, #tpu.memory_space<vmem>>
      %dma_wait3A_127 = arith.constant 0 : i32
      %dma_wait3A_128 = tpu.memref_slice %arg9[%dma_wait3A_120, %dma_wait3A_127] : memref<40x128xi32, #tpu.memory_space<vmem>> -> memref<1x128xi32, #tpu.memory_space<vmem>>
      %dma_wait3A_129 = tpu.memref_squeeze %dma_wait3A_128 : memref<1x128xi32, #tpu.memory_space<vmem>> -> memref<128xi32, #tpu.memory_space<vmem>>
      %dma_wait3A_130 = arith.constant 0 : i32
      %dma_wait3A_131 = arith.constant 0 : i32
      %dma_wait3A_132 = tpu.memref_slice %arg2[%dma_wait3A_130, %dma_wait3A_131] : memref<50000x16xf32, #tpu.memory_space<hbm>> -> memref<50000x16xf32, #tpu.memory_space<hbm>>
      %dma_wait3A_133 = tpu.memref_slice %arg13[%dma_wait3A_122] : memref<8x!tpu.dma_semaphore, #tpu.memory_space<semaphore_mem>> -> memref<1x!tpu.dma_semaphore, #tpu.memory_space<semaphore_mem>>
      %dma_wait3A_134 = tpu.memref_squeeze %dma_wait3A_133 : memref<1x!tpu.dma_semaphore, #tpu.memory_space<semaphore_mem>> -> memref<!tpu.dma_semaphore, #tpu.memory_space<semaphore_mem>>
      tpu.wait_indirect_dma semaphore(%dma_wait3A_134 : memref<!tpu.dma_semaphore, #tpu.memory_space<semaphore_mem>>) src(%dma_wait3A_132 : memref<50000x16xf32, #tpu.memory_space<hbm>>) dst(%dma_wait3A_126 : memref<128x16xf32, #tpu.memory_space<vmem>>)
      %dma_wait3A_135 = arith.constant 0 : i32
      %dma_wait3A_136 = arith.constant 0 : i32
      %dma_wait3A_137 = arith.constant 3 : i32
      %dma_wait3A_138 = arith.constant 0 : i32
      %dma_wait3A_139 = arith.constant 0 : i32
      %dma_wait3A_140 = tpu.memref_slice %arg11[%dma_wait3A_136, %dma_wait3A_138, %dma_wait3A_139] : memref<8x128x16xf32, #tpu.memory_space<vmem>> -> memref<1x128x16xf32, #tpu.memory_space<vmem>>
      %dma_wait3A_141 = tpu.memref_squeeze %dma_wait3A_140 : memref<1x128x16xf32, #tpu.memory_space<vmem>> -> memref<128x16xf32, #tpu.memory_space<vmem>>
      %dma_wait3A_142 = arith.constant 0 : i32
      %dma_wait3A_143 = tpu.memref_slice %arg9[%dma_wait3A_135, %dma_wait3A_142] : memref<40x128xi32, #tpu.memory_space<vmem>> -> memref<1x128xi32, #tpu.memory_space<vmem>>
      %dma_wait3A_144 = tpu.memref_squeeze %dma_wait3A_143 : memref<1x128xi32, #tpu.memory_space<vmem>> -> memref<128xi32, #tpu.memory_space<vmem>>
      %dma_wait3A_145 = arith.constant 0 : i32
      %dma_wait3A_146 = arith.constant 0 : i32
      %dma_wait3A_147 = tpu.memref_slice %arg2[%dma_wait3A_145, %dma_wait3A_146] : memref<50000x16xf32, #tpu.memory_space<hbm>> -> memref<50000x16xf32, #tpu.memory_space<hbm>>
      %dma_wait3A_148 = tpu.memref_slice %arg13[%dma_wait3A_137] : memref<8x!tpu.dma_semaphore, #tpu.memory_space<semaphore_mem>> -> memref<1x!tpu.dma_semaphore, #tpu.memory_space<semaphore_mem>>
      %dma_wait3A_149 = tpu.memref_squeeze %dma_wait3A_148 : memref<1x!tpu.dma_semaphore, #tpu.memory_space<semaphore_mem>> -> memref<!tpu.dma_semaphore, #tpu.memory_space<semaphore_mem>>
      tpu.wait_indirect_dma semaphore(%dma_wait3A_149 : memref<!tpu.dma_semaphore, #tpu.memory_space<semaphore_mem>>) src(%dma_wait3A_147 : memref<50000x16xf32, #tpu.memory_space<hbm>>) dst(%dma_wait3A_141 : memref<128x16xf32, #tpu.memory_space<vmem>>)
      %dma_wait3A_150 = arith.constant 0 : i32
      %dma_wait3A_151 = arith.constant 0 : i32
      %dma_wait3A_152 = arith.constant 4 : i32
      %dma_wait3A_153 = arith.constant 0 : i32
      %dma_wait3A_154 = arith.constant 0 : i32
      %dma_wait3A_155 = tpu.memref_slice %arg11[%dma_wait3A_151, %dma_wait3A_153, %dma_wait3A_154] : memref<8x128x16xf32, #tpu.memory_space<vmem>> -> memref<1x128x16xf32, #tpu.memory_space<vmem>>
      %dma_wait3A_156 = tpu.memref_squeeze %dma_wait3A_155 : memref<1x128x16xf32, #tpu.memory_space<vmem>> -> memref<128x16xf32, #tpu.memory_space<vmem>>
      %dma_wait3A_157 = arith.constant 0 : i32
      %dma_wait3A_158 = tpu.memref_slice %arg9[%dma_wait3A_150, %dma_wait3A_157] : memref<40x128xi32, #tpu.memory_space<vmem>> -> memref<1x128xi32, #tpu.memory_space<vmem>>
      %dma_wait3A_159 = tpu.memref_squeeze %dma_wait3A_158 : memref<1x128xi32, #tpu.memory_space<vmem>> -> memref<128xi32, #tpu.memory_space<vmem>>
      %dma_wait3A_160 = arith.constant 0 : i32
      %dma_wait3A_161 = arith.constant 0 : i32
      %dma_wait3A_162 = tpu.memref_slice %arg2[%dma_wait3A_160, %dma_wait3A_161] : memref<50000x16xf32, #tpu.memory_space<hbm>> -> memref<50000x16xf32, #tpu.memory_space<hbm>>
      %dma_wait3A_163 = tpu.memref_slice %arg13[%dma_wait3A_152] : memref<8x!tpu.dma_semaphore, #tpu.memory_space<semaphore_mem>> -> memref<1x!tpu.dma_semaphore, #tpu.memory_space<semaphore_mem>>
      %dma_wait3A_164 = tpu.memref_squeeze %dma_wait3A_163 : memref<1x!tpu.dma_semaphore, #tpu.memory_space<semaphore_mem>> -> memref<!tpu.dma_semaphore, #tpu.memory_space<semaphore_mem>>
      tpu.wait_indirect_dma semaphore(%dma_wait3A_164 : memref<!tpu.dma_semaphore, #tpu.memory_space<semaphore_mem>>) src(%dma_wait3A_162 : memref<50000x16xf32, #tpu.memory_space<hbm>>) dst(%dma_wait3A_156 : memref<128x16xf32, #tpu.memory_space<vmem>>)
      %dma_wait3A_165 = arith.constant 0 : i32
      %dma_wait3A_166 = arith.constant 0 : i32
      %dma_wait3A_167 = arith.constant 5 : i32
      %dma_wait3A_168 = arith.constant 0 : i32
      %dma_wait3A_169 = arith.constant 0 : i32
      %dma_wait3A_170 = tpu.memref_slice %arg11[%dma_wait3A_166, %dma_wait3A_168, %dma_wait3A_169] : memref<8x128x16xf32, #tpu.memory_space<vmem>> -> memref<1x128x16xf32, #tpu.memory_space<vmem>>
      %dma_wait3A_171 = tpu.memref_squeeze %dma_wait3A_170 : memref<1x128x16xf32, #tpu.memory_space<vmem>> -> memref<128x16xf32, #tpu.memory_space<vmem>>
      %dma_wait3A_172 = arith.constant 0 : i32
      %dma_wait3A_173 = tpu.memref_slice %arg9[%dma_wait3A_165, %dma_wait3A_172] : memref<40x128xi32, #tpu.memory_space<vmem>> -> memref<1x128xi32, #tpu.memory_space<vmem>>
      %dma_wait3A_174 = tpu.memref_squeeze %dma_wait3A_173 : memref<1x128xi32, #tpu.memory_space<vmem>> -> memref<128xi32, #tpu.memory_space<vmem>>
      %dma_wait3A_175 = arith.constant 0 : i32
      %dma_wait3A_176 = arith.constant 0 : i32
      %dma_wait3A_177 = tpu.memref_slice %arg2[%dma_wait3A_175, %dma_wait3A_176] : memref<50000x16xf32, #tpu.memory_space<hbm>> -> memref<50000x16xf32, #tpu.memory_space<hbm>>
      %dma_wait3A_178 = tpu.memref_slice %arg13[%dma_wait3A_167] : memref<8x!tpu.dma_semaphore, #tpu.memory_space<semaphore_mem>> -> memref<1x!tpu.dma_semaphore, #tpu.memory_space<semaphore_mem>>
      %dma_wait3A_179 = tpu.memref_squeeze %dma_wait3A_178 : memref<1x!tpu.dma_semaphore, #tpu.memory_space<semaphore_mem>> -> memref<!tpu.dma_semaphore, #tpu.memory_space<semaphore_mem>>
      tpu.wait_indirect_dma semaphore(%dma_wait3A_179 : memref<!tpu.dma_semaphore, #tpu.memory_space<semaphore_mem>>) src(%dma_wait3A_177 : memref<50000x16xf32, #tpu.memory_space<hbm>>) dst(%dma_wait3A_171 : memref<128x16xf32, #tpu.memory_space<vmem>>)
      %dma_wait3A_180 = arith.constant 0 : i32
      %dma_wait3A_181 = arith.constant 0 : i32
      %dma_wait3A_182 = arith.constant 6 : i32
      %dma_wait3A_183 = arith.constant 0 : i32
      %dma_wait3A_184 = arith.constant 0 : i32
      %dma_wait3A_185 = tpu.memref_slice %arg11[%dma_wait3A_181, %dma_wait3A_183, %dma_wait3A_184] : memref<8x128x16xf32, #tpu.memory_space<vmem>> -> memref<1x128x16xf32, #tpu.memory_space<vmem>>
      %dma_wait3A_186 = tpu.memref_squeeze %dma_wait3A_185 : memref<1x128x16xf32, #tpu.memory_space<vmem>> -> memref<128x16xf32, #tpu.memory_space<vmem>>
      %dma_wait3A_187 = arith.constant 0 : i32
      %dma_wait3A_188 = tpu.memref_slice %arg9[%dma_wait3A_180, %dma_wait3A_187] : memref<40x128xi32, #tpu.memory_space<vmem>> -> memref<1x128xi32, #tpu.memory_space<vmem>>
      %dma_wait3A_189 = tpu.memref_squeeze %dma_wait3A_188 : memref<1x128xi32, #tpu.memory_space<vmem>> -> memref<128xi32, #tpu.memory_space<vmem>>
      %dma_wait3A_190 = arith.constant 0 : i32
      %dma_wait3A_191 = arith.constant 0 : i32
      %dma_wait3A_192 = tpu.memref_slice %arg2[%dma_wait3A_190, %dma_wait3A_191] : memref<50000x16xf32, #tpu.memory_space<hbm>> -> memref<50000x16xf32, #tpu.memory_space<hbm>>
      %dma_wait3A_193 = tpu.memref_slice %arg13[%dma_wait3A_182] : memref<8x!tpu.dma_semaphore, #tpu.memory_space<semaphore_mem>> -> memref<1x!tpu.dma_semaphore, #tpu.memory_space<semaphore_mem>>
      %dma_wait3A_194 = tpu.memref_squeeze %dma_wait3A_193 : memref<1x!tpu.dma_semaphore, #tpu.memory_space<semaphore_mem>> -> memref<!tpu.dma_semaphore, #tpu.memory_space<semaphore_mem>>
      tpu.wait_indirect_dma semaphore(%dma_wait3A_194 : memref<!tpu.dma_semaphore, #tpu.memory_space<semaphore_mem>>) src(%dma_wait3A_192 : memref<50000x16xf32, #tpu.memory_space<hbm>>) dst(%dma_wait3A_186 : memref<128x16xf32, #tpu.memory_space<vmem>>)
      %dma_wait3A_195 = arith.constant 0 : i32
      %dma_wait3A_196 = arith.constant 0 : i32
      %dma_wait3A_197 = arith.constant 7 : i32
      %dma_wait3A_198 = arith.constant 0 : i32
      %dma_wait3A_199 = arith.constant 0 : i32
      %dma_wait3A_200 = tpu.memref_slice %arg11[%dma_wait3A_196, %dma_wait3A_198, %dma_wait3A_199] : memref<8x128x16xf32, #tpu.memory_space<vmem>> -> memref<1x128x16xf32, #tpu.memory_space<vmem>>
      %dma_wait3A_201 = tpu.memref_squeeze %dma_wait3A_200 : memref<1x128x16xf32, #tpu.memory_space<vmem>> -> memref<128x16xf32, #tpu.memory_space<vmem>>
      %dma_wait3A_202 = arith.constant 0 : i32
      %dma_wait3A_203 = tpu.memref_slice %arg9[%dma_wait3A_195, %dma_wait3A_202] : memref<40x128xi32, #tpu.memory_space<vmem>> -> memref<1x128xi32, #tpu.memory_space<vmem>>
      %dma_wait3A_204 = tpu.memref_squeeze %dma_wait3A_203 : memref<1x128xi32, #tpu.memory_space<vmem>> -> memref<128xi32, #tpu.memory_space<vmem>>
      %dma_wait3A_205 = arith.constant 0 : i32
      %dma_wait3A_206 = arith.constant 0 : i32
      %dma_wait3A_207 = tpu.memref_slice %arg2[%dma_wait3A_205, %dma_wait3A_206] : memref<50000x16xf32, #tpu.memory_space<hbm>> -> memref<50000x16xf32, #tpu.memory_space<hbm>>
      %dma_wait3A_208 = tpu.memref_slice %arg13[%dma_wait3A_197] : memref<8x!tpu.dma_semaphore, #tpu.memory_space<semaphore_mem>> -> memref<1x!tpu.dma_semaphore, #tpu.memory_space<semaphore_mem>>
      %dma_wait3A_209 = tpu.memref_squeeze %dma_wait3A_208 : memref<1x!tpu.dma_semaphore, #tpu.memory_space<semaphore_mem>> -> memref<!tpu.dma_semaphore, #tpu.memory_space<semaphore_mem>>
      tpu.wait_indirect_dma semaphore(%dma_wait3A_209 : memref<!tpu.dma_semaphore, #tpu.memory_space<semaphore_mem>>) src(%dma_wait3A_207 : memref<50000x16xf32, #tpu.memory_space<hbm>>) dst(%dma_wait3A_201 : memref<128x16xf32, #tpu.memory_space<vmem>>)
    }
    %scan3A_8 = arith.constant 5 : i32
    %barrier3A_9 = arith.constant 0 : index
    tpu.barrier barrier_id(%barrier3A_9)
    %mul3A_10 = arith.constant 3136 : i32
    %mul3A_11 = arith.muli %arg1, %mul3A_10 : i32
    %eq3A = arith.constant 0 : i32
    %eq3A_12 = arith.cmpi eq, %arg0, %eq3A : i32
    %convert_element_type3A = arith.extui %eq3A_12 : i1 to i32
    %cond3A = arith.constant 0 : i32
    %cond3A_13 = arith.cmpi ne, %convert_element_type3A, %cond3A : i32
    scf.if %cond3A_13 {
      %lt3A = arith.constant 15 : i32
      %lt3A_19 = arith.cmpi slt, %arg1, %lt3A : i32
      %convert_element_type3A_20 = arith.extui %lt3A_19 : i1 to i32
      %cond3A_21 = arith.constant 0 : i32
      %cond3A_22 = arith.cmpi ne, %convert_element_type3A_20, %cond3A_21 : i32
      scf.if %cond3A_22 {
        "tpu.region"() ({
          %run_scoped3A = tpu.sem_alloc : memref<!tpu.dma_semaphore, #tpu.memory_space<semaphore_mem>>
          %dma_start3A = arith.constant 0 : i32
          %dma_start3A_28 = tpu.memref_slice %arg6[%mul3A_11, %dma_start3A] : memref<50000x16xf32, #tpu.memory_space<hbm>> -> memref<3136x16xf32, #tpu.memory_space<hbm>>
          %dma_start3A_29 = arith.constant 0 : i32
          %dma_start3A_30 = tpu.memref_slice %arg8[%mul3A_11, %dma_start3A_29] : memref<50432x16xf32, #tpu.memory_space<vmem_shared>> -> memref<3136x16xf32, #tpu.memory_space<vmem_shared>>
          tpu.enqueue_dma source(%dma_start3A_30 : memref<3136x16xf32, #tpu.memory_space<vmem_shared>>) target(%dma_start3A_28 : memref<3136x16xf32, #tpu.memory_space<hbm>>) target_semaphore(%run_scoped3A : memref<!tpu.dma_semaphore, #tpu.memory_space<semaphore_mem>>)
          %dma_wait3A = arith.constant 0 : i32
          %dma_wait3A_31 = tpu.memref_slice %arg6[%mul3A_11, %dma_wait3A] : memref<50000x16xf32, #tpu.memory_space<hbm>> -> memref<3136x16xf32, #tpu.memory_space<hbm>>
          %dma_wait3A_32 = arith.constant 0 : i32
          %dma_wait3A_33 = tpu.memref_slice %arg8[%mul3A_11, %dma_wait3A_32] : memref<50432x16xf32, #tpu.memory_space<vmem_shared>> -> memref<3136x16xf32, #tpu.memory_space<vmem_shared>>
          tpu.wait_dma2 semaphore(%run_scoped3A : memref<!tpu.dma_semaphore, #tpu.memory_space<semaphore_mem>>) src(%dma_wait3A_33 : memref<3136x16xf32, #tpu.memory_space<vmem_shared>>) dst(%dma_wait3A_31 : memref<3136x16xf32, #tpu.memory_space<hbm>>)
          tpu.yield
        }) : () -> ()
      } else {
      }
      %eq3A_23 = arith.constant 15 : i32
      %eq3A_24 = arith.cmpi eq, %arg1, %eq3A_23 : i32
      %convert_element_type3A_25 = arith.extui %eq3A_24 : i1 to i32
      %cond3A_26 = arith.constant 0 : i32
      %cond3A_27 = arith.cmpi ne, %convert_element_type3A_25, %cond3A_26 : i32
      scf.if %cond3A_27 {
        "tpu.region"() ({
          %run_scoped3A = tpu.sem_alloc : memref<!tpu.dma_semaphore, #tpu.memory_space<semaphore_mem>>
          %dma_start3A = arith.constant 47040 : i32
          %dma_start3A_28 = arith.constant 0 : i32
          %dma_start3A_29 = tpu.memref_slice %arg6[%dma_start3A, %dma_start3A_28] : memref<50000x16xf32, #tpu.memory_space<hbm>> -> memref<2960x16xf32, #tpu.memory_space<hbm>>
          %dma_start3A_30 = arith.constant 47040 : i32
          %dma_start3A_31 = arith.constant 0 : i32
          %dma_start3A_32 = tpu.memref_slice %arg8[%dma_start3A_30, %dma_start3A_31] : memref<50432x16xf32, #tpu.memory_space<vmem_shared>> -> memref<2960x16xf32, #tpu.memory_space<vmem_shared>>
          tpu.enqueue_dma source(%dma_start3A_32 : memref<2960x16xf32, #tpu.memory_space<vmem_shared>>) target(%dma_start3A_29 : memref<2960x16xf32, #tpu.memory_space<hbm>>) target_semaphore(%run_scoped3A : memref<!tpu.dma_semaphore, #tpu.memory_space<semaphore_mem>>)
          %dma_wait3A = arith.constant 47040 : i32
          %dma_wait3A_33 = arith.constant 0 : i32
          %dma_wait3A_34 = tpu.memref_slice %arg6[%dma_wait3A, %dma_wait3A_33] : memref<50000x16xf32, #tpu.memory_space<hbm>> -> memref<2960x16xf32, #tpu.memory_space<hbm>>
          %dma_wait3A_35 = arith.constant 47040 : i32
          %dma_wait3A_36 = arith.constant 0 : i32
          %dma_wait3A_37 = tpu.memref_slice %arg8[%dma_wait3A_35, %dma_wait3A_36] : memref<50432x16xf32, #tpu.memory_space<vmem_shared>> -> memref<2960x16xf32, #tpu.memory_space<vmem_shared>>
          tpu.wait_dma2 semaphore(%run_scoped3A : memref<!tpu.dma_semaphore, #tpu.memory_space<semaphore_mem>>) src(%dma_wait3A_37 : memref<2960x16xf32, #tpu.memory_space<vmem_shared>>) dst(%dma_wait3A_34 : memref<2960x16xf32, #tpu.memory_space<hbm>>)
          tpu.yield
        }) : () -> ()
      } else {
      }
    } else {
    }
    %eq3A_14 = arith.constant 1 : i32
    %eq3A_15 = arith.cmpi eq, %arg0, %eq3A_14 : i32
    %convert_element_type3A_16 = arith.extui %eq3A_15 : i1 to i32
    %cond3A_17 = arith.constant 0 : i32
    %cond3A_18 = arith.cmpi ne, %convert_element_type3A_16, %cond3A_17 : i32
    scf.if %cond3A_18 {
      %lt3A = arith.constant 15 : i32
      %lt3A_19 = arith.cmpi slt, %arg1, %lt3A : i32
      %convert_element_type3A_20 = arith.extui %lt3A_19 : i1 to i32
      %cond3A_21 = arith.constant 0 : i32
      %cond3A_22 = arith.cmpi ne, %convert_element_type3A_20, %cond3A_21 : i32
      scf.if %cond3A_22 {
        "tpu.region"() ({
          %run_scoped3A = tpu.sem_alloc : memref<!tpu.dma_semaphore, #tpu.memory_space<semaphore_mem>>
          %dma_start3A = arith.constant 0 : i32
          %dma_start3A_28 = tpu.memref_slice %arg7[%mul3A_11, %dma_start3A] : memref<50000x16xf32, #tpu.memory_space<hbm>> -> memref<3136x16xf32, #tpu.memory_space<hbm>>
          %dma_start3A_29 = arith.constant 0 : i32
          %dma_start3A_30 = tpu.memref_slice %arg8[%mul3A_11, %dma_start3A_29] : memref<50432x16xf32, #tpu.memory_space<vmem_shared>> -> memref<3136x16xf32, #tpu.memory_space<vmem_shared>>
          tpu.enqueue_dma source(%dma_start3A_30 : memref<3136x16xf32, #tpu.memory_space<vmem_shared>>) target(%dma_start3A_28 : memref<3136x16xf32, #tpu.memory_space<hbm>>) target_semaphore(%run_scoped3A : memref<!tpu.dma_semaphore, #tpu.memory_space<semaphore_mem>>)
          %dma_wait3A = arith.constant 0 : i32
          %dma_wait3A_31 = tpu.memref_slice %arg7[%mul3A_11, %dma_wait3A] : memref<50000x16xf32, #tpu.memory_space<hbm>> -> memref<3136x16xf32, #tpu.memory_space<hbm>>
          %dma_wait3A_32 = arith.constant 0 : i32
          %dma_wait3A_33 = tpu.memref_slice %arg8[%mul3A_11, %dma_wait3A_32] : memref<50432x16xf32, #tpu.memory_space<vmem_shared>> -> memref<3136x16xf32, #tpu.memory_space<vmem_shared>>
          tpu.wait_dma2 semaphore(%run_scoped3A : memref<!tpu.dma_semaphore, #tpu.memory_space<semaphore_mem>>) src(%dma_wait3A_33 : memref<3136x16xf32, #tpu.memory_space<vmem_shared>>) dst(%dma_wait3A_31 : memref<3136x16xf32, #tpu.memory_space<hbm>>)
          tpu.yield
        }) : () -> ()
      } else {
      }
      %eq3A_23 = arith.constant 15 : i32
      %eq3A_24 = arith.cmpi eq, %arg1, %eq3A_23 : i32
      %convert_element_type3A_25 = arith.extui %eq3A_24 : i1 to i32
      %cond3A_26 = arith.constant 0 : i32
      %cond3A_27 = arith.cmpi ne, %convert_element_type3A_25, %cond3A_26 : i32
      scf.if %cond3A_27 {
        "tpu.region"() ({
          %run_scoped3A = tpu.sem_alloc : memref<!tpu.dma_semaphore, #tpu.memory_space<semaphore_mem>>
          %dma_start3A = arith.constant 47040 : i32
          %dma_start3A_28 = arith.constant 0 : i32
          %dma_start3A_29 = tpu.memref_slice %arg7[%dma_start3A, %dma_start3A_28] : memref<50000x16xf32, #tpu.memory_space<hbm>> -> memref<2960x16xf32, #tpu.memory_space<hbm>>
          %dma_start3A_30 = arith.constant 47040 : i32
          %dma_start3A_31 = arith.constant 0 : i32
          %dma_start3A_32 = tpu.memref_slice %arg8[%dma_start3A_30, %dma_start3A_31] : memref<50432x16xf32, #tpu.memory_space<vmem_shared>> -> memref<2960x16xf32, #tpu.memory_space<vmem_shared>>
          tpu.enqueue_dma source(%dma_start3A_32 : memref<2960x16xf32, #tpu.memory_space<vmem_shared>>) target(%dma_start3A_29 : memref<2960x16xf32, #tpu.memory_space<hbm>>) target_semaphore(%run_scoped3A : memref<!tpu.dma_semaphore, #tpu.memory_space<semaphore_mem>>)
          %dma_wait3A = arith.constant 47040 : i32
          %dma_wait3A_33 = arith.constant 0 : i32
          %dma_wait3A_34 = tpu.memref_slice %arg7[%dma_wait3A, %dma_wait3A_33] : memref<50000x16xf32, #tpu.memory_space<hbm>> -> memref<2960x16xf32, #tpu.memory_space<hbm>>
          %dma_wait3A_35 = arith.constant 47040 : i32
          %dma_wait3A_36 = arith.constant 0 : i32
          %dma_wait3A_37 = tpu.memref_slice %arg8[%dma_wait3A_35, %dma_wait3A_36] : memref<50432x16xf32, #tpu.memory_space<vmem_shared>> -> memref<2960x16xf32, #tpu.memory_space<vmem_shared>>
          tpu.wait_dma2 semaphore(%run_scoped3A : memref<!tpu.dma_semaphore, #tpu.memory_space<semaphore_mem>>) src(%dma_wait3A_37 : memref<2960x16xf32, #tpu.memory_space<vmem_shared>>) dst(%dma_wait3A_34 : memref<2960x16xf32, #tpu.memory_space<hbm>>)
          tpu.yield
        }) : () -> ()
      } else {
      }
    } else {
    }
    return
  }
}

module attributes {stable_mosaic.version = 14 : i64} {
  func.func @body(%arg0: i32, %arg1: memref<5000x16xf32, #tpu.memory_space<vmem>>, %arg2: memref<5000x16xf32, #tpu.memory_space<vmem>>, %arg3: memref<2x128xf32, #tpu.memory_space<vmem>>, %arg4: memref<1x128xf32, #tpu.memory_space<vmem>>, %arg5: memref<128x32xf32, #tpu.memory_space<vmem>>, %arg6: memref<128x32xf32, #tpu.memory_space<vmem>>, %arg7: memref<5000x32xf32, #tpu.memory_space<vmem>>, %arg8: memref<5000x32xf32, #tpu.memory_space<vmem>>) attributes {dimension_semantics = [#tpu.dimension_semantics<arbitrary>], iteration_bounds = array<i64: 10>, scalar_prefetch = 0 : i64, scratch_operands = 0 : i64, tpu.core_type = #tpu.core_type<tc>, window_params = [{transform_indices = @transform_0, window_bounds = array<i64: 5000, 16>}, {transform_indices = @transform_1, window_bounds = array<i64: 5000, 16>}, {pipeline_mode = #tpu.pipeline_mode<synchronous>, transform_indices = @transform_2, window_bounds = array<i64: 2, 128>}, {pipeline_mode = #tpu.pipeline_mode<synchronous>, transform_indices = @transform_3, window_bounds = array<i64: 1, 128>}, {pipeline_mode = #tpu.pipeline_mode<synchronous>, transform_indices = @transform_4, window_bounds = array<i64: 128, 32>}, {pipeline_mode = #tpu.pipeline_mode<synchronous>, transform_indices = @transform_5, window_bounds = array<i64: 128, 32>}, {transform_indices = @transform_6, window_bounds = array<i64: 5000, 32>}, {transform_indices = @transform_7, window_bounds = array<i64: 5000, 32>}]} {
    %get3A = arith.constant 0 : index
    %get3A_0 = arith.constant 0 : index
    %get3A_1 = vector.load %arg1[%get3A, %get3A_0] : memref<5000x16xf32, #tpu.memory_space<vmem>>, vector<5000x1xf32>
    %get3A_2 = arith.constant 0 : index
    %get3A_3 = arith.constant 0 : index
    %get3A_4 = vector.load %arg2[%get3A_2, %get3A_3] : memref<5000x16xf32, #tpu.memory_space<vmem>>, vector<5000x1xf32>
    %add3A = arith.addf %get3A_1, %get3A_4 : vector<5000x1xf32>
    %get3A_5 = arith.constant 0 : index
    %get3A_6 = arith.constant 1 : index
    %get3A_7 = vector.load %arg1[%get3A_5, %get3A_6] : memref<5000x16xf32, #tpu.memory_space<vmem>>, vector<5000x1xf32>
    %get3A_8 = arith.constant 0 : index
    %get3A_9 = arith.constant 1 : index
    %get3A_10 = vector.load %arg2[%get3A_8, %get3A_9] : memref<5000x16xf32, #tpu.memory_space<vmem>>, vector<5000x1xf32>
    %add3A_11 = arith.addf %get3A_7, %get3A_10 : vector<5000x1xf32>
    %get3A_12 = arith.constant 0 : index
    %get3A_13 = arith.constant 0 : index
    %get3A_14 = vector.load %arg3[%get3A_12, %get3A_13] : memref<2x128xf32, #tpu.memory_space<vmem>>, vector<2x128xf32>
    %slice3A = vector.extract_strided_slice %get3A_14 {offsets = [0, 0], sizes = [1, 128], strides = [1, 1]} : vector<2x128xf32> to vector<1x128xf32>
    %mul3A = vector.broadcast %add3A : vector<5000x1xf32> to vector<5000x128xf32>
    %mul3A_15 = vector.broadcast %slice3A : vector<1x128xf32> to vector<5000x128xf32>
    %mul3A_16 = arith.mulf %mul3A, %mul3A_15 : vector<5000x128xf32>
    %slice3A_17 = vector.extract_strided_slice %get3A_14 {offsets = [1, 0], sizes = [1, 128], strides = [1, 1]} : vector<2x128xf32> to vector<1x128xf32>
    %mul3A_18 = vector.broadcast %add3A_11 : vector<5000x1xf32> to vector<5000x128xf32>
    %mul3A_19 = vector.broadcast %slice3A_17 : vector<1x128xf32> to vector<5000x128xf32>
    %mul3A_20 = arith.mulf %mul3A_18, %mul3A_19 : vector<5000x128xf32>
    %add3A_21 = arith.addf %mul3A_16, %mul3A_20 : vector<5000x128xf32>
    %get3A_22 = arith.constant 0 : index
    %get3A_23 = arith.constant 0 : index
    %get3A_24 = vector.load %arg4[%get3A_22, %get3A_23] : memref<1x128xf32, #tpu.memory_space<vmem>>, vector<1x128xf32>
    %add3A_25 = vector.broadcast %get3A_24 : vector<1x128xf32> to vector<5000x128xf32>
    %add3A_26 = arith.addf %add3A_21, %add3A_25 : vector<5000x128xf32>
    %max3A = arith.constant 0.000000e+00 : f32
    %max3A_27 = vector.broadcast %max3A : f32 to vector<5000x128xf32>
    %max3A_28 = arith.maximumf %add3A_26, %max3A_27 : vector<5000x128xf32>
    %get3A_29 = arith.constant 0 : index
    %get3A_30 = arith.constant 0 : index
    %get3A_31 = vector.load %arg5[%get3A_29, %get3A_30] : memref<128x32xf32, #tpu.memory_space<vmem>>, vector<128x32xf32>
    %dot_general3A = arith.constant dense<0.000000e+00> : vector<5000x32xf32>
    %dot_general3A_32 = tpu.matmul %max3A_28, %get3A_31, %dot_general3A {dimension_numbers = #tpu.dot_dimension_numbers<[1], [0], [0], [1], [0, 0, 1, 1], [], []>, transpose_lhs_hint = false} : vector<5000x128xf32>, vector<128x32xf32>, vector<5000x32xf32> -> vector<5000x32xf32>
    %swap3A = arith.constant 0 : index
    %swap3A_33 = arith.constant 0 : index
    %swap3A_34 = vector.load %arg7[%swap3A, %swap3A_33] : memref<5000x32xf32, #tpu.memory_space<vmem>>, vector<5000x32xf32>
    tpu.vector_store %arg7[%swap3A, %swap3A_33], %dot_general3A_32 {strides = array<i32>} : memref<5000x32xf32, #tpu.memory_space<vmem>>, vector<5000x32xf32>,
    %get3A_35 = arith.constant 0 : index
    %get3A_36 = arith.constant 0 : index
    %get3A_37 = vector.load %arg6[%get3A_35, %get3A_36] : memref<128x32xf32, #tpu.memory_space<vmem>>, vector<128x32xf32>
    %dot_general3A_38 = arith.constant dense<0.000000e+00> : vector<5000x32xf32>
    %dot_general3A_39 = tpu.matmul %max3A_28, %get3A_37, %dot_general3A_38 {dimension_numbers = #tpu.dot_dimension_numbers<[1], [0], [0], [1], [0, 0, 1, 1], [], []>, transpose_lhs_hint = false} : vector<5000x128xf32>, vector<128x32xf32>, vector<5000x32xf32> -> vector<5000x32xf32>
    %swap3A_40 = arith.constant 0 : index
    %swap3A_41 = arith.constant 0 : index
    %swap3A_42 = vector.load %arg8[%swap3A_40, %swap3A_41] : memref<5000x32xf32, #tpu.memory_space<vmem>>, vector<5000x32xf32>
    tpu.vector_store %arg8[%swap3A_40, %swap3A_41], %dot_general3A_39 {strides = array<i32>} : memref<5000x32xf32, #tpu.memory_space<vmem>>, vector<5000x32xf32>,
    return
  }
  func.func @transform_0(%arg0: i32) -> (i32, i32) {
    %c0_i32 = arith.constant 0 : i32
    %c0_i32_0 = arith.constant 0 : i32
    return %arg0, %c0_i32 : i32, i32
  }
  func.func @transform_1(%arg0: i32) -> (i32, i32) {
    %c0_i32 = arith.constant 0 : i32
    %c0_i32_0 = arith.constant 0 : i32
    return %arg0, %c0_i32 : i32, i32
  }
  func.func @transform_2(%arg0: i32) -> (i32, i32) {
    %c0_i32 = arith.constant 0 : i32
    %c0_i32_0 = arith.constant 0 : i32
    %c0_i32_1 = arith.constant 0 : i32
    return %c0_i32, %c0_i32_0 : i32, i32
  }
  func.func @transform_3(%arg0: i32) -> (i32, i32) {
    %c0_i32 = arith.constant 0 : i32
    %c0_i32_0 = arith.constant 0 : i32
    %c0_i32_1 = arith.constant 0 : i32
    return %c0_i32, %c0_i32_0 : i32, i32
  }
  func.func @transform_4(%arg0: i32) -> (i32, i32) {
    %c0_i32 = arith.constant 0 : i32
    %c0_i32_0 = arith.constant 0 : i32
    %c0_i32_1 = arith.constant 0 : i32
    return %c0_i32, %c0_i32_0 : i32, i32
  }
  func.func @transform_5(%arg0: i32) -> (i32, i32) {
    %c0_i32 = arith.constant 0 : i32
    %c0_i32_0 = arith.constant 0 : i32
    %c0_i32_1 = arith.constant 0 : i32
    return %c0_i32, %c0_i32_0 : i32, i32
  }
  func.func @transform_6(%arg0: i32) -> (i32, i32) {
    %c0_i32 = arith.constant 0 : i32
    %c0_i32_0 = arith.constant 0 : i32
    return %arg0, %c0_i32 : i32, i32
  }
  func.func @transform_7(%arg0: i32) -> (i32, i32) {
    %c0_i32 = arith.constant 0 : i32
    %c0_i32_0 = arith.constant 0 : i32
    return %arg0, %c0_i32 : i32, i32
  }
}

module attributes {stable_mosaic.version = 14 : i64} {
  func.func @body(%arg0: i32, %arg1: memref<5000x32xf32, #tpu.memory_space<vmem>>, %arg2: memref<5000x32xf32, #tpu.memory_space<vmem>>, %arg3: memref<1x32xf32, #tpu.memory_space<vmem>>, %arg4: memref<1x32xf32, #tpu.memory_space<vmem>>, %arg5: memref<1x32xf32, #tpu.memory_space<vmem>>, %arg6: memref<1x32xf32, #tpu.memory_space<vmem>>, %arg7: memref<5000x16xf32, #tpu.memory_space<vmem>>) attributes {dimension_semantics = [#tpu.dimension_semantics<arbitrary>], iteration_bounds = array<i64: 10>, scalar_prefetch = 0 : i64, scratch_operands = 0 : i64, tpu.core_type = #tpu.core_type<tc>, window_params = [{transform_indices = @transform_0, window_bounds = array<i64: 5000, 32>}, {transform_indices = @transform_1, window_bounds = array<i64: 5000, 32>}, {pipeline_mode = #tpu.pipeline_mode<synchronous>, transform_indices = @transform_2, window_bounds = array<i64: 1, 32>}, {pipeline_mode = #tpu.pipeline_mode<synchronous>, transform_indices = @transform_3, window_bounds = array<i64: 1, 32>}, {pipeline_mode = #tpu.pipeline_mode<synchronous>, transform_indices = @transform_4, window_bounds = array<i64: 1, 32>}, {pipeline_mode = #tpu.pipeline_mode<synchronous>, transform_indices = @transform_5, window_bounds = array<i64: 1, 32>}, {transform_indices = @transform_6, window_bounds = array<i64: 5000, 16>}]} {
    %get3A = arith.constant 0 : index
    %get3A_0 = arith.constant 0 : index
    %get3A_1 = vector.load %arg1[%get3A, %get3A_0] : memref<5000x32xf32, #tpu.memory_space<vmem>>, vector<5000x32xf32>
    %get3A_2 = arith.constant 0 : index
    %get3A_3 = arith.constant 0 : index
    %get3A_4 = vector.load %arg3[%get3A_2, %get3A_3] : memref<1x32xf32, #tpu.memory_space<vmem>>, vector<1x32xf32>
    %add3A = vector.broadcast %get3A_4 : vector<1x32xf32> to vector<5000x32xf32>
    %add3A_5 = arith.addf %get3A_1, %add3A : vector<5000x32xf32>
    %max3A = arith.constant 0.000000e+00 : f32
    %max3A_6 = vector.broadcast %max3A : f32 to vector<5000x32xf32>
    %max3A_7 = arith.maximumf %add3A_5, %max3A_6 : vector<5000x32xf32>
    %get3A_8 = arith.constant 0 : index
    %get3A_9 = arith.constant 0 : index
    %get3A_10 = vector.load %arg2[%get3A_8, %get3A_9] : memref<5000x32xf32, #tpu.memory_space<vmem>>, vector<5000x32xf32>
    %get3A_11 = arith.constant 0 : index
    %get3A_12 = arith.constant 0 : index
    %get3A_13 = vector.load %arg4[%get3A_11, %get3A_12] : memref<1x32xf32, #tpu.memory_space<vmem>>, vector<1x32xf32>
    %add3A_14 = vector.broadcast %get3A_13 : vector<1x32xf32> to vector<5000x32xf32>
    %add3A_15 = arith.addf %get3A_10, %add3A_14 : vector<5000x32xf32>
    %max3A_16 = arith.constant 0.000000e+00 : f32
    %max3A_17 = vector.broadcast %max3A_16 : f32 to vector<5000x32xf32>
    %max3A_18 = arith.maximumf %add3A_15, %max3A_17 : vector<5000x32xf32>
    %get3A_19 = arith.constant 0 : index
    %get3A_20 = arith.constant 0 : index
    %get3A_21 = vector.load %arg5[%get3A_19, %get3A_20] : memref<1x32xf32, #tpu.memory_space<vmem>>, vector<1x32xf32>
    %mul3A = vector.broadcast %get3A_21 : vector<1x32xf32> to vector<5000x32xf32>
    %mul3A_22 = arith.mulf %max3A_7, %mul3A : vector<5000x32xf32>
    %reduce_sum3A = arith.constant dense<0.000000e+00> : vector<5000xf32>
    %reduce_sum3A_23 = vector.multi_reduction <add>, %mul3A_22, %reduce_sum3A [1] : vector<5000x32xf32> to vector<5000xf32>
    %broadcast_in_dim3A = vector.shape_cast %reduce_sum3A_23 : vector<5000xf32> to vector<5000x1xf32>
    %get3A_24 = arith.constant 0 : index
    %get3A_25 = arith.constant 0 : index
    %get3A_26 = vector.load %arg6[%get3A_24, %get3A_25] : memref<1x32xf32, #tpu.memory_space<vmem>>, vector<1x32xf32>
    %mul3A_27 = vector.broadcast %get3A_26 : vector<1x32xf32> to vector<5000x32xf32>
    %mul3A_28 = arith.mulf %max3A_18, %mul3A_27 : vector<5000x32xf32>
    %reduce_sum3A_29 = arith.constant dense<0.000000e+00> : vector<5000xf32>
    %reduce_sum3A_30 = vector.multi_reduction <add>, %mul3A_28, %reduce_sum3A_29 [1] : vector<5000x32xf32> to vector<5000xf32>
    %broadcast_in_dim3A_31 = vector.shape_cast %reduce_sum3A_30 : vector<5000xf32> to vector<5000x1xf32>
    %add3A_32 = arith.addf %broadcast_in_dim3A, %broadcast_in_dim3A_31 : vector<5000x1xf32>
    %broadcast_in_dim3A_33 = vector.shape_cast %add3A_32 : vector<5000x1xf32> to vector<5000x1xf32>
    %broadcast_in_dim3A_34 = vector.broadcast %broadcast_in_dim3A_33 : vector<5000x1xf32> to vector<5000x16xf32>
    %swap3A = arith.constant 0 : index
    %swap3A_35 = arith.constant 0 : index
    %swap3A_36 = vector.load %arg7[%swap3A, %swap3A_35] : memref<5000x16xf32, #tpu.memory_space<vmem>>, vector<5000x16xf32>
    tpu.vector_store %arg7[%swap3A, %swap3A_35], %broadcast_in_dim3A_34 {strides = array<i32>} : memref<5000x16xf32, #tpu.memory_space<vmem>>, vector<5000x16xf32>,
    return
  }
  func.func @transform_0(%arg0: i32) -> (i32, i32) {
    %c0_i32 = arith.constant 0 : i32
    %c0_i32_0 = arith.constant 0 : i32
    return %arg0, %c0_i32 : i32, i32
  }
  func.func @transform_1(%arg0: i32) -> (i32, i32) {
    %c0_i32 = arith.constant 0 : i32
    %c0_i32_0 = arith.constant 0 : i32
    return %arg0, %c0_i32 : i32, i32
  }
  func.func @transform_2(%arg0: i32) -> (i32, i32) {
    %c0_i32 = arith.constant 0 : i32
    %c0_i32_0 = arith.constant 0 : i32
    %c0_i32_1 = arith.constant 0 : i32
    return %c0_i32, %c0_i32_0 : i32, i32
  }
  func.func @transform_3(%arg0: i32) -> (i32, i32) {
    %c0_i32 = arith.constant 0 : i32
    %c0_i32_0 = arith.constant 0 : i32
    %c0_i32_1 = arith.constant 0 : i32
    return %c0_i32, %c0_i32_0 : i32, i32
  }
  func.func @transform_4(%arg0: i32) -> (i32, i32) {
    %c0_i32 = arith.constant 0 : i32
    %c0_i32_0 = arith.constant 0 : i32
    %c0_i32_1 = arith.constant 0 : i32
    return %c0_i32, %c0_i32_0 : i32, i32
  }
  func.func @transform_5(%arg0: i32) -> (i32, i32) {
    %c0_i32 = arith.constant 0 : i32
    %c0_i32_0 = arith.constant 0 : i32
    %c0_i32_1 = arith.constant 0 : i32
    return %c0_i32, %c0_i32_0 : i32, i32
  }
  func.func @transform_6(%arg0: i32) -> (i32, i32) {
    %c0_i32 = arith.constant 0 : i32
    %c0_i32_0 = arith.constant 0 : i32
    return %arg0, %c0_i32 : i32, i32
  }
}

</mosaic_0001>

<sc_bundles>
// kernel: kernel.11.cloned.1.call-start
scs
__scs_entry_jumppad:
0x0: {  	(pc) =	sbr.rel $0x88, $3  }
0x1: {  	(tag) =	ssettag $0x0;
	lr =	simm.s32 $0x1  }
0x2: {  	[smem:$0x3F99] =	sst lr;
	_ =	strace $0xD0000000  }
0x3: {  	_ = 	snop  }
0x4: {  	_ = 	snop  }
0x5: {  	_ = 	snop  }
0x6: {  	_ = 	snop  }
0x7: {  	_ = 	snop  }
__scs_overlays_trampoline_lowered:
0x8: {  	[smem:$0x3FA8] =	sst s0  }
0x9: {  	[smem:$0x3FA9] =	sst s1  }
0xa: {  	[smem:$0x3FAA] =	sst s2  }
0xb: {  	[smem:$0x3FAB] =	sst s3  }
0xc: {  	[smem:$0x3FAC] =	sst s4  }
0xd: {  	[smem:$0x3FAD] =	sst s5  }
0xe: {  	[smem:$0x3FAE] =	sst s6  }
0xf: {  	[smem:$0x3FAF] =	sst s7  }
0x10: {  	[smem:$0x3FB0] =	sst s8  }
0x11: {  	[smem:$0x3FB1] =	sst s9;
	s0 =	simm.s32 @!p0 $0x0  }
0x12: {  	s1 =	sld [smem:$0x3F97];
	s0 =	simm.s32 @p0 $0x1  }
0x13: {  	[smem:$0x3FB2] =	sst s0;
	s0 =	simm.s32 @!p1 $0x0  }
0x14: {  	s2 =	sld [smem:$0x3F96];
	s0 =	simm.s32 @p1 $0x1  }
0x15: {  	[smem:$0x3FB3] =	sst s0;
	s0 =	simm.s32 @!p2 $0x0  }
0x16: {  	s3 =	sld [smem:$0x3FDB];
	s0 =	simm.s32 @p2 $0x1  }
0x17: {  	s4 =	simm.s32 $0x1BF5;
	[smem:$0x3FB5] =	sst s0  }
0x18: {  	s0 =	sld [smem:$0x3F98];
	_ =	swait.ge [sflag:s4], $0x0  }
0x19: {  	s7 =	sld [smem:$0x3F99]  }
0x1a: {  	s8 =	sadd.s32 $0xFFFFE003, lr  }
0x1b: {  	s9 =	sadd.s32 $0xFFFFFEF7, lr;
	s5 =	simm.s32 $0xFFFFFFFF;
	p2 =	slt.u32 s8, $0xFFFFF086  }
0x1c: {  	p1 =	slt.u32 s9, $0xF7A;
	s5 =	simm.s32 @!p2 $0x0  }
0x1d: {  	s5 =	simm.s32 @p1 $0x1;
	p0 =	seq.s32 s7, s2  }
0x1e: {  	s7 =	smul.u32 @!p0 $0xF7A, s2;
	p2 =	seq.s32 @!p0 s5, $0x0  }
0x1f: {  	s9 =	smul.u32 $0xF7A, s1;
	s8 =	simm.s32 @!p0 $0x1BF5;
	p2 =	por !p2, p0  }
0x20: {  	[sflag:s8] =	ssyncset.s32 @!p0 $0xFFFFF086;
	s6 =	sadd.s32 @!p0 s3, s7;
	s7 =	simm.s32 @!p0 $0x108  }
0x21: {  	s3 =	sadd.s32 s3, s9;
	s6 =	sadd.s32 @!p0 $0x88, s6;
	s7 =	simm.s32 @p2 $0x1082  }
0x22: {  	[simem:s7], [sflag:s8] =	dma.local @!p0 [hbm:s6], $0xF7A  }
0x23: {  	s9 =	sor.u32 $0xD0000000, s2;
	s6 =	simm.s32 $0x108;
	_ =	swait.ge @!p0 [sflag:s8], $0x0  }
0x24: {  	s3 =	sadd.s32 $0x88, s3;
	s6 =	simm.s32 @!p1 $0x1082;
	[sflag:s4] =	ssyncset.s32 $0xFFFFF086  }
0x25: {  	[simem:s6], [sflag:s4] =	dma.local [hbm:s3], $0xF7A  }
0x26: {  	[smem:$0x3F99] =	sst s1;
	(tag) =	ssettag s2;
	_ =	strace s9  }
0x27: {  	s1 =	sld [smem:$0x3FA9]  }
0x28: {  	s2 =	sld [smem:$0x3FAA]  }
0x29: {  	s4 =	sld [smem:$0x3FAC]  }
0x2a: {  	p0 =	seq.s32 s5, $0x0;
	s5 =	sld [smem:$0x3FAD]  }
0x2b: {  	s6 =	sld [smem:$0x3FAE]  }
0x2c: {  	s7 =	sld [smem:$0x3FAF]  }
0x2d: {  	s3 =	simm.s32 $0x108;
	s8 =	sld [smem:$0x3FB0]  }
0x2e: {  	s3 =	simm.s32 @!p0 $0x1082;
	s9 =	sld [smem:$0x3FB1]  }
0x2f: {  	lr =	sadd.s32 s0, s3;
	s0 =	sld [smem:$0x3FA8]  }
0x30: {  	s3 =	sld [smem:$0x3FAB]  }
0x31: {  	[smem:$0x3FB4] =	sst s10  }
0x32: {  	s10 =	sld [smem:$0x3FB2];
	_ =	sdelay $0x3  }
0x33: {  	p0 =	seq.s32 s10, $0x1;
	s10 =	sld [smem:$0x3FB4];
	_ =	sdelay $0x3  }
0x34: {  	[smem:$0x3FB4] =	sst s10  }
0x35: {  	s10 =	sld [smem:$0x3FB3];
	_ =	sdelay $0x3  }
0x36: {  	p1 =	seq.s32 s10, $0x1;
	s10 =	sld [smem:$0x3FB4];
	_ =	sdelay $0x3  }
0x37: {  	[smem:$0x3FB4] =	sst s10  }
0x38: {  	s10 =	sld [smem:$0x3FB5]  }
0x39: {  	_ = 	snop;
	(pc) =	sbr.ind lr, $3  }
0x3a: {  	_ = 	snop  }
0x3b: {  	_ = 	snop  }
0x3c: {  	p2 =	seq.s32 s10, $0x1;
	s10 =	sld [smem:$0x3FB4]  }
0x3d: {  	_ =	shalt  }
0x3e: {  	_ =	shalt  }
0x3f: {  	_ =	shalt  }
0x40: {  	_ =	shalt  }
0x41: {  	_ =	shalt  }
0x42: {  	_ =	shalt  }
0x43: {  	_ =	shalt  }
0x44: {  	_ =	shalt  }
0x45: {  	_ =	shalt  }
0x46: {  	_ =	shalt  }
0x47: {  	_ =	shalt  }
0x48: {  	_ =	shalt  }
0x49: {  	_ =	shalt  }
0x4a: {  	_ =	shalt  }
0x4b: {  	_ =	shalt  }
0x4c: {  	_ =	shalt  }
0x4d: {  	_ =	shalt  }
0x4e: {  	_ =	shalt  }
0x4f: {  	_ =	shalt  }
0x50: {  	_ =	shalt  }
0x51: {  	_ =	shalt  }
0x52: {  	_ =	shalt  }
0x53: {  	_ =	shalt  }
0x54: {  	_ =	shalt  }
0x55: {  	_ =	shalt  }
0x56: {  	_ =	shalt  }
0x57: {  	_ =	shalt  }
0x58: {  	_ =	shalt  }
0x59: {  	_ =	shalt  }
0x5a: {  	_ =	shalt  }
0x5b: {  	_ =	shalt  }
0x5c: {  	_ =	shalt  }
0x5d: {  	_ =	shalt  }
0x5e: {  	_ =	shalt  }
0x5f: {  	_ =	shalt  }
0x60: {  	_ =	shalt  }
0x61: {  	_ =	shalt  }
0x62: {  	_ =	shalt  }
0x63: {  	_ =	shalt  }
0x64: {  	_ =	shalt  }
0x65: {  	_ =	shalt  }
0x66: {  	_ =	shalt  }
0x67: {  	_ =	shalt  }
0x68: {  	_ =	shalt  }
0x69: {  	_ =	shalt  }
0x6a: {  	_ =	shalt  }
0x6b: {  	_ =	shalt  }
0x6c: {  	_ =	shalt  }
0x6d: {  	_ =	shalt  }
0x6e: {  	_ =	shalt  }
0x6f: {  	_ =	shalt  }
0x70: {  	_ =	shalt  }
0x71: {  	_ =	shalt  }
0x72: {  	_ =	shalt  }
0x73: {  	_ =	shalt  }
0x74: {  	_ =	shalt  }
0x75: {  	_ =	shalt  }
0x76: {  	_ =	shalt  }
0x77: {  	_ =	shalt  }
0x78: {  	_ =	shalt  }
0x79: {  	_ =	shalt  }
0x7a: {  	_ =	shalt  }
0x7b: {  	_ =	shalt  }
0x7c: {  	_ =	shalt  }
0x7d: {  	_ =	shalt  }
0x7e: {  	_ =	shalt  }
0x7f: {  	_ =	shalt  }
0x80: {  	_ =	shalt  }
0x81: {  	_ =	shalt  }
0x82: {  	_ =	shalt  }
0x83: {  	_ =	shalt  }
0x84: {  	_ =	shalt  }
0x85: {  	_ =	shalt  }
0x86: {  	_ =	shalt  }
0x87: {  	_ =	shalt  }
.Lfunc_end0:
.L_simem_size_0:
called_computation.1_lowered:
.L_overlay_start_0:
0x88: {  	s2 =	sld [smem:$0x3FD9]  }
0x89: {  	s3 =	sld [smem:$0x3FFE];
	_ =	sdelay $0x1  }
0x8a: {  	s1 =	srdreg.scid  }
0x8b: {  	s0 =	sand.u32 $0x1, s1  }
0x8c: {  	s16 =	sshll.u32 s0, $0xA;
	s2 =	sadd.s32 s3, s2  }
0x8d: {  	s2 =	sadd.s32 s2, s16  }
0x8e: {  	[smem:$0x3FC0] =	sst s2  }
0x8f: {  	_ = 	snop  }
0x90: {  	(tm) =	ssettm $0x1  }
0x91: {  	s17 =	sld [smem:$0x3FFB];
	_ =	sdelay $0x3  }
0x92: {  	_ =	strace s17  }
0x93: {  	s2 =	sld [smem:$0x3FFC];
	_ =	sdelay $0x3  }
0x94: {  	_ =	strace s2  }
0x95: {  	s2 =	sld [smem:$0x3FFD];
	_ =	sdelay $0x3  }
0x96: {  	_ =	strace s2  }
0x97: {  	_ =	strace $0x8FFFFFFF  }
0x98: {  	s18 =	sld [smem:$0x3FDB];
	_ =	sdelay $0x1  }
0x99: {  	s19 =	simm.s32 $_scs_section_size  }
0x9a: {  	s4 =	simm.s32 $_size__tile_overlayer_lowered;
	s5 =	simm.s32 $_tile_overlayer_lowered  }
0x9b: {  	s22 =	simm.s32 $0x1BFF;
	s21 =	sshll.u32 s5, $0x1;
	s2 =	sadd.s32 s19, s18  }
0x9c: {  	s6 =	simm.s32 $0x0;
	s20 =	sshll.u32 s4, $0x1;
	s4 =	sadd.s32 s21, s2  }
0x9d: {  	[timem:s6], [sflag:s22] =	dma.local [hbm:s4], s20  }
0x9e: {  	_ =	swait.ge [sflag:s22], s20  }
0x9f: {  	s3 =	ssub.s32 $0x0, s20;
	[sflag:s22] =	ssyncset.done $0x0  }
0xa0: {  	[sflag:s22] =	ssyncadd.s32 s3;
	_ =	sdelay $0x1  }
0xa1: {  	s23 =	simm.s32 $0x1B8B  }
0xa2: {  	_ =	swait.ge [sflag:s23], $0x1  }
0xa3: {  	[sflag:s23] =	ssyncset.done $0x0  }
0xa4: {  	s25 =	simm.s32 $0x1B8E;
	s24 =	sld [smem:$0x3FFE];
	[sflag:s23] =	ssyncadd.s32 $0xFFFFFFFF  }
0xa5: {  	s26 =	simm.s32 $execute0_lowered;
	[smem:$0x3FD2] =	sst s25  }
0xa6: {  	s4 =	sshll.u32 s26, $0x1;
	_ =	strace $0x80000049;
	[dreg:$0x1] =	wrdreg $0xFFFFFFFF  }
0xa7: {  	s28 =	simm.s32 $_size_execute0_lowered;
	s2 =	sadd.s32 s2, s4;
	[dreg:$0x0] =	wrdreg $0x0  }
0xa8: {  	s4 =	sshll.u32 s28, $0x1;
	[dreg:$0x2] =	wrdreg s2  }
0xa9: {  	[dreg:$0x3] =	wrdreg s4  }
0xaa: {  	[dreg:$0x4] =	wrdreg $0xC0  }
0xab: {  	_ =	task [dreg:s6], $0x5FFFF  }
0xac: {  	[dreg:$0x1] =	wrdreg $0xFFFFFFFF  }
0xad: {  	[dreg:$0x0] =	wrdreg $0x60  }
0xae: {  	[dreg:$0x2] =	wrdreg s24  }
0xaf: {  	[dreg:$0x3] =	wrdreg $0x0  }
0xb0: {  	[dreg:$0x4] =	wrdreg $0x9  }
0xb1: {  	_ =	task.clear_ibuf [dreg:s6], $0x5FFFF;
	_ =	strace $0x90000049  }
0xb2: {  	s29 =	simm.s32 $0x9;
	_ =	strace $0x8000004B  }
0xb3: {  	_ =	swait.ge [sflag:s29], $0x1  }
0xb4: {  	[sflag:s29] =	ssyncadd.s32 $0xFFFFFFFF  }
0xb5: {  	_ =	strace $0x9000004B  }
0xb6: {  	_ =	sfence  }
0xb7: {  	s30 =	sld [smem:$0x0];
	_ =	sdelay $0x2  }
0xb8: {  	s31 =	sshll.u32 s1, $0xD;
	s1 =	sshrl.u32 s1, $0x2  }
0xb9: {  	s3 =	sand.u32 $0x4000, s31;
	s1 =	sadd.s32 s1, s30  }
0xba: {  	s0 =	sor.u32 s3, s0;
	s1 =	sshll.u32 s1, $0x11  }
0xbb: {  	s0 =	sor.u32 s1, s0  }
0xbc: {  	s0 =	sadd.s32 $0x8F2B, s0  }
0xbd: {  	[sflag:s0] =	ssyncadd.remote.s32 $0x1  }
0xbe: {  	_ =	sfence.sel $0xFFFF  }
0xbf: {  	[dreg:$0x0] =	wrdreg $0xFFFFFFFF;
	(pc) =	sbr.abs _section_cstart, $3  }
0xc0: {  	[dreg:$0x1] =	wrdreg $0xFFFFFFFF  }
0xc1: {  	_ =	task.clear_ibuf [dreg:s6], $0x2FFFF;
	_ =	strace $0x9FFFFFFF  }
0xc2: {  	(tm) =	ssettm $0x7FFFFFFF  }
0xc3: {  	_ =	shalt  }
tec
execute0_lowered:
.L_overlay_start_1:
0x0: {  	(tag) =	ssettag $0x1  }
0x1: {  	s0 =	rddreg [dreg:$0x0]  }
0x2: {  	s1 =	rddreg [dreg:$0x1]  }
0x3: {  	s14 =	simm.s32 $0x0;
	s3 =	stileid.u32;
	s8 =	srdreg.scid  }
0x4: {  	s28 =	simm.s32 $0x7;
	s29 =	simm.s32 $0x8;
	s30 =	simm.s32 $0x9  }
0x5: {  	s31 =	simm.s32 $0xA;
	[smem:$0x7FF] =	sst s14;
	s4 =	sadd.s32 $0x80000, s0  }
0x6: {  	s5 =	sadd.s32 $0x4F200, s0;
	s2 =	smul.u32 $0x18800, s3;
	s6 =	sadd.s32 $0x1B800, s0  }
0x7: {  	s7 =	sadd.s32 $0x34800, s0;
	s8 =	sand.u32 $0x1, s8;
	s11 =	smul.u32 $0x62800, s3  }
0x8: {  	s12 =	sadd.s32 $0x3000, s0;
	s21 =	sshll.u32 s3, $0x6;
	s22 =	sadd.s32 $0x16F800, s1  }
0x9: {  	s23 =	sadd.s32 $0xDED00, s0;
	_ =	strace $0x8000004A;
	[dreg:$0x4] =	wrdreg s12  }
0xa: {  	p1 =	seq.s32 s3, $0xF;
	s10 =	ssub.s32 $0x2, s8;
	[dreg:$0x8] =	wrdreg s22  }
0xb: {  	[dreg:$0x9] =	wrdreg s23;
	p0 =	sne.s32 s8, $0x0;
	s23 =	simm.s32 $0x18A80  }
0xc: {  	s9 =	sshrl.u32 s2, $0x3;
	s19 =	sshrl.u32 s10, $0x1;
	s20 =	sshrl.u32 s11, $0x2  }
0xd: {  	s11 =	sor.u32 $0x1C0D, s21;
	s2 =	sadd.s32 s2, s1;
	s21 =	simm.s32 $0x80  }
0xe: {  	s9 =	sadd.s32 s9, s0;
	s12 =	ssub.s32 s10, s19;
	[dreg:$0x7] =	wrdreg s2  }
0xf: {  	s13 =	sadd.s32 s20, s1;
	s0 =	sadd.s32 $0x10FB00, s0;
	[dreg:$0x5] =	wrdreg s11  }
0x10: {  	s10 =	smul.u32 $0xC800, s3;
	s15 =	sadd.s32 $0xB0E00, s9;
	[dreg:$0xb] =	wrdreg s0  }
.Ltmp0:
0x11: {  	s24 =	sadd.s32 $0xE1C00, s9;
	[dreg:$0x6] =	wrdreg s15;
	(pc) =	sbr.rel .LBB2_1-.Ltmp0, $4  }
0x12: {  	s19 =	simm.s32 $0xD;
	s25 =	smax.u32 s12, $0x1;
	[dreg:$0xa] =	wrdreg s24  }
0x13: {  	s20 =	simm.s32 $0x18A00;
	s26 =	sshrl.u32 s13, $0x3;
	[dreg:$0xc] =	wrdreg s25  }
0x14: {  	s2 =	simm.s32 $0xC;
	s0 =	simm.s32 $0xB;
	[dreg:$0xd] =	wrdreg s26  }
0x15: {  	s24 =	simm.s32 $0x1AA00;
	s25 =	simm.s32 $0x18B00;
	s26 =	simm.s32 $0x1BA00  }
.LBB2_10:
0x16: {  	s14 =	sadd.s32 $0x1, s14;
	s3 =	rddreg [dreg:$0xc]  }
0x17: {  	p2 =	sne.s32 s14, s3  }
.Ltmp1:
0x18: {  	_ = 	snop;
	(pc) =	sbr.rel @!p2 .LBB2_11-.Ltmp1, $1  }
0x19: {  	_ =	sdelay $0x3  }
.LBB2_1:
0x1a: {  	[dreg:$0x3] =	wrdreg s14  }
0x1b: {  	s3 =	rddreg [dreg:$0x4]  }
0x1c: {  	s8 =	rddreg [dreg:$0xd]  }
0x1d: {  	[spmem:s8], [sflag:s11] =	dma.local [hbm:s3], $0x3140  }
0x1e: {  	_ =	swait.ge [sflag:s19], $0x3140  }
0x1f: {  	[sflag:s19] =	ssyncset.done $0x0  }
0x20: {  	[sflag:s19] =	ssyncadd.s32 $0xFFFFCEC0  }
0x21: {  	[bflag:$0x0] =	sbarrier.arrive $0xFFFF  }
0x22: {  	s3 =	rddreg [dreg:$0x8]  }
.Ltmp2:
0x23: {  	s3 =	sshrl.u32 @p1 s3, $0x3;
	(pc) =	sbr.rel @p0 .LBB2_6-.Ltmp2, $4  }
0x24: {  	[dreg:$0xf] =	wrdreg s3  }
0x25: {  	s3 =	rddreg [dreg:$0x7]  }
0x26: {  	s3 =	sshrl.u32 @!p1 s3, $0x3  }
0x27: {  	s15 =	simm.s32 $0x0;
	s16 =	simm.s32 $0x0;
	[dreg:$0xe] =	wrdreg s3  }
.LBB2_2:
0x28: {  	s8 =	sshll.u32 s15, $0xB  }
0x29: {  	s8 =	sadd.s32 s10, s8  }
0x2a: {  	s8 =	sshrl.u32 s8, $0x3  }
0x2b: {  	s11 =	simm.s32 $0x0;
	s9 =	sadd.s32 s6, s8  }
0x2c: {  	[tilespmem:s20], [sflag:$0xD] =	stream.linear.gather [hbm4b:s9+s11], $0x800, $0x38;
	[tilespmem:$0x1FA00] =	vst v63  }
0x2d: {  	_ =	swait.ge [sflag:s19], $0x800  }
0x2e: {  	[sflag:s19] =	ssyncset.done $0x0  }
0x2f: {  	s13 =	simm.s32 $0x19200;
	s8 =	sadd.s32 s7, s8;
	[sflag:s19] =	ssyncadd.s32 $0xFFFFF800  }
0x30: {  	[tilespmem:s13], [sflag:$0xD] =	stream.linear.gather [hbm4b:s8+s11], $0x800, $0x38;
	[tilespmem:$0x1FA00] =	vst v63  }
0x31: {  	p2 =	por $0x0, $0x0;
	s22 =	smul.u32 $0xAB, s11;
	s8 =	simm.s32 $0x3  }
0x32: {  	_ =	swait.ge [sflag:s19], $0x800;
	s8 =	smul.u32 @!p2 $0xAB, s8  }
0x33: {  	s3 =	simm.s32 $0x19A00;
	s9 =	sshrl.u32 s22, $0xA;
	[sflag:s19] =	ssyncset.done $0x0  }
0x34: {  	s9 =	sand.u32 $0x3F, s9;
	[sflag:s19] =	ssyncadd.s32 $0xFFFFF800;
	s8 =	sshrl.u32 @!p2 s8, $0xA  }
0x35: {  	[tilespmem:s3], [sflag:$0x1] =	stream.indirect.gather [hbm4b:s4+s21], $0x20, s20, s21, $0xb8;
	[tilespmem:$0x1FA00] =	vst v63  }
0x36: {  	s9 =	smul.u32 $0x6, s9;
	s11 =	sand.u32 @!p2 $0x3F, s8  }
0x37: {  	s14 =	simm.s32 $0x18B80;
	s17 =	simm.s32 $0x2;
	s11 =	smul.u32 @!p2 $0x6, s11  }
0x38: {  	[tilespmem:s24], [sflag:$0x2] =	stream.indirect.gather [hbm4b:s4+s21], $0x20, s23, s21, $0xb8;
	[tilespmem:$0x1FA00] =	vst v63  }
0x39: {  	p3 =	por @!p2 $0x1, $0x1;
	s9 =	ssub.s32 $0x0, s9;
	s11 =	ssub.s32 @!p2 $0x3, s11  }
0x3a: {  	[tilespmem:s26], [sflag:$0x3] =	stream.indirect.gather [hbm4b:s4+s21], $0x20, s25, s21, $0xb8;
	[tilespmem:$0x1FA00] =	vst v63  }
0x3b: {  	p3 =	por p3, p2;
	s9 =	sand.u32 $0xFF, s9;
	s11 =	sand.u32 @!p2 $0xFF, s11  }
0x3c: {  	s16 =	simm.s32 $0x18C00;
	s22 =	sadd.s32 $0x1, s9;
	s18 =	sadd.s32 @!p3 $0x7, s11  }
0x3d: {  	s8 =	simm.s32 $0x1;
	s12 =	sshll.u32 @!p2 s11, $0xC;
	_ =	swait.ge @!p3 [sflag:s18], $0x1000  }
0x3e: {  	s11 =	sadd.s32 @!p2 $0x1, s11;
	s3 =	sadd.s32 @!p2 $0x19A00, s12;
	[sflag:s18] =	ssyncset.done @!p3 $0x0  }
0x3f: {  	s12 =	simm.s32 $0x19280;
	[sflag:s18] =	ssyncadd.s32 @!p3 $0xFFFFF000;
	s18 =	simm.s32 @!p2 $0x80  }
0x40: {  	[tilespmem:s3], [sflag:s11] =	stream.indirect.gather @!p2 [hbm4b:s4+s18], $0x20, s14, s18, $0xb8;
	[tilespmem:$0x1FA00] =	vst v63  }
0x41: {  	s3 =	sshll.u32 s9, $0xC;
	s11 =	sadd.s32 $0x7, s9;
	_ =	swait.ge [sflag:s22], $0x1000  }
0x42: {  	s18 =	simm.s32 $0x4;
	p2 =	por $0x0, $0x0;
	[sflag:s22] =	ssyncset.done $0x0  }
0x43: {  	s14 =	smul.u32 @!p2 $0xAB, s18;
	s9 =	sadd.s32 $0x19A00, s3;
	[sflag:s22] =	ssyncadd.s32 $0xFFFFF000  }
.LBB2_3:
0x44: {  	[spmem:s1] =	stream.indirect.scatter.add.f32 [tilespmem:s9], [sflag:s11], $0x20, s13, s21, $0xb8;
	[tilespmem:$0x1FA00] =	vst v63  }
0x45: {  	s3 =	smov.u32 s8;
	s8 =	smov.u32 s17  }
0x46: {  	s9 =	smov.u32 s16;
	s17 =	sadd.s32 $0x1, s17;
	s11 =	sshrl.u32 @!p2 s14, $0xA  }
0x47: {  	s13 =	smov.u32 s12;
	s14 =	smul.u32 $0xAB, s3;
	s11 =	sand.u32 @!p2 $0x3F, s11  }
0x48: {  	p3 =	sne.s32 s17, $0x10;
	s11 =	smul.u32 @!p2 $0x6, s11  }
0x49: {  	s16 =	sadd.s32 $0x80, s16;
	s14 =	sshrl.u32 s14, $0xA  }
0x4a: {  	p4 =	slt.u32 @!p2 s3, $0x3;
	s14 =	sand.u32 $0x3F, s14;
	s11 =	ssub.s32 @!p2 s18, s11  }
0x4b: {  	p4 =	por p4, p2;
	s14 =	smul.u32 $0x6, s14;
	s11 =	sand.u32 @!p2 $0xFF, s11  }
0x4c: {  	s18 =	sadd.s32 @!p4 $0x7, s11  }
0x4d: {  	s22 =	sshll.u32 @!p2 s11, $0xC;
	s11 =	sadd.s32 @!p2 $0x1, s11;
	s3 =	ssub.s32 s3, s14  }
0x4e: {  	_ =	swait.ge @!p4 [sflag:s18], $0x1000;
	s14 =	sadd.s32 @!p2 $0x19A00, s22;
	s3 =	sand.u32 $0xFF, s3  }
0x4f: {  	s12 =	sadd.s32 $0x80, s12;
	[sflag:s18] =	ssyncset.done @!p4 $0x0;
	s22 =	sadd.s32 $0x1, s3  }
.Ltmp3:
0x50: {  	[sflag:s18] =	ssyncadd.s32 @!p4 $0xFFFFF000;
	s18 =	simm.s32 @!p2 $0x80;
	(pc) =	sbr.rel @p3 .LBB2_3-.Ltmp3, $4  }
0x51: {  	[tilespmem:s14], [sflag:s11] =	stream.indirect.gather @!p2 [hbm4b:s4+s18], $0x20, s9, s18, $0xb8;
	[tilespmem:$0x1FA00] =	vst v63  }
0x52: {  	s9 =	sshll.u32 s3, $0xC;
	s11 =	sadd.s32 $0x7, s3;
	_ =	swait.ge [sflag:s22], $0x1000  }
0x53: {  	s18 =	sadd.s32 $0x3, s8;
	p2 =	sgt.u32 s8, $0xC;
	[sflag:s22] =	ssyncset.done $0x0  }
0x54: {  	s14 =	smul.u32 @!p2 $0xAB, s18;
	s9 =	sadd.s32 $0x19A00, s9;
	[sflag:s22] =	ssyncadd.s32 $0xFFFFF000  }
0x55: {  	[spmem:s1] =	stream.indirect.scatter.add.f32 [tilespmem:s9], [sflag:s11], $0x20, s13, s21, $0xb8;
	[tilespmem:$0x1FA00] =	vst v63  }
0x56: {  	s3 =	sshrl.u32 @!p2 s14, $0xA  }
0x57: {  	s14 =	smul.u32 $0xAB, s8;
	s3 =	sand.u32 @!p2 $0x3F, s3  }
0x58: {  	s3 =	smul.u32 @!p2 $0x6, s3  }
0x59: {  	s9 =	sshrl.u32 s14, $0xA  }
0x5a: {  	p3 =	slt.u32 @!p2 s8, $0x3;
	s9 =	sand.u32 $0x3F, s9;
	s3 =	ssub.s32 @!p2 s18, s3  }
0x5b: {  	p3 =	por p3, p2;
	s9 =	smul.u32 $0x6, s9;
	s3 =	sand.u32 @!p2 $0xFF, s3  }
0x5c: {  	s11 =	sadd.s32 @!p3 $0x7, s3;
	s13 =	sshll.u32 @!p2 s3, $0xC  }
0x5d: {  	s3 =	sadd.s32 @!p2 $0x1, s3;
	s17 =	ssub.s32 s8, s9;
	_ =	swait.ge @!p3 [sflag:s11], $0x1000  }
0x5e: {  	s9 =	sadd.s32 @!p2 $0x19A00, s13;
	s8 =	sand.u32 $0xFF, s17;
	[sflag:s11] =	ssyncset.done @!p3 $0x0  }
0x5f: {  	s18 =	sadd.s32 $0x1, s8;
	[sflag:s11] =	ssyncadd.s32 @!p3 $0xFFFFF000;
	s11 =	simm.s32 @!p2 $0x80  }
0x60: {  	[tilespmem:s9], [sflag:s3] =	stream.indirect.gather @!p2 [hbm4b:s4+s11], $0x20, s16, s11, $0xb8;
	[tilespmem:$0x1FA00] =	vst v63  }
0x61: {  	_ =	swait.ge [sflag:s18], $0x1000  }
0x62: {  	s22 =	sshll.u32 s8, $0xC;
	[sflag:s18] =	ssyncset.done $0x0  }
0x63: {  	s8 =	sadd.s32 $0x7, s8;
	s3 =	sadd.s32 $0x19A00, s22;
	[sflag:s18] =	ssyncadd.s32 $0xFFFFF000  }
0x64: {  	[spmem:s1] =	stream.indirect.scatter.add.f32 [tilespmem:s3], [sflag:s8], $0x20, s12, s21, $0xb8;
	[tilespmem:$0x1FA00] =	vst v63  }
0x65: {  	_ =	swait.ge [sflag:s28], $0x1000  }
0x66: {  	[sflag:s28] =	ssyncset.done $0x0  }
0x67: {  	[sflag:s28] =	ssyncadd.s32 $0xFFFFF000  }
0x68: {  	_ =	swait.ge [sflag:s29], $0x1000  }
0x69: {  	[sflag:s29] =	ssyncset.done $0x0  }
0x6a: {  	[sflag:s29] =	ssyncadd.s32 $0xFFFFF000  }
0x6b: {  	_ =	swait.ge [sflag:s30], $0x1000  }
0x6c: {  	[sflag:s30] =	ssyncset.done $0x0  }
0x6d: {  	[sflag:s30] =	ssyncadd.s32 $0xFFFFF000  }
0x6e: {  	_ =	swait.ge [sflag:s31], $0x1000  }
0x6f: {  	[sflag:s31] =	ssyncset.done $0x0  }
0x70: {  	s15 =	sadd.s32 $0x1, s15;
	[sflag:s31] =	ssyncadd.s32 $0xFFFFF000  }
0x71: {  	p2 =	sne.s32 s15, $0x19;
	_ =	swait.ge [sflag:s0], $0x1000  }
.Ltmp4:
0x72: {  	[sflag:s0] =	ssyncset.done $0x0;
	(pc) =	sbr.rel @p2 .LBB2_2-.Ltmp4, $4  }
0x73: {  	[sflag:s0] =	ssyncadd.s32 $0xFFFFF000  }
0x74: {  	_ =	swait.ge [sflag:s2], $0x1000  }
0x75: {  	[sflag:s2] =	ssyncset.done $0x0  }
0x76: {  	[sflag:s2] =	ssyncadd.s32 $0xFFFFF000  }
0x77: {  	[bflag:$0x0] =	sbarrier.arrive $0xFFFF  }
0x78: {  	s11 =	rddreg [dreg:$0x5]  }
0x79: {  	s3 =	rddreg [dreg:$0xb]  }
0x7a: {  	s8 =	rddreg [dreg:$0xf]  }
0x7b: {  	[hbm:s3], [sflag:s11] =	dma.local @p1 [spmem:s8], $0x2E40  }
0x7c: {  	s3 =	simm.s32 @p1 $0xD  }
0x7d: {  	_ =	swait.ge @p1 [sflag:s3], $0x2E40  }
0x7e: {  	[sflag:s3] =	ssyncset.done @p1 $0x0;
	s8 =	rddreg [dreg:$0xe]  }
0x7f: {  	[sflag:s3] =	ssyncadd.s32 @p1 $0xFFFFD1C0;
	s3 =	rddreg [dreg:$0xa]  }
0x80: {  	[hbm:s3], [sflag:s11] =	dma.local @!p1 [spmem:s8], $0x3100  }
.Ltmp5:
0x81: {  	_ = 	snop;
	(pc) =	sbr.rel .LBB2_10-.Ltmp5, $4  }
0x82: {  	s3 =	simm.s32 @!p1 $0xD  }
0x83: {  	_ =	swait.ge @!p1 [sflag:s3], $0x3100  }
0x84: {  	[sflag:s3] =	ssyncset.done @!p1 $0x0  }
0x85: {  	s14 =	rddreg [dreg:$0x3];
	[sflag:s3] =	ssyncadd.s32 @!p1 $0xFFFFCF00  }
.LBB2_6:
0x86: {  	s3 =	sshll.u32 s16, $0xB  }
0x87: {  	s3 =	sadd.s32 s10, s3  }
0x88: {  	s3 =	sshrl.u32 s3, $0x3  }
0x89: {  	s9 =	simm.s32 $0x0;
	s8 =	sadd.s32 s6, s3  }
0x8a: {  	[tilespmem:s20], [sflag:$0xD] =	stream.linear.gather [hbm4b:s8+s9], $0x800, $0x38;
	[tilespmem:$0x1FA00] =	vst v63  }
0x8b: {  	_ =	swait.ge [sflag:s19], $0x800  }
0x8c: {  	[sflag:s19] =	ssyncset.done $0x0  }
0x8d: {  	s13 =	simm.s32 $0x19200;
	s3 =	sadd.s32 s7, s3;
	[sflag:s19] =	ssyncadd.s32 $0xFFFFF800  }
0x8e: {  	[tilespmem:s13], [sflag:$0xD] =	stream.linear.gather [hbm4b:s3+s9], $0x800, $0x38;
	[tilespmem:$0x1FA00] =	vst v63  }
0x8f: {  	p2 =	por $0x0, $0x0;
	s3 =	simm.s32 $0x3  }
0x90: {  	_ =	swait.ge [sflag:s19], $0x800;
	s3 =	smul.u32 @!p2 $0xAB, s3  }
0x91: {  	s22 =	simm.s32 $0x19A00;
	s11 =	simm.s32 $0x18B80;
	[sflag:s19] =	ssyncset.done $0x0  }
0x92: {  	s9 =	smul.u32 $0xAB, s9;
	[sflag:s19] =	ssyncadd.s32 $0xFFFFF800;
	s3 =	sshrl.u32 @!p2 s3, $0xA  }
0x93: {  	[tilespmem:s22], [sflag:$0x1] =	stream.indirect.gather [hbm4b:s5+s21], $0x20, s20, s21, $0xb8;
	[tilespmem:$0x1FA00] =	vst v63  }
0x94: {  	s17 =	simm.s32 $0x2;
	s9 =	sshrl.u32 s9, $0xA;
	s3 =	sand.u32 @!p2 $0x3F, s3  }
0x95: {  	s15 =	simm.s32 $0x18C00;
	s9 =	sand.u32 $0x3F, s9;
	s3 =	smul.u32 @!p2 $0x6, s3  }
0x96: {  	[tilespmem:s24], [sflag:$0x2] =	stream.indirect.gather [hbm4b:s5+s21], $0x20, s23, s21, $0xb8;
	[tilespmem:$0x1FA00] =	vst v63  }
0x97: {  	p3 =	por @!p2 $0x1, $0x1;
	s9 =	smul.u32 $0x6, s9;
	s3 =	ssub.s32 @!p2 $0x3, s3  }
0x98: {  	[tilespmem:s26], [sflag:$0x3] =	stream.indirect.gather [hbm4b:s5+s21], $0x20, s25, s21, $0xb8;
	[tilespmem:$0x1FA00] =	vst v63  }
0x99: {  	p3 =	por p3, p2;
	s9 =	ssub.s32 $0x0, s9;
	s3 =	sand.u32 @!p2 $0xFF, s3  }
0x9a: {  	s8 =	simm.s32 $0x1;
	s9 =	sand.u32 $0xFF, s9;
	s14 =	sadd.s32 @!p3 $0x7, s3  }
0x9b: {  	s22 =	sadd.s32 $0x1, s9;
	s12 =	sshll.u32 @!p2 s3, $0xC;
	_ =	swait.ge @!p3 [sflag:s14], $0x1000  }
0x9c: {  	s3 =	sadd.s32 @!p2 $0x1, s3;
	s18 =	sadd.s32 @!p2 $0x19A00, s12;
	[sflag:s14] =	ssyncset.done @!p3 $0x0  }
0x9d: {  	s12 =	simm.s32 $0x19280;
	[sflag:s14] =	ssyncadd.s32 @!p3 $0xFFFFF000;
	s14 =	simm.s32 @!p2 $0x80  }
0x9e: {  	[tilespmem:s18], [sflag:s3] =	stream.indirect.gather @!p2 [hbm4b:s5+s14], $0x20, s11, s14, $0xb8;
	[tilespmem:$0x1FA00] =	vst v63  }
0x9f: {  	s3 =	sshll.u32 s9, $0xC;
	s11 =	sadd.s32 $0x7, s9;
	_ =	swait.ge [sflag:s22], $0x1000  }
0xa0: {  	s18 =	simm.s32 $0x4;
	p2 =	por $0x0, $0x0;
	[sflag:s22] =	ssyncset.done $0x0  }
0xa1: {  	s14 =	smul.u32 @!p2 $0xAB, s18;
	s9 =	sadd.s32 $0x19A00, s3;
	[sflag:s22] =	ssyncadd.s32 $0xFFFFF000  }
.LBB2_7:
0xa2: {  	[spmem:s1] =	stream.indirect.scatter.add.f32 [tilespmem:s9], [sflag:s11], $0x20, s13, s21, $0xb8;
	[tilespmem:$0x1FA00] =	vst v63  }
0xa3: {  	s3 =	smov.u32 s8;
	s8 =	smov.u32 s17  }
0xa4: {  	s9 =	smov.u32 s15;
	s17 =	sadd.s32 $0x1, s17;
	s11 =	sshrl.u32 @!p2 s14, $0xA  }
0xa5: {  	s13 =	smov.u32 s12;
	s14 =	smul.u32 $0xAB, s3;
	s11 =	sand.u32 @!p2 $0x3F, s11  }
0xa6: {  	p3 =	sne.s32 s17, $0x10;
	s11 =	smul.u32 @!p2 $0x6, s11  }
0xa7: {  	s15 =	sadd.s32 $0x80, s15;
	s14 =	sshrl.u32 s14, $0xA  }
0xa8: {  	p4 =	slt.u32 @!p2 s3, $0x3;
	s14 =	sand.u32 $0x3F, s14;
	s11 =	ssub.s32 @!p2 s18, s11  }
0xa9: {  	p4 =	por p4, p2;
	s14 =	smul.u32 $0x6, s14;
	s11 =	sand.u32 @!p2 $0xFF, s11  }
0xaa: {  	s18 =	sadd.s32 @!p4 $0x7, s11  }
0xab: {  	s22 =	sshll.u32 @!p2 s11, $0xC;
	s11 =	sadd.s32 @!p2 $0x1, s11;
	s3 =	ssub.s32 s3, s14  }
0xac: {  	_ =	swait.ge @!p4 [sflag:s18], $0x1000;
	s14 =	sadd.s32 @!p2 $0x19A00, s22;
	s3 =	sand.u32 $0xFF, s3  }
0xad: {  	s12 =	sadd.s32 $0x80, s12;
	[sflag:s18] =	ssyncset.done @!p4 $0x0;
	s22 =	sadd.s32 $0x1, s3  }
.Ltmp6:
0xae: {  	[sflag:s18] =	ssyncadd.s32 @!p4 $0xFFFFF000;
	s18 =	simm.s32 @!p2 $0x80;
	(pc) =	sbr.rel @p3 .LBB2_7-.Ltmp6, $4  }
0xaf: {  	[tilespmem:s14], [sflag:s11] =	stream.indirect.gather @!p2 [hbm4b:s5+s18], $0x20, s9, s18, $0xb8;
	[tilespmem:$0x1FA00] =	vst v63  }
0xb0: {  	s9 =	sshll.u32 s3, $0xC;
	s11 =	sadd.s32 $0x7, s3;
	_ =	swait.ge [sflag:s22], $0x1000  }
0xb1: {  	s18 =	sadd.s32 $0x3, s8;
	p2 =	sgt.u32 s8, $0xC;
	[sflag:s22] =	ssyncset.done $0x0  }
0xb2: {  	s14 =	smul.u32 @!p2 $0xAB, s18;
	s9 =	sadd.s32 $0x19A00, s9;
	[sflag:s22] =	ssyncadd.s32 $0xFFFFF000  }
0xb3: {  	[spmem:s1] =	stream.indirect.scatter.add.f32 [tilespmem:s9], [sflag:s11], $0x20, s13, s21, $0xb8;
	[tilespmem:$0x1FA00] =	vst v63  }
0xb4: {  	s3 =	sshrl.u32 @!p2 s14, $0xA  }
0xb5: {  	s14 =	smul.u32 $0xAB, s8;
	s3 =	sand.u32 @!p2 $0x3F, s3  }
0xb6: {  	s3 =	smul.u32 @!p2 $0x6, s3  }
0xb7: {  	s9 =	sshrl.u32 s14, $0xA  }
0xb8: {  	p3 =	slt.u32 @!p2 s8, $0x3;
	s9 =	sand.u32 $0x3F, s9;
	s3 =	ssub.s32 @!p2 s18, s3  }
0xb9: {  	p3 =	por p3, p2;
	s9 =	smul.u32 $0x6, s9;
	s3 =	sand.u32 @!p2 $0xFF, s3  }
0xba: {  	s11 =	sadd.s32 @!p3 $0x7, s3;
	s13 =	sshll.u32 @!p2 s3, $0xC  }
0xbb: {  	s3 =	sadd.s32 @!p2 $0x1, s3;
	s17 =	ssub.s32 s8, s9;
	_ =	swait.ge @!p3 [sflag:s11], $0x1000  }
0xbc: {  	s9 =	sadd.s32 @!p2 $0x19A00, s13;
	s8 =	sand.u32 $0xFF, s17;
	[sflag:s11] =	ssyncset.done @!p3 $0x0  }
0xbd: {  	s18 =	sadd.s32 $0x1, s8;
	[sflag:s11] =	ssyncadd.s32 @!p3 $0xFFFFF000;
	s11 =	simm.s32 @!p2 $0x80  }
0xbe: {  	[tilespmem:s9], [sflag:s3] =	stream.indirect.gather @!p2 [hbm4b:s5+s11], $0x20, s15, s11, $0xb8;
	[tilespmem:$0x1FA00] =	vst v63  }
0xbf: {  	_ =	swait.ge [sflag:s18], $0x1000  }
0xc0: {  	s22 =	sshll.u32 s8, $0xC;
	[sflag:s18] =	ssyncset.done $0x0  }
0xc1: {  	s8 =	sadd.s32 $0x7, s8;
	s3 =	sadd.s32 $0x19A00, s22;
	[sflag:s18] =	ssyncadd.s32 $0xFFFFF000  }
0xc2: {  	[spmem:s1] =	stream.indirect.scatter.add.f32 [tilespmem:s3], [sflag:s8], $0x20, s12, s21, $0xb8;
	[tilespmem:$0x1FA00] =	vst v63  }
0xc3: {  	_ =	swait.ge [sflag:s28], $0x1000  }
0xc4: {  	[sflag:s28] =	ssyncset.done $0x0  }
0xc5: {  	[sflag:s28] =	ssyncadd.s32 $0xFFFFF000  }
0xc6: {  	_ =	swait.ge [sflag:s29], $0x1000  }
0xc7: {  	[sflag:s29] =	ssyncset.done $0x0  }
0xc8: {  	[sflag:s29] =	ssyncadd.s32 $0xFFFFF000  }
0xc9: {  	_ =	swait.ge [sflag:s30], $0x1000  }
0xca: {  	[sflag:s30] =	ssyncset.done $0x0  }
0xcb: {  	[sflag:s30] =	ssyncadd.s32 $0xFFFFF000  }
0xcc: {  	_ =	swait.ge [sflag:s31], $0x1000  }
0xcd: {  	[sflag:s31] =	ssyncset.done $0x0  }
0xce: {  	s16 =	sadd.s32 $0x1, s16;
	[sflag:s31] =	ssyncadd.s32 $0xFFFFF000  }
0xcf: {  	p2 =	sne.s32 s16, $0x19;
	_ =	swait.ge [sflag:s0], $0x1000  }
.Ltmp7:
0xd0: {  	[sflag:s0] =	ssyncset.done $0x0;
	(pc) =	sbr.rel @p2 .LBB2_6-.Ltmp7, $4  }
0xd1: {  	[sflag:s0] =	ssyncadd.s32 $0xFFFFF000  }
0xd2: {  	_ =	swait.ge [sflag:s2], $0x1000  }
0xd3: {  	[sflag:s2] =	ssyncset.done $0x0  }
0xd4: {  	[sflag:s2] =	ssyncadd.s32 $0xFFFFF000  }
0xd5: {  	[bflag:$0x0] =	sbarrier.arrive $0xFFFF  }
0xd6: {  	s11 =	rddreg [dreg:$0x5]  }
0xd7: {  	s3 =	rddreg [dreg:$0x9]  }
0xd8: {  	s8 =	rddreg [dreg:$0xf]  }
0xd9: {  	[hbm:s3], [sflag:s11] =	dma.local @p1 [spmem:s8], $0x2E40  }
0xda: {  	s3 =	simm.s32 @p1 $0xD  }
0xdb: {  	_ =	swait.ge @p1 [sflag:s3], $0x2E40  }
0xdc: {  	[sflag:s3] =	ssyncset.done @p1 $0x0;
	s8 =	rddreg [dreg:$0xe]  }
0xdd: {  	[sflag:s3] =	ssyncadd.s32 @p1 $0xFFFFD1C0;
	s3 =	rddreg [dreg:$0x6]  }
0xde: {  	[hbm:s3], [sflag:s11] =	dma.local @!p1 [spmem:s8], $0x3100  }
.Ltmp8:
0xdf: {  	_ = 	snop;
	(pc) =	sbr.rel .LBB2_10-.Ltmp8, $4  }
0xe0: {  	s3 =	simm.s32 @!p1 $0xD  }
0xe1: {  	_ =	swait.ge @!p1 [sflag:s3], $0x3100  }
0xe2: {  	[sflag:s3] =	ssyncset.done @!p1 $0x0  }
0xe3: {  	s14 =	rddreg [dreg:$0x3];
	[sflag:s3] =	ssyncadd.s32 @!p1 $0xFFFFCF00  }
.LBB2_11:
0xe4: {  	_ =	sfence.sel $0x180000  }
0xe5: {  	[bflag:$0x0] =	sbarrier.arrive $0xFFFF  }
0xe6: {  	_ =	strace $0x9000004A  }
0xe7: {  	s0 =	stileid.u32;
	[bflag:$0x2] =	sbarrier.arrive $0xFFFF  }
0xe8: {  	p0 =	sne.s32 s0, $0x0;
	s0 =	rddreg [dreg:$0x2]  }
0xe9: {  	s0 =	sadd.s32 @!p0 $0x100000, s0  }
0xea: {  	[sflag:s0] =	ssyncadd.tile.s32 @!p0 $0x1;
	_ =	shalt  }
.Lfunc_end2:
_tile_overlayer_lowered:
.L_overlay_start_2:
0xeb: {  	(tag) =	ssettag $0x2  }
0xec: {  	s0 =	rddreg [dreg:$0x0];
	s2 =	stileid.u32  }
0xed: {  	s1 =	rddreg [dreg:$0x1];
	p0 =	sne.s32 s2, $0x0  }
0xee: {  	s3 =	rddreg [dreg:$0x2];
	[bflag:$0x3] =	sbarrier.arrive $0xFFFF;
	s2 =	simm.s32 @!p0 $0x1C0D  }
0xef: {  	[timem:s3], [sflag:s2] =	dma.local @!p0 [hbm:s0], s1  }
0xf0: {  	s0 =	simm.s32 @!p0 $0xD  }
0xf1: {  	_ =	swait.ge @!p0 [sflag:s0], s1  }
0xf2: {  	s1 =	ssub.s32 @!p0 $0x0, s1;
	[sflag:s0] =	ssyncset.done @!p0 $0x0  }
0xf3: {  	[sflag:s0] =	ssyncadd.s32 @!p0 s1  }
0xf4: {  	[bflag:$0x3] =	sbarrier.arrive $0xFFFF  }
0xf5: {  	_ =	shalt  }

// kernel: kernel.14.cloned.1.call-start
scs
__scs_entry_jumppad:
0x0: {  	(pc) =	sbr.rel $0x88, $3  }
0x1: {  	(tag) =	ssettag $0x0;
	lr =	simm.s32 $0x1  }
0x2: {  	[smem:$0x3F99] =	sst lr;
	_ =	strace $0xD0000000  }
0x3: {  	_ = 	snop  }
0x4: {  	_ = 	snop  }
0x5: {  	_ = 	snop  }
0x6: {  	_ = 	snop  }
0x7: {  	_ = 	snop  }
__scs_overlays_trampoline_lowered:
0x8: {  	[smem:$0x3FA8] =	sst s0  }
0x9: {  	[smem:$0x3FA9] =	sst s1  }
0xa: {  	[smem:$0x3FAA] =	sst s2  }
0xb: {  	[smem:$0x3FAB] =	sst s3  }
0xc: {  	[smem:$0x3FAC] =	sst s4  }
0xd: {  	[smem:$0x3FAD] =	sst s5  }
0xe: {  	[smem:$0x3FAE] =	sst s6  }
0xf: {  	[smem:$0x3FAF] =	sst s7  }
0x10: {  	[smem:$0x3FB0] =	sst s8  }
0x11: {  	[smem:$0x3FB1] =	sst s9;
	s0 =	simm.s32 @!p0 $0x0  }
0x12: {  	s1 =	sld [smem:$0x3F97];
	s0 =	simm.s32 @p0 $0x1  }
0x13: {  	[smem:$0x3FB2] =	sst s0;
	s0 =	simm.s32 @!p1 $0x0  }
0x14: {  	s2 =	sld [smem:$0x3F96];
	s0 =	simm.s32 @p1 $0x1  }
0x15: {  	[smem:$0x3FB3] =	sst s0;
	s0 =	simm.s32 @!p2 $0x0  }
0x16: {  	s3 =	sld [smem:$0x3FDB];
	s0 =	simm.s32 @p2 $0x1  }
0x17: {  	s4 =	simm.s32 $0x1BF5;
	[smem:$0x3FB5] =	sst s0  }
0x18: {  	s0 =	sld [smem:$0x3F98];
	_ =	swait.ge [sflag:s4], $0x0  }
0x19: {  	s7 =	sld [smem:$0x3F99]  }
0x1a: {  	s8 =	sadd.s32 $0xFFFFE003, lr  }
0x1b: {  	s9 =	sadd.s32 $0xFFFFFEF7, lr;
	s5 =	simm.s32 $0xFFFFFFFF;
	p2 =	slt.u32 s8, $0xFFFFF086  }
0x1c: {  	p1 =	slt.u32 s9, $0xF7A;
	s5 =	simm.s32 @!p2 $0x0  }
0x1d: {  	s5 =	simm.s32 @p1 $0x1;
	p0 =	seq.s32 s7, s2  }
0x1e: {  	s7 =	smul.u32 @!p0 $0xF7A, s2;
	p2 =	seq.s32 @!p0 s5, $0x0  }
0x1f: {  	s9 =	smul.u32 $0xF7A, s1;
	s8 =	simm.s32 @!p0 $0x1BF5;
	p2 =	por !p2, p0  }
0x20: {  	[sflag:s8] =	ssyncset.s32 @!p0 $0xFFFFF086;
	s6 =	sadd.s32 @!p0 s3, s7;
	s7 =	simm.s32 @!p0 $0x108  }
0x21: {  	s3 =	sadd.s32 s3, s9;
	s6 =	sadd.s32 @!p0 $0x88, s6;
	s7 =	simm.s32 @p2 $0x1082  }
0x22: {  	[simem:s7], [sflag:s8] =	dma.local @!p0 [hbm:s6], $0xF7A  }
0x23: {  	s9 =	sor.u32 $0xD0000000, s2;
	s6 =	simm.s32 $0x108;
	_ =	swait.ge @!p0 [sflag:s8], $0x0  }
0x24: {  	s3 =	sadd.s32 $0x88, s3;
	s6 =	simm.s32 @!p1 $0x1082;
	[sflag:s4] =	ssyncset.s32 $0xFFFFF086  }
0x25: {  	[simem:s6], [sflag:s4] =	dma.local [hbm:s3], $0xF7A  }
0x26: {  	[smem:$0x3F99] =	sst s1;
	(tag) =	ssettag s2;
	_ =	strace s9  }
0x27: {  	s1 =	sld [smem:$0x3FA9]  }
0x28: {  	s2 =	sld [smem:$0x3FAA]  }
0x29: {  	s4 =	sld [smem:$0x3FAC]  }
0x2a: {  	p0 =	seq.s32 s5, $0x0;
	s5 =	sld [smem:$0x3FAD]  }
0x2b: {  	s6 =	sld [smem:$0x3FAE]  }
0x2c: {  	s7 =	sld [smem:$0x3FAF]  }
0x2d: {  	s3 =	simm.s32 $0x108;
	s8 =	sld [smem:$0x3FB0]  }
0x2e: {  	s3 =	simm.s32 @!p0 $0x1082;
	s9 =	sld [smem:$0x3FB1]  }
0x2f: {  	lr =	sadd.s32 s0, s3;
	s0 =	sld [smem:$0x3FA8]  }
0x30: {  	s3 =	sld [smem:$0x3FAB]  }
0x31: {  	[smem:$0x3FB4] =	sst s10  }
0x32: {  	s10 =	sld [smem:$0x3FB2];
	_ =	sdelay $0x3  }
0x33: {  	p0 =	seq.s32 s10, $0x1;
	s10 =	sld [smem:$0x3FB4];
	_ =	sdelay $0x3  }
0x34: {  	[smem:$0x3FB4] =	sst s10  }
0x35: {  	s10 =	sld [smem:$0x3FB3];
	_ =	sdelay $0x3  }
0x36: {  	p1 =	seq.s32 s10, $0x1;
	s10 =	sld [smem:$0x3FB4];
	_ =	sdelay $0x3  }
0x37: {  	[smem:$0x3FB4] =	sst s10  }
0x38: {  	s10 =	sld [smem:$0x3FB5]  }
0x39: {  	_ = 	snop;
	(pc) =	sbr.ind lr, $3  }
0x3a: {  	_ = 	snop  }
0x3b: {  	_ = 	snop  }
0x3c: {  	p2 =	seq.s32 s10, $0x1;
	s10 =	sld [smem:$0x3FB4]  }
0x3d: {  	_ =	shalt  }
0x3e: {  	_ =	shalt  }
0x3f: {  	_ =	shalt  }
0x40: {  	_ =	shalt  }
0x41: {  	_ =	shalt  }
0x42: {  	_ =	shalt  }
0x43: {  	_ =	shalt  }
0x44: {  	_ =	shalt  }
0x45: {  	_ =	shalt  }
0x46: {  	_ =	shalt  }
0x47: {  	_ =	shalt  }
0x48: {  	_ =	shalt  }
0x49: {  	_ =	shalt  }
0x4a: {  	_ =	shalt  }
0x4b: {  	_ =	shalt  }
0x4c: {  	_ =	shalt  }
0x4d: {  	_ =	shalt  }
0x4e: {  	_ =	shalt  }
0x4f: {  	_ =	shalt  }
0x50: {  	_ =	shalt  }
0x51: {  	_ =	shalt  }
0x52: {  	_ =	shalt  }
0x53: {  	_ =	shalt  }
0x54: {  	_ =	shalt  }
0x55: {  	_ =	shalt  }
0x56: {  	_ =	shalt  }
0x57: {  	_ =	shalt  }
0x58: {  	_ =	shalt  }
0x59: {  	_ =	shalt  }
0x5a: {  	_ =	shalt  }
0x5b: {  	_ =	shalt  }
0x5c: {  	_ =	shalt  }
0x5d: {  	_ =	shalt  }
0x5e: {  	_ =	shalt  }
0x5f: {  	_ =	shalt  }
0x60: {  	_ =	shalt  }
0x61: {  	_ =	shalt  }
0x62: {  	_ =	shalt  }
0x63: {  	_ =	shalt  }
0x64: {  	_ =	shalt  }
0x65: {  	_ =	shalt  }
0x66: {  	_ =	shalt  }
0x67: {  	_ =	shalt  }
0x68: {  	_ =	shalt  }
0x69: {  	_ =	shalt  }
0x6a: {  	_ =	shalt  }
0x6b: {  	_ =	shalt  }
0x6c: {  	_ =	shalt  }
0x6d: {  	_ =	shalt  }
0x6e: {  	_ =	shalt  }
0x6f: {  	_ =	shalt  }
0x70: {  	_ =	shalt  }
0x71: {  	_ =	shalt  }
0x72: {  	_ =	shalt  }
0x73: {  	_ =	shalt  }
0x74: {  	_ =	shalt  }
0x75: {  	_ =	shalt  }
0x76: {  	_ =	shalt  }
0x77: {  	_ =	shalt  }
0x78: {  	_ =	shalt  }
0x79: {  	_ =	shalt  }
0x7a: {  	_ =	shalt  }
0x7b: {  	_ =	shalt  }
0x7c: {  	_ =	shalt  }
0x7d: {  	_ =	shalt  }
0x7e: {  	_ =	shalt  }
0x7f: {  	_ =	shalt  }
0x80: {  	_ =	shalt  }
0x81: {  	_ =	shalt  }
0x82: {  	_ =	shalt  }
0x83: {  	_ =	shalt  }
0x84: {  	_ =	shalt  }
0x85: {  	_ =	shalt  }
0x86: {  	_ =	shalt  }
0x87: {  	_ =	shalt  }
.Lfunc_end0:
.L_simem_size_0:
called_computation.2_lowered:
.L_overlay_start_0:
0x88: {  	s2 =	sld [smem:$0x3FD9]  }
0x89: {  	s3 =	sld [smem:$0x3FFE];
	_ =	sdelay $0x1  }
0x8a: {  	s1 =	srdreg.scid  }
0x8b: {  	s0 =	sand.u32 $0x1, s1  }
0x8c: {  	s16 =	sshll.u32 s0, $0xA;
	s2 =	sadd.s32 s3, s2  }
0x8d: {  	s2 =	sadd.s32 s2, s16  }
0x8e: {  	[smem:$0x3FC0] =	sst s2  }
0x8f: {  	_ = 	snop  }
0x90: {  	(tm) =	ssettm $0x1  }
0x91: {  	s17 =	sld [smem:$0x3FFB];
	_ =	sdelay $0x3  }
0x92: {  	_ =	strace s17  }
0x93: {  	s2 =	sld [smem:$0x3FFC];
	_ =	sdelay $0x3  }
0x94: {  	_ =	strace s2  }
0x95: {  	s2 =	sld [smem:$0x3FFD];
	_ =	sdelay $0x3  }
0x96: {  	_ =	strace s2  }
0x97: {  	_ =	strace $0x8FFFFFFF  }
0x98: {  	s18 =	sld [smem:$0x3FDB];
	_ =	sdelay $0x1  }
0x99: {  	s19 =	simm.s32 $_scs_section_size  }
0x9a: {  	s4 =	simm.s32 $_size__tile_overlayer_lowered;
	s5 =	simm.s32 $_tile_overlayer_lowered  }
0x9b: {  	s22 =	simm.s32 $0x1BFF;
	s21 =	sshll.u32 s5, $0x1;
	s2 =	sadd.s32 s19, s18  }
0x9c: {  	s6 =	simm.s32 $0x0;
	s20 =	sshll.u32 s4, $0x1;
	s4 =	sadd.s32 s21, s2  }
0x9d: {  	[timem:s6], [sflag:s22] =	dma.local [hbm:s4], s20  }
0x9e: {  	_ =	swait.ge [sflag:s22], s20  }
0x9f: {  	s3 =	ssub.s32 $0x0, s20;
	[sflag:s22] =	ssyncset.done $0x0  }
0xa0: {  	[sflag:s22] =	ssyncadd.s32 s3;
	_ =	sdelay $0x1  }
0xa1: {  	s23 =	simm.s32 $0x1B8B  }
0xa2: {  	_ =	swait.ge [sflag:s23], $0x1  }
0xa3: {  	[sflag:s23] =	ssyncset.done $0x0  }
0xa4: {  	s25 =	simm.s32 $0x1B8E;
	s24 =	sld [smem:$0x3FFE];
	[sflag:s23] =	ssyncadd.s32 $0xFFFFFFFF  }
0xa5: {  	s26 =	simm.s32 $execute0_lowered;
	[smem:$0x3FD2] =	sst s25  }
0xa6: {  	s4 =	sshll.u32 s26, $0x1;
	_ =	strace $0x8000004C;
	[dreg:$0x1] =	wrdreg $0xFFFFFFFF  }
0xa7: {  	s28 =	simm.s32 $_size_execute0_lowered;
	s2 =	sadd.s32 s2, s4;
	[dreg:$0x0] =	wrdreg $0x0  }
0xa8: {  	s4 =	sshll.u32 s28, $0x1;
	[dreg:$0x2] =	wrdreg s2  }
0xa9: {  	[dreg:$0x3] =	wrdreg s4  }
0xaa: {  	[dreg:$0x4] =	wrdreg $0xC0  }
0xab: {  	_ =	task [dreg:s6], $0x5FFFF  }
0xac: {  	[dreg:$0x1] =	wrdreg $0xFFFFFFFF  }
0xad: {  	[dreg:$0x0] =	wrdreg $0x60  }
0xae: {  	[dreg:$0x2] =	wrdreg s24  }
0xaf: {  	[dreg:$0x3] =	wrdreg $0x0  }
0xb0: {  	[dreg:$0x4] =	wrdreg $0x9  }
0xb1: {  	_ =	task.clear_ibuf [dreg:s6], $0x5FFFF;
	_ =	strace $0x9000004C  }
0xb2: {  	s29 =	simm.s32 $0x9;
	_ =	strace $0x8000004E  }
0xb3: {  	_ =	swait.ge [sflag:s29], $0x1  }
0xb4: {  	[sflag:s29] =	ssyncadd.s32 $0xFFFFFFFF  }
0xb5: {  	_ =	strace $0x9000004E  }
0xb6: {  	_ =	sfence  }
0xb7: {  	s30 =	sld [smem:$0x0];
	_ =	sdelay $0x2  }
0xb8: {  	s31 =	sshll.u32 s1, $0xD;
	s1 =	sshrl.u32 s1, $0x2  }
0xb9: {  	s3 =	sand.u32 $0x4000, s31;
	s1 =	sadd.s32 s1, s30  }
0xba: {  	s0 =	sor.u32 s3, s0;
	s1 =	sshll.u32 s1, $0x11  }
0xbb: {  	s0 =	sor.u32 s1, s0  }
0xbc: {  	s0 =	sadd.s32 $0x8F2B, s0  }
0xbd: {  	[sflag:s0] =	ssyncadd.remote.s32 $0x1  }
0xbe: {  	_ =	sfence.sel $0xFFFF  }
0xbf: {  	[dreg:$0x0] =	wrdreg $0xFFFFFFFF;
	(pc) =	sbr.abs _section_cstart, $3  }
0xc0: {  	[dreg:$0x1] =	wrdreg $0xFFFFFFFF  }
0xc1: {  	_ =	task.clear_ibuf [dreg:s6], $0x2FFFF;
	_ =	strace $0x9FFFFFFF  }
0xc2: {  	(tm) =	ssettm $0x7FFFFFFF  }
0xc3: {  	_ =	shalt  }
tec
execute0_lowered:
.L_overlay_start_1:
0x0: {  	(tag) =	ssettag $0x1  }
0x1: {  	s0 =	rddreg [dreg:$0x0]  }
0x2: {  	s1 =	rddreg [dreg:$0x1];
	s2 =	simm.s32 $0x0  }
0x3: {  	s10 =	stileid.u32;
	s14 =	srdreg.scid;
	s28 =	simm.s32 $0xA  }
0x4: {  	s30 =	simm.s32 $0xB;
	s31 =	simm.s32 $0xC;
	s12 =	simm.s32 $0xF  }
0x5: {  	[smem:$0x7FF] =	sst s2;
	s4 =	sadd.s32 $0x3000, s0;
	s3 =	smul.u32 $0xC400, s10  }
0x6: {  	s2 =	sand.u32 $0x1, s14;
	s5 =	sadd.s32 $0x1B800, s0;
	s15 =	sadd.s32 $0x34800, s0  }
0x7: {  	s8 =	smul.u32 $0x31400, s10;
	s9 =	sadd.s32 $0x4D800, s0;
	s18 =	sshll.u32 s10, $0x6  }
0x8: {  	s23 =	sadd.s32 $0x66180, s0;
	_ =	strace $0x8000004D;
	[dreg:$0x3] =	wrdreg s5  }
0x9: {  	s24 =	sadd.s32 $0xB7C00, s1;
	s14 =	simm.s32 $0x10;
	[dreg:$0x4] =	wrdreg s15  }
0xa: {  	s16 =	ssub.s32 $0x2, s2;
	[dreg:$0x5] =	wrdreg s9;
	s19 =	sshll.u32 s2, $0x4  }
0xb: {  	s11 =	sor.u32 $0x1C11, s18;
	p3 =	seq.s32 s2, $0x1;
	[dreg:$0xa] =	wrdreg s23  }
0xc: {  	[dreg:$0xb] =	wrdreg s24;
	s18 =	simm.s32 $0x11;
	s2 =	simm.s32 $0xD  }
0xd: {  	s6 =	sshrl.u32 s3, $0x3;
	s7 =	sshrl.u32 s16, $0x1;
	s17 =	sshrl.u32 s8, $0x2  }
0xe: {  	s20 =	sor.u32 s10, s19;
	s22 =	sadd.s32 s3, s1;
	p1 =	seq.s32 @p3 s10, $0xF  }
0xf: {  	p4 =	seq.s32 @!p3 s10, $0xF;
	s10 =	simm.s32 $0x2;
	[dreg:$0x6] =	wrdreg s11  }
0x10: {  	s6 =	sadd.s32 s6, s0;
	s5 =	ssub.s32 s16, s7;
	s7 =	sadd.s32 s17, s1  }
0x11: {  	s8 =	smul.u32 $0xC8, s20;
	[dreg:$0x9] =	wrdreg s22;
	s0 =	sadd.s32 $0x7E980, s0  }
0x12: {  	p0 =	por !p1, !p3;
	p1 =	por p1, !p3;
	[dreg:$0xd] =	wrdreg s0  }
0x13: {  	p2 =	por !p4, p3;
	s21 =	sadd.s32 $0x4F200, s6;
	[dreg:$0x7] =	wrdreg s8  }
0x14: {  	p3 =	por p4, p3;
	s25 =	sadd.s32 $0x67A00, s6;
	[dreg:$0x8] =	wrdreg s21  }
0x15: {  	s16 =	simm.s32 $0x3;
	s26 =	smax.u32 s5, $0x1;
	[dreg:$0xc] =	wrdreg s25  }
0x16: {  	s29 =	sshrl.u32 s7, $0x3;
	s0 =	simm.s32 $0x1;
	[dreg:$0xe] =	wrdreg s26  }
0x17: {  	s7 =	simm.s32 $0xE;
	s6 =	simm.s32 $0x0;
	[dreg:$0xf] =	wrdreg s29  }
0x18: {  	s21 =	simm.s32 $0x80;
	s8 =	simm.s32 $0x4;
	s25 =	simm.s32 $0x9  }
.LBB2_1:
0x19: {  	[dreg:$0x10] =	wrdreg s6  }
0x1a: {  	s3 =	rddreg [dreg:$0x5]  }
0x1b: {  	s5 =	rddreg [dreg:$0xf]  }
0x1c: {  	[spmem:s5], [sflag:s11] =	dma.local [hbm:s3], $0x18A0  }
0x1d: {  	_ =	swait.ge [sflag:s18], $0x18A0  }
0x1e: {  	[sflag:s18] =	ssyncset.done $0x0  }
0x1f: {  	[sflag:s18] =	ssyncadd.s32 $0xFFFFE760  }
0x20: {  	s15 =	simm.s32 $0x0;
	[bflag:$0x0] =	sbarrier.arrive $0xFFFF  }
.LBB2_2:
0x21: {  	s3 =	smul.u32 $0x28, s15  }
0x22: {  	s5 =	rddreg [dreg:$0x7]  }
0x23: {  	s3 =	sadd.s32 s5, s3  }
0x24: {  	s23 =	rddreg [dreg:$0x3];
	s3 =	sshll.u32 s3, $0x4  }
0x25: {  	s6 =	simm.s32 $0x0;
	s9 =	simm.s32 $0xC500;
	s5 =	sadd.s32 s23, s3  }
0x26: {  	[tilespmem:s9], [sflag:$0x11] =	stream.linear.gather [hbm4b:s5+s6], $0x1400, $0x38;
	[tilespmem:$0x12D00] =	vst v63  }
0x27: {  	_ =	swait.ge [sflag:s18], $0x1400  }
0x28: {  	[sflag:s18] =	ssyncset.done $0x0;
	s24 =	rddreg [dreg:$0x4]  }
0x29: {  	s26 =	simm.s32 $0xD900;
	[sflag:s18] =	ssyncadd.s32 $0xFFFFEC00;
	s3 =	sadd.s32 s24, s3  }
0x2a: {  	[tilespmem:s26], [sflag:$0x11] =	stream.linear.gather [hbm4b:s3+s6], $0x1400, $0x38;
	[tilespmem:$0x12D00] =	vst v63  }
0x2b: {  	_ =	swait.ge [sflag:s18], $0x1400  }
0x2c: {  	[sflag:s18] =	ssyncset.done $0x0  }
0x2d: {  	s29 =	simm.s32 $0xED00;
	[sflag:s18] =	ssyncadd.s32 $0xFFFFEC00  }
0x2e: {  	[tilespmem:s29], [sflag:$0x1] =	stream.indirect.gather [hbm4b:s4+s21], $0x10, s9, s21, $0xb8;
	[tilespmem:$0x12D00] =	vst v63  }
0x2f: {  	s19 =	simm.s32 $0xC580;
	s20 =	simm.s32 $0xF500  }
0x30: {  	[tilespmem:s20], [sflag:$0x2] =	stream.indirect.gather [hbm4b:s4+s21], $0x10, s19, s21, $0xb8;
	[tilespmem:$0x12D00] =	vst v63  }
0x31: {  	s22 =	simm.s32 $0xC600;
	s11 =	simm.s32 $0xFD00  }
0x32: {  	[tilespmem:s11], [sflag:$0x3] =	stream.indirect.gather [hbm4b:s4+s21], $0x10, s22, s21, $0xb8;
	[tilespmem:$0x12D00] =	vst v63  }
0x33: {  	s13 =	simm.s32 $0x10500;
	s23 =	simm.s32 $0xC680  }
0x34: {  	[tilespmem:s13], [sflag:$0x4] =	stream.indirect.gather [hbm4b:s4+s21], $0x10, s23, s21, $0xb8;
	[tilespmem:$0x12D00] =	vst v63  }
0x35: {  	s17 =	simm.s32 $0x10D00;
	s24 =	simm.s32 $0xC700  }
0x36: {  	[tilespmem:s17], [sflag:$0x5] =	stream.indirect.gather [hbm4b:s4+s21], $0x10, s24, s21, $0xb8;
	[tilespmem:$0x12D00] =	vst v63  }
0x37: {  	_ =	swait.ge [sflag:s0], $0x800  }
0x38: {  	[sflag:s0] =	ssyncset.done $0x0  }
0x39: {  	[sflag:s0] =	ssyncadd.s32 $0xFFFFF800  }
0x3a: {  	[spmem:s1] =	stream.indirect.scatter.add.f32 [tilespmem:s29], [sflag:$0x9], $0x10, s26, s21, $0xb8;
	[tilespmem:$0x12D00] =	vst v63  }
0x3b: {  	s26 =	simm.s32 $0xC780;
	s29 =	simm.s32 $0x11500  }
0x3c: {  	[tilespmem:s29], [sflag:$0x6] =	stream.indirect.gather [hbm4b:s4+s21], $0x10, s26, s21, $0xb8;
	[tilespmem:$0x12D00] =	vst v63  }
0x3d: {  	_ =	swait.ge [sflag:s10], $0x800  }
0x3e: {  	[sflag:s10] =	ssyncset.done $0x0  }
0x3f: {  	s6 =	simm.s32 $0xD980;
	[sflag:s10] =	ssyncadd.s32 $0xFFFFF800  }
0x40: {  	[spmem:s1] =	stream.indirect.scatter.add.f32 [tilespmem:s20], [sflag:$0xA], $0x10, s6, s21, $0xb8;
	[tilespmem:$0x12D00] =	vst v63  }
0x41: {  	s19 =	simm.s32 $0x11D00;
	s17 =	simm.s32 $0xC800  }
0x42: {  	[tilespmem:s19], [sflag:$0x7] =	stream.indirect.gather [hbm4b:s4+s21], $0x10, s17, s21, $0xb8;
	[tilespmem:$0x12D00] =	vst v63  }
0x43: {  	p4 =	por $0x0, $0x0;
	s3 =	simm.s32 $0x8;
	_ =	swait.ge [sflag:s16], $0x800  }
0x44: {  	s5 =	simm.s32 $0xC900;
	s3 =	sand.u32 @!p4 $0x7, s3;
	[sflag:s16] =	ssyncset.done $0x0  }
0x45: {  	s9 =	simm.s32 $0xDB00;
	s20 =	simm.s32 $0xDA00;
	[sflag:s16] =	ssyncadd.s32 $0xFFFFF800  }
0x46: {  	[spmem:s1] =	stream.indirect.scatter.add.f32 [tilespmem:s11], [sflag:$0xB], $0x10, s20, s21, $0xb8;
	[tilespmem:$0x12D00] =	vst v63  }
0x47: {  	s22 =	simm.s32 $0xC880;
	s23 =	simm.s32 $0x12500;
	s24 =	simm.s32 $0xDA80  }
0x48: {  	[tilespmem:s23], [sflag:$0x8] =	stream.indirect.gather [hbm4b:s4+s21], $0x10, s22, s21, $0xb8;
	[tilespmem:$0x12D00] =	vst v63  }
0x49: {  	s26 =	simm.s32 $0x4;
	s6 =	sshll.u32 @!p4 s3, $0xB;
	_ =	swait.ge [sflag:s8], $0x800  }
0x4a: {  	s6 =	sadd.s32 @!p4 $0xED00, s6;
	s17 =	simm.s32 $0xDB80;
	[sflag:s8] =	ssyncset.done $0x0  }
0x4b: {  	s11 =	sadd.s32 @!p4 $0x9, s3;
	s20 =	sand.u32 $0x7, s26;
	[sflag:s8] =	ssyncadd.s32 $0xFFFFF800  }
0x4c: {  	[spmem:s1] =	stream.indirect.scatter.add.f32 [tilespmem:s13], [sflag:$0xC], $0x10, s24, s21, $0xb8;
	[tilespmem:$0x12D00] =	vst v63  }
0x4d: {  	s3 =	sadd.s32 @!p4 $0x1, s3;
	s29 =	sadd.s32 $0x1, s20;
	_ =	swait.ge @!p4 [sflag:s11], $0x800  }
0x4e: {  	s19 =	sshll.u32 s20, $0xB;
	s20 =	sadd.s32 $0x9, s20;
	[sflag:s11] =	ssyncset.done @!p4 $0x0  }
0x4f: {  	s23 =	simm.s32 $0x9;
	[sflag:s11] =	ssyncadd.s32 @!p4 $0xFFFFF800;
	s11 =	simm.s32 @!p4 $0x80  }
0x50: {  	[tilespmem:s6], [sflag:s3] =	stream.indirect.gather @!p4 [hbm4b:s4+s11], $0x10, s5, s11, $0xb8;
	[tilespmem:$0x12D00] =	vst v63  }
0x51: {  	s19 =	sadd.s32 $0xED00, s19;
	s3 =	simm.s32 $0x5;
	_ =	swait.ge [sflag:s29], $0x800  }
0x52: {  	s13 =	simm.s32 $0xC980;
	s11 =	sand.u32 $0x7, s3;
	[sflag:s29] =	ssyncset.done $0x0  }
0x53: {  	s6 =	simm.s32 $0xA;
	s5 =	sshll.u32 s11, $0xB;
	[sflag:s29] =	ssyncadd.s32 $0xFFFFF800  }
.LBB2_3:
0x54: {  	[spmem:s1] =	stream.indirect.scatter.add.f32 [tilespmem:s19], [sflag:s20], $0x10, s9, s21, $0xb8;
	[tilespmem:$0x12D00] =	vst v63  }
0x55: {  	s9 =	smov.u32 s6;
	s20 =	smov.u32 s11;
	s19 =	smov.u32 s5  }
0x56: {  	s6 =	sadd.s32 $0x1, s6;
	p5 =	sgt.u32 s3, $0x23;
	s3 =	sadd.s32 $0xFFFFFFFC, s9  }
0x57: {  	p4 =	sne.s32 s6, $0x2C;
	s5 =	sand.u32 @!p5 $0x7, s23;
	s11 =	sand.u32 $0x7, s3  }
0x58: {  	s22 =	sadd.s32 @!p5 $0x9, s5;
	s23 =	sshll.u32 @!p5 s5, $0xB;
	s24 =	sadd.s32 @!p5 $0x1, s5  }
0x59: {  	s5 =	sshll.u32 s11, $0xB;
	s26 =	sadd.s32 @!p5 $0xED00, s23;
	_ =	swait.ge @!p5 [sflag:s22], $0x800  }
0x5a: {  	s29 =	sadd.s32 $0x1, s20;
	s23 =	smov.u32 s9;
	[sflag:s22] =	ssyncset.done @!p5 $0x0  }
.Ltmp0:
0x5b: {  	s9 =	simm.s32 @!p5 $0x80;
	[sflag:s22] =	ssyncadd.s32 @!p5 $0xFFFFF800;
	(pc) =	sbr.rel @p4 .LBB2_3-.Ltmp0, $4  }
0x5c: {  	[tilespmem:s26], [sflag:s24] =	stream.indirect.gather @!p5 [hbm4b:s4+s9], $0x10, s13, s9, $0xb8;
	[tilespmem:$0x12D00] =	vst v63  }
0x5d: {  	s9 =	smov.u32 s17;
	_ =	swait.ge [sflag:s29], $0x800  }
0x5e: {  	s17 =	sadd.s32 $0x80, s17;
	s13 =	sadd.s32 $0x80, s13;
	[sflag:s29] =	ssyncset.done $0x0  }
0x5f: {  	s19 =	sadd.s32 $0xED00, s19;
	s20 =	sadd.s32 $0x9, s20;
	[sflag:s29] =	ssyncadd.s32 $0xFFFFF800  }
0x60: {  	[spmem:s1] =	stream.indirect.scatter.add.f32 [tilespmem:s19], [sflag:s20], $0x10, s9, s21, $0xb8;
	[tilespmem:$0x12D00] =	vst v63  }
0x61: {  	p4 =	sgt.u32 s3, $0x23  }
0x62: {  	s3 =	sand.u32 @!p4 $0x7, s23  }
0x63: {  	s6 =	sadd.s32 @!p4 $0x9, s3  }
0x64: {  	s24 =	sadd.s32 $0x1, s11;
	_ =	swait.ge @!p4 [sflag:s6], $0x800  }
0x65: {  	s9 =	sshll.u32 @!p4 s3, $0xB;
	s3 =	sadd.s32 @!p4 $0x1, s3;
	[sflag:s6] =	ssyncset.done @!p4 $0x0  }
0x66: {  	s9 =	sadd.s32 @!p4 $0xED00, s9;
	[sflag:s6] =	ssyncadd.s32 @!p4 $0xFFFFF800;
	s6 =	simm.s32 @!p4 $0x80  }
0x67: {  	[tilespmem:s9], [sflag:s3] =	stream.indirect.gather @!p4 [hbm4b:s4+s6], $0x10, s13, s6, $0xb8;
	[tilespmem:$0x12D00] =	vst v63  }
0x68: {  	_ =	swait.ge [sflag:s24], $0x800  }
0x69: {  	[sflag:s24] =	ssyncset.done $0x0  }
0x6a: {  	s26 =	sadd.s32 $0xED00, s5;
	s29 =	sadd.s32 $0x9, s11;
	[sflag:s24] =	ssyncadd.s32 $0xFFFFF800  }
0x6b: {  	[spmem:s1] =	stream.indirect.scatter.add.f32 [tilespmem:s26], [sflag:s29], $0x10, s17, s21, $0xb8;
	[tilespmem:$0x12D00] =	vst v63  }
0x6c: {  	_ =	swait.ge [sflag:s25], $0x800  }
0x6d: {  	[sflag:s25] =	ssyncset.done $0x0  }
0x6e: {  	[sflag:s25] =	ssyncadd.s32 $0xFFFFF800  }
0x6f: {  	_ =	swait.ge [sflag:s28], $0x800  }
0x70: {  	[sflag:s28] =	ssyncset.done $0x0  }
0x71: {  	[sflag:s28] =	ssyncadd.s32 $0xFFFFF800  }
0x72: {  	_ =	swait.ge [sflag:s30], $0x800  }
0x73: {  	[sflag:s30] =	ssyncset.done $0x0  }
0x74: {  	[sflag:s30] =	ssyncadd.s32 $0xFFFFF800  }
0x75: {  	_ =	swait.ge [sflag:s31], $0x800  }
0x76: {  	[sflag:s31] =	ssyncset.done $0x0  }
0x77: {  	[sflag:s31] =	ssyncadd.s32 $0xFFFFF800  }
0x78: {  	_ =	swait.ge [sflag:s2], $0x800  }
0x79: {  	[sflag:s2] =	ssyncset.done $0x0  }
0x7a: {  	[sflag:s2] =	ssyncadd.s32 $0xFFFFF800  }
0x7b: {  	_ =	swait.ge [sflag:s7], $0x800  }
0x7c: {  	[sflag:s7] =	ssyncset.done $0x0  }
0x7d: {  	s15 =	sadd.s32 $0x1, s15;
	[sflag:s7] =	ssyncadd.s32 $0xFFFFF800  }
0x7e: {  	p4 =	sne.s32 s15, $0x5;
	_ =	swait.ge [sflag:s12], $0x800  }
.Ltmp1:
0x7f: {  	[sflag:s12] =	ssyncset.done $0x0;
	(pc) =	sbr.rel @p4 .LBB2_2-.Ltmp1, $4  }
0x80: {  	[sflag:s12] =	ssyncadd.s32 $0xFFFFF800  }
0x81: {  	_ =	swait.ge [sflag:s14], $0x800  }
0x82: {  	[sflag:s14] =	ssyncset.done $0x0  }
0x83: {  	[sflag:s14] =	ssyncadd.s32 $0xFFFFF800  }
0x84: {  	[bflag:$0x0] =	sbarrier.arrive $0xFFFF  }
0x85: {  	s6 =	rddreg [dreg:$0xb]  }
0x86: {  	s11 =	rddreg [dreg:$0x6]  }
0x87: {  	s5 =	rddreg [dreg:$0xd];
	s3 =	sshrl.u32 @!p0 s6, $0x3  }
0x88: {  	[hbm:s5], [sflag:s11] =	dma.local @!p0 [spmem:s3], $0x1720  }
0x89: {  	s3 =	simm.s32 @!p0 $0x11  }
0x8a: {  	_ =	swait.ge @!p0 [sflag:s3], $0x1720  }
0x8b: {  	[sflag:s3] =	ssyncset.done @!p0 $0x0;
	s5 =	rddreg [dreg:$0x9]  }
0x8c: {  	s9 =	rddreg [dreg:$0xc];
	[sflag:s3] =	ssyncadd.s32 @!p0 $0xFFFFE8E0;
	s3 =	sshrl.u32 @!p1 s5, $0x3  }
0x8d: {  	[hbm:s9], [sflag:s11] =	dma.local @!p1 [spmem:s3], $0x1880  }
0x8e: {  	s3 =	simm.s32 @!p1 $0x11  }
0x8f: {  	_ =	swait.ge @!p1 [sflag:s3], $0x1880  }
0x90: {  	[sflag:s3] =	ssyncset.done @!p1 $0x0  }
0x91: {  	[sflag:s3] =	ssyncadd.s32 @!p1 $0xFFFFE780;
	s3 =	sshrl.u32 @!p2 s6, $0x3;
	s6 =	rddreg [dreg:$0xa]  }
0x92: {  	[hbm:s6], [sflag:s11] =	dma.local @!p2 [spmem:s3], $0x1720  }
0x93: {  	s3 =	simm.s32 @!p2 $0x11  }
0x94: {  	_ =	swait.ge @!p2 [sflag:s3], $0x1720  }
0x95: {  	[sflag:s3] =	ssyncset.done @!p2 $0x0  }
0x96: {  	[sflag:s3] =	ssyncadd.s32 @!p2 $0xFFFFE8E0;
	s3 =	sshrl.u32 @!p3 s5, $0x3;
	s5 =	rddreg [dreg:$0x8]  }
0x97: {  	[hbm:s5], [sflag:s11] =	dma.local @!p3 [spmem:s3], $0x1880  }
0x98: {  	s3 =	simm.s32 @!p3 $0x11  }
0x99: {  	_ =	swait.ge @!p3 [sflag:s3], $0x1880  }
0x9a: {  	s26 =	rddreg [dreg:$0x10]  }
0x9b: {  	s29 =	rddreg [dreg:$0xe];
	s6 =	sadd.s32 $0x1, s26  }
0x9c: {  	p4 =	sne.s32 s6, s29  }
.Ltmp2:
0x9d: {  	_ = 	snop;
	(pc) =	sbr.rel @p4 .LBB2_1-.Ltmp2, $3  }
0x9e: {  	_ =	sdelay $0x1  }
0x9f: {  	[sflag:s3] =	ssyncset.done @!p3 $0x0  }
0xa0: {  	[sflag:s3] =	ssyncadd.s32 @!p3 $0xFFFFE780  }
0xa1: {  	_ =	sfence.sel $0x180000  }
0xa2: {  	[bflag:$0x0] =	sbarrier.arrive $0xFFFF  }
0xa3: {  	_ =	strace $0x9000004D  }
0xa4: {  	s0 =	stileid.u32;
	[bflag:$0x2] =	sbarrier.arrive $0xFFFF  }
0xa5: {  	p0 =	sne.s32 s0, $0x0;
	s0 =	rddreg [dreg:$0x2]  }
0xa6: {  	s0 =	sadd.s32 @!p0 $0x100000, s0  }
0xa7: {  	[sflag:s0] =	ssyncadd.tile.s32 @!p0 $0x1;
	_ =	shalt  }
.Lfunc_end2:
_tile_overlayer_lowered:
.L_overlay_start_2:
0xa8: {  	(tag) =	ssettag $0x2  }
0xa9: {  	s0 =	rddreg [dreg:$0x0];
	s2 =	stileid.u32  }
0xaa: {  	s1 =	rddreg [dreg:$0x1];
	p0 =	sne.s32 s2, $0x0  }
0xab: {  	s3 =	rddreg [dreg:$0x2];
	[bflag:$0x3] =	sbarrier.arrive $0xFFFF;
	s2 =	simm.s32 @!p0 $0x1C11  }
0xac: {  	[timem:s3], [sflag:s2] =	dma.local @!p0 [hbm:s0], s1  }
0xad: {  	s0 =	simm.s32 @!p0 $0x11  }
0xae: {  	_ =	swait.ge @!p0 [sflag:s0], s1  }
0xaf: {  	s1 =	ssub.s32 @!p0 $0x0, s1;
	[sflag:s0] =	ssyncset.done @!p0 $0x0  }
0xb0: {  	[sflag:s0] =	ssyncadd.s32 @!p0 s1  }
0xb1: {  	[bflag:$0x3] =	sbarrier.arrive $0xFFFF  }
0xb2: {  	_ =	shalt  }

// kernel: kernel.17.cloned.1.call-start
scs
__scs_entry_jumppad:
0x0: {  	(pc) =	sbr.rel $0x88, $3  }
0x1: {  	(tag) =	ssettag $0x0;
	lr =	simm.s32 $0x1  }
0x2: {  	[smem:$0x3F99] =	sst lr;
	_ =	strace $0xD0000000  }
0x3: {  	_ = 	snop  }
0x4: {  	_ = 	snop  }
0x5: {  	_ = 	snop  }
0x6: {  	_ = 	snop  }
0x7: {  	_ = 	snop  }
__scs_overlays_trampoline_lowered:
0x8: {  	[smem:$0x3FA8] =	sst s0  }
0x9: {  	[smem:$0x3FA9] =	sst s1  }
0xa: {  	[smem:$0x3FAA] =	sst s2  }
0xb: {  	[smem:$0x3FAB] =	sst s3  }
0xc: {  	[smem:$0x3FAC] =	sst s4  }
0xd: {  	[smem:$0x3FAD] =	sst s5  }
0xe: {  	[smem:$0x3FAE] =	sst s6  }
0xf: {  	[smem:$0x3FAF] =	sst s7  }
0x10: {  	[smem:$0x3FB0] =	sst s8  }
0x11: {  	[smem:$0x3FB1] =	sst s9;
	s0 =	simm.s32 @!p0 $0x0  }
0x12: {  	s1 =	sld [smem:$0x3F97];
	s0 =	simm.s32 @p0 $0x1  }
0x13: {  	[smem:$0x3FB2] =	sst s0;
	s0 =	simm.s32 @!p1 $0x0  }
0x14: {  	s2 =	sld [smem:$0x3F96];
	s0 =	simm.s32 @p1 $0x1  }
0x15: {  	[smem:$0x3FB3] =	sst s0;
	s0 =	simm.s32 @!p2 $0x0  }
0x16: {  	s3 =	sld [smem:$0x3FDB];
	s0 =	simm.s32 @p2 $0x1  }
0x17: {  	s4 =	simm.s32 $0x1BF5;
	[smem:$0x3FB5] =	sst s0  }
0x18: {  	s0 =	sld [smem:$0x3F98];
	_ =	swait.ge [sflag:s4], $0x0  }
0x19: {  	s7 =	sld [smem:$0x3F99]  }
0x1a: {  	s8 =	sadd.s32 $0xFFFFE003, lr  }
0x1b: {  	s9 =	sadd.s32 $0xFFFFFEF7, lr;
	s5 =	simm.s32 $0xFFFFFFFF;
	p2 =	slt.u32 s8, $0xFFFFF086  }
0x1c: {  	p1 =	slt.u32 s9, $0xF7A;
	s5 =	simm.s32 @!p2 $0x0  }
0x1d: {  	s5 =	simm.s32 @p1 $0x1;
	p0 =	seq.s32 s7, s2  }
0x1e: {  	s7 =	smul.u32 @!p0 $0xF7A, s2;
	p2 =	seq.s32 @!p0 s5, $0x0  }
0x1f: {  	s9 =	smul.u32 $0xF7A, s1;
	s8 =	simm.s32 @!p0 $0x1BF5;
	p2 =	por !p2, p0  }
0x20: {  	[sflag:s8] =	ssyncset.s32 @!p0 $0xFFFFF086;
	s6 =	sadd.s32 @!p0 s3, s7;
	s7 =	simm.s32 @!p0 $0x108  }
0x21: {  	s3 =	sadd.s32 s3, s9;
	s6 =	sadd.s32 @!p0 $0x88, s6;
	s7 =	simm.s32 @p2 $0x1082  }
0x22: {  	[simem:s7], [sflag:s8] =	dma.local @!p0 [hbm:s6], $0xF7A  }
0x23: {  	s9 =	sor.u32 $0xD0000000, s2;
	s6 =	simm.s32 $0x108;
	_ =	swait.ge @!p0 [sflag:s8], $0x0  }
0x24: {  	s3 =	sadd.s32 $0x88, s3;
	s6 =	simm.s32 @!p1 $0x1082;
	[sflag:s4] =	ssyncset.s32 $0xFFFFF086  }
0x25: {  	[simem:s6], [sflag:s4] =	dma.local [hbm:s3], $0xF7A  }
0x26: {  	[smem:$0x3F99] =	sst s1;
	(tag) =	ssettag s2;
	_ =	strace s9  }
0x27: {  	s1 =	sld [smem:$0x3FA9]  }
0x28: {  	s2 =	sld [smem:$0x3FAA]  }
0x29: {  	s4 =	sld [smem:$0x3FAC]  }
0x2a: {  	p0 =	seq.s32 s5, $0x0;
	s5 =	sld [smem:$0x3FAD]  }
0x2b: {  	s6 =	sld [smem:$0x3FAE]  }
0x2c: {  	s7 =	sld [smem:$0x3FAF]  }
0x2d: {  	s3 =	simm.s32 $0x108;
	s8 =	sld [smem:$0x3FB0]  }
0x2e: {  	s3 =	simm.s32 @!p0 $0x1082;
	s9 =	sld [smem:$0x3FB1]  }
0x2f: {  	lr =	sadd.s32 s0, s3;
	s0 =	sld [smem:$0x3FA8]  }
0x30: {  	s3 =	sld [smem:$0x3FAB]  }
0x31: {  	[smem:$0x3FB4] =	sst s10  }
0x32: {  	s10 =	sld [smem:$0x3FB2];
	_ =	sdelay $0x3  }
0x33: {  	p0 =	seq.s32 s10, $0x1;
	s10 =	sld [smem:$0x3FB4];
	_ =	sdelay $0x3  }
0x34: {  	[smem:$0x3FB4] =	sst s10  }
0x35: {  	s10 =	sld [smem:$0x3FB3];
	_ =	sdelay $0x3  }
0x36: {  	p1 =	seq.s32 s10, $0x1;
	s10 =	sld [smem:$0x3FB4];
	_ =	sdelay $0x3  }
0x37: {  	[smem:$0x3FB4] =	sst s10  }
0x38: {  	s10 =	sld [smem:$0x3FB5]  }
0x39: {  	_ = 	snop;
	(pc) =	sbr.ind lr, $3  }
0x3a: {  	_ = 	snop  }
0x3b: {  	_ = 	snop  }
0x3c: {  	p2 =	seq.s32 s10, $0x1;
	s10 =	sld [smem:$0x3FB4]  }
0x3d: {  	_ =	shalt  }
0x3e: {  	_ =	shalt  }
0x3f: {  	_ =	shalt  }
0x40: {  	_ =	shalt  }
0x41: {  	_ =	shalt  }
0x42: {  	_ =	shalt  }
0x43: {  	_ =	shalt  }
0x44: {  	_ =	shalt  }
0x45: {  	_ =	shalt  }
0x46: {  	_ =	shalt  }
0x47: {  	_ =	shalt  }
0x48: {  	_ =	shalt  }
0x49: {  	_ =	shalt  }
0x4a: {  	_ =	shalt  }
0x4b: {  	_ =	shalt  }
0x4c: {  	_ =	shalt  }
0x4d: {  	_ =	shalt  }
0x4e: {  	_ =	shalt  }
0x4f: {  	_ =	shalt  }
0x50: {  	_ =	shalt  }
0x51: {  	_ =	shalt  }
0x52: {  	_ =	shalt  }
0x53: {  	_ =	shalt  }
0x54: {  	_ =	shalt  }
0x55: {  	_ =	shalt  }
0x56: {  	_ =	shalt  }
0x57: {  	_ =	shalt  }
0x58: {  	_ =	shalt  }
0x59: {  	_ =	shalt  }
0x5a: {  	_ =	shalt  }
0x5b: {  	_ =	shalt  }
0x5c: {  	_ =	shalt  }
0x5d: {  	_ =	shalt  }
0x5e: {  	_ =	shalt  }
0x5f: {  	_ =	shalt  }
0x60: {  	_ =	shalt  }
0x61: {  	_ =	shalt  }
0x62: {  	_ =	shalt  }
0x63: {  	_ =	shalt  }
0x64: {  	_ =	shalt  }
0x65: {  	_ =	shalt  }
0x66: {  	_ =	shalt  }
0x67: {  	_ =	shalt  }
0x68: {  	_ =	shalt  }
0x69: {  	_ =	shalt  }
0x6a: {  	_ =	shalt  }
0x6b: {  	_ =	shalt  }
0x6c: {  	_ =	shalt  }
0x6d: {  	_ =	shalt  }
0x6e: {  	_ =	shalt  }
0x6f: {  	_ =	shalt  }
0x70: {  	_ =	shalt  }
0x71: {  	_ =	shalt  }
0x72: {  	_ =	shalt  }
0x73: {  	_ =	shalt  }
0x74: {  	_ =	shalt  }
0x75: {  	_ =	shalt  }
0x76: {  	_ =	shalt  }
0x77: {  	_ =	shalt  }
0x78: {  	_ =	shalt  }
0x79: {  	_ =	shalt  }
0x7a: {  	_ =	shalt  }
0x7b: {  	_ =	shalt  }
0x7c: {  	_ =	shalt  }
0x7d: {  	_ =	shalt  }
0x7e: {  	_ =	shalt  }
0x7f: {  	_ =	shalt  }
0x80: {  	_ =	shalt  }
0x81: {  	_ =	shalt  }
0x82: {  	_ =	shalt  }
0x83: {  	_ =	shalt  }
0x84: {  	_ =	shalt  }
0x85: {  	_ =	shalt  }
0x86: {  	_ =	shalt  }
0x87: {  	_ =	shalt  }
.Lfunc_end0:
.L_simem_size_0:
called_computation.3_lowered:
.L_overlay_start_0:
0x88: {  	s2 =	sld [smem:$0x3FD9]  }
0x89: {  	s3 =	sld [smem:$0x3FFE];
	_ =	sdelay $0x1  }
0x8a: {  	s1 =	srdreg.scid  }
0x8b: {  	s0 =	sand.u32 $0x1, s1  }
0x8c: {  	s17 =	sshll.u32 s0, $0xA;
	s2 =	sadd.s32 s3, s2  }
0x8d: {  	s2 =	sadd.s32 s2, s17  }
0x8e: {  	[smem:$0x3FC0] =	sst s2  }
0x8f: {  	_ = 	snop  }
0x90: {  	s2 =	sld [smem:$0x3FD0];
	(tm) =	ssettm $0x1  }
0x91: {  	s18 =	sld [smem:$0x3FFB];
	_ =	sdelay $0x3  }
0x92: {  	_ =	strace s18  }
0x93: {  	s3 =	sld [smem:$0x3FFC];
	_ =	sdelay $0x3  }
0x94: {  	_ =	strace s3  }
0x95: {  	s3 =	sld [smem:$0x3FFD];
	_ =	sdelay $0x3  }
0x96: {  	_ =	strace s3  }
0x97: {  	_ =	strace $0x8FFFFFFF  }
0x98: {  	s19 =	sld [smem:$0x3FDB];
	_ =	sdelay $0x1  }
0x99: {  	s4 =	simm.s32 $_scs_section_size  }
0x9a: {  	s5 =	simm.s32 $_size__tile_overlayer_lowered;
	s6 =	simm.s32 $_tile_overlayer_lowered  }
0x9b: {  	s22 =	simm.s32 $0x1BFF;
	s21 =	sshll.u32 s6, $0x1;
	s3 =	sadd.s32 s4, s19  }
0x9c: {  	s7 =	simm.s32 $0x0;
	s20 =	sshll.u32 s5, $0x1;
	s5 =	sadd.s32 s21, s3  }
0x9d: {  	[timem:s7], [sflag:s22] =	dma.local [hbm:s5], s20  }
0x9e: {  	_ =	swait.ge [sflag:s22], s20  }
0x9f: {  	s4 =	ssub.s32 $0x0, s20;
	[sflag:s22] =	ssyncset.done $0x0  }
0xa0: {  	[sflag:s22] =	ssyncadd.s32 s4;
	_ =	sdelay $0x1  }
0xa1: {  	s23 =	simm.s32 $0x1B8B  }
0xa2: {  	_ =	swait.ge [sflag:s23], $0x1  }
0xa3: {  	[sflag:s23] =	ssyncset.done $0x0  }
0xa4: {  	s25 =	simm.s32 $0x1B8E;
	s24 =	sld [smem:$0x3FFE];
	[sflag:s23] =	ssyncadd.s32 $0xFFFFFFFF  }
0xa5: {  	s26 =	simm.s32 $execute0_lowered;
	[smem:$0x3FD2] =	sst s25  }
0xa6: {  	s5 =	sshll.u32 s26, $0x1;
	_ =	strace $0x8000004F;
	[dreg:$0x1] =	wrdreg $0xFFFFFFFF  }
0xa7: {  	s28 =	simm.s32 $_size_execute0_lowered;
	s3 =	sadd.s32 s3, s5;
	[dreg:$0x0] =	wrdreg $0x0  }
0xa8: {  	s5 =	sshll.u32 s28, $0x1;
	[dreg:$0x2] =	wrdreg s3  }
0xa9: {  	[dreg:$0x3] =	wrdreg s5  }
0xaa: {  	[dreg:$0x4] =	wrdreg $0xC0  }
0xab: {  	_ =	task [dreg:s7], $0x5FFFF  }
0xac: {  	[dreg:$0x1] =	wrdreg $0xFFFFFFFF  }
0xad: {  	[dreg:$0x0] =	wrdreg $0x60  }
0xae: {  	[dreg:$0x2] =	wrdreg s24  }
0xaf: {  	[dreg:$0x3] =	wrdreg s2  }
0xb0: {  	[dreg:$0x4] =	wrdreg $0x9  }
0xb1: {  	_ =	task.clear_ibuf [dreg:s7], $0x5FFFF;
	_ =	strace $0x9000004F  }
0xb2: {  	s29 =	simm.s32 $0x9;
	_ =	strace $0x80000051  }
0xb3: {  	_ =	swait.ge [sflag:s29], $0x1  }
0xb4: {  	[sflag:s29] =	ssyncadd.s32 $0xFFFFFFFF  }
0xb5: {  	_ =	strace $0x90000051  }
0xb6: {  	_ =	sfence  }
0xb7: {  	s30 =	sld [smem:$0x0];
	_ =	sdelay $0x2  }
0xb8: {  	s31 =	sshll.u32 s1, $0xD;
	s1 =	sshrl.u32 s1, $0x2  }
0xb9: {  	s3 =	sand.u32 $0x4000, s31;
	s1 =	sadd.s32 s1, s30  }
0xba: {  	s0 =	sor.u32 s3, s0;
	s1 =	sshll.u32 s1, $0x11  }
0xbb: {  	s0 =	sor.u32 s1, s0  }
0xbc: {  	s0 =	sadd.s32 $0x8F2B, s0  }
0xbd: {  	[sflag:s0] =	ssyncadd.remote.s32 $0x1  }
0xbe: {  	_ =	sfence.sel $0xFFFF  }
0xbf: {  	[dreg:$0x0] =	wrdreg $0xFFFFFFFF;
	(pc) =	sbr.abs _section_cstart, $3  }
0xc0: {  	[dreg:$0x1] =	wrdreg $0xFFFFFFFF  }
0xc1: {  	_ =	task.clear_ibuf [dreg:s7], $0x2FFFF;
	_ =	strace $0x9FFFFFFF  }
0xc2: {  	(tm) =	ssettm $0x7FFFFFFF  }
0xc3: {  	_ =	shalt  }
tec
execute0_lowered:
.L_overlay_start_1:
0x0: {  	(tag) =	ssettag $0x1  }
0x1: {  	s0 =	srdreg.scid;
	s8 =	rddreg [dreg:$0x0]  }
0x2: {  	s9 =	rddreg [dreg:$0x1];
	s1 =	stileid.u32;
	s2 =	simm.s32 $0x0  }
0x3: {  	s12 =	simm.s32 $0x1;
	s13 =	simm.s32 $0x6200;
	s3 =	sand.u32 $0x1, s0  }
0x4: {  	s14 =	simm.s32 $0xC400;
	s0 =	rddreg [dreg:$0x2];
	s4 =	sshll.u32 s3, $0x4  }
0x5: {  	s15 =	simm.s32 $0x0;
	[smem:$0x7FF] =	sst s2;
	s11 =	sor.u32 s1, s4  }
0x6: {  	_ =	strace $0x80000050;
	s5 =	ssub.s32 $0x2, s3;
	s4 =	smul.u32 $0xC40, s11  }
.Ltmp0:
0x7: {  	s3 =	sadd.s32 $0x3000, s8;
	s31 =	sshrl.u32 s5, $0x1;
	(pc) =	sbr.rel .LBB2_1-.Ltmp0, $4  }
0x8: {  	s7 =	smul.u32 $0xC4, s11;
	s10 =	ssub.s32 s5, s31;
	p0 =	seq.s32 s11, $0x1F  }
0x9: {  	v0 =	vlaneseq.u32;
	s11 =	simm.s32 $0xCA20;
	s10 =	smax.u32 s10, $0x1;
	s6 =	sadd.s32 s4, s8  }
0xa: {  	v0 =	vmul.u32 $0x10, v0;
	s4 =	sadd.s32 $0x4F200, s6;
	s5 =	sadd.s32 $0x67A00, s6;
	s6 =	sadd.s32 s9, s7  }
0xb: {  	s7 =	sadd.s32 $0x66DC0, s8;
	s8 =	sadd.s32 $0x7F5C0, s8;
	s9 =	sadd.s32 $0x17BC, s9  }
.LBB2_7:
0xc: {  	v4 =	vor.u32 v0, v4;
	v2 =	vadd.f32 v2, v3;
	_ =	sdelay $0x1  }
0xd: {  	v2 =	vadd.f32 v2, v1  }
0xe: {  	s16 =	sadd.s32 $0x10, s16  }
0xf: {  	[tilespmem:s16+$0x0] =	vst v2  }
0x10: {  	v2 =	vld.idx.msk [tilespmem:v4+s13+$0x0], $0xffff  }
0x11: {  	v3 =	vld.idx.msk [tilespmem:v4+s2+$0x0], $0xffff;
	_ =	sdelay $0x4  }
0x12: {  	v2 =	vadd.f32 v2, v3;
	_ =	sdelay $0x1  }
0x13: {  	v1 =	vadd.f32 v2, v1  }
0x14: {  	s16 =	sadd.s32 $0x10, s16  }
0x15: {  	[tilespmem:s16+$0x0] =	vst v1  }
0x16: {  	[hbm4b:s9+s2] =	stream.linear.scatter [tilespmem:s14], [sflag:$0x1], $0x570, $0x38;
	[tilespmem:$0xCA30] =	vst v63  }
0x17: {  	_ =	swait.ge [sflag:s12], $0x570  }
0x18: {  	[sflag:s12] =	ssyncset.done $0x0  }
0x19: {  	[sflag:s12] =	ssyncadd.s32 $0xFFFFFA90  }
.LBB2_8:
0x1a: {  	s15 =	sadd.s32 $0x1, s15  }
0x1b: {  	p1 =	sne.s32 s15, s10  }
.Ltmp1:
0x1c: {  	_ = 	snop;
	(pc) =	sbr.rel @!p1 .LBB2_9-.Ltmp1, $1  }
0x1d: {  	_ =	sdelay $0x3  }
.LBB2_1:
.Ltmp2:
0x1e: {  	(pc) =	sbr.rel @!p0 .LBB2_2-.Ltmp2, $4  }
0x1f: {  	[tilespmem:s11], [sflag:$0x1] =	stream.linear.gather [hbm4b:s3+s2], $0x10, $0x38;
	[tilespmem:$0xCA30] =	vst v63  }
0x20: {  	_ =	swait.ge [sflag:s12], $0x10  }
0x21: {  	[sflag:s12] =	ssyncset.done $0x0  }
0x22: {  	s16 =	simm.s32 $0x0;
	[sflag:s12] =	ssyncadd.s32 $0xFFFFFFF0  }
0x23: {  	[tilespmem:s16], [sflag:$0x1] =	stream.linear.gather [hbm4b:s7+s16], $0x5700, $0x38;
	[tilespmem:$0xCA30] =	vst v63  }
0x24: {  	v1 =	vmov s16;
	_ =	swait.ge [sflag:s12], $0x5700  }
0x25: {  	v1 =	vshll.u32 v1, $0x4;
	[sflag:s12] =	ssyncset.done $0x0  }
0x26: {  	v1 =	vor.u32 v0, v1;
	[sflag:s12] =	ssyncadd.s32 $0xFFFFA900  }
0x27: {  	[tilespmem:s13], [sflag:$0x1] =	stream.linear.gather [hbm4b:s8+s16], $0x5700, $0x38;
	[tilespmem:$0xCA30] =	vst v63  }
0x28: {  	_ =	swait.ge [sflag:s12], $0x5700  }
0x29: {  	[sflag:s12] =	ssyncset.done $0x0  }
0x2a: {  	[sflag:s12] =	ssyncadd.s32 $0xFFFFA900  }
0x2b: {  	v2 =	vld.idx.msk [tilespmem:v1+s13+$0x0], $0xffff  }
0x2c: {  	v3 =	vld.idx.msk [tilespmem:v1+s2+$0x0], $0xffff;
	_ =	sdelay $0x1  }
0x2d: {  	s31 =	simm.s32 $0x10;
	v1 =	vld [tilespmem:$0xCA20]  }
0x2e: {  	v4 =	vmov s31  }
0x2f: {  	v4 =	vshll.u32 v4, $0x4  }
0x30: {  	v4 =	vor.u32 v0, v4;
	v2 =	vadd.f32 v2, v3;
	_ =	sdelay $0x1  }
0x31: {  	v2 =	vadd.f32 v2, v1  }
0x32: {  	s16 =	simm.s32 $0xC400  }
0x33: {  	[tilespmem:s16+$0x0] =	vst v2  }
0x34: {  	v2 =	vld.idx.msk [tilespmem:v4+s13+$0x0], $0xffff  }
0x35: {  	v3 =	vld.idx.msk [tilespmem:v4+s2+$0x0], $0xffff;
	_ =	sdelay $0x1  }
0x36: {  	s17 =	simm.s32 $0x20  }
0x37: {  	v5 =	vmov s17  }
0x38: {  	s17 =	simm.s32 $0x30;
	v4 =	vshll.u32 v5, $0x4  }
.LBB2_6:
0x39: {  	p1 =	sne.s32 s17, $0x560;
	v4 =	vor.u32 v0, v4;
	v2 =	vadd.f32 v2, v3;
	_ =	sdelay $0x1  }
0x3a: {  	v2 =	vadd.f32 v2, v1  }
0x3b: {  	s16 =	sadd.s32 $0x10, s16  }
0x3c: {  	[tilespmem:s16+$0x0] =	vst v2  }
0x3d: {  	v2 =	vld.idx.msk [tilespmem:v4+s13+$0x0], $0xffff  }
0x3e: {  	v3 =	vld.idx.msk [tilespmem:v4+s2+$0x0], $0xffff  }
.Ltmp3:
0x3f: {  	(pc) =	sbr.rel @p1 .LBB2_6-.Ltmp3, $3  }
0x40: {  	_ =	sdelay $0x1  }
0x41: {  	v4 =	vmov s17  }
0x42: {  	s17 =	sadd.s32 $0x10, s17;
	v4 =	vshll.u32 v4, $0x4  }
.Ltmp4:
0x43: {  	_ = 	snop;
	(pc) =	sbr.rel .LBB2_7-.Ltmp4, $1  }
0x44: {  	_ =	sdelay $0x3  }
.LBB2_2:
0x45: {  	[tilespmem:s16], [sflag:$0x1] =	stream.linear.gather [hbm4b:s4+s16], $0x6200, $0x38;
	[tilespmem:$0xCA30] =	vst v63  }
0x46: {  	v1 =	vmov s16;
	_ =	swait.ge [sflag:s12], $0x6200  }
0x47: {  	v1 =	vshll.u32 v1, $0x4;
	[sflag:s12] =	ssyncset.done $0x0  }
0x48: {  	v1 =	vor.u32 v0, v1;
	[sflag:s12] =	ssyncadd.s32 $0xFFFF9E00  }
0x49: {  	[tilespmem:s13], [sflag:$0x1] =	stream.linear.gather [hbm4b:s5+s16], $0x6200, $0x38;
	[tilespmem:$0xCA30] =	vst v63  }
0x4a: {  	_ =	swait.ge [sflag:s12], $0x6200  }
0x4b: {  	[sflag:s12] =	ssyncset.done $0x0  }
0x4c: {  	[sflag:s12] =	ssyncadd.s32 $0xFFFF9E00  }
0x4d: {  	v2 =	vld.idx.msk [tilespmem:v1+s13+$0x0], $0xffff  }
0x4e: {  	v3 =	vld.idx.msk [tilespmem:v1+s2+$0x0], $0xffff;
	_ =	sdelay $0x1  }
0x4f: {  	s31 =	simm.s32 $0x10;
	v1 =	vld [tilespmem:$0xCA20]  }
0x50: {  	v4 =	vmov s31  }
0x51: {  	v4 =	vshll.u32 v4, $0x4  }
0x52: {  	v4 =	vor.u32 v0, v4;
	v2 =	vadd.f32 v2, v3;
	_ =	sdelay $0x1  }
0x53: {  	v2 =	vadd.f32 v2, v1  }
0x54: {  	s16 =	simm.s32 $0xC400  }
0x55: {  	[tilespmem:s16+$0x0] =	vst v2  }
0x56: {  	v2 =	vld.idx.msk [tilespmem:v4+s13+$0x0], $0xffff  }
0x57: {  	v3 =	vld.idx.msk [tilespmem:v4+s2+$0x0], $0xffff;
	_ =	sdelay $0x1  }
0x58: {  	s17 =	simm.s32 $0x20  }
0x59: {  	v5 =	vmov s17  }
0x5a: {  	s17 =	simm.s32 $0x30;
	v4 =	vshll.u32 v5, $0x4  }
.LBB2_3:
0x5b: {  	p1 =	sne.s32 s17, $0x610;
	v4 =	vor.u32 v0, v4;
	v2 =	vadd.f32 v2, v3;
	_ =	sdelay $0x1  }
0x5c: {  	v2 =	vadd.f32 v2, v1  }
0x5d: {  	s16 =	sadd.s32 $0x10, s16  }
0x5e: {  	[tilespmem:s16+$0x0] =	vst v2  }
0x5f: {  	v2 =	vld.idx.msk [tilespmem:v4+s13+$0x0], $0xffff  }
0x60: {  	v3 =	vld.idx.msk [tilespmem:v4+s2+$0x0], $0xffff  }
.Ltmp5:
0x61: {  	(pc) =	sbr.rel @p1 .LBB2_3-.Ltmp5, $3  }
0x62: {  	_ =	sdelay $0x1  }
0x63: {  	v4 =	vmov s17  }
0x64: {  	s17 =	sadd.s32 $0x10, s17;
	v4 =	vshll.u32 v4, $0x4  }
0x65: {  	v4 =	vor.u32 v0, v4;
	v2 =	vadd.f32 v2, v3;
	_ =	sdelay $0x1  }
0x66: {  	v2 =	vadd.f32 v2, v1  }
0x67: {  	s16 =	sadd.s32 $0x10, s16  }
0x68: {  	[tilespmem:s16+$0x0] =	vst v2  }
0x69: {  	v2 =	vld.idx.msk [tilespmem:v4+s13+$0x0], $0xffff  }
0x6a: {  	v3 =	vld.idx.msk [tilespmem:v4+s2+$0x0], $0xffff;
	_ =	sdelay $0x4  }
0x6b: {  	v2 =	vadd.f32 v2, v3;
	_ =	sdelay $0x1  }
0x6c: {  	v1 =	vadd.f32 v2, v1  }
0x6d: {  	s16 =	sadd.s32 $0x10, s16  }
.Ltmp6:
0x6e: {  	[tilespmem:s16+$0x0] =	vst v1;
	(pc) =	sbr.rel .LBB2_8-.Ltmp6, $4  }
0x6f: {  	[hbm4b:s6+s2] =	stream.linear.scatter [tilespmem:s14], [sflag:$0x1], $0x620, $0x38;
	[tilespmem:$0xCA30] =	vst v63  }
0x70: {  	_ =	swait.ge [sflag:s12], $0x620  }
0x71: {  	[sflag:s12] =	ssyncset.done $0x0  }
0x72: {  	[sflag:s12] =	ssyncadd.s32 $0xFFFFF9E0  }
.LBB2_9:
0x73: {  	_ =	sfence.sel $0x180000  }
0x74: {  	[bflag:$0x0] =	sbarrier.arrive $0xFFFF  }
0x75: {  	p0 =	sne.s32 s1, $0x0;
	_ =	strace $0x90000050  }
0x76: {  	s0 =	sadd.s32 @!p0 $0x100000, s0;
	[bflag:$0x2] =	sbarrier.arrive $0xFFFF  }
0x77: {  	[sflag:s0] =	ssyncadd.tile.s32 @!p0 $0x1;
	_ =	shalt  }
.Lfunc_end2:
_tile_overlayer_lowered:
.L_overlay_start_2:
0x78: {  	(tag) =	ssettag $0x2  }
0x79: {  	s0 =	rddreg [dreg:$0x0];
	s2 =	stileid.u32  }
0x7a: {  	s1 =	rddreg [dreg:$0x1];
	p0 =	sne.s32 s2, $0x0  }
0x7b: {  	s3 =	rddreg [dreg:$0x2];
	[bflag:$0x3] =	sbarrier.arrive $0xFFFF;
	s2 =	simm.s32 @!p0 $0x1C01  }
0x7c: {  	[timem:s3], [sflag:s2] =	dma.local @!p0 [hbm:s0], s1  }
0x7d: {  	s0 =	simm.s32 @!p0 $0x1  }
0x7e: {  	_ =	swait.ge @!p0 [sflag:s0], s1  }
0x7f: {  	s1 =	ssub.s32 @!p0 $0x0, s1;
	[sflag:s0] =	ssyncset.done @!p0 $0x0  }
0x80: {  	[sflag:s0] =	ssyncadd.s32 @!p0 s1  }
0x81: {  	[bflag:$0x3] =	sbarrier.arrive $0xFFFF  }
0x82: {  	_ =	shalt  }

// kernel: kernel.8.cloned.1.call-start
scs
__scs_entry_jumppad:
0x0: {  	(pc) =	sbr.rel $0x88, $3  }
0x1: {  	(tag) =	ssettag $0x0;
	lr =	simm.s32 $0x1  }
0x2: {  	[smem:$0x3F99] =	sst lr;
	_ =	strace $0xD0000000  }
0x3: {  	_ = 	snop  }
0x4: {  	_ = 	snop  }
0x5: {  	_ = 	snop  }
0x6: {  	_ = 	snop  }
0x7: {  	_ = 	snop  }
__scs_overlays_trampoline_lowered:
0x8: {  	[smem:$0x3FA8] =	sst s0  }
0x9: {  	[smem:$0x3FA9] =	sst s1  }
0xa: {  	[smem:$0x3FAA] =	sst s2  }
0xb: {  	[smem:$0x3FAB] =	sst s3  }
0xc: {  	[smem:$0x3FAC] =	sst s4  }
0xd: {  	[smem:$0x3FAD] =	sst s5  }
0xe: {  	[smem:$0x3FAE] =	sst s6  }
0xf: {  	[smem:$0x3FAF] =	sst s7  }
0x10: {  	[smem:$0x3FB0] =	sst s8  }
0x11: {  	[smem:$0x3FB1] =	sst s9;
	s0 =	simm.s32 @!p0 $0x0  }
0x12: {  	s1 =	sld [smem:$0x3F97];
	s0 =	simm.s32 @p0 $0x1  }
0x13: {  	[smem:$0x3FB2] =	sst s0;
	s0 =	simm.s32 @!p1 $0x0  }
0x14: {  	s2 =	sld [smem:$0x3F96];
	s0 =	simm.s32 @p1 $0x1  }
0x15: {  	[smem:$0x3FB3] =	sst s0;
	s0 =	simm.s32 @!p2 $0x0  }
0x16: {  	s3 =	sld [smem:$0x3FDB];
	s0 =	simm.s32 @p2 $0x1  }
0x17: {  	s4 =	simm.s32 $0x1BF5;
	[smem:$0x3FB5] =	sst s0  }
0x18: {  	s0 =	sld [smem:$0x3F98];
	_ =	swait.ge [sflag:s4], $0x0  }
0x19: {  	s7 =	sld [smem:$0x3F99]  }
0x1a: {  	s8 =	sadd.s32 $0xFFFFE003, lr  }
0x1b: {  	s9 =	sadd.s32 $0xFFFFFEF7, lr;
	s5 =	simm.s32 $0xFFFFFFFF;
	p2 =	slt.u32 s8, $0xFFFFF086  }
0x1c: {  	p1 =	slt.u32 s9, $0xF7A;
	s5 =	simm.s32 @!p2 $0x0  }
0x1d: {  	s5 =	simm.s32 @p1 $0x1;
	p0 =	seq.s32 s7, s2  }
0x1e: {  	s7 =	smul.u32 @!p0 $0xF7A, s2;
	p2 =	seq.s32 @!p0 s5, $0x0  }
0x1f: {  	s9 =	smul.u32 $0xF7A, s1;
	s8 =	simm.s32 @!p0 $0x1BF5;
	p2 =	por !p2, p0  }
0x20: {  	[sflag:s8] =	ssyncset.s32 @!p0 $0xFFFFF086;
	s6 =	sadd.s32 @!p0 s3, s7;
	s7 =	simm.s32 @!p0 $0x108  }
0x21: {  	s3 =	sadd.s32 s3, s9;
	s6 =	sadd.s32 @!p0 $0x88, s6;
	s7 =	simm.s32 @p2 $0x1082  }
0x22: {  	[simem:s7], [sflag:s8] =	dma.local @!p0 [hbm:s6], $0xF7A  }
0x23: {  	s9 =	sor.u32 $0xD0000000, s2;
	s6 =	simm.s32 $0x108;
	_ =	swait.ge @!p0 [sflag:s8], $0x0  }
0x24: {  	s3 =	sadd.s32 $0x88, s3;
	s6 =	simm.s32 @!p1 $0x1082;
	[sflag:s4] =	ssyncset.s32 $0xFFFFF086  }
0x25: {  	[simem:s6], [sflag:s4] =	dma.local [hbm:s3], $0xF7A  }
0x26: {  	[smem:$0x3F99] =	sst s1;
	(tag) =	ssettag s2;
	_ =	strace s9  }
0x27: {  	s1 =	sld [smem:$0x3FA9]  }
0x28: {  	s2 =	sld [smem:$0x3FAA]  }
0x29: {  	s4 =	sld [smem:$0x3FAC]  }
0x2a: {  	p0 =	seq.s32 s5, $0x0;
	s5 =	sld [smem:$0x3FAD]  }
0x2b: {  	s6 =	sld [smem:$0x3FAE]  }
0x2c: {  	s7 =	sld [smem:$0x3FAF]  }
0x2d: {  	s3 =	simm.s32 $0x108;
	s8 =	sld [smem:$0x3FB0]  }
0x2e: {  	s3 =	simm.s32 @!p0 $0x1082;
	s9 =	sld [smem:$0x3FB1]  }
0x2f: {  	lr =	sadd.s32 s0, s3;
	s0 =	sld [smem:$0x3FA8]  }
0x30: {  	s3 =	sld [smem:$0x3FAB]  }
0x31: {  	[smem:$0x3FB4] =	sst s10  }
0x32: {  	s10 =	sld [smem:$0x3FB2];
	_ =	sdelay $0x3  }
0x33: {  	p0 =	seq.s32 s10, $0x1;
	s10 =	sld [smem:$0x3FB4];
	_ =	sdelay $0x3  }
0x34: {  	[smem:$0x3FB4] =	sst s10  }
0x35: {  	s10 =	sld [smem:$0x3FB3];
	_ =	sdelay $0x3  }
0x36: {  	p1 =	seq.s32 s10, $0x1;
	s10 =	sld [smem:$0x3FB4];
	_ =	sdelay $0x3  }
0x37: {  	[smem:$0x3FB4] =	sst s10  }
0x38: {  	s10 =	sld [smem:$0x3FB5]  }
0x39: {  	_ = 	snop;
	(pc) =	sbr.ind lr, $3  }
0x3a: {  	_ = 	snop  }
0x3b: {  	_ = 	snop  }
0x3c: {  	p2 =	seq.s32 s10, $0x1;
	s10 =	sld [smem:$0x3FB4]  }
0x3d: {  	_ =	shalt  }
0x3e: {  	_ =	shalt  }
0x3f: {  	_ =	shalt  }
0x40: {  	_ =	shalt  }
0x41: {  	_ =	shalt  }
0x42: {  	_ =	shalt  }
0x43: {  	_ =	shalt  }
0x44: {  	_ =	shalt  }
0x45: {  	_ =	shalt  }
0x46: {  	_ =	shalt  }
0x47: {  	_ =	shalt  }
0x48: {  	_ =	shalt  }
0x49: {  	_ =	shalt  }
0x4a: {  	_ =	shalt  }
0x4b: {  	_ =	shalt  }
0x4c: {  	_ =	shalt  }
0x4d: {  	_ =	shalt  }
0x4e: {  	_ =	shalt  }
0x4f: {  	_ =	shalt  }
0x50: {  	_ =	shalt  }
0x51: {  	_ =	shalt  }
0x52: {  	_ =	shalt  }
0x53: {  	_ =	shalt  }
0x54: {  	_ =	shalt  }
0x55: {  	_ =	shalt  }
0x56: {  	_ =	shalt  }
0x57: {  	_ =	shalt  }
0x58: {  	_ =	shalt  }
0x59: {  	_ =	shalt  }
0x5a: {  	_ =	shalt  }
0x5b: {  	_ =	shalt  }
0x5c: {  	_ =	shalt  }
0x5d: {  	_ =	shalt  }
0x5e: {  	_ =	shalt  }
0x5f: {  	_ =	shalt  }
0x60: {  	_ =	shalt  }
0x61: {  	_ =	shalt  }
0x62: {  	_ =	shalt  }
0x63: {  	_ =	shalt  }
0x64: {  	_ =	shalt  }
0x65: {  	_ =	shalt  }
0x66: {  	_ =	shalt  }
0x67: {  	_ =	shalt  }
0x68: {  	_ =	shalt  }
0x69: {  	_ =	shalt  }
0x6a: {  	_ =	shalt  }
0x6b: {  	_ =	shalt  }
0x6c: {  	_ =	shalt  }
0x6d: {  	_ =	shalt  }
0x6e: {  	_ =	shalt  }
0x6f: {  	_ =	shalt  }
0x70: {  	_ =	shalt  }
0x71: {  	_ =	shalt  }
0x72: {  	_ =	shalt  }
0x73: {  	_ =	shalt  }
0x74: {  	_ =	shalt  }
0x75: {  	_ =	shalt  }
0x76: {  	_ =	shalt  }
0x77: {  	_ =	shalt  }
0x78: {  	_ =	shalt  }
0x79: {  	_ =	shalt  }
0x7a: {  	_ =	shalt  }
0x7b: {  	_ =	shalt  }
0x7c: {  	_ =	shalt  }
0x7d: {  	_ =	shalt  }
0x7e: {  	_ =	shalt  }
0x7f: {  	_ =	shalt  }
0x80: {  	_ =	shalt  }
0x81: {  	_ =	shalt  }
0x82: {  	_ =	shalt  }
0x83: {  	_ =	shalt  }
0x84: {  	_ =	shalt  }
0x85: {  	_ =	shalt  }
0x86: {  	_ =	shalt  }
0x87: {  	_ =	shalt  }
.Lfunc_end0:
.L_simem_size_0:
called_computation_lowered:
.L_overlay_start_0:
0x88: {  	s2 =	sld [smem:$0x3FD9]  }
0x89: {  	s3 =	sld [smem:$0x3FFE];
	_ =	sdelay $0x1  }
0x8a: {  	s1 =	srdreg.scid  }
0x8b: {  	s0 =	sand.u32 $0x1, s1  }
0x8c: {  	s16 =	sshll.u32 s0, $0xA;
	s2 =	sadd.s32 s3, s2  }
0x8d: {  	s2 =	sadd.s32 s2, s16  }
0x8e: {  	[smem:$0x3FC0] =	sst s2  }
0x8f: {  	_ = 	snop  }
0x90: {  	(tm) =	ssettm $0x1  }
0x91: {  	s17 =	sld [smem:$0x3FFB];
	_ =	sdelay $0x3  }
0x92: {  	_ =	strace s17  }
0x93: {  	s2 =	sld [smem:$0x3FFC];
	_ =	sdelay $0x3  }
0x94: {  	_ =	strace s2  }
0x95: {  	s2 =	sld [smem:$0x3FFD];
	_ =	sdelay $0x3  }
0x96: {  	_ =	strace s2  }
0x97: {  	_ =	strace $0x8FFFFFFF  }
0x98: {  	s18 =	sld [smem:$0x3FDB];
	_ =	sdelay $0x1  }
0x99: {  	s19 =	simm.s32 $_scs_section_size  }
0x9a: {  	s4 =	simm.s32 $_size__tile_overlayer_lowered;
	s5 =	simm.s32 $_tile_overlayer_lowered  }
0x9b: {  	s22 =	simm.s32 $0x1BFF;
	s21 =	sshll.u32 s5, $0x1;
	s2 =	sadd.s32 s19, s18  }
0x9c: {  	s6 =	simm.s32 $0x0;
	s20 =	sshll.u32 s4, $0x1;
	s4 =	sadd.s32 s21, s2  }
0x9d: {  	[timem:s6], [sflag:s22] =	dma.local [hbm:s4], s20  }
0x9e: {  	_ =	swait.ge [sflag:s22], s20  }
0x9f: {  	s3 =	ssub.s32 $0x0, s20;
	[sflag:s22] =	ssyncset.done $0x0  }
0xa0: {  	[sflag:s22] =	ssyncadd.s32 s3;
	_ =	sdelay $0x1  }
0xa1: {  	s23 =	simm.s32 $0x1B8B  }
0xa2: {  	_ =	swait.ge [sflag:s23], $0x1  }
0xa3: {  	[sflag:s23] =	ssyncset.done $0x0  }
0xa4: {  	s25 =	simm.s32 $0x1B8E;
	s24 =	sld [smem:$0x3FFE];
	[sflag:s23] =	ssyncadd.s32 $0xFFFFFFFF  }
0xa5: {  	s26 =	simm.s32 $execute0_lowered;
	[smem:$0x3FD2] =	sst s25  }
0xa6: {  	s4 =	sshll.u32 s26, $0x1;
	_ =	strace $0x80000046;
	[dreg:$0x1] =	wrdreg $0xFFFFFFFF  }
0xa7: {  	s28 =	simm.s32 $_size_execute0_lowered;
	s2 =	sadd.s32 s2, s4;
	[dreg:$0x0] =	wrdreg $0x0  }
0xa8: {  	s4 =	sshll.u32 s28, $0x1;
	[dreg:$0x2] =	wrdreg s2  }
0xa9: {  	[dreg:$0x3] =	wrdreg s4  }
0xaa: {  	[dreg:$0x4] =	wrdreg $0xC0  }
0xab: {  	_ =	task [dreg:s6], $0x5FFFF  }
0xac: {  	[dreg:$0x1] =	wrdreg $0xFFFFFFFF  }
0xad: {  	[dreg:$0x0] =	wrdreg $0x60  }
0xae: {  	[dreg:$0x2] =	wrdreg s24  }
0xaf: {  	[dreg:$0x3] =	wrdreg $0x0  }
0xb0: {  	[dreg:$0x4] =	wrdreg $0x9  }
0xb1: {  	_ =	task.clear_ibuf [dreg:s6], $0x5FFFF;
	_ =	strace $0x90000046  }
0xb2: {  	s29 =	simm.s32 $0x9;
	_ =	strace $0x80000048  }
0xb3: {  	_ =	swait.ge [sflag:s29], $0x1  }
0xb4: {  	[sflag:s29] =	ssyncadd.s32 $0xFFFFFFFF  }
0xb5: {  	_ =	strace $0x90000048  }
0xb6: {  	_ =	sfence  }
0xb7: {  	s30 =	sld [smem:$0x0];
	_ =	sdelay $0x2  }
0xb8: {  	s31 =	sshll.u32 s1, $0xD;
	s1 =	sshrl.u32 s1, $0x2  }
0xb9: {  	s3 =	sand.u32 $0x4000, s31;
	s1 =	sadd.s32 s1, s30  }
0xba: {  	s0 =	sor.u32 s3, s0;
	s1 =	sshll.u32 s1, $0x11  }
0xbb: {  	s0 =	sor.u32 s1, s0  }
0xbc: {  	s0 =	sadd.s32 $0x8F2B, s0  }
0xbd: {  	[sflag:s0] =	ssyncadd.remote.s32 $0x1  }
0xbe: {  	_ =	sfence.sel $0xFFFF  }
0xbf: {  	[dreg:$0x0] =	wrdreg $0xFFFFFFFF;
	(pc) =	sbr.abs _section_cstart, $3  }
0xc0: {  	[dreg:$0x1] =	wrdreg $0xFFFFFFFF  }
0xc1: {  	_ =	task.clear_ibuf [dreg:s6], $0x2FFFF;
	_ =	strace $0x9FFFFFFF  }
0xc2: {  	(tm) =	ssettm $0x7FFFFFFF  }
0xc3: {  	_ =	shalt  }
tec
execute0_lowered:
.L_overlay_start_1:
0x0: {  	(tag) =	ssettag $0x1  }
0x1: {  	s0 =	rddreg [dreg:$0x0]  }
0x2: {  	s1 =	rddreg [dreg:$0x1];
	s2 =	simm.s32 $0x0  }
0x3: {  	s10 =	stileid.u32;
	s14 =	srdreg.scid;
	s28 =	simm.s32 $0xA  }
0x4: {  	s30 =	simm.s32 $0xB;
	s31 =	simm.s32 $0xC;
	s12 =	simm.s32 $0xF  }
0x5: {  	[smem:$0x7FF] =	sst s2;
	s4 =	sadd.s32 $0x3000, s0;
	s3 =	smul.u32 $0xC400, s10  }
0x6: {  	s2 =	sand.u32 $0x1, s14;
	s5 =	sadd.s32 $0x1B800, s0;
	s15 =	sadd.s32 $0x34800, s0  }
0x7: {  	s8 =	smul.u32 $0x31400, s10;
	s9 =	sadd.s32 $0x4D800, s0;
	s18 =	sshll.u32 s10, $0x6  }
0x8: {  	s23 =	sadd.s32 $0x7E980, s0;
	_ =	strace $0x80000047;
	[dreg:$0x3] =	wrdreg s5  }
0x9: {  	s24 =	sadd.s32 $0xB7C00, s1;
	s14 =	simm.s32 $0x10;
	[dreg:$0x4] =	wrdreg s15  }
0xa: {  	s16 =	ssub.s32 $0x2, s2;
	[dreg:$0x5] =	wrdreg s9;
	s19 =	sshll.u32 s2, $0x4  }
0xb: {  	s11 =	sor.u32 $0x1C11, s18;
	p3 =	seq.s32 s2, $0x1;
	[dreg:$0xa] =	wrdreg s23  }
0xc: {  	[dreg:$0xb] =	wrdreg s24;
	s18 =	simm.s32 $0x11;
	s2 =	simm.s32 $0xD  }
0xd: {  	s6 =	sshrl.u32 s3, $0x3;
	s7 =	sshrl.u32 s16, $0x1;
	s17 =	sshrl.u32 s8, $0x2  }
0xe: {  	s20 =	sor.u32 s10, s19;
	s22 =	sadd.s32 s3, s1;
	p1 =	seq.s32 @p3 s10, $0xF  }
0xf: {  	p4 =	seq.s32 @!p3 s10, $0xF;
	s10 =	simm.s32 $0x2;
	[dreg:$0x6] =	wrdreg s11  }
0x10: {  	s6 =	sadd.s32 s6, s0;
	s5 =	ssub.s32 s16, s7;
	s7 =	sadd.s32 s17, s1  }
0x11: {  	s8 =	smul.u32 $0xC8, s20;
	[dreg:$0x9] =	wrdreg s22;
	s0 =	sadd.s32 $0x66180, s0  }
0x12: {  	p0 =	por !p1, !p3;
	p1 =	por p1, !p3;
	[dreg:$0xd] =	wrdreg s0  }
0x13: {  	p2 =	por !p4, p3;
	s21 =	sadd.s32 $0x67A00, s6;
	[dreg:$0x7] =	wrdreg s8  }
0x14: {  	p3 =	por p4, p3;
	s25 =	sadd.s32 $0x4F200, s6;
	[dreg:$0x8] =	wrdreg s21  }
0x15: {  	s16 =	simm.s32 $0x3;
	s26 =	smax.u32 s5, $0x1;
	[dreg:$0xc] =	wrdreg s25  }
0x16: {  	s29 =	sshrl.u32 s7, $0x3;
	s0 =	simm.s32 $0x1;
	[dreg:$0xe] =	wrdreg s26  }
0x17: {  	s7 =	simm.s32 $0xE;
	s6 =	simm.s32 $0x0;
	[dreg:$0xf] =	wrdreg s29  }
0x18: {  	s21 =	simm.s32 $0x80;
	s8 =	simm.s32 $0x4;
	s25 =	simm.s32 $0x9  }
.LBB2_1:
0x19: {  	[dreg:$0x10] =	wrdreg s6  }
0x1a: {  	s3 =	rddreg [dreg:$0x5]  }
0x1b: {  	s5 =	rddreg [dreg:$0xf]  }
0x1c: {  	[spmem:s5], [sflag:s11] =	dma.local [hbm:s3], $0x18A0  }
0x1d: {  	_ =	swait.ge [sflag:s18], $0x18A0  }
0x1e: {  	[sflag:s18] =	ssyncset.done $0x0  }
0x1f: {  	[sflag:s18] =	ssyncadd.s32 $0xFFFFE760  }
0x20: {  	s15 =	simm.s32 $0x0;
	[bflag:$0x0] =	sbarrier.arrive $0xFFFF  }
.LBB2_2:
0x21: {  	s3 =	smul.u32 $0x28, s15  }
0x22: {  	s5 =	rddreg [dreg:$0x7]  }
0x23: {  	s3 =	sadd.s32 s5, s3  }
0x24: {  	s23 =	rddreg [dreg:$0x3];
	s3 =	sshll.u32 s3, $0x4  }
0x25: {  	s6 =	simm.s32 $0x0;
	s9 =	simm.s32 $0xC500;
	s5 =	sadd.s32 s23, s3  }
0x26: {  	[tilespmem:s9], [sflag:$0x11] =	stream.linear.gather [hbm4b:s5+s6], $0x1400, $0x38;
	[tilespmem:$0x12D00] =	vst v63  }
0x27: {  	_ =	swait.ge [sflag:s18], $0x1400  }
0x28: {  	[sflag:s18] =	ssyncset.done $0x0;
	s24 =	rddreg [dreg:$0x4]  }
0x29: {  	s26 =	simm.s32 $0xD900;
	[sflag:s18] =	ssyncadd.s32 $0xFFFFEC00;
	s3 =	sadd.s32 s24, s3  }
0x2a: {  	[tilespmem:s26], [sflag:$0x11] =	stream.linear.gather [hbm4b:s3+s6], $0x1400, $0x38;
	[tilespmem:$0x12D00] =	vst v63  }
0x2b: {  	_ =	swait.ge [sflag:s18], $0x1400  }
0x2c: {  	[sflag:s18] =	ssyncset.done $0x0  }
0x2d: {  	s29 =	simm.s32 $0xED00;
	[sflag:s18] =	ssyncadd.s32 $0xFFFFEC00  }
0x2e: {  	[tilespmem:s29], [sflag:$0x1] =	stream.indirect.gather [hbm4b:s4+s21], $0x10, s9, s21, $0xb8;
	[tilespmem:$0x12D00] =	vst v63  }
0x2f: {  	s19 =	simm.s32 $0xC580;
	s20 =	simm.s32 $0xF500  }
0x30: {  	[tilespmem:s20], [sflag:$0x2] =	stream.indirect.gather [hbm4b:s4+s21], $0x10, s19, s21, $0xb8;
	[tilespmem:$0x12D00] =	vst v63  }
0x31: {  	s22 =	simm.s32 $0xC600;
	s11 =	simm.s32 $0xFD00  }
0x32: {  	[tilespmem:s11], [sflag:$0x3] =	stream.indirect.gather [hbm4b:s4+s21], $0x10, s22, s21, $0xb8;
	[tilespmem:$0x12D00] =	vst v63  }
0x33: {  	s13 =	simm.s32 $0x10500;
	s23 =	simm.s32 $0xC680  }
0x34: {  	[tilespmem:s13], [sflag:$0x4] =	stream.indirect.gather [hbm4b:s4+s21], $0x10, s23, s21, $0xb8;
	[tilespmem:$0x12D00] =	vst v63  }
0x35: {  	s17 =	simm.s32 $0x10D00;
	s24 =	simm.s32 $0xC700  }
0x36: {  	[tilespmem:s17], [sflag:$0x5] =	stream.indirect.gather [hbm4b:s4+s21], $0x10, s24, s21, $0xb8;
	[tilespmem:$0x12D00] =	vst v63  }
0x37: {  	_ =	swait.ge [sflag:s0], $0x800  }
0x38: {  	[sflag:s0] =	ssyncset.done $0x0  }
0x39: {  	[sflag:s0] =	ssyncadd.s32 $0xFFFFF800  }
0x3a: {  	[spmem:s1] =	stream.indirect.scatter.add.f32 [tilespmem:s29], [sflag:$0x9], $0x10, s26, s21, $0xb8;
	[tilespmem:$0x12D00] =	vst v63  }
0x3b: {  	s26 =	simm.s32 $0xC780;
	s29 =	simm.s32 $0x11500  }
0x3c: {  	[tilespmem:s29], [sflag:$0x6] =	stream.indirect.gather [hbm4b:s4+s21], $0x10, s26, s21, $0xb8;
	[tilespmem:$0x12D00] =	vst v63  }
0x3d: {  	_ =	swait.ge [sflag:s10], $0x800  }
0x3e: {  	[sflag:s10] =	ssyncset.done $0x0  }
0x3f: {  	s6 =	simm.s32 $0xD980;
	[sflag:s10] =	ssyncadd.s32 $0xFFFFF800  }
0x40: {  	[spmem:s1] =	stream.indirect.scatter.add.f32 [tilespmem:s20], [sflag:$0xA], $0x10, s6, s21, $0xb8;
	[tilespmem:$0x12D00] =	vst v63  }
0x41: {  	s19 =	simm.s32 $0x11D00;
	s17 =	simm.s32 $0xC800  }
0x42: {  	[tilespmem:s19], [sflag:$0x7] =	stream.indirect.gather [hbm4b:s4+s21], $0x10, s17, s21, $0xb8;
	[tilespmem:$0x12D00] =	vst v63  }
0x43: {  	p4 =	por $0x0, $0x0;
	s3 =	simm.s32 $0x8;
	_ =	swait.ge [sflag:s16], $0x800  }
0x44: {  	s5 =	simm.s32 $0xC900;
	s3 =	sand.u32 @!p4 $0x7, s3;
	[sflag:s16] =	ssyncset.done $0x0  }
0x45: {  	s9 =	simm.s32 $0xDB00;
	s20 =	simm.s32 $0xDA00;
	[sflag:s16] =	ssyncadd.s32 $0xFFFFF800  }
0x46: {  	[spmem:s1] =	stream.indirect.scatter.add.f32 [tilespmem:s11], [sflag:$0xB], $0x10, s20, s21, $0xb8;
	[tilespmem:$0x12D00] =	vst v63  }
0x47: {  	s22 =	simm.s32 $0xC880;
	s23 =	simm.s32 $0x12500;
	s24 =	simm.s32 $0xDA80  }
0x48: {  	[tilespmem:s23], [sflag:$0x8] =	stream.indirect.gather [hbm4b:s4+s21], $0x10, s22, s21, $0xb8;
	[tilespmem:$0x12D00] =	vst v63  }
0x49: {  	s26 =	simm.s32 $0x4;
	s6 =	sshll.u32 @!p4 s3, $0xB;
	_ =	swait.ge [sflag:s8], $0x800  }
0x4a: {  	s6 =	sadd.s32 @!p4 $0xED00, s6;
	s17 =	simm.s32 $0xDB80;
	[sflag:s8] =	ssyncset.done $0x0  }
0x4b: {  	s11 =	sadd.s32 @!p4 $0x9, s3;
	s20 =	sand.u32 $0x7, s26;
	[sflag:s8] =	ssyncadd.s32 $0xFFFFF800  }
0x4c: {  	[spmem:s1] =	stream.indirect.scatter.add.f32 [tilespmem:s13], [sflag:$0xC], $0x10, s24, s21, $0xb8;
	[tilespmem:$0x12D00] =	vst v63  }
0x4d: {  	s3 =	sadd.s32 @!p4 $0x1, s3;
	s29 =	sadd.s32 $0x1, s20;
	_ =	swait.ge @!p4 [sflag:s11], $0x800  }
0x4e: {  	s19 =	sshll.u32 s20, $0xB;
	s20 =	sadd.s32 $0x9, s20;
	[sflag:s11] =	ssyncset.done @!p4 $0x0  }
0x4f: {  	s23 =	simm.s32 $0x9;
	[sflag:s11] =	ssyncadd.s32 @!p4 $0xFFFFF800;
	s11 =	simm.s32 @!p4 $0x80  }
0x50: {  	[tilespmem:s6], [sflag:s3] =	stream.indirect.gather @!p4 [hbm4b:s4+s11], $0x10, s5, s11, $0xb8;
	[tilespmem:$0x12D00] =	vst v63  }
0x51: {  	s19 =	sadd.s32 $0xED00, s19;
	s3 =	simm.s32 $0x5;
	_ =	swait.ge [sflag:s29], $0x800  }
0x52: {  	s13 =	simm.s32 $0xC980;
	s11 =	sand.u32 $0x7, s3;
	[sflag:s29] =	ssyncset.done $0x0  }
0x53: {  	s6 =	simm.s32 $0xA;
	s5 =	sshll.u32 s11, $0xB;
	[sflag:s29] =	ssyncadd.s32 $0xFFFFF800  }
.LBB2_3:
0x54: {  	[spmem:s1] =	stream.indirect.scatter.add.f32 [tilespmem:s19], [sflag:s20], $0x10, s9, s21, $0xb8;
	[tilespmem:$0x12D00] =	vst v63  }
0x55: {  	s9 =	smov.u32 s6;
	s20 =	smov.u32 s11;
	s19 =	smov.u32 s5  }
0x56: {  	s6 =	sadd.s32 $0x1, s6;
	p5 =	sgt.u32 s3, $0x23;
	s3 =	sadd.s32 $0xFFFFFFFC, s9  }
0x57: {  	p4 =	sne.s32 s6, $0x2C;
	s5 =	sand.u32 @!p5 $0x7, s23;
	s11 =	sand.u32 $0x7, s3  }
0x58: {  	s22 =	sadd.s32 @!p5 $0x9, s5;
	s23 =	sshll.u32 @!p5 s5, $0xB;
	s24 =	sadd.s32 @!p5 $0x1, s5  }
0x59: {  	s5 =	sshll.u32 s11, $0xB;
	s26 =	sadd.s32 @!p5 $0xED00, s23;
	_ =	swait.ge @!p5 [sflag:s22], $0x800  }
0x5a: {  	s29 =	sadd.s32 $0x1, s20;
	s23 =	smov.u32 s9;
	[sflag:s22] =	ssyncset.done @!p5 $0x0  }
.Ltmp0:
0x5b: {  	s9 =	simm.s32 @!p5 $0x80;
	[sflag:s22] =	ssyncadd.s32 @!p5 $0xFFFFF800;
	(pc) =	sbr.rel @p4 .LBB2_3-.Ltmp0, $4  }
0x5c: {  	[tilespmem:s26], [sflag:s24] =	stream.indirect.gather @!p5 [hbm4b:s4+s9], $0x10, s13, s9, $0xb8;
	[tilespmem:$0x12D00] =	vst v63  }
0x5d: {  	s9 =	smov.u32 s17;
	_ =	swait.ge [sflag:s29], $0x800  }
0x5e: {  	s17 =	sadd.s32 $0x80, s17;
	s13 =	sadd.s32 $0x80, s13;
	[sflag:s29] =	ssyncset.done $0x0  }
0x5f: {  	s19 =	sadd.s32 $0xED00, s19;
	s20 =	sadd.s32 $0x9, s20;
	[sflag:s29] =	ssyncadd.s32 $0xFFFFF800  }
0x60: {  	[spmem:s1] =	stream.indirect.scatter.add.f32 [tilespmem:s19], [sflag:s20], $0x10, s9, s21, $0xb8;
	[tilespmem:$0x12D00] =	vst v63  }
0x61: {  	p4 =	sgt.u32 s3, $0x23  }
0x62: {  	s3 =	sand.u32 @!p4 $0x7, s23  }
0x63: {  	s6 =	sadd.s32 @!p4 $0x9, s3  }
0x64: {  	s24 =	sadd.s32 $0x1, s11;
	_ =	swait.ge @!p4 [sflag:s6], $0x800  }
0x65: {  	s9 =	sshll.u32 @!p4 s3, $0xB;
	s3 =	sadd.s32 @!p4 $0x1, s3;
	[sflag:s6] =	ssyncset.done @!p4 $0x0  }
0x66: {  	s9 =	sadd.s32 @!p4 $0xED00, s9;
	[sflag:s6] =	ssyncadd.s32 @!p4 $0xFFFFF800;
	s6 =	simm.s32 @!p4 $0x80  }
0x67: {  	[tilespmem:s9], [sflag:s3] =	stream.indirect.gather @!p4 [hbm4b:s4+s6], $0x10, s13, s6, $0xb8;
	[tilespmem:$0x12D00] =	vst v63  }
0x68: {  	_ =	swait.ge [sflag:s24], $0x800  }
0x69: {  	[sflag:s24] =	ssyncset.done $0x0  }
0x6a: {  	s26 =	sadd.s32 $0xED00, s5;
	s29 =	sadd.s32 $0x9, s11;
	[sflag:s24] =	ssyncadd.s32 $0xFFFFF800  }
0x6b: {  	[spmem:s1] =	stream.indirect.scatter.add.f32 [tilespmem:s26], [sflag:s29], $0x10, s17, s21, $0xb8;
	[tilespmem:$0x12D00] =	vst v63  }
0x6c: {  	_ =	swait.ge [sflag:s25], $0x800  }
0x6d: {  	[sflag:s25] =	ssyncset.done $0x0  }
0x6e: {  	[sflag:s25] =	ssyncadd.s32 $0xFFFFF800  }
0x6f: {  	_ =	swait.ge [sflag:s28], $0x800  }
0x70: {  	[sflag:s28] =	ssyncset.done $0x0  }
0x71: {  	[sflag:s28] =	ssyncadd.s32 $0xFFFFF800  }
0x72: {  	_ =	swait.ge [sflag:s30], $0x800  }
0x73: {  	[sflag:s30] =	ssyncset.done $0x0  }
0x74: {  	[sflag:s30] =	ssyncadd.s32 $0xFFFFF800  }
0x75: {  	_ =	swait.ge [sflag:s31], $0x800  }
0x76: {  	[sflag:s31] =	ssyncset.done $0x0  }
0x77: {  	[sflag:s31] =	ssyncadd.s32 $0xFFFFF800  }
0x78: {  	_ =	swait.ge [sflag:s2], $0x800  }
0x79: {  	[sflag:s2] =	ssyncset.done $0x0  }
0x7a: {  	[sflag:s2] =	ssyncadd.s32 $0xFFFFF800  }
0x7b: {  	_ =	swait.ge [sflag:s7], $0x800  }
0x7c: {  	[sflag:s7] =	ssyncset.done $0x0  }
0x7d: {  	s15 =	sadd.s32 $0x1, s15;
	[sflag:s7] =	ssyncadd.s32 $0xFFFFF800  }
0x7e: {  	p4 =	sne.s32 s15, $0x5;
	_ =	swait.ge [sflag:s12], $0x800  }
.Ltmp1:
0x7f: {  	[sflag:s12] =	ssyncset.done $0x0;
	(pc) =	sbr.rel @p4 .LBB2_2-.Ltmp1, $4  }
0x80: {  	[sflag:s12] =	ssyncadd.s32 $0xFFFFF800  }
0x81: {  	_ =	swait.ge [sflag:s14], $0x800  }
0x82: {  	[sflag:s14] =	ssyncset.done $0x0  }
0x83: {  	[sflag:s14] =	ssyncadd.s32 $0xFFFFF800  }
0x84: {  	[bflag:$0x0] =	sbarrier.arrive $0xFFFF  }
0x85: {  	s6 =	rddreg [dreg:$0xb]  }
0x86: {  	s11 =	rddreg [dreg:$0x6]  }
0x87: {  	s5 =	rddreg [dreg:$0xd];
	s3 =	sshrl.u32 @!p0 s6, $0x3  }
0x88: {  	[hbm:s5], [sflag:s11] =	dma.local @!p0 [spmem:s3], $0x1720  }
0x89: {  	s3 =	simm.s32 @!p0 $0x11  }
0x8a: {  	_ =	swait.ge @!p0 [sflag:s3], $0x1720  }
0x8b: {  	[sflag:s3] =	ssyncset.done @!p0 $0x0;
	s5 =	rddreg [dreg:$0x9]  }
0x8c: {  	s9 =	rddreg [dreg:$0xc];
	[sflag:s3] =	ssyncadd.s32 @!p0 $0xFFFFE8E0;
	s3 =	sshrl.u32 @!p1 s5, $0x3  }
0x8d: {  	[hbm:s9], [sflag:s11] =	dma.local @!p1 [spmem:s3], $0x1880  }
0x8e: {  	s3 =	simm.s32 @!p1 $0x11  }
0x8f: {  	_ =	swait.ge @!p1 [sflag:s3], $0x1880  }
0x90: {  	[sflag:s3] =	ssyncset.done @!p1 $0x0  }
0x91: {  	[sflag:s3] =	ssyncadd.s32 @!p1 $0xFFFFE780;
	s3 =	sshrl.u32 @!p2 s6, $0x3;
	s6 =	rddreg [dreg:$0xa]  }
0x92: {  	[hbm:s6], [sflag:s11] =	dma.local @!p2 [spmem:s3], $0x1720  }
0x93: {  	s3 =	simm.s32 @!p2 $0x11  }
0x94: {  	_ =	swait.ge @!p2 [sflag:s3], $0x1720  }
0x95: {  	[sflag:s3] =	ssyncset.done @!p2 $0x0  }
0x96: {  	[sflag:s3] =	ssyncadd.s32 @!p2 $0xFFFFE8E0;
	s3 =	sshrl.u32 @!p3 s5, $0x3;
	s5 =	rddreg [dreg:$0x8]  }
0x97: {  	[hbm:s5], [sflag:s11] =	dma.local @!p3 [spmem:s3], $0x1880  }
0x98: {  	s3 =	simm.s32 @!p3 $0x11  }
0x99: {  	_ =	swait.ge @!p3 [sflag:s3], $0x1880  }
0x9a: {  	s26 =	rddreg [dreg:$0x10]  }
0x9b: {  	s29 =	rddreg [dreg:$0xe];
	s6 =	sadd.s32 $0x1, s26  }
0x9c: {  	p4 =	sne.s32 s6, s29  }
.Ltmp2:
0x9d: {  	_ = 	snop;
	(pc) =	sbr.rel @p4 .LBB2_1-.Ltmp2, $3  }
0x9e: {  	_ =	sdelay $0x1  }
0x9f: {  	[sflag:s3] =	ssyncset.done @!p3 $0x0  }
0xa0: {  	[sflag:s3] =	ssyncadd.s32 @!p3 $0xFFFFE780  }
0xa1: {  	_ =	sfence.sel $0x180000  }
0xa2: {  	[bflag:$0x0] =	sbarrier.arrive $0xFFFF  }
0xa3: {  	_ =	strace $0x90000047  }
0xa4: {  	s0 =	stileid.u32;
	[bflag:$0x2] =	sbarrier.arrive $0xFFFF  }
0xa5: {  	p0 =	sne.s32 s0, $0x0;
	s0 =	rddreg [dreg:$0x2]  }
0xa6: {  	s0 =	sadd.s32 @!p0 $0x100000, s0  }
0xa7: {  	[sflag:s0] =	ssyncadd.tile.s32 @!p0 $0x1;
	_ =	shalt  }
.Lfunc_end2:
_tile_overlayer_lowered:
.L_overlay_start_2:
0xa8: {  	(tag) =	ssettag $0x2  }
0xa9: {  	s0 =	rddreg [dreg:$0x0];
	s2 =	stileid.u32  }
0xaa: {  	s1 =	rddreg [dreg:$0x1];
	p0 =	sne.s32 s2, $0x0  }
0xab: {  	s3 =	rddreg [dreg:$0x2];
	[bflag:$0x3] =	sbarrier.arrive $0xFFFF;
	s2 =	simm.s32 @!p0 $0x1C11  }
0xac: {  	[timem:s3], [sflag:s2] =	dma.local @!p0 [hbm:s0], s1  }
0xad: {  	s0 =	simm.s32 @!p0 $0x11  }
0xae: {  	_ =	swait.ge @!p0 [sflag:s0], s1  }
0xaf: {  	s1 =	ssub.s32 @!p0 $0x0, s1;
	[sflag:s0] =	ssyncset.done @!p0 $0x0  }
0xb0: {  	[sflag:s0] =	ssyncadd.s32 @!p0 s1  }
0xb1: {  	[bflag:$0x3] =	sbarrier.arrive $0xFFFF  }
0xb2: {  	_ =	shalt  }

</sc_bundles>
